<compile_context>
chip_gen: v7x
topology: tpu7x:2x2x1
jax: 0.10.2.dev20260603
libtpu: 0.0.44.dev20260713+nightly
codegen_flags: <defaults>
</compile_context>

<pallas_src>
import functools

import jax
import jax.numpy as jnp
from jax.experimental import pallas as pl
from jax.experimental.pallas import tpu as pltpu

_PLANES = [32, 64, 128, 256, 512]
_STRIDES = [1, 4, 4, 4, 4]
_NSAMPLE = 16


def _linear(pp, x):
    y = x @ pp["w"]
    if "b" in pp:
        y = y + pp["b"]
    return y


def _bnorm(pp, x, axes):
    m = jnp.mean(x, axis=axes, keepdims=True)
    v = jnp.var(x, axis=axes, keepdims=True)
    return pp["g"] * (x - m) / jnp.sqrt(v + 1e-5) + pp["b"]


def _knn_kernel(K, Np, q_ref, x_ref, o_ref, d_ref):
    q = q_ref[0]
    x = x_ref[0]
    TQ = q.shape[0]
    cross = jax.lax.dot_general(q, x, (((1,), (0,)), ((), ())),
                                preferred_element_type=jnp.float32)
    s1 = jnp.sum(q * q, axis=1, keepdims=True)
    s2 = (x[0:1, :] * x[0:1, :] + x[1:2, :] * x[1:2, :]
          + x[2:3, :] * x[2:3, :])
    d_ref[...] = (s1 - 2.0 * cross) + s2
    liota = jax.lax.broadcasted_iota(jnp.int32, (TQ, Np), 1)

    for k in range(K):
        d = d_ref[...]
        m = jnp.min(d, axis=1, keepdims=True)
        idx = jnp.min(jnp.where(d == m, liota, jnp.int32(2**30)),
                      axis=1, keepdims=True)
        o_ref[0, :, k:k + 1] = idx
        d_ref[...] = jnp.where(liota == idx, jnp.float32(jnp.inf), d)


def _knn_points(p1, p2, K):
    B, N, _ = p1.shape
    TQ = min(256, ((N + 7) // 8) * 8)
    Nq = ((N + TQ - 1) // TQ) * TQ
    q = p1 if Nq == N else jnp.pad(p1, ((0, 0), (0, Nq - N), (0, 0)))
    Np = ((N + 127) // 128) * 128
    xt = p2.transpose(0, 2, 1)
    if Np != N:
        xt = jnp.pad(xt, ((0, 0), (0, 0), (0, Np - N)),
                     constant_values=1e18)
    out = pl.pallas_call(
        functools.partial(_knn_kernel, K, Np),
        grid=(B, Nq // TQ),
        in_specs=[pl.BlockSpec((1, TQ, 3), lambda b, t: (b, t, 0)),
                  pl.BlockSpec((1, 3, Np), lambda b, t: (b, 0, 0))],
        out_specs=pl.BlockSpec((1, TQ, K), lambda b, t: (b, t, 0)),
        out_shape=jax.ShapeDtypeStruct((B, Nq, K), jnp.int32),
        scratch_shapes=[pltpu.VMEM((TQ, Np), jnp.float32)],
    )(q, xt)
    return None, out[:, :N, :]


def _knn_gather(x, ind):
    B, M, K = ind.shape
    flat = ind.reshape(B, M * K)
    g = jnp.take_along_axis(x, flat[:, :, None], axis=1)
    return g.reshape(B, M, K, x.shape[-1])


def _gather_kernel(Np, i_ref, t_ref, o_ref):
    idx = i_ref[0]
    TR = idx.shape[0]
    liota = jax.lax.broadcasted_iota(jnp.int32, (TR, Np), 1)
    onehot = jnp.where(liota == idx, jnp.float32(1.0), jnp.float32(0.0))
    o_ref[0] = jax.lax.dot_general(
        onehot, t_ref[0], (((1,), (0,)), ((), ())),
        precision=jax.lax.Precision.HIGHEST,
        preferred_element_type=jnp.float32)


def _gather_rows(table, ind):
    B, N, D = table.shape
    R = ind.shape[1]
    TR = min(512, ((R + 7) // 8) * 8)
    Rp = ((R + TR - 1) // TR) * TR
    if Rp != R:
        ind = jnp.pad(ind, ((0, 0), (0, Rp - R)))
    Np = ((N + 7) // 8) * 8
    if Np != N:
        table = jnp.pad(table, ((0, 0), (0, Np - N), (0, 0)))
    out = pl.pallas_call(
        functools.partial(_gather_kernel, Np),
        grid=(B, Rp // TR),
        in_specs=[pl.BlockSpec((1, TR, 1), lambda b, t: (b, t, 0)),
                  pl.BlockSpec((1, Np, D), lambda b, t: (b, 0, 0))],
        out_specs=pl.BlockSpec((1, TR, D), lambda b, t: (b, t, 0)),
        out_shape=jax.ShapeDtypeStruct((B, Rp, D), jnp.float32),
    )(ind[:, :, None], table)
    return out[:, :R]


def _fps_kernel(M, NL, N, pts_ref, out_ref, dmin_ref):
    xr = pts_ref[0, 0]
    yr = pts_ref[0, 1]
    zr = pts_ref[0, 2]
    gidx = (jax.lax.broadcasted_iota(jnp.int32, (8, NL), 0) * NL
            + jax.lax.broadcasted_iota(jnp.int32, (8, NL), 1))
    dmin_ref[...] = jnp.where(gidx < N, jnp.float32(1e10), jnp.float32(-1.0))
    out_ref[0, 0:1, :] = jnp.zeros((1, 1), jnp.int32)

    def body(i, prev_idx):
        eq = gidx == prev_idx
        lx = jnp.sum(jnp.where(eq, xr, 0.0))
        ly = jnp.sum(jnp.where(eq, yr, 0.0))
        lz = jnp.sum(jnp.where(eq, zr, 0.0))
        dx = xr - lx
        dy = yr - ly
        dz = zr - lz
        d = dx * dx + dy * dy + dz * dz
        dmin = jnp.minimum(dmin_ref[...], d)
        dmin_ref[...] = dmin
        m = jnp.max(dmin)
        idx = jnp.min(jnp.where(dmin == m, gidx, jnp.int32(2**30)))
        out_ref[0, pl.ds(i, 1), :] = jnp.broadcast_to(idx, (1, 1))
        return idx

    jax.lax.fori_loop(1, M, body, jnp.int32(0))


def _sample_farthest_points(p, K):
    B, N, _ = p.shape
    Np = ((N + 7) // 8) * 8
    NL = Np // 8
    pt = p.transpose(0, 2, 1)
    if Np != N:
        pt = jnp.pad(pt, ((0, 0), (0, 0), (0, Np - N)))
    pts_r = pt.reshape(B, 3, 8, NL)
    out = pl.pallas_call(
        functools.partial(_fps_kernel, K, NL, N),
        grid=(B,),
        in_specs=[pl.BlockSpec((1, 3, 8, NL), lambda b: (b, 0, 0, 0))],
        out_specs=pl.BlockSpec((1, K, 1), lambda b: (b, 0, 0)),
        out_shape=jax.ShapeDtypeStruct((B, K, 1), jnp.int32),
        scratch_shapes=[pltpu.VMEM((8, NL), jnp.float32)],
    )(pts_r)
    idx = out[:, :, 0]
    new_p = jnp.take_along_axis(p, idx[:, :, None], axis=1)
    return new_p, idx


def _pt_layer(bp, x, p):
    xq = _linear(bp["q"], x)
    xk = _linear(bp["k"], x)
    xv = _linear(bp["v"], x)
    _, ind = _knn_points(p, p, _NSAMPLE + 1)
    ind = ind[:, :, 1:]
    B, N, K = ind.shape
    C = xk.shape[-1]
    tbl = jnp.concatenate([xk, xv, p], axis=-1)
    g = _gather_rows(tbl, ind.reshape(B, N * K)).reshape(B, N, K, 2 * C + 3)
    xk = g[..., :C]
    xv = g[..., C:2 * C]
    pj = g[..., 2 * C:]
    pr = pj - p[:, :, None, :]
    pr = _linear(bp["p0"], pr)
    pr = jax.nn.relu(_bnorm(bp["p_bn"], pr, (0, 1, 2)))
    pr = _linear(bp["p1"], pr)
    w = xq[:, :, None, :] - xk + pr
    w = jax.nn.relu(_bnorm(bp["w_bn0"], w, (0, 1, 2)))
    w = _linear(bp["w_lin0"], w)
    w = jax.nn.relu(_bnorm(bp["w_bn1"], w, (0, 1, 2)))
    w = _linear(bp["w_lin1"], w)
    w = jax.nn.softmax(w, axis=2)
    out = jnp.sum((xv + pr) * w, axis=2)
    return out, ind


def _pt_block(bp, x, p):
    identity = x
    h = jax.nn.relu(_bnorm(bp["bn1"], _linear(bp["lin1"], x), (0, 1)))
    h, ind = _pt_layer(bp, h, p)
    h = jax.nn.relu(_bnorm(bp["bn2"], h, (0, 1)))
    h = _bnorm(bp["bn3"], _linear(bp["lin3"], h), (0, 1))
    h = jax.nn.relu(h + identity)
    return h, p, ind


def _transition_down(tp, x, p, knn_ind, stride):
    if stride != 1:
        M = p.shape[1] // stride
        new_p, new_p_ind = _sample_farthest_points(p, M)
        nn_ind = _knn_gather(knn_ind, new_p_ind[:, None, :])[:, 0]
        B, _, K = nn_ind.shape
        C = x.shape[-1]
        tbl = jnp.concatenate([p, x], axis=-1)
        g = _gather_rows(tbl, nn_ind.reshape(B, M * K)).reshape(B, M, K, 3 + C)
        gx = g[..., :3] - new_p[:, :, None, :]
        feat = jnp.concatenate([gx, g[..., 3:]], axis=-1)
        h = jax.nn.relu(_bnorm(tp["bn"], _linear(tp["lin"], feat), (0, 1, 2)))
        x = jnp.max(h, axis=2)
        p = new_p
    else:
        x = jax.nn.relu(_bnorm(tp["bn"], _linear(tp["lin"], x), (0, 1)))
    return x, p



def _head_kernel(x_ref, w0_ref, b0_ref, g_ref, bb_ref, w1_ref, b1_ref, o_ref):
    x = x_ref[...]
    y = jnp.dot(x, w0_ref[...], preferred_element_type=jnp.float32)
    y = y + b0_ref[...]
    m = jnp.mean(y, axis=0, keepdims=True)
    v = jnp.mean((y - m) * (y - m), axis=0, keepdims=True)
    y = g_ref[...] * (y - m) / jnp.sqrt(v + 1e-5) + bb_ref[...]
    y = jnp.maximum(y, 0.0)
    o_ref[...] = jnp.dot(y, w1_ref[...], preferred_element_type=jnp.float32) + b1_ref[...]


def _cls_head(cp, x):
    B, C = x.shape
    ncls = cp["l1"]["w"].shape[1]
    return pl.pallas_call(
        _head_kernel,
        out_shape=jax.ShapeDtypeStruct((B, ncls), jnp.float32),
    )(x, cp["l0"]["w"], cp["l0"]["b"][None, :], cp["bn"]["g"][None, :],
      cp["bn"]["b"][None, :], cp["l1"]["w"], cp["l1"]["b"][None, :])


def kernel(p, params):
    x = p
    pos = p
    knn_ind = None
    for i in range(5):
        sp = params["stages"][i]
        x, pos = _transition_down(sp["td"], x, pos, knn_ind, _STRIDES[i])
        x, pos, knn_ind = _pt_block(sp["blk"], x, pos)
    x = jnp.mean(x, axis=1)
    return _cls_head(params["cls"], x)

# --- scband reference (transcript-rebuilt; emitter-appended) ---
"""Pipeline reference for scband-point-transformer-cls-40819369181272 (READ-ONLY COPY).

The authoritative reference and input builder live on the scoring server;
editing this copy changes nothing except your own understanding.
"""

import jax, jax.numpy as jnp
import numpy as np

PLANES = [32, 64, 128, 256, 512]
STRIDES = [1, 4, 4, 4, 4]
NSAMPLE = 16
NUM_CLASSES = 40


def _lin(key, din, dout, bias=True):
    k1, _ = jax.random.split(key)
    p = {"w": jax.random.normal(k1, (din, dout), dtype=jnp.float32) * 0.05}
    if bias:
        p["b"] = jnp.zeros((dout,), dtype=jnp.float32)
    return p


def _bnp(c):
    return {"g": jnp.ones((c,), dtype=jnp.float32), "b": jnp.zeros((c,), dtype=jnp.float32)}


def make_params(key):
    keys = jax.random.split(key, 100)
    ki = iter(range(100))
    in_p = 3
    stages = []
    for i, out in enumerate(PLANES):
        stride = STRIDES[i]
        if stride == 1:
            td = {"lin": _lin(keys[next(ki)], in_p, out, bias=False), "bn": _bnp(out)}
        else:
            td = {"lin": _lin(keys[next(ki)], 3 + in_p, out, bias=False), "bn": _bnp(out)}
        blk = {
            "lin1": _lin(keys[next(ki)], out, out, bias=False), "bn1": _bnp(out),
            "q": _lin(keys[next(ki)], out, out), "k": _lin(keys[next(ki)], out, out), "v": _lin(keys[next(ki)], out, out),
            "p0": _lin(keys[next(ki)], 3, 3), "p_bn": _bnp(3), "p1": _lin(keys[next(ki)], 3, out),
            "w_bn0": _bnp(out), "w_lin0": _lin(keys[next(ki)], out, out),
            "w_bn1": _bnp(out), "w_lin1": _lin(keys[next(ki)], out, out),
            "bn2": _bnp(out), "lin3": _lin(keys[next(ki)], out, out, bias=False), "bn3": _bnp(out),
        }
        stages.append({"td": td, "blk": blk})
        in_p = out
    cls = {"l0": _lin(keys[next(ki)], PLANES[-1], PLANES[-1]), "bn": _bnp(PLANES[-1]),
           "l1": _lin(keys[next(ki)], PLANES[-1], NUM_CLASSES)}
    return {"stages": stages, "cls": cls}


def linear(pp, x):
    y = x @ pp["w"]
    if "b" in pp:
        y = y + pp["b"]
    return y


def bnorm(pp, x, axes):
    # training-mode batch norm over the given axes; channel is last dim
    m = jnp.mean(x, axis=axes, keepdims=True)
    v = jnp.var(x, axis=axes, keepdims=True)
    return pp["g"] * (x - m) / jnp.sqrt(v + 1e-5) + pp["b"]


def knn_points(p1, p2, K):
    d = (jnp.sum(p1 * p1, -1)[:, :, None]
         - 2.0 * jnp.einsum("bnd,bmd->bnm", p1, p2)
         + jnp.sum(p2 * p2, -1)[:, None, :])
    negd, idx = jax.lax.top_k(-d, K)
    return -negd, idx


def knn_gather(x, ind):
    # x: [B, N, C]; ind: [B, M, K] -> [B, M, K, C]
    B, M, K = ind.shape
    flat = ind.reshape(B, M * K)
    g = jnp.take_along_axis(x, flat[:, :, None], axis=1)
    return g.reshape(B, M, K, x.shape[-1])


def sample_farthest_points(p, K):
    # pytorch3d-style FPS, deterministic start at index 0
    pts_sg = jax.lax.stop_gradient(p)
    B, N, _ = pts_sg.shape

    def single(pts):
        def body(i, state):
            idxs, dmin = state
            last = pts[idxs[i - 1]]
            d = jnp.sum((pts - last[None, :]) ** 2, axis=-1)
            dmin = jnp.minimum(dmin, d)
            idxs = idxs.at[i].set(jnp.argmax(dmin).astype(jnp.int32))
            return (idxs, dmin)
        idxs0 = jnp.zeros((K,), dtype=jnp.int32)
        dmin0 = jnp.full((N,), 1e10, dtype=pts.dtype)
        idxs, _ = jax.lax.fori_loop(1, K, body, (idxs0, dmin0))
        return idxs

    idx = jax.vmap(single)(pts_sg)
    new_p = jnp.take_along_axis(p, idx[:, :, None], axis=1)
    return new_p, idx


def pt_layer(bp, x, p):
    xq = linear(bp["q"], x)
    xk = linear(bp["k"], x)
    xv = linear(bp["v"], x)
    _, ind = knn_points(p, p, NSAMPLE + 1)
    ind = ind[:, :, 1:]
    xk = knn_gather(xk, ind)
    xv = knn_gather(xv, ind)
    pj = knn_gather(p, ind)
    pr = pj - p[:, :, None, :]
    pr = linear(bp["p0"], pr)
    pr = jax.nn.relu(bnorm(bp["p_bn"], pr, (0, 1, 2)))
    pr = linear(bp["p1"], pr)
    w = xq[:, :, None, :] - xk + pr
    w = jax.nn.relu(bnorm(bp["w_bn0"], w, (0, 1, 2)))
    w = linear(bp["w_lin0"], w)
    w = jax.nn.relu(bnorm(bp["w_bn1"], w, (0, 1, 2)))
    w = linear(bp["w_lin1"], w)
    w = jax.nn.softmax(w, axis=2)
    out = jnp.sum((xv + pr) * w, axis=2)
    return out, ind


def pt_block(bp, x, p):
    identity = x
    h = jax.nn.relu(bnorm(bp["bn1"], linear(bp["lin1"], x), (0, 1)))
    h, ind = pt_layer(bp, h, p)
    h = jax.nn.relu(bnorm(bp["bn2"], h, (0, 1)))
    h = bnorm(bp["bn3"], linear(bp["lin3"], h), (0, 1))
    h = jax.nn.relu(h + identity)
    return h, p, ind


def transition_down(tp, x, p, knn_ind, stride):
    if stride != 1:
        M = p.shape[1] // stride
        new_p, new_p_ind = sample_farthest_points(p, M)
        nn_ind = knn_gather(knn_ind, new_p_ind[:, None, :])[:, 0]  # [B, M, nsample]
        feat = knn_gather(x, nn_ind)
        gx = knn_gather(p, nn_ind) - new_p[:, :, None, :]
        feat = jnp.concatenate([gx, feat], axis=-1)
        h = jax.nn.relu(bnorm(tp["bn"], linear(tp["lin"], feat), (0, 1, 2)))
        x = jnp.max(h, axis=2)
        p = new_p
    else:
        x = jax.nn.relu(bnorm(tp["bn"], linear(tp["lin"], x), (0, 1)))
    return x, p


def _forward(p, params):
    x = p
    pos = p
    knn_ind = None
    for i in range(5):
        sp = params["stages"][i]
        x, pos = transition_down(sp["td"], x, pos, knn_ind, STRIDES[i])
        x, pos, knn_ind = pt_block(sp["blk"], x, pos)
    x = jnp.mean(x, axis=1)
    c = params["cls"]
    x = linear(c["l0"], x)
    x = bnorm(c["bn"], x, (0,))
    x = jax.nn.relu(x)
    x = linear(c["l1"], x)
    return x


def setup_inputs(seed: int = 0):
    key = jax.random.key(seed)
    k1, k2 = jax.random.split(key)
    p = jax.random.normal(k1, (2, 4352, 3), dtype=jnp.float32)
    params = make_params(k2)
    return {"p": p, "params": params}


def reference(p, params):
    return _forward(p, params)

if __name__ == "__main__":
    import jax
    _d = setup_inputs()
    print(jax.jit(kernel)(*tuple(_d.values())))

</pallas_src>

<mosaic_0001>
module attributes {stable_mosaic.version = 14 : i64} {
  func.func @_knn_kernel(%arg0: i32, %arg1: i32, %arg2: memref<1x256x3xf32, #tpu.memory_space<vmem>>, %arg3: memref<1x3x4352xf32, #tpu.memory_space<vmem>>, %arg4: memref<1x256x17xi32, #tpu.memory_space<vmem>>, %arg5: memref<256x4352xf32, #tpu.memory_space<vmem>>) attributes {dimension_semantics = [#tpu.dimension_semantics<arbitrary>, #tpu.dimension_semantics<arbitrary>], iteration_bounds = array<i64: 2, 17>, scalar_prefetch = 0 : i64, scratch_operands = 1 : i64, tpu.core_type = #tpu.core_type<tc>, window_params = [{transform_indices = @transform_0, window_bounds = array<i64: 1, 256, 3>}, {transform_indices = @transform_1, window_bounds = array<i64: 1, 3, 4352>}, {transform_indices = @transform_2, window_bounds = array<i64: 1, 256, 17>}]} {
    %get3A = arith.constant 0 : index
    %get3A_0 = arith.constant 0 : index
    %get3A_1 = arith.constant 0 : index
    %get3A_2 = vector.load %arg2[%get3A, %get3A_0, %get3A_1] : memref<1x256x3xf32, #tpu.memory_space<vmem>>, vector<1x256x3xf32>
    %get3A_3 = vector.shape_cast %get3A_2 : vector<1x256x3xf32> to vector<256x3xf32>
    %get3A_4 = arith.constant 0 : index
    %get3A_5 = arith.constant 0 : index
    %get3A_6 = arith.constant 0 : index
    %get3A_7 = vector.load %arg3[%get3A_4, %get3A_5, %get3A_6] : memref<1x3x4352xf32, #tpu.memory_space<vmem>>, vector<1x3x4352xf32>
    %get3A_8 = vector.shape_cast %get3A_7 : vector<1x3x4352xf32> to vector<3x4352xf32>
    %dot_general3A = arith.constant dense<0.000000e+00> : vector<256x4352xf32>
    %dot_general3A_9 = tpu.matmul %get3A_3, %get3A_8, %dot_general3A {dimension_numbers = #tpu.dot_dimension_numbers<[1], [0], [0], [1], [0, 0, 1, 1], [], []>, transpose_lhs_hint = false} : vector<256x3xf32>, vector<3x4352xf32>, vector<256x4352xf32> -> vector<256x4352xf32>
    %mul3A = arith.mulf %get3A_3, %get3A_3 : vector<256x3xf32>
    %reduce_sum3A = arith.constant dense<0.000000e+00> : vector<256xf32>
    %reduce_sum3A_10 = vector.multi_reduction <add>, %mul3A, %reduce_sum3A [1] : vector<256x3xf32> to vector<256xf32>
    %broadcast_in_dim3A = vector.shape_cast %reduce_sum3A_10 : vector<256xf32> to vector<256x1xf32>
    %slice3A = vector.extract_strided_slice %get3A_8 {offsets = [0, 0], sizes = [1, 4352], strides = [1, 1]} : vector<3x4352xf32> to vector<1x4352xf32>
    %slice3A_11 = vector.extract_strided_slice %get3A_8 {offsets = [0, 0], sizes = [1, 4352], strides = [1, 1]} : vector<3x4352xf32> to vector<1x4352xf32>
    %mul3A_12 = arith.mulf %slice3A, %slice3A_11 : vector<1x4352xf32>
    %slice3A_13 = vector.extract_strided_slice %get3A_8 {offsets = [1, 0], sizes = [1, 4352], strides = [1, 1]} : vector<3x4352xf32> to vector<1x4352xf32>
    %slice3A_14 = vector.extract_strided_slice %get3A_8 {offsets = [1, 0], sizes = [1, 4352], strides = [1, 1]} : vector<3x4352xf32> to vector<1x4352xf32>
    %mul3A_15 = arith.mulf %slice3A_13, %slice3A_14 : vector<1x4352xf32>
    %add3A = arith.addf %mul3A_12, %mul3A_15 : vector<1x4352xf32>
    %slice3A_16 = vector.extract_strided_slice %get3A_8 {offsets = [2, 0], sizes = [1, 4352], strides = [1, 1]} : vector<3x4352xf32> to vector<1x4352xf32>
    %slice3A_17 = vector.extract_strided_slice %get3A_8 {offsets = [2, 0], sizes = [1, 4352], strides = [1, 1]} : vector<3x4352xf32> to vector<1x4352xf32>
    %mul3A_18 = arith.mulf %slice3A_16, %slice3A_17 : vector<1x4352xf32>
    %add3A_19 = arith.addf %add3A, %mul3A_18 : vector<1x4352xf32>
    %mul3A_20 = arith.constant 2.000000e+00 : f32
    %mul3A_21 = vector.broadcast %mul3A_20 : f32 to vector<256x4352xf32>
    %mul3A_22 = arith.mulf %mul3A_21, %dot_general3A_9 : vector<256x4352xf32>
    %sub3A = vector.broadcast %broadcast_in_dim3A : vector<256x1xf32> to vector<256x4352xf32>
    %sub3A_23 = arith.subf %sub3A, %mul3A_22 : vector<256x4352xf32>
    %add3A_24 = vector.broadcast %add3A_19 : vector<1x4352xf32> to vector<256x4352xf32>
    %add3A_25 = arith.addf %sub3A_23, %add3A_24 : vector<256x4352xf32>
    %swap3A = arith.constant 0 : index
    %swap3A_26 = arith.constant 0 : index
    %swap3A_27 = vector.load %arg5[%swap3A, %swap3A_26] : memref<256x4352xf32, #tpu.memory_space<vmem>>, vector<256x4352xf32>
    tpu.vector_store %arg5[%swap3A, %swap3A_26], %add3A_25 {strides = array<i32>} : memref<256x4352xf32, #tpu.memory_space<vmem>>, vector<256x4352xf32>,
    %iota3A = tpu.iota {dimensions = array<i32: 1>} : vector<256x4352xi32>
    %get3A_28 = arith.constant 0 : index
    %get3A_29 = arith.constant 0 : index
    %get3A_30 = vector.load %arg5[%get3A_28, %get3A_29] : memref<256x4352xf32, #tpu.memory_space<vmem>>, vector<256x4352xf32>
    %reduce_min3A = arith.constant dense<0x7F800000> : vector<256xf32>
    %reduce_min3A_31 = vector.multi_reduction <minimumf>, %get3A_30, %reduce_min3A [1] : vector<256x4352xf32> to vector<256xf32>
    %broadcast_in_dim3A_32 = vector.shape_cast %reduce_min3A_31 : vector<256xf32> to vector<256x1xf32>
    %eq3A = vector.broadcast %broadcast_in_dim3A_32 : vector<256x1xf32> to vector<256x4352xf32>
    %eq3A_33 = arith.cmpf oeq, %get3A_30, %eq3A : vector<256x4352xf32>
    %jit3A = arith.constant 1073741824 : i32
    %broadcast_in_dim3A_34 = vector.broadcast %jit3A : i32 to vector<256x4352xi32>
    %select_n3A = arith.select %eq3A_33, %iota3A, %broadcast_in_dim3A_34 : vector<256x4352xi1>, vector<256x4352xi32>
    %reduce_min3A_35 = arith.constant dense<2147483647> : vector<256xi32>
    %reduce_min3A_36 = vector.multi_reduction <minsi>, %select_n3A, %reduce_min3A_35 [1] : vector<256x4352xi32> to vector<256xi32>
    %broadcast_in_dim3A_37 = vector.shape_cast %reduce_min3A_36 : vector<256xi32> to vector<256x1xi32>
    %swap3A_38 = arith.constant 0 : index
    %swap3A_39 = arith.constant 0 : index
    %swap3A_40 = arith.constant 0 : index
    %swap3A_41 = vector.load %arg4[%swap3A_38, %swap3A_39, %swap3A_40] : memref<1x256x17xi32, #tpu.memory_space<vmem>>, vector<1x256x1xi32>
    %swap3A_42 = vector.shape_cast %swap3A_41 : vector<1x256x1xi32> to vector<256x1xi32>
    %swap3A_43 = vector.shape_cast %broadcast_in_dim3A_37 : vector<256x1xi32> to vector<1x256x1xi32>
    tpu.vector_store %arg4[%swap3A_38, %swap3A_39, %swap3A_40], %swap3A_43 {strides = array<i32>} : memref<1x256x17xi32, #tpu.memory_space<vmem>>, vector<1x256x1xi32>,
    %eq3A_44 = vector.broadcast %broadcast_in_dim3A_37 : vector<256x1xi32> to vector<256x4352xi32>
    %eq3A_45 = arith.cmpi eq, %iota3A, %eq3A_44 : vector<256x4352xi32>
    %jit3A_46 = arith.constant 0x7F800000 : f32
    %broadcast_in_dim3A_47 = vector.broadcast %jit3A_46 : f32 to vector<256x4352xf32>
    %select_n3A_48 = arith.select %eq3A_45, %broadcast_in_dim3A_47, %get3A_30 : vector<256x4352xi1>, vector<256x4352xf32>
    %swap3A_49 = arith.constant 0 : index
    %swap3A_50 = arith.constant 0 : index
    %swap3A_51 = vector.load %arg5[%swap3A_49, %swap3A_50] : memref<256x4352xf32, #tpu.memory_space<vmem>>, vector<256x4352xf32>
    tpu.vector_store %arg5[%swap3A_49, %swap3A_50], %select_n3A_48 {strides = array<i32>} : memref<256x4352xf32, #tpu.memory_space<vmem>>, vector<256x4352xf32>,
    %get3A_52 = arith.constant 0 : index
    %get3A_53 = arith.constant 0 : index
    %get3A_54 = vector.load %arg5[%get3A_52, %get3A_53] : memref<256x4352xf32, #tpu.memory_space<vmem>>, vector<256x4352xf32>
    %reduce_min3A_55 = arith.constant dense<0x7F800000> : vector<256xf32>
    %reduce_min3A_56 = vector.multi_reduction <minimumf>, %get3A_54, %reduce_min3A_55 [1] : vector<256x4352xf32> to vector<256xf32>
    %broadcast_in_dim3A_57 = vector.shape_cast %reduce_min3A_56 : vector<256xf32> to vector<256x1xf32>
    %eq3A_58 = vector.broadcast %broadcast_in_dim3A_57 : vector<256x1xf32> to vector<256x4352xf32>
    %eq3A_59 = arith.cmpf oeq, %get3A_54, %eq3A_58 : vector<256x4352xf32>
    %jit3A_60 = arith.constant 1073741824 : i32
    %broadcast_in_dim3A_61 = vector.broadcast %jit3A_60 : i32 to vector<256x4352xi32>
    %select_n3A_62 = arith.select %eq3A_59, %iota3A, %broadcast_in_dim3A_61 : vector<256x4352xi1>, vector<256x4352xi32>
    %reduce_min3A_63 = arith.constant dense<2147483647> : vector<256xi32>
    %reduce_min3A_64 = vector.multi_reduction <minsi>, %select_n3A_62, %reduce_min3A_63 [1] : vector<256x4352xi32> to vector<256xi32>
    %broadcast_in_dim3A_65 = vector.shape_cast %reduce_min3A_64 : vector<256xi32> to vector<256x1xi32>
    %swap3A_66 = arith.constant 0 : index
    %swap3A_67 = arith.constant 0 : index
    %swap3A_68 = arith.constant 1 : index
    %swap3A_69 = vector.load %arg4[%swap3A_66, %swap3A_67, %swap3A_68] : memref<1x256x17xi32, #tpu.memory_space<vmem>>, vector<1x256x1xi32>
    %swap3A_70 = vector.shape_cast %swap3A_69 : vector<1x256x1xi32> to vector<256x1xi32>
    %swap3A_71 = vector.shape_cast %broadcast_in_dim3A_65 : vector<256x1xi32> to vector<1x256x1xi32>
    tpu.vector_store %arg4[%swap3A_66, %swap3A_67, %swap3A_68], %swap3A_71 {strides = array<i32>} : memref<1x256x17xi32, #tpu.memory_space<vmem>>, vector<1x256x1xi32>,
    %eq3A_72 = vector.broadcast %broadcast_in_dim3A_65 : vector<256x1xi32> to vector<256x4352xi32>
    %eq3A_73 = arith.cmpi eq, %iota3A, %eq3A_72 : vector<256x4352xi32>
    %jit3A_74 = arith.constant 0x7F800000 : f32
    %broadcast_in_dim3A_75 = vector.broadcast %jit3A_74 : f32 to vector<256x4352xf32>
    %select_n3A_76 = arith.select %eq3A_73, %broadcast_in_dim3A_75, %get3A_54 : vector<256x4352xi1>, vector<256x4352xf32>
    %swap3A_77 = arith.constant 0 : index
    %swap3A_78 = arith.constant 0 : index
    %swap3A_79 = vector.load %arg5[%swap3A_77, %swap3A_78] : memref<256x4352xf32, #tpu.memory_space<vmem>>, vector<256x4352xf32>
    tpu.vector_store %arg5[%swap3A_77, %swap3A_78], %select_n3A_76 {strides = array<i32>} : memref<256x4352xf32, #tpu.memory_space<vmem>>, vector<256x4352xf32>,
    %get3A_80 = arith.constant 0 : index
    %get3A_81 = arith.constant 0 : index
    %get3A_82 = vector.load %arg5[%get3A_80, %get3A_81] : memref<256x4352xf32, #tpu.memory_space<vmem>>, vector<256x4352xf32>
    %reduce_min3A_83 = arith.constant dense<0x7F800000> : vector<256xf32>
    %reduce_min3A_84 = vector.multi_reduction <minimumf>, %get3A_82, %reduce_min3A_83 [1] : vector<256x4352xf32> to vector<256xf32>
    %broadcast_in_dim3A_85 = vector.shape_cast %reduce_min3A_84 : vector<256xf32> to vector<256x1xf32>
    %eq3A_86 = vector.broadcast %broadcast_in_dim3A_85 : vector<256x1xf32> to vector<256x4352xf32>
    %eq3A_87 = arith.cmpf oeq, %get3A_82, %eq3A_86 : vector<256x4352xf32>
    %jit3A_88 = arith.constant 1073741824 : i32
    %broadcast_in_dim3A_89 = vector.broadcast %jit3A_88 : i32 to vector<256x4352xi32>
    %select_n3A_90 = arith.select %eq3A_87, %iota3A, %broadcast_in_dim3A_89 : vector<256x4352xi1>, vector<256x4352xi32>
    %reduce_min3A_91 = arith.constant dense<2147483647> : vector<256xi32>
    %reduce_min3A_92 = vector.multi_reduction <minsi>, %select_n3A_90, %reduce_min3A_91 [1] : vector<256x4352xi32> to vector<256xi32>
    %broadcast_in_dim3A_93 = vector.shape_cast %reduce_min3A_92 : vector<256xi32> to vector<256x1xi32>
    %swap3A_94 = arith.constant 0 : index
    %swap3A_95 = arith.constant 0 : index
    %swap3A_96 = arith.constant 2 : index
    %swap3A_97 = vector.load %arg4[%swap3A_94, %swap3A_95, %swap3A_96] : memref<1x256x17xi32, #tpu.memory_space<vmem>>, vector<1x256x1xi32>
    %swap3A_98 = vector.shape_cast %swap3A_97 : vector<1x256x1xi32> to vector<256x1xi32>
    %swap3A_99 = vector.shape_cast %broadcast_in_dim3A_93 : vector<256x1xi32> to vector<1x256x1xi32>
    tpu.vector_store %arg4[%swap3A_94, %swap3A_95, %swap3A_96], %swap3A_99 {strides = array<i32>} : memref<1x256x17xi32, #tpu.memory_space<vmem>>, vector<1x256x1xi32>,
    %eq3A_100 = vector.broadcast %broadcast_in_dim3A_93 : vector<256x1xi32> to vector<256x4352xi32>
    %eq3A_101 = arith.cmpi eq, %iota3A, %eq3A_100 : vector<256x4352xi32>
    %jit3A_102 = arith.constant 0x7F800000 : f32
    %broadcast_in_dim3A_103 = vector.broadcast %jit3A_102 : f32 to vector<256x4352xf32>
    %select_n3A_104 = arith.select %eq3A_101, %broadcast_in_dim3A_103, %get3A_82 : vector<256x4352xi1>, vector<256x4352xf32>
    %swap3A_105 = arith.constant 0 : index
    %swap3A_106 = arith.constant 0 : index
    %swap3A_107 = vector.load %arg5[%swap3A_105, %swap3A_106] : memref<256x4352xf32, #tpu.memory_space<vmem>>, vector<256x4352xf32>
    tpu.vector_store %arg5[%swap3A_105, %swap3A_106], %select_n3A_104 {strides = array<i32>} : memref<256x4352xf32, #tpu.memory_space<vmem>>, vector<256x4352xf32>,
    %get3A_108 = arith.constant 0 : index
    %get3A_109 = arith.constant 0 : index
    %get3A_110 = vector.load %arg5[%get3A_108, %get3A_109] : memref<256x4352xf32, #tpu.memory_space<vmem>>, vector<256x4352xf32>
    %reduce_min3A_111 = arith.constant dense<0x7F800000> : vector<256xf32>
    %reduce_min3A_112 = vector.multi_reduction <minimumf>, %get3A_110, %reduce_min3A_111 [1] : vector<256x4352xf32> to vector<256xf32>
    %broadcast_in_dim3A_113 = vector.shape_cast %reduce_min3A_112 : vector<256xf32> to vector<256x1xf32>
    %eq3A_114 = vector.broadcast %broadcast_in_dim3A_113 : vector<256x1xf32> to vector<256x4352xf32>
    %eq3A_115 = arith.cmpf oeq, %get3A_110, %eq3A_114 : vector<256x4352xf32>
    %jit3A_116 = arith.constant 1073741824 : i32
    %broadcast_in_dim3A_117 = vector.broadcast %jit3A_116 : i32 to vector<256x4352xi32>
    %select_n3A_118 = arith.select %eq3A_115, %iota3A, %broadcast_in_dim3A_117 : vector<256x4352xi1>, vector<256x4352xi32>
    %reduce_min3A_119 = arith.constant dense<2147483647> : vector<256xi32>
    %reduce_min3A_120 = vector.multi_reduction <minsi>, %select_n3A_118, %reduce_min3A_119 [1] : vector<256x4352xi32> to vector<256xi32>
    %broadcast_in_dim3A_121 = vector.shape_cast %reduce_min3A_120 : vector<256xi32> to vector<256x1xi32>
    %swap3A_122 = arith.constant 0 : index
    %swap3A_123 = arith.constant 0 : index
    %swap3A_124 = arith.constant 3 : index
    %swap3A_125 = vector.load %arg4[%swap3A_122, %swap3A_123, %swap3A_124] : memref<1x256x17xi32, #tpu.memory_space<vmem>>, vector<1x256x1xi32>
    %swap3A_126 = vector.shape_cast %swap3A_125 : vector<1x256x1xi32> to vector<256x1xi32>
    %swap3A_127 = vector.shape_cast %broadcast_in_dim3A_121 : vector<256x1xi32> to vector<1x256x1xi32>
    tpu.vector_store %arg4[%swap3A_122, %swap3A_123, %swap3A_124], %swap3A_127 {strides = array<i32>} : memref<1x256x17xi32, #tpu.memory_space<vmem>>, vector<1x256x1xi32>,
    %eq3A_128 = vector.broadcast %broadcast_in_dim3A_121 : vector<256x1xi32> to vector<256x4352xi32>
    %eq3A_129 = arith.cmpi eq, %iota3A, %eq3A_128 : vector<256x4352xi32>
    %jit3A_130 = arith.constant 0x7F800000 : f32
    %broadcast_in_dim3A_131 = vector.broadcast %jit3A_130 : f32 to vector<256x4352xf32>
    %select_n3A_132 = arith.select %eq3A_129, %broadcast_in_dim3A_131, %get3A_110 : vector<256x4352xi1>, vector<256x4352xf32>
    %swap3A_133 = arith.constant 0 : index
    %swap3A_134 = arith.constant 0 : index
    %swap3A_135 = vector.load %arg5[%swap3A_133, %swap3A_134] : memref<256x4352xf32, #tpu.memory_space<vmem>>, vector<256x4352xf32>
    tpu.vector_store %arg5[%swap3A_133, %swap3A_134], %select_n3A_132 {strides = array<i32>} : memref<256x4352xf32, #tpu.memory_space<vmem>>, vector<256x4352xf32>,
    %get3A_136 = arith.constant 0 : index
    %get3A_137 = arith.constant 0 : index
    %get3A_138 = vector.load %arg5[%get3A_136, %get3A_137] : memref<256x4352xf32, #tpu.memory_space<vmem>>, vector<256x4352xf32>
    %reduce_min3A_139 = arith.constant dense<0x7F800000> : vector<256xf32>
    %reduce_min3A_140 = vector.multi_reduction <minimumf>, %get3A_138, %reduce_min3A_139 [1] : vector<256x4352xf32> to vector<256xf32>
    %broadcast_in_dim3A_141 = vector.shape_cast %reduce_min3A_140 : vector<256xf32> to vector<256x1xf32>
    %eq3A_142 = vector.broadcast %broadcast_in_dim3A_141 : vector<256x1xf32> to vector<256x4352xf32>
    %eq3A_143 = arith.cmpf oeq, %get3A_138, %eq3A_142 : vector<256x4352xf32>
    %jit3A_144 = arith.constant 1073741824 : i32
    %broadcast_in_dim3A_145 = vector.broadcast %jit3A_144 : i32 to vector<256x4352xi32>
    %select_n3A_146 = arith.select %eq3A_143, %iota3A, %broadcast_in_dim3A_145 : vector<256x4352xi1>, vector<256x4352xi32>
    %reduce_min3A_147 = arith.constant dense<2147483647> : vector<256xi32>
    %reduce_min3A_148 = vector.multi_reduction <minsi>, %select_n3A_146, %reduce_min3A_147 [1] : vector<256x4352xi32> to vector<256xi32>
    %broadcast_in_dim3A_149 = vector.shape_cast %reduce_min3A_148 : vector<256xi32> to vector<256x1xi32>
    %swap3A_150 = arith.constant 0 : index
    %swap3A_151 = arith.constant 0 : index
    %swap3A_152 = arith.constant 4 : index
    %swap3A_153 = vector.load %arg4[%swap3A_150, %swap3A_151, %swap3A_152] : memref<1x256x17xi32, #tpu.memory_space<vmem>>, vector<1x256x1xi32>
    %swap3A_154 = vector.shape_cast %swap3A_153 : vector<1x256x1xi32> to vector<256x1xi32>
    %swap3A_155 = vector.shape_cast %broadcast_in_dim3A_149 : vector<256x1xi32> to vector<1x256x1xi32>
    tpu.vector_store %arg4[%swap3A_150, %swap3A_151, %swap3A_152], %swap3A_155 {strides = array<i32>} : memref<1x256x17xi32, #tpu.memory_space<vmem>>, vector<1x256x1xi32>,
    %eq3A_156 = vector.broadcast %broadcast_in_dim3A_149 : vector<256x1xi32> to vector<256x4352xi32>
    %eq3A_157 = arith.cmpi eq, %iota3A, %eq3A_156 : vector<256x4352xi32>
    %jit3A_158 = arith.constant 0x7F800000 : f32
    %broadcast_in_dim3A_159 = vector.broadcast %jit3A_158 : f32 to vector<256x4352xf32>
    %select_n3A_160 = arith.select %eq3A_157, %broadcast_in_dim3A_159, %get3A_138 : vector<256x4352xi1>, vector<256x4352xf32>
    %swap3A_161 = arith.constant 0 : index
    %swap3A_162 = arith.constant 0 : index
    %swap3A_163 = vector.load %arg5[%swap3A_161, %swap3A_162] : memref<256x4352xf32, #tpu.memory_space<vmem>>, vector<256x4352xf32>
    tpu.vector_store %arg5[%swap3A_161, %swap3A_162], %select_n3A_160 {strides = array<i32>} : memref<256x4352xf32, #tpu.memory_space<vmem>>, vector<256x4352xf32>,
    %get3A_164 = arith.constant 0 : index
    %get3A_165 = arith.constant 0 : index
    %get3A_166 = vector.load %arg5[%get3A_164, %get3A_165] : memref<256x4352xf32, #tpu.memory_space<vmem>>, vector<256x4352xf32>
    %reduce_min3A_167 = arith.constant dense<0x7F800000> : vector<256xf32>
    %reduce_min3A_168 = vector.multi_reduction <minimumf>, %get3A_166, %reduce_min3A_167 [1] : vector<256x4352xf32> to vector<256xf32>
    %broadcast_in_dim3A_169 = vector.shape_cast %reduce_min3A_168 : vector<256xf32> to vector<256x1xf32>
    %eq3A_170 = vector.broadcast %broadcast_in_dim3A_169 : vector<256x1xf32> to vector<256x4352xf32>
    %eq3A_171 = arith.cmpf oeq, %get3A_166, %eq3A_170 : vector<256x4352xf32>
    %jit3A_172 = arith.constant 1073741824 : i32
    %broadcast_in_dim3A_173 = vector.broadcast %jit3A_172 : i32 to vector<256x4352xi32>
    %select_n3A_174 = arith.select %eq3A_171, %iota3A, %broadcast_in_dim3A_173 : vector<256x4352xi1>, vector<256x4352xi32>
    %reduce_min3A_175 = arith.constant dense<2147483647> : vector<256xi32>
    %reduce_min3A_176 = vector.multi_reduction <minsi>, %select_n3A_174, %reduce_min3A_175 [1] : vector<256x4352xi32> to vector<256xi32>
    %broadcast_in_dim3A_177 = vector.shape_cast %reduce_min3A_176 : vector<256xi32> to vector<256x1xi32>
    %swap3A_178 = arith.constant 0 : index
    %swap3A_179 = arith.constant 0 : index
    %swap3A_180 = arith.constant 5 : index
    %swap3A_181 = vector.load %arg4[%swap3A_178, %swap3A_179, %swap3A_180] : memref<1x256x17xi32, #tpu.memory_space<vmem>>, vector<1x256x1xi32>
    %swap3A_182 = vector.shape_cast %swap3A_181 : vector<1x256x1xi32> to vector<256x1xi32>
    %swap3A_183 = vector.shape_cast %broadcast_in_dim3A_177 : vector<256x1xi32> to vector<1x256x1xi32>
    tpu.vector_store %arg4[%swap3A_178, %swap3A_179, %swap3A_180], %swap3A_183 {strides = array<i32>} : memref<1x256x17xi32, #tpu.memory_space<vmem>>, vector<1x256x1xi32>,
    %eq3A_184 = vector.broadcast %broadcast_in_dim3A_177 : vector<256x1xi32> to vector<256x4352xi32>
    %eq3A_185 = arith.cmpi eq, %iota3A, %eq3A_184 : vector<256x4352xi32>
    %jit3A_186 = arith.constant 0x7F800000 : f32
    %broadcast_in_dim3A_187 = vector.broadcast %jit3A_186 : f32 to vector<256x4352xf32>
    %select_n3A_188 = arith.select %eq3A_185, %broadcast_in_dim3A_187, %get3A_166 : vector<256x4352xi1>, vector<256x4352xf32>
    %swap3A_189 = arith.constant 0 : index
    %swap3A_190 = arith.constant 0 : index
    %swap3A_191 = vector.load %arg5[%swap3A_189, %swap3A_190] : memref<256x4352xf32, #tpu.memory_space<vmem>>, vector<256x4352xf32>
    tpu.vector_store %arg5[%swap3A_189, %swap3A_190], %select_n3A_188 {strides = array<i32>} : memref<256x4352xf32, #tpu.memory_space<vmem>>, vector<256x4352xf32>,
    %get3A_192 = arith.constant 0 : index
    %get3A_193 = arith.constant 0 : index
    %get3A_194 = vector.load %arg5[%get3A_192, %get3A_193] : memref<256x4352xf32, #tpu.memory_space<vmem>>, vector<256x4352xf32>
    %reduce_min3A_195 = arith.constant dense<0x7F800000> : vector<256xf32>
    %reduce_min3A_196 = vector.multi_reduction <minimumf>, %get3A_194, %reduce_min3A_195 [1] : vector<256x4352xf32> to vector<256xf32>
    %broadcast_in_dim3A_197 = vector.shape_cast %reduce_min3A_196 : vector<256xf32> to vector<256x1xf32>
    %eq3A_198 = vector.broadcast %broadcast_in_dim3A_197 : vector<256x1xf32> to vector<256x4352xf32>
    %eq3A_199 = arith.cmpf oeq, %get3A_194, %eq3A_198 : vector<256x4352xf32>
    %jit3A_200 = arith.constant 1073741824 : i32
    %broadcast_in_dim3A_201 = vector.broadcast %jit3A_200 : i32 to vector<256x4352xi32>
    %select_n3A_202 = arith.select %eq3A_199, %iota3A, %broadcast_in_dim3A_201 : vector<256x4352xi1>, vector<256x4352xi32>
    %reduce_min3A_203 = arith.constant dense<2147483647> : vector<256xi32>
    %reduce_min3A_204 = vector.multi_reduction <minsi>, %select_n3A_202, %reduce_min3A_203 [1] : vector<256x4352xi32> to vector<256xi32>
    %broadcast_in_dim3A_205 = vector.shape_cast %reduce_min3A_204 : vector<256xi32> to vector<256x1xi32>
    %swap3A_206 = arith.constant 0 : index
    %swap3A_207 = arith.constant 0 : index
    %swap3A_208 = arith.constant 6 : index
    %swap3A_209 = vector.load %arg4[%swap3A_206, %swap3A_207, %swap3A_208] : memref<1x256x17xi32, #tpu.memory_space<vmem>>, vector<1x256x1xi32>
    %swap3A_210 = vector.shape_cast %swap3A_209 : vector<1x256x1xi32> to vector<256x1xi32>
    %swap3A_211 = vector.shape_cast %broadcast_in_dim3A_205 : vector<256x1xi32> to vector<1x256x1xi32>
    tpu.vector_store %arg4[%swap3A_206, %swap3A_207, %swap3A_208], %swap3A_211 {strides = array<i32>} : memref<1x256x17xi32, #tpu.memory_space<vmem>>, vector<1x256x1xi32>,
    %eq3A_212 = vector.broadcast %broadcast_in_dim3A_205 : vector<256x1xi32> to vector<256x4352xi32>
    %eq3A_213 = arith.cmpi eq, %iota3A, %eq3A_212 : vector<256x4352xi32>
    %jit3A_214 = arith.constant 0x7F800000 : f32
    %broadcast_in_dim3A_215 = vector.broadcast %jit3A_214 : f32 to vector<256x4352xf32>
    %select_n3A_216 = arith.select %eq3A_213, %broadcast_in_dim3A_215, %get3A_194 : vector<256x4352xi1>, vector<256x4352xf32>
    %swap3A_217 = arith.constant 0 : index
    %swap3A_218 = arith.constant 0 : index
    %swap3A_219 = vector.load %arg5[%swap3A_217, %swap3A_218] : memref<256x4352xf32, #tpu.memory_space<vmem>>, vector<256x4352xf32>
    tpu.vector_store %arg5[%swap3A_217, %swap3A_218], %select_n3A_216 {strides = array<i32>} : memref<256x4352xf32, #tpu.memory_space<vmem>>, vector<256x4352xf32>,
    %get3A_220 = arith.constant 0 : index
    %get3A_221 = arith.constant 0 : index
    %get3A_222 = vector.load %arg5[%get3A_220, %get3A_221] : memref<256x4352xf32, #tpu.memory_space<vmem>>, vector<256x4352xf32>
    %reduce_min3A_223 = arith.constant dense<0x7F800000> : vector<256xf32>
    %reduce_min3A_224 = vector.multi_reduction <minimumf>, %get3A_222, %reduce_min3A_223 [1] : vector<256x4352xf32> to vector<256xf32>
    %broadcast_in_dim3A_225 = vector.shape_cast %reduce_min3A_224 : vector<256xf32> to vector<256x1xf32>
    %eq3A_226 = vector.broadcast %broadcast_in_dim3A_225 : vector<256x1xf32> to vector<256x4352xf32>
    %eq3A_227 = arith.cmpf oeq, %get3A_222, %eq3A_226 : vector<256x4352xf32>
    %jit3A_228 = arith.constant 1073741824 : i32
    %broadcast_in_dim3A_229 = vector.broadcast %jit3A_228 : i32 to vector<256x4352xi32>
    %select_n3A_230 = arith.select %eq3A_227, %iota3A, %broadcast_in_dim3A_229 : vector<256x4352xi1>, vector<256x4352xi32>
    %reduce_min3A_231 = arith.constant dense<2147483647> : vector<256xi32>
    %reduce_min3A_232 = vector.multi_reduction <minsi>, %select_n3A_230, %reduce_min3A_231 [1] : vector<256x4352xi32> to vector<256xi32>
    %broadcast_in_dim3A_233 = vector.shape_cast %reduce_min3A_232 : vector<256xi32> to vector<256x1xi32>
    %swap3A_234 = arith.constant 0 : index
    %swap3A_235 = arith.constant 0 : index
    %swap3A_236 = arith.constant 7 : index
    %swap3A_237 = vector.load %arg4[%swap3A_234, %swap3A_235, %swap3A_236] : memref<1x256x17xi32, #tpu.memory_space<vmem>>, vector<1x256x1xi32>
    %swap3A_238 = vector.shape_cast %swap3A_237 : vector<1x256x1xi32> to vector<256x1xi32>
    %swap3A_239 = vector.shape_cast %broadcast_in_dim3A_233 : vector<256x1xi32> to vector<1x256x1xi32>
    tpu.vector_store %arg4[%swap3A_234, %swap3A_235, %swap3A_236], %swap3A_239 {strides = array<i32>} : memref<1x256x17xi32, #tpu.memory_space<vmem>>, vector<1x256x1xi32>,
    %eq3A_240 = vector.broadcast %broadcast_in_dim3A_233 : vector<256x1xi32> to vector<256x4352xi32>
    %eq3A_241 = arith.cmpi eq, %iota3A, %eq3A_240 : vector<256x4352xi32>
    %jit3A_242 = arith.constant 0x7F800000 : f32
    %broadcast_in_dim3A_243 = vector.broadcast %jit3A_242 : f32 to vector<256x4352xf32>
    %select_n3A_244 = arith.select %eq3A_241, %broadcast_in_dim3A_243, %get3A_222 : vector<256x4352xi1>, vector<256x4352xf32>
    %swap3A_245 = arith.constant 0 : index
    %swap3A_246 = arith.constant 0 : index
    %swap3A_247 = vector.load %arg5[%swap3A_245, %swap3A_246] : memref<256x4352xf32, #tpu.memory_space<vmem>>, vector<256x4352xf32>
    tpu.vector_store %arg5[%swap3A_245, %swap3A_246], %select_n3A_244 {strides = array<i32>} : memref<256x4352xf32, #tpu.memory_space<vmem>>, vector<256x4352xf32>,
    %get3A_248 = arith.constant 0 : index
    %get3A_249 = arith.constant 0 : index
    %get3A_250 = vector.load %arg5[%get3A_248, %get3A_249] : memref<256x4352xf32, #tpu.memory_space<vmem>>, vector<256x4352xf32>
    %reduce_min3A_251 = arith.constant dense<0x7F800000> : vector<256xf32>
    %reduce_min3A_252 = vector.multi_reduction <minimumf>, %get3A_250, %reduce_min3A_251 [1] : vector<256x4352xf32> to vector<256xf32>
    %broadcast_in_dim3A_253 = vector.shape_cast %reduce_min3A_252 : vector<256xf32> to vector<256x1xf32>
    %eq3A_254 = vector.broadcast %broadcast_in_dim3A_253 : vector<256x1xf32> to vector<256x4352xf32>
    %eq3A_255 = arith.cmpf oeq, %get3A_250, %eq3A_254 : vector<256x4352xf32>
    %jit3A_256 = arith.constant 1073741824 : i32
    %broadcast_in_dim3A_257 = vector.broadcast %jit3A_256 : i32 to vector<256x4352xi32>
    %select_n3A_258 = arith.select %eq3A_255, %iota3A, %broadcast_in_dim3A_257 : vector<256x4352xi1>, vector<256x4352xi32>
    %reduce_min3A_259 = arith.constant dense<2147483647> : vector<256xi32>
    %reduce_min3A_260 = vector.multi_reduction <minsi>, %select_n3A_258, %reduce_min3A_259 [1] : vector<256x4352xi32> to vector<256xi32>
    %broadcast_in_dim3A_261 = vector.shape_cast %reduce_min3A_260 : vector<256xi32> to vector<256x1xi32>
    %swap3A_262 = arith.constant 0 : index
    %swap3A_263 = arith.constant 0 : index
    %swap3A_264 = arith.constant 8 : index
    %swap3A_265 = vector.load %arg4[%swap3A_262, %swap3A_263, %swap3A_264] : memref<1x256x17xi32, #tpu.memory_space<vmem>>, vector<1x256x1xi32>
    %swap3A_266 = vector.shape_cast %swap3A_265 : vector<1x256x1xi32> to vector<256x1xi32>
    %swap3A_267 = vector.shape_cast %broadcast_in_dim3A_261 : vector<256x1xi32> to vector<1x256x1xi32>
    tpu.vector_store %arg4[%swap3A_262, %swap3A_263, %swap3A_264], %swap3A_267 {strides = array<i32>} : memref<1x256x17xi32, #tpu.memory_space<vmem>>, vector<1x256x1xi32>,
    %eq3A_268 = vector.broadcast %broadcast_in_dim3A_261 : vector<256x1xi32> to vector<256x4352xi32>
    %eq3A_269 = arith.cmpi eq, %iota3A, %eq3A_268 : vector<256x4352xi32>
    %jit3A_270 = arith.constant 0x7F800000 : f32
    %broadcast_in_dim3A_271 = vector.broadcast %jit3A_270 : f32 to vector<256x4352xf32>
    %select_n3A_272 = arith.select %eq3A_269, %broadcast_in_dim3A_271, %get3A_250 : vector<256x4352xi1>, vector<256x4352xf32>
    %swap3A_273 = arith.constant 0 : index
    %swap3A_274 = arith.constant 0 : index
    %swap3A_275 = vector.load %arg5[%swap3A_273, %swap3A_274] : memref<256x4352xf32, #tpu.memory_space<vmem>>, vector<256x4352xf32>
    tpu.vector_store %arg5[%swap3A_273, %swap3A_274], %select_n3A_272 {strides = array<i32>} : memref<256x4352xf32, #tpu.memory_space<vmem>>, vector<256x4352xf32>,
    %get3A_276 = arith.constant 0 : index
    %get3A_277 = arith.constant 0 : index
    %get3A_278 = vector.load %arg5[%get3A_276, %get3A_277] : memref<256x4352xf32, #tpu.memory_space<vmem>>, vector<256x4352xf32>
    %reduce_min3A_279 = arith.constant dense<0x7F800000> : vector<256xf32>
    %reduce_min3A_280 = vector.multi_reduction <minimumf>, %get3A_278, %reduce_min3A_279 [1] : vector<256x4352xf32> to vector<256xf32>
    %broadcast_in_dim3A_281 = vector.shape_cast %reduce_min3A_280 : vector<256xf32> to vector<256x1xf32>
    %eq3A_282 = vector.broadcast %broadcast_in_dim3A_281 : vector<256x1xf32> to vector<256x4352xf32>
    %eq3A_283 = arith.cmpf oeq, %get3A_278, %eq3A_282 : vector<256x4352xf32>
    %jit3A_284 = arith.constant 1073741824 : i32
    %broadcast_in_dim3A_285 = vector.broadcast %jit3A_284 : i32 to vector<256x4352xi32>
    %select_n3A_286 = arith.select %eq3A_283, %iota3A, %broadcast_in_dim3A_285 : vector<256x4352xi1>, vector<256x4352xi32>
    %reduce_min3A_287 = arith.constant dense<2147483647> : vector<256xi32>
    %reduce_min3A_288 = vector.multi_reduction <minsi>, %select_n3A_286, %reduce_min3A_287 [1] : vector<256x4352xi32> to vector<256xi32>
    %broadcast_in_dim3A_289 = vector.shape_cast %reduce_min3A_288 : vector<256xi32> to vector<256x1xi32>
    %swap3A_290 = arith.constant 0 : index
    %swap3A_291 = arith.constant 0 : index
    %swap3A_292 = arith.constant 9 : index
    %swap3A_293 = vector.load %arg4[%swap3A_290, %swap3A_291, %swap3A_292] : memref<1x256x17xi32, #tpu.memory_space<vmem>>, vector<1x256x1xi32>
    %swap3A_294 = vector.shape_cast %swap3A_293 : vector<1x256x1xi32> to vector<256x1xi32>
    %swap3A_295 = vector.shape_cast %broadcast_in_dim3A_289 : vector<256x1xi32> to vector<1x256x1xi32>
    tpu.vector_store %arg4[%swap3A_290, %swap3A_291, %swap3A_292], %swap3A_295 {strides = array<i32>} : memref<1x256x17xi32, #tpu.memory_space<vmem>>, vector<1x256x1xi32>,
    %eq3A_296 = vector.broadcast %broadcast_in_dim3A_289 : vector<256x1xi32> to vector<256x4352xi32>
    %eq3A_297 = arith.cmpi eq, %iota3A, %eq3A_296 : vector<256x4352xi32>
    %jit3A_298 = arith.constant 0x7F800000 : f32
    %broadcast_in_dim3A_299 = vector.broadcast %jit3A_298 : f32 to vector<256x4352xf32>
    %select_n3A_300 = arith.select %eq3A_297, %broadcast_in_dim3A_299, %get3A_278 : vector<256x4352xi1>, vector<256x4352xf32>
    %swap3A_301 = arith.constant 0 : index
    %swap3A_302 = arith.constant 0 : index
    %swap3A_303 = vector.load %arg5[%swap3A_301, %swap3A_302] : memref<256x4352xf32, #tpu.memory_space<vmem>>, vector<256x4352xf32>
    tpu.vector_store %arg5[%swap3A_301, %swap3A_302], %select_n3A_300 {strides = array<i32>} : memref<256x4352xf32, #tpu.memory_space<vmem>>, vector<256x4352xf32>,
    %get3A_304 = arith.constant 0 : index
    %get3A_305 = arith.constant 0 : index
    %get3A_306 = vector.load %arg5[%get3A_304, %get3A_305] : memref<256x4352xf32, #tpu.memory_space<vmem>>, vector<256x4352xf32>
    %reduce_min3A_307 = arith.constant dense<0x7F800000> : vector<256xf32>
    %reduce_min3A_308 = vector.multi_reduction <minimumf>, %get3A_306, %reduce_min3A_307 [1] : vector<256x4352xf32> to vector<256xf32>
    %broadcast_in_dim3A_309 = vector.shape_cast %reduce_min3A_308 : vector<256xf32> to vector<256x1xf32>
    %eq3A_310 = vector.broadcast %broadcast_in_dim3A_309 : vector<256x1xf32> to vector<256x4352xf32>
    %eq3A_311 = arith.cmpf oeq, %get3A_306, %eq3A_310 : vector<256x4352xf32>
    %jit3A_312 = arith.constant 1073741824 : i32
    %broadcast_in_dim3A_313 = vector.broadcast %jit3A_312 : i32 to vector<256x4352xi32>
    %select_n3A_314 = arith.select %eq3A_311, %iota3A, %broadcast_in_dim3A_313 : vector<256x4352xi1>, vector<256x4352xi32>
    %reduce_min3A_315 = arith.constant dense<2147483647> : vector<256xi32>
    %reduce_min3A_316 = vector.multi_reduction <minsi>, %select_n3A_314, %reduce_min3A_315 [1] : vector<256x4352xi32> to vector<256xi32>
    %broadcast_in_dim3A_317 = vector.shape_cast %reduce_min3A_316 : vector<256xi32> to vector<256x1xi32>
    %swap3A_318 = arith.constant 0 : index
    %swap3A_319 = arith.constant 0 : index
    %swap3A_320 = arith.constant 10 : index
    %swap3A_321 = vector.load %arg4[%swap3A_318, %swap3A_319, %swap3A_320] : memref<1x256x17xi32, #tpu.memory_space<vmem>>, vector<1x256x1xi32>
    %swap3A_322 = vector.shape_cast %swap3A_321 : vector<1x256x1xi32> to vector<256x1xi32>
    %swap3A_323 = vector.shape_cast %broadcast_in_dim3A_317 : vector<256x1xi32> to vector<1x256x1xi32>
    tpu.vector_store %arg4[%swap3A_318, %swap3A_319, %swap3A_320], %swap3A_323 {strides = array<i32>} : memref<1x256x17xi32, #tpu.memory_space<vmem>>, vector<1x256x1xi32>,
    %eq3A_324 = vector.broadcast %broadcast_in_dim3A_317 : vector<256x1xi32> to vector<256x4352xi32>
    %eq3A_325 = arith.cmpi eq, %iota3A, %eq3A_324 : vector<256x4352xi32>
    %jit3A_326 = arith.constant 0x7F800000 : f32
    %broadcast_in_dim3A_327 = vector.broadcast %jit3A_326 : f32 to vector<256x4352xf32>
    %select_n3A_328 = arith.select %eq3A_325, %broadcast_in_dim3A_327, %get3A_306 : vector<256x4352xi1>, vector<256x4352xf32>
    %swap3A_329 = arith.constant 0 : index
    %swap3A_330 = arith.constant 0 : index
    %swap3A_331 = vector.load %arg5[%swap3A_329, %swap3A_330] : memref<256x4352xf32, #tpu.memory_space<vmem>>, vector<256x4352xf32>
    tpu.vector_store %arg5[%swap3A_329, %swap3A_330], %select_n3A_328 {strides = array<i32>} : memref<256x4352xf32, #tpu.memory_space<vmem>>, vector<256x4352xf32>,
    %get3A_332 = arith.constant 0 : index
    %get3A_333 = arith.constant 0 : index
    %get3A_334 = vector.load %arg5[%get3A_332, %get3A_333] : memref<256x4352xf32, #tpu.memory_space<vmem>>, vector<256x4352xf32>
    %reduce_min3A_335 = arith.constant dense<0x7F800000> : vector<256xf32>
    %reduce_min3A_336 = vector.multi_reduction <minimumf>, %get3A_334, %reduce_min3A_335 [1] : vector<256x4352xf32> to vector<256xf32>
    %broadcast_in_dim3A_337 = vector.shape_cast %reduce_min3A_336 : vector<256xf32> to vector<256x1xf32>
    %eq3A_338 = vector.broadcast %broadcast_in_dim3A_337 : vector<256x1xf32> to vector<256x4352xf32>
    %eq3A_339 = arith.cmpf oeq, %get3A_334, %eq3A_338 : vector<256x4352xf32>
    %jit3A_340 = arith.constant 1073741824 : i32
    %broadcast_in_dim3A_341 = vector.broadcast %jit3A_340 : i32 to vector<256x4352xi32>
    %select_n3A_342 = arith.select %eq3A_339, %iota3A, %broadcast_in_dim3A_341 : vector<256x4352xi1>, vector<256x4352xi32>
    %reduce_min3A_343 = arith.constant dense<2147483647> : vector<256xi32>
    %reduce_min3A_344 = vector.multi_reduction <minsi>, %select_n3A_342, %reduce_min3A_343 [1] : vector<256x4352xi32> to vector<256xi32>
    %broadcast_in_dim3A_345 = vector.shape_cast %reduce_min3A_344 : vector<256xi32> to vector<256x1xi32>
    %swap3A_346 = arith.constant 0 : index
    %swap3A_347 = arith.constant 0 : index
    %swap3A_348 = arith.constant 11 : index
    %swap3A_349 = vector.load %arg4[%swap3A_346, %swap3A_347, %swap3A_348] : memref<1x256x17xi32, #tpu.memory_space<vmem>>, vector<1x256x1xi32>
    %swap3A_350 = vector.shape_cast %swap3A_349 : vector<1x256x1xi32> to vector<256x1xi32>
    %swap3A_351 = vector.shape_cast %broadcast_in_dim3A_345 : vector<256x1xi32> to vector<1x256x1xi32>
    tpu.vector_store %arg4[%swap3A_346, %swap3A_347, %swap3A_348], %swap3A_351 {strides = array<i32>} : memref<1x256x17xi32, #tpu.memory_space<vmem>>, vector<1x256x1xi32>,
    %eq3A_352 = vector.broadcast %broadcast_in_dim3A_345 : vector<256x1xi32> to vector<256x4352xi32>
    %eq3A_353 = arith.cmpi eq, %iota3A, %eq3A_352 : vector<256x4352xi32>
    %jit3A_354 = arith.constant 0x7F800000 : f32
    %broadcast_in_dim3A_355 = vector.broadcast %jit3A_354 : f32 to vector<256x4352xf32>
    %select_n3A_356 = arith.select %eq3A_353, %broadcast_in_dim3A_355, %get3A_334 : vector<256x4352xi1>, vector<256x4352xf32>
    %swap3A_357 = arith.constant 0 : index
    %swap3A_358 = arith.constant 0 : index
    %swap3A_359 = vector.load %arg5[%swap3A_357, %swap3A_358] : memref<256x4352xf32, #tpu.memory_space<vmem>>, vector<256x4352xf32>
    tpu.vector_store %arg5[%swap3A_357, %swap3A_358], %select_n3A_356 {strides = array<i32>} : memref<256x4352xf32, #tpu.memory_space<vmem>>, vector<256x4352xf32>,
    %get3A_360 = arith.constant 0 : index
    %get3A_361 = arith.constant 0 : index
    %get3A_362 = vector.load %arg5[%get3A_360, %get3A_361] : memref<256x4352xf32, #tpu.memory_space<vmem>>, vector<256x4352xf32>
    %reduce_min3A_363 = arith.constant dense<0x7F800000> : vector<256xf32>
    %reduce_min3A_364 = vector.multi_reduction <minimumf>, %get3A_362, %reduce_min3A_363 [1] : vector<256x4352xf32> to vector<256xf32>
    %broadcast_in_dim3A_365 = vector.shape_cast %reduce_min3A_364 : vector<256xf32> to vector<256x1xf32>
    %eq3A_366 = vector.broadcast %broadcast_in_dim3A_365 : vector<256x1xf32> to vector<256x4352xf32>
    %eq3A_367 = arith.cmpf oeq, %get3A_362, %eq3A_366 : vector<256x4352xf32>
    %jit3A_368 = arith.constant 1073741824 : i32
    %broadcast_in_dim3A_369 = vector.broadcast %jit3A_368 : i32 to vector<256x4352xi32>
    %select_n3A_370 = arith.select %eq3A_367, %iota3A, %broadcast_in_dim3A_369 : vector<256x4352xi1>, vector<256x4352xi32>
    %reduce_min3A_371 = arith.constant dense<2147483647> : vector<256xi32>
    %reduce_min3A_372 = vector.multi_reduction <minsi>, %select_n3A_370, %reduce_min3A_371 [1] : vector<256x4352xi32> to vector<256xi32>
    %broadcast_in_dim3A_373 = vector.shape_cast %reduce_min3A_372 : vector<256xi32> to vector<256x1xi32>
    %swap3A_374 = arith.constant 0 : index
    %swap3A_375 = arith.constant 0 : index
    %swap3A_376 = arith.constant 12 : index
    %swap3A_377 = vector.load %arg4[%swap3A_374, %swap3A_375, %swap3A_376] : memref<1x256x17xi32, #tpu.memory_space<vmem>>, vector<1x256x1xi32>
    %swap3A_378 = vector.shape_cast %swap3A_377 : vector<1x256x1xi32> to vector<256x1xi32>
    %swap3A_379 = vector.shape_cast %broadcast_in_dim3A_373 : vector<256x1xi32> to vector<1x256x1xi32>
    tpu.vector_store %arg4[%swap3A_374, %swap3A_375, %swap3A_376], %swap3A_379 {strides = array<i32>} : memref<1x256x17xi32, #tpu.memory_space<vmem>>, vector<1x256x1xi32>,
    %eq3A_380 = vector.broadcast %broadcast_in_dim3A_373 : vector<256x1xi32> to vector<256x4352xi32>
    %eq3A_381 = arith.cmpi eq, %iota3A, %eq3A_380 : vector<256x4352xi32>
    %jit3A_382 = arith.constant 0x7F800000 : f32
    %broadcast_in_dim3A_383 = vector.broadcast %jit3A_382 : f32 to vector<256x4352xf32>
    %select_n3A_384 = arith.select %eq3A_381, %broadcast_in_dim3A_383, %get3A_362 : vector<256x4352xi1>, vector<256x4352xf32>
    %swap3A_385 = arith.constant 0 : index
    %swap3A_386 = arith.constant 0 : index
    %swap3A_387 = vector.load %arg5[%swap3A_385, %swap3A_386] : memref<256x4352xf32, #tpu.memory_space<vmem>>, vector<256x4352xf32>
    tpu.vector_store %arg5[%swap3A_385, %swap3A_386], %select_n3A_384 {strides = array<i32>} : memref<256x4352xf32, #tpu.memory_space<vmem>>, vector<256x4352xf32>,
    %get3A_388 = arith.constant 0 : index
    %get3A_389 = arith.constant 0 : index
    %get3A_390 = vector.load %arg5[%get3A_388, %get3A_389] : memref<256x4352xf32, #tpu.memory_space<vmem>>, vector<256x4352xf32>
    %reduce_min3A_391 = arith.constant dense<0x7F800000> : vector<256xf32>
    %reduce_min3A_392 = vector.multi_reduction <minimumf>, %get3A_390, %reduce_min3A_391 [1] : vector<256x4352xf32> to vector<256xf32>
    %broadcast_in_dim3A_393 = vector.shape_cast %reduce_min3A_392 : vector<256xf32> to vector<256x1xf32>
    %eq3A_394 = vector.broadcast %broadcast_in_dim3A_393 : vector<256x1xf32> to vector<256x4352xf32>
    %eq3A_395 = arith.cmpf oeq, %get3A_390, %eq3A_394 : vector<256x4352xf32>
    %jit3A_396 = arith.constant 1073741824 : i32
    %broadcast_in_dim3A_397 = vector.broadcast %jit3A_396 : i32 to vector<256x4352xi32>
    %select_n3A_398 = arith.select %eq3A_395, %iota3A, %broadcast_in_dim3A_397 : vector<256x4352xi1>, vector<256x4352xi32>
    %reduce_min3A_399 = arith.constant dense<2147483647> : vector<256xi32>
    %reduce_min3A_400 = vector.multi_reduction <minsi>, %select_n3A_398, %reduce_min3A_399 [1] : vector<256x4352xi32> to vector<256xi32>
    %broadcast_in_dim3A_401 = vector.shape_cast %reduce_min3A_400 : vector<256xi32> to vector<256x1xi32>
    %swap3A_402 = arith.constant 0 : index
    %swap3A_403 = arith.constant 0 : index
    %swap3A_404 = arith.constant 13 : index
    %swap3A_405 = vector.load %arg4[%swap3A_402, %swap3A_403, %swap3A_404] : memref<1x256x17xi32, #tpu.memory_space<vmem>>, vector<1x256x1xi32>
    %swap3A_406 = vector.shape_cast %swap3A_405 : vector<1x256x1xi32> to vector<256x1xi32>
    %swap3A_407 = vector.shape_cast %broadcast_in_dim3A_401 : vector<256x1xi32> to vector<1x256x1xi32>
    tpu.vector_store %arg4[%swap3A_402, %swap3A_403, %swap3A_404], %swap3A_407 {strides = array<i32>} : memref<1x256x17xi32, #tpu.memory_space<vmem>>, vector<1x256x1xi32>,
    %eq3A_408 = vector.broadcast %broadcast_in_dim3A_401 : vector<256x1xi32> to vector<256x4352xi32>
    %eq3A_409 = arith.cmpi eq, %iota3A, %eq3A_408 : vector<256x4352xi32>
    %jit3A_410 = arith.constant 0x7F800000 : f32
    %broadcast_in_dim3A_411 = vector.broadcast %jit3A_410 : f32 to vector<256x4352xf32>
    %select_n3A_412 = arith.select %eq3A_409, %broadcast_in_dim3A_411, %get3A_390 : vector<256x4352xi1>, vector<256x4352xf32>
    %swap3A_413 = arith.constant 0 : index
    %swap3A_414 = arith.constant 0 : index
    %swap3A_415 = vector.load %arg5[%swap3A_413, %swap3A_414] : memref<256x4352xf32, #tpu.memory_space<vmem>>, vector<256x4352xf32>
    tpu.vector_store %arg5[%swap3A_413, %swap3A_414], %select_n3A_412 {strides = array<i32>} : memref<256x4352xf32, #tpu.memory_space<vmem>>, vector<256x4352xf32>,
    %get3A_416 = arith.constant 0 : index
    %get3A_417 = arith.constant 0 : index
    %get3A_418 = vector.load %arg5[%get3A_416, %get3A_417] : memref<256x4352xf32, #tpu.memory_space<vmem>>, vector<256x4352xf32>
    %reduce_min3A_419 = arith.constant dense<0x7F800000> : vector<256xf32>
    %reduce_min3A_420 = vector.multi_reduction <minimumf>, %get3A_418, %reduce_min3A_419 [1] : vector<256x4352xf32> to vector<256xf32>
    %broadcast_in_dim3A_421 = vector.shape_cast %reduce_min3A_420 : vector<256xf32> to vector<256x1xf32>
    %eq3A_422 = vector.broadcast %broadcast_in_dim3A_421 : vector<256x1xf32> to vector<256x4352xf32>
    %eq3A_423 = arith.cmpf oeq, %get3A_418, %eq3A_422 : vector<256x4352xf32>
    %jit3A_424 = arith.constant 1073741824 : i32
    %broadcast_in_dim3A_425 = vector.broadcast %jit3A_424 : i32 to vector<256x4352xi32>
    %select_n3A_426 = arith.select %eq3A_423, %iota3A, %broadcast_in_dim3A_425 : vector<256x4352xi1>, vector<256x4352xi32>
    %reduce_min3A_427 = arith.constant dense<2147483647> : vector<256xi32>
    %reduce_min3A_428 = vector.multi_reduction <minsi>, %select_n3A_426, %reduce_min3A_427 [1] : vector<256x4352xi32> to vector<256xi32>
    %broadcast_in_dim3A_429 = vector.shape_cast %reduce_min3A_428 : vector<256xi32> to vector<256x1xi32>
    %swap3A_430 = arith.constant 0 : index
    %swap3A_431 = arith.constant 0 : index
    %swap3A_432 = arith.constant 14 : index
    %swap3A_433 = vector.load %arg4[%swap3A_430, %swap3A_431, %swap3A_432] : memref<1x256x17xi32, #tpu.memory_space<vmem>>, vector<1x256x1xi32>
    %swap3A_434 = vector.shape_cast %swap3A_433 : vector<1x256x1xi32> to vector<256x1xi32>
    %swap3A_435 = vector.shape_cast %broadcast_in_dim3A_429 : vector<256x1xi32> to vector<1x256x1xi32>
    tpu.vector_store %arg4[%swap3A_430, %swap3A_431, %swap3A_432], %swap3A_435 {strides = array<i32>} : memref<1x256x17xi32, #tpu.memory_space<vmem>>, vector<1x256x1xi32>,
    %eq3A_436 = vector.broadcast %broadcast_in_dim3A_429 : vector<256x1xi32> to vector<256x4352xi32>
    %eq3A_437 = arith.cmpi eq, %iota3A, %eq3A_436 : vector<256x4352xi32>
    %jit3A_438 = arith.constant 0x7F800000 : f32
    %broadcast_in_dim3A_439 = vector.broadcast %jit3A_438 : f32 to vector<256x4352xf32>
    %select_n3A_440 = arith.select %eq3A_437, %broadcast_in_dim3A_439, %get3A_418 : vector<256x4352xi1>, vector<256x4352xf32>
    %swap3A_441 = arith.constant 0 : index
    %swap3A_442 = arith.constant 0 : index
    %swap3A_443 = vector.load %arg5[%swap3A_441, %swap3A_442] : memref<256x4352xf32, #tpu.memory_space<vmem>>, vector<256x4352xf32>
    tpu.vector_store %arg5[%swap3A_441, %swap3A_442], %select_n3A_440 {strides = array<i32>} : memref<256x4352xf32, #tpu.memory_space<vmem>>, vector<256x4352xf32>,
    %get3A_444 = arith.constant 0 : index
    %get3A_445 = arith.constant 0 : index
    %get3A_446 = vector.load %arg5[%get3A_444, %get3A_445] : memref<256x4352xf32, #tpu.memory_space<vmem>>, vector<256x4352xf32>
    %reduce_min3A_447 = arith.constant dense<0x7F800000> : vector<256xf32>
    %reduce_min3A_448 = vector.multi_reduction <minimumf>, %get3A_446, %reduce_min3A_447 [1] : vector<256x4352xf32> to vector<256xf32>
    %broadcast_in_dim3A_449 = vector.shape_cast %reduce_min3A_448 : vector<256xf32> to vector<256x1xf32>
    %eq3A_450 = vector.broadcast %broadcast_in_dim3A_449 : vector<256x1xf32> to vector<256x4352xf32>
    %eq3A_451 = arith.cmpf oeq, %get3A_446, %eq3A_450 : vector<256x4352xf32>
    %jit3A_452 = arith.constant 1073741824 : i32
    %broadcast_in_dim3A_453 = vector.broadcast %jit3A_452 : i32 to vector<256x4352xi32>
    %select_n3A_454 = arith.select %eq3A_451, %iota3A, %broadcast_in_dim3A_453 : vector<256x4352xi1>, vector<256x4352xi32>
    %reduce_min3A_455 = arith.constant dense<2147483647> : vector<256xi32>
    %reduce_min3A_456 = vector.multi_reduction <minsi>, %select_n3A_454, %reduce_min3A_455 [1] : vector<256x4352xi32> to vector<256xi32>
    %broadcast_in_dim3A_457 = vector.shape_cast %reduce_min3A_456 : vector<256xi32> to vector<256x1xi32>
    %swap3A_458 = arith.constant 0 : index
    %swap3A_459 = arith.constant 0 : index
    %swap3A_460 = arith.constant 15 : index
    %swap3A_461 = vector.load %arg4[%swap3A_458, %swap3A_459, %swap3A_460] : memref<1x256x17xi32, #tpu.memory_space<vmem>>, vector<1x256x1xi32>
    %swap3A_462 = vector.shape_cast %swap3A_461 : vector<1x256x1xi32> to vector<256x1xi32>
    %swap3A_463 = vector.shape_cast %broadcast_in_dim3A_457 : vector<256x1xi32> to vector<1x256x1xi32>
    tpu.vector_store %arg4[%swap3A_458, %swap3A_459, %swap3A_460], %swap3A_463 {strides = array<i32>} : memref<1x256x17xi32, #tpu.memory_space<vmem>>, vector<1x256x1xi32>,
    %eq3A_464 = vector.broadcast %broadcast_in_dim3A_457 : vector<256x1xi32> to vector<256x4352xi32>
    %eq3A_465 = arith.cmpi eq, %iota3A, %eq3A_464 : vector<256x4352xi32>
    %jit3A_466 = arith.constant 0x7F800000 : f32
    %broadcast_in_dim3A_467 = vector.broadcast %jit3A_466 : f32 to vector<256x4352xf32>
    %select_n3A_468 = arith.select %eq3A_465, %broadcast_in_dim3A_467, %get3A_446 : vector<256x4352xi1>, vector<256x4352xf32>
    %swap3A_469 = arith.constant 0 : index
    %swap3A_470 = arith.constant 0 : index
    %swap3A_471 = vector.load %arg5[%swap3A_469, %swap3A_470] : memref<256x4352xf32, #tpu.memory_space<vmem>>, vector<256x4352xf32>
    tpu.vector_store %arg5[%swap3A_469, %swap3A_470], %select_n3A_468 {strides = array<i32>} : memref<256x4352xf32, #tpu.memory_space<vmem>>, vector<256x4352xf32>,
    %get3A_472 = arith.constant 0 : index
    %get3A_473 = arith.constant 0 : index
    %get3A_474 = vector.load %arg5[%get3A_472, %get3A_473] : memref<256x4352xf32, #tpu.memory_space<vmem>>, vector<256x4352xf32>
    %reduce_min3A_475 = arith.constant dense<0x7F800000> : vector<256xf32>
    %reduce_min3A_476 = vector.multi_reduction <minimumf>, %get3A_474, %reduce_min3A_475 [1] : vector<256x4352xf32> to vector<256xf32>
    %broadcast_in_dim3A_477 = vector.shape_cast %reduce_min3A_476 : vector<256xf32> to vector<256x1xf32>
    %eq3A_478 = vector.broadcast %broadcast_in_dim3A_477 : vector<256x1xf32> to vector<256x4352xf32>
    %eq3A_479 = arith.cmpf oeq, %get3A_474, %eq3A_478 : vector<256x4352xf32>
    %jit3A_480 = arith.constant 1073741824 : i32
    %broadcast_in_dim3A_481 = vector.broadcast %jit3A_480 : i32 to vector<256x4352xi32>
    %select_n3A_482 = arith.select %eq3A_479, %iota3A, %broadcast_in_dim3A_481 : vector<256x4352xi1>, vector<256x4352xi32>
    %reduce_min3A_483 = arith.constant dense<2147483647> : vector<256xi32>
    %reduce_min3A_484 = vector.multi_reduction <minsi>, %select_n3A_482, %reduce_min3A_483 [1] : vector<256x4352xi32> to vector<256xi32>
    %broadcast_in_dim3A_485 = vector.shape_cast %reduce_min3A_484 : vector<256xi32> to vector<256x1xi32>
    %swap3A_486 = arith.constant 0 : index
    %swap3A_487 = arith.constant 0 : index
    %swap3A_488 = arith.constant 16 : index
    %swap3A_489 = vector.load %arg4[%swap3A_486, %swap3A_487, %swap3A_488] : memref<1x256x17xi32, #tpu.memory_space<vmem>>, vector<1x256x1xi32>
    %swap3A_490 = vector.shape_cast %swap3A_489 : vector<1x256x1xi32> to vector<256x1xi32>
    %swap3A_491 = vector.shape_cast %broadcast_in_dim3A_485 : vector<256x1xi32> to vector<1x256x1xi32>
    tpu.vector_store %arg4[%swap3A_486, %swap3A_487, %swap3A_488], %swap3A_491 {strides = array<i32>} : memref<1x256x17xi32, #tpu.memory_space<vmem>>, vector<1x256x1xi32>,
    %eq3A_492 = vector.broadcast %broadcast_in_dim3A_485 : vector<256x1xi32> to vector<256x4352xi32>
    %eq3A_493 = arith.cmpi eq, %iota3A, %eq3A_492 : vector<256x4352xi32>
    %jit3A_494 = arith.constant 0x7F800000 : f32
    %broadcast_in_dim3A_495 = vector.broadcast %jit3A_494 : f32 to vector<256x4352xf32>
    %select_n3A_496 = arith.select %eq3A_493, %broadcast_in_dim3A_495, %get3A_474 : vector<256x4352xi1>, vector<256x4352xf32>
    %swap3A_497 = arith.constant 0 : index
    %swap3A_498 = arith.constant 0 : index
    %swap3A_499 = vector.load %arg5[%swap3A_497, %swap3A_498] : memref<256x4352xf32, #tpu.memory_space<vmem>>, vector<256x4352xf32>
    tpu.vector_store %arg5[%swap3A_497, %swap3A_498], %select_n3A_496 {strides = array<i32>} : memref<256x4352xf32, #tpu.memory_space<vmem>>, vector<256x4352xf32>,
    return
  }
  func.func @transform_0(%arg0: i32, %arg1: i32) -> (i32, i32, i32) {
    %c0_i32 = arith.constant 0 : i32
    %c0_i32_0 = arith.constant 0 : i32
    return %arg0, %arg1, %c0_i32 : i32, i32, i32
  }
  func.func @transform_1(%arg0: i32, %arg1: i32) -> (i32, i32, i32) {
    %c0_i32 = arith.constant 0 : i32
    %c0_i32_0 = arith.constant 0 : i32
    %c0_i32_1 = arith.constant 0 : i32
    return %arg0, %c0_i32, %c0_i32_0 : i32, i32, i32
  }
  func.func @transform_2(%arg0: i32, %arg1: i32) -> (i32, i32, i32) {
    %c0_i32 = arith.constant 0 : i32
    %c0_i32_0 = arith.constant 0 : i32
    return %arg0, %arg1, %c0_i32 : i32, i32, i32
  }
}

module attributes {stable_mosaic.version = 14 : i64} {
  func.func @_gather_kernel(%arg0: i32, %arg1: i32, %arg2: memref<1x512x1xi32, #tpu.memory_space<vmem>>, %arg3: memref<1x4352x67xf32, #tpu.memory_space<vmem>>, %arg4: memref<1x512x67xf32, #tpu.memory_space<vmem>>) attributes {dimension_semantics = [#tpu.dimension_semantics<arbitrary>, #tpu.dimension_semantics<arbitrary>], iteration_bounds = array<i64: 2, 136>, scalar_prefetch = 0 : i64, scratch_operands = 0 : i64, tpu.core_type = #tpu.core_type<tc>, window_params = [{transform_indices = @transform_0, window_bounds = array<i64: 1, 512, 1>}, {transform_indices = @transform_1, window_bounds = array<i64: 1, 4352, 67>}, {transform_indices = @transform_2, window_bounds = array<i64: 1, 512, 67>}]} {
    %get3A = arith.constant 0 : index
    %get3A_0 = arith.constant 0 : index
    %get3A_1 = arith.constant 0 : index
    %get3A_2 = vector.load %arg2[%get3A, %get3A_0, %get3A_1] : memref<1x512x1xi32, #tpu.memory_space<vmem>>, vector<1x512x1xi32>
    %get3A_3 = vector.shape_cast %get3A_2 : vector<1x512x1xi32> to vector<512x1xi32>
    %iota3A = tpu.iota {dimensions = array<i32: 1>} : vector<512x4352xi32>
    %eq3A = vector.broadcast %get3A_3 : vector<512x1xi32> to vector<512x4352xi32>
    %eq3A_4 = arith.cmpi eq, %iota3A, %eq3A : vector<512x4352xi32>
    %jit3A = arith.constant 1.000000e+00 : f32
    %jit3A_5 = arith.constant 0.000000e+00 : f32
    %broadcast_in_dim3A = vector.broadcast %jit3A : f32 to vector<512x4352xf32>
    %broadcast_in_dim3A_6 = vector.broadcast %jit3A_5 : f32 to vector<512x4352xf32>
    %select_n3A = arith.select %eq3A_4, %broadcast_in_dim3A, %broadcast_in_dim3A_6 : vector<512x4352xi1>, vector<512x4352xf32>
    %get3A_7 = arith.constant 0 : index
    %get3A_8 = arith.constant 0 : index
    %get3A_9 = arith.constant 0 : index
    %get3A_10 = vector.load %arg3[%get3A_7, %get3A_8, %get3A_9] : memref<1x4352x67xf32, #tpu.memory_space<vmem>>, vector<1x4352x67xf32>
    %get3A_11 = vector.shape_cast %get3A_10 : vector<1x4352x67xf32> to vector<4352x67xf32>
    %dot_general3A = arith.constant dense<0.000000e+00> : vector<512x67xf32>
    %dot_general3A_12 = tpu.matmul %select_n3A, %get3A_11, %dot_general3A {dimension_numbers = #tpu.dot_dimension_numbers<[1], [0], [0], [1], [0, 0, 1, 1], [], []>, precision = #tpu.contract_precision<fp32>, transpose_lhs_hint = false} : vector<512x4352xf32>, vector<4352x67xf32>, vector<512x67xf32> -> vector<512x67xf32>
    %swap3A = arith.constant 0 : index
    %swap3A_13 = arith.constant 0 : index
    %swap3A_14 = arith.constant 0 : index
    %swap3A_15 = vector.load %arg4[%swap3A, %swap3A_13, %swap3A_14] : memref<1x512x67xf32, #tpu.memory_space<vmem>>, vector<1x512x67xf32>
    %swap3A_16 = vector.shape_cast %swap3A_15 : vector<1x512x67xf32> to vector<512x67xf32>
    %swap3A_17 = vector.shape_cast %dot_general3A_12 : vector<512x67xf32> to vector<1x512x67xf32>
    tpu.vector_store %arg4[%swap3A, %swap3A_13, %swap3A_14], %swap3A_17 {strides = array<i32>} : memref<1x512x67xf32, #tpu.memory_space<vmem>>, vector<1x512x67xf32>,
    return
  }
  func.func @transform_0(%arg0: i32, %arg1: i32) -> (i32, i32, i32) {
    %c0_i32 = arith.constant 0 : i32
    %c0_i32_0 = arith.constant 0 : i32
    return %arg0, %arg1, %c0_i32 : i32, i32, i32
  }
  func.func @transform_1(%arg0: i32, %arg1: i32) -> (i32, i32, i32) {
    %c0_i32 = arith.constant 0 : i32
    %c0_i32_0 = arith.constant 0 : i32
    %c0_i32_1 = arith.constant 0 : i32
    return %arg0, %c0_i32, %c0_i32_0 : i32, i32, i32
  }
  func.func @transform_2(%arg0: i32, %arg1: i32) -> (i32, i32, i32) {
    %c0_i32 = arith.constant 0 : i32
    %c0_i32_0 = arith.constant 0 : i32
    return %arg0, %arg1, %c0_i32 : i32, i32, i32
  }
}

module attributes {stable_mosaic.version = 14 : i64} {
  func.func @_fps_kernel(%arg0: i32, %arg1: memref<1x3x8x544xf32, #tpu.memory_space<vmem>>, %arg2: memref<1x1088x1xi32, #tpu.memory_space<vmem>>, %arg3: memref<8x544xf32, #tpu.memory_space<vmem>>) attributes {dimension_semantics = [#tpu.dimension_semantics<arbitrary>], iteration_bounds = array<i64: 2>, scalar_prefetch = 0 : i64, scratch_operands = 1 : i64, tpu.core_type = #tpu.core_type<tc>, window_params = [{transform_indices = @transform_0, window_bounds = array<i64: 1, 3, 8, 544>}, {transform_indices = @transform_1, window_bounds = array<i64: 1, 1088, 1>}]} {
    %get3A = arith.constant 0 : index
    %get3A_0 = arith.constant 0 : index
    %get3A_1 = arith.constant 0 : index
    %get3A_2 = arith.constant 0 : index
    %get3A_3 = vector.load %arg1[%get3A, %get3A_0, %get3A_1, %get3A_2] : memref<1x3x8x544xf32, #tpu.memory_space<vmem>>, vector<1x1x8x544xf32>
    %get3A_4 = vector.shape_cast %get3A_3 : vector<1x1x8x544xf32> to vector<8x544xf32>
    %get3A_5 = arith.constant 0 : index
    %get3A_6 = arith.constant 1 : index
    %get3A_7 = arith.constant 0 : index
    %get3A_8 = arith.constant 0 : index
    %get3A_9 = vector.load %arg1[%get3A_5, %get3A_6, %get3A_7, %get3A_8] : memref<1x3x8x544xf32, #tpu.memory_space<vmem>>, vector<1x1x8x544xf32>
    %get3A_10 = vector.shape_cast %get3A_9 : vector<1x1x8x544xf32> to vector<8x544xf32>
    %get3A_11 = arith.constant 0 : index
    %get3A_12 = arith.constant 2 : index
    %get3A_13 = arith.constant 0 : index
    %get3A_14 = arith.constant 0 : index
    %get3A_15 = vector.load %arg1[%get3A_11, %get3A_12, %get3A_13, %get3A_14] : memref<1x3x8x544xf32, #tpu.memory_space<vmem>>, vector<1x1x8x544xf32>
    %get3A_16 = vector.shape_cast %get3A_15 : vector<1x1x8x544xf32> to vector<8x544xf32>
    %iota3A = tpu.iota {dimensions = array<i32: 0>} : vector<8x544xi32>
    %mul3A = arith.constant 544 : i32
    %mul3A_17 = vector.broadcast %mul3A : i32 to vector<8x544xi32>
    %mul3A_18 = arith.muli %iota3A, %mul3A_17 : vector<8x544xi32>
    %iota3A_19 = tpu.iota {dimensions = array<i32: 1>} : vector<8x544xi32>
    %add3A = arith.addi %mul3A_18, %iota3A_19 : vector<8x544xi32>
    %lt3A = arith.constant 4352 : i32
    %lt3A_20 = vector.broadcast %lt3A : i32 to vector<8x544xi32>
    %lt3A_21 = arith.cmpi slt, %add3A, %lt3A_20 : vector<8x544xi32>
    %jit3A = arith.constant 1.000000e+10 : f32
    %jit3A_22 = arith.constant -1.000000e+00 : f32
    %broadcast_in_dim3A = vector.broadcast %jit3A : f32 to vector<8x544xf32>
    %broadcast_in_dim3A_23 = vector.broadcast %jit3A_22 : f32 to vector<8x544xf32>
    %select_n3A = arith.select %lt3A_21, %broadcast_in_dim3A, %broadcast_in_dim3A_23 : vector<8x544xi1>, vector<8x544xf32>
    %swap3A = arith.constant 0 : index
    %swap3A_24 = arith.constant 0 : index
    %swap3A_25 = vector.load %arg3[%swap3A, %swap3A_24] : memref<8x544xf32, #tpu.memory_space<vmem>>, vector<8x544xf32>
    tpu.vector_store %arg3[%swap3A, %swap3A_24], %select_n3A {strides = array<i32>} : memref<8x544xf32, #tpu.memory_space<vmem>>, vector<8x544xf32>,
    %broadcast_in_dim3A_26 = arith.constant 0 : i32
    %broadcast_in_dim3A_27 = vector.broadcast %broadcast_in_dim3A_26 : i32 to vector<1x1xi32>
    %swap3A_28 = arith.constant 0 : index
    %swap3A_29 = arith.constant 0 : index
    %swap3A_30 = arith.constant 0 : index
    %swap3A_31 = vector.load %arg2[%swap3A_28, %swap3A_29, %swap3A_30] : memref<1x1088x1xi32, #tpu.memory_space<vmem>>, vector<1x1x1xi32>
    %swap3A_32 = vector.shape_cast %swap3A_31 : vector<1x1x1xi32> to vector<1x1xi32>
    %swap3A_33 = vector.shape_cast %broadcast_in_dim3A_27 : vector<1x1xi32> to vector<1x1x1xi32>
    tpu.vector_store %arg2[%swap3A_28, %swap3A_29, %swap3A_30], %swap3A_33 {strides = array<i32>} : memref<1x1088x1xi32, #tpu.memory_space<vmem>>, vector<1x1x1xi32>,
    %scan3A = arith.constant 0 : i32
    %scan3A_34 = arith.constant 1 : i32
    %scan3A_35 = arith.constant 1087 : i32
    %scan3A_36 = arith.addi %scan3A_34, %scan3A_35 : i32
    %scan3A_37 = arith.constant 1 : i32
    %scan3A_38 = scf.for %scan3A_40 = %scan3A_34 to %scan3A_36 step %scan3A_37 iter_args(%scan3A_41 = %scan3A) -> (i32)  : i32 {
      %eq3A = vector.broadcast %scan3A_41 : i32 to vector<8x544xi32>
      %eq3A_42 = arith.cmpi eq, %add3A, %eq3A : vector<8x544xi32>
      %jit3A_43 = arith.constant 0.000000e+00 : f32
      %broadcast_in_dim3A_44 = vector.broadcast %jit3A_43 : f32 to vector<8x544xf32>
      %select_n3A_45 = arith.select %eq3A_42, %get3A_4, %broadcast_in_dim3A_44 : vector<8x544xi1>, vector<8x544xf32>
      %reduce_sum3A = vector.shape_cast %select_n3A_45 : vector<8x544xf32> to vector<1x8x544xf32>
      %reduce_sum3A_46 = arith.constant dense<0.000000e+00> : vector<1xf32>
      %reduce_sum3A_47 = vector.multi_reduction <add>, %reduce_sum3A, %reduce_sum3A_46 [1, 2] : vector<1x8x544xf32> to vector<1xf32>
      %reduce_sum3A_48 = vector.shape_cast %reduce_sum3A_47 : vector<1xf32> to vector<1x1x1xf32>
      %reduce_sum3A_49 = vector.extract %reduce_sum3A_48[0, 0, 0] : f32 from vector<1x1x1xf32>
      %jit3A_50 = arith.constant 0.000000e+00 : f32
      %broadcast_in_dim3A_51 = vector.broadcast %jit3A_50 : f32 to vector<8x544xf32>
      %select_n3A_52 = arith.select %eq3A_42, %get3A_10, %broadcast_in_dim3A_51 : vector<8x544xi1>, vector<8x544xf32>
      %reduce_sum3A_53 = vector.shape_cast %select_n3A_52 : vector<8x544xf32> to vector<1x8x544xf32>
      %reduce_sum3A_54 = arith.constant dense<0.000000e+00> : vector<1xf32>
      %reduce_sum3A_55 = vector.multi_reduction <add>, %reduce_sum3A_53, %reduce_sum3A_54 [1, 2] : vector<1x8x544xf32> to vector<1xf32>
      %reduce_sum3A_56 = vector.shape_cast %reduce_sum3A_55 : vector<1xf32> to vector<1x1x1xf32>
      %reduce_sum3A_57 = vector.extract %reduce_sum3A_56[0, 0, 0] : f32 from vector<1x1x1xf32>
      %jit3A_58 = arith.constant 0.000000e+00 : f32
      %broadcast_in_dim3A_59 = vector.broadcast %jit3A_58 : f32 to vector<8x544xf32>
      %select_n3A_60 = arith.select %eq3A_42, %get3A_16, %broadcast_in_dim3A_59 : vector<8x544xi1>, vector<8x544xf32>
      %reduce_sum3A_61 = vector.shape_cast %select_n3A_60 : vector<8x544xf32> to vector<1x8x544xf32>
      %reduce_sum3A_62 = arith.constant dense<0.000000e+00> : vector<1xf32>
      %reduce_sum3A_63 = vector.multi_reduction <add>, %reduce_sum3A_61, %reduce_sum3A_62 [1, 2] : vector<1x8x544xf32> to vector<1xf32>
      %reduce_sum3A_64 = vector.shape_cast %reduce_sum3A_63 : vector<1xf32> to vector<1x1x1xf32>
      %reduce_sum3A_65 = vector.extract %reduce_sum3A_64[0, 0, 0] : f32 from vector<1x1x1xf32>
      %sub3A = vector.broadcast %reduce_sum3A_49 : f32 to vector<8x544xf32>
      %sub3A_66 = arith.subf %get3A_4, %sub3A : vector<8x544xf32>
      %sub3A_67 = vector.broadcast %reduce_sum3A_57 : f32 to vector<8x544xf32>
      %sub3A_68 = arith.subf %get3A_10, %sub3A_67 : vector<8x544xf32>
      %sub3A_69 = vector.broadcast %reduce_sum3A_65 : f32 to vector<8x544xf32>
      %sub3A_70 = arith.subf %get3A_16, %sub3A_69 : vector<8x544xf32>
      %mul3A_71 = arith.mulf %sub3A_66, %sub3A_66 : vector<8x544xf32>
      %mul3A_72 = arith.mulf %sub3A_68, %sub3A_68 : vector<8x544xf32>
      %add3A_73 = arith.addf %mul3A_71, %mul3A_72 : vector<8x544xf32>
      %mul3A_74 = arith.mulf %sub3A_70, %sub3A_70 : vector<8x544xf32>
      %add3A_75 = arith.addf %add3A_73, %mul3A_74 : vector<8x544xf32>
      %get3A_76 = arith.constant 0 : index
      %get3A_77 = arith.constant 0 : index
      %get3A_78 = vector.load %arg3[%get3A_76, %get3A_77] : memref<8x544xf32, #tpu.memory_space<vmem>>, vector<8x544xf32>
      %min3A = arith.minimumf %get3A_78, %add3A_75 : vector<8x544xf32>
      %swap3A_79 = arith.constant 0 : index
      %swap3A_80 = arith.constant 0 : index
      %swap3A_81 = vector.load %arg3[%swap3A_79, %swap3A_80] : memref<8x544xf32, #tpu.memory_space<vmem>>, vector<8x544xf32>
      tpu.vector_store %arg3[%swap3A_79, %swap3A_80], %min3A {strides = array<i32>} : memref<8x544xf32, #tpu.memory_space<vmem>>, vector<8x544xf32>,
      %reduce_max3A = vector.shape_cast %min3A : vector<8x544xf32> to vector<1x8x544xf32>
      %reduce_max3A_82 = arith.constant dense<0xFF800000> : vector<1xf32>
      %reduce_max3A_83 = vector.multi_reduction <maximumf>, %reduce_max3A, %reduce_max3A_82 [1, 2] : vector<1x8x544xf32> to vector<1xf32>
      %reduce_max3A_84 = vector.shape_cast %reduce_max3A_83 : vector<1xf32> to vector<1x1x1xf32>
      %reduce_max3A_85 = vector.extract %reduce_max3A_84[0, 0, 0] : f32 from vector<1x1x1xf32>
      %eq3A_86 = vector.broadcast %reduce_max3A_85 : f32 to vector<8x544xf32>
      %eq3A_87 = arith.cmpf oeq, %min3A, %eq3A_86 : vector<8x544xf32>
      %jit3A_88 = arith.constant 1073741824 : i32
      %broadcast_in_dim3A_89 = vector.broadcast %jit3A_88 : i32 to vector<8x544xi32>
      %select_n3A_90 = arith.select %eq3A_87, %add3A, %broadcast_in_dim3A_89 : vector<8x544xi1>, vector<8x544xi32>
      %reduce_min3A = vector.shape_cast %select_n3A_90 : vector<8x544xi32> to vector<1x8x544xi32>
      %reduce_min3A_91 = arith.constant dense<2147483647> : vector<1xi32>
      %reduce_min3A_92 = vector.multi_reduction <minsi>, %reduce_min3A, %reduce_min3A_91 [1, 2] : vector<1x8x544xi32> to vector<1xi32>
      %reduce_min3A_93 = vector.shape_cast %reduce_min3A_92 : vector<1xi32> to vector<1x1x1xi32>
      %reduce_min3A_94 = vector.extract %reduce_min3A_93[0, 0, 0] : i32 from vector<1x1x1xi32>
      %broadcast_in_dim3A_95 = vector.broadcast %reduce_min3A_94 : i32 to vector<1x1xi32>
      %swap3A_96 = arith.constant 0 : index
      %swap3A_97 = arith.index_cast %scan3A_40 : i32 to index
      %swap3A_98 = arith.constant 0 : index
      %swap3A_99 = vector.load %arg2[%swap3A_96, %swap3A_97, %swap3A_98] : memref<1x1088x1xi32, #tpu.memory_space<vmem>>, vector<1x1x1xi32>
      %swap3A_100 = vector.shape_cast %swap3A_99 : vector<1x1x1xi32> to vector<1x1xi32>
      %swap3A_101 = vector.shape_cast %broadcast_in_dim3A_95 : vector<1x1xi32> to vector<1x1x1xi32>
      tpu.vector_store %arg2[%swap3A_96, %swap3A_97, %swap3A_98], %swap3A_101 {strides = array<i32>} : memref<1x1088x1xi32, #tpu.memory_space<vmem>>, vector<1x1x1xi32>,
      scf.yield %reduce_min3A_94 : i32
    }
    %scan3A_39 = arith.constant 1087 : i32
    return
  }
  func.func @transform_0(%arg0: i32) -> (i32, i32, i32, i32) {
    %c0_i32 = arith.constant 0 : i32
    %c0_i32_0 = arith.constant 0 : i32
    %c0_i32_1 = arith.constant 0 : i32
    %c0_i32_2 = arith.constant 0 : i32
    return %arg0, %c0_i32, %c0_i32_0, %c0_i32_1 : i32, i32, i32, i32
  }
  func.func @transform_1(%arg0: i32) -> (i32, i32, i32) {
    %c0_i32 = arith.constant 0 : i32
    %c0_i32_0 = arith.constant 0 : i32
    %c0_i32_1 = arith.constant 0 : i32
    return %arg0, %c0_i32, %c0_i32_0 : i32, i32, i32
  }
}

module attributes {stable_mosaic.version = 14 : i64} {
  func.func @_fps_kernel(%arg0: i32, %arg1: memref<1x3x8x136xf32, #tpu.memory_space<vmem>>, %arg2: memref<1x272x1xi32, #tpu.memory_space<vmem>>, %arg3: memref<8x136xf32, #tpu.memory_space<vmem>>) attributes {dimension_semantics = [#tpu.dimension_semantics<arbitrary>], iteration_bounds = array<i64: 2>, scalar_prefetch = 0 : i64, scratch_operands = 1 : i64, tpu.core_type = #tpu.core_type<tc>, window_params = [{transform_indices = @transform_0, window_bounds = array<i64: 1, 3, 8, 136>}, {transform_indices = @transform_1, window_bounds = array<i64: 1, 272, 1>}]} {
    %get3A = arith.constant 0 : index
    %get3A_0 = arith.constant 0 : index
    %get3A_1 = arith.constant 0 : index
    %get3A_2 = arith.constant 0 : index
    %get3A_3 = vector.load %arg1[%get3A, %get3A_0, %get3A_1, %get3A_2] : memref<1x3x8x136xf32, #tpu.memory_space<vmem>>, vector<1x1x8x136xf32>
    %get3A_4 = vector.shape_cast %get3A_3 : vector<1x1x8x136xf32> to vector<8x136xf32>
    %get3A_5 = arith.constant 0 : index
    %get3A_6 = arith.constant 1 : index
    %get3A_7 = arith.constant 0 : index
    %get3A_8 = arith.constant 0 : index
    %get3A_9 = vector.load %arg1[%get3A_5, %get3A_6, %get3A_7, %get3A_8] : memref<1x3x8x136xf32, #tpu.memory_space<vmem>>, vector<1x1x8x136xf32>
    %get3A_10 = vector.shape_cast %get3A_9 : vector<1x1x8x136xf32> to vector<8x136xf32>
    %get3A_11 = arith.constant 0 : index
    %get3A_12 = arith.constant 2 : index
    %get3A_13 = arith.constant 0 : index
    %get3A_14 = arith.constant 0 : index
    %get3A_15 = vector.load %arg1[%get3A_11, %get3A_12, %get3A_13, %get3A_14] : memref<1x3x8x136xf32, #tpu.memory_space<vmem>>, vector<1x1x8x136xf32>
    %get3A_16 = vector.shape_cast %get3A_15 : vector<1x1x8x136xf32> to vector<8x136xf32>
    %iota3A = tpu.iota {dimensions = array<i32: 0>} : vector<8x136xi32>
    %mul3A = arith.constant 136 : i32
    %mul3A_17 = vector.broadcast %mul3A : i32 to vector<8x136xi32>
    %mul3A_18 = arith.muli %iota3A, %mul3A_17 : vector<8x136xi32>
    %iota3A_19 = tpu.iota {dimensions = array<i32: 1>} : vector<8x136xi32>
    %add3A = arith.addi %mul3A_18, %iota3A_19 : vector<8x136xi32>
    %lt3A = arith.constant 1088 : i32
    %lt3A_20 = vector.broadcast %lt3A : i32 to vector<8x136xi32>
    %lt3A_21 = arith.cmpi slt, %add3A, %lt3A_20 : vector<8x136xi32>
    %jit3A = arith.constant 1.000000e+10 : f32
    %jit3A_22 = arith.constant -1.000000e+00 : f32
    %broadcast_in_dim3A = vector.broadcast %jit3A : f32 to vector<8x136xf32>
    %broadcast_in_dim3A_23 = vector.broadcast %jit3A_22 : f32 to vector<8x136xf32>
    %select_n3A = arith.select %lt3A_21, %broadcast_in_dim3A, %broadcast_in_dim3A_23 : vector<8x136xi1>, vector<8x136xf32>
    %swap3A = arith.constant 0 : index
    %swap3A_24 = arith.constant 0 : index
    %swap3A_25 = vector.load %arg3[%swap3A, %swap3A_24] : memref<8x136xf32, #tpu.memory_space<vmem>>, vector<8x136xf32>
    tpu.vector_store %arg3[%swap3A, %swap3A_24], %select_n3A {strides = array<i32>} : memref<8x136xf32, #tpu.memory_space<vmem>>, vector<8x136xf32>,
    %broadcast_in_dim3A_26 = arith.constant 0 : i32
    %broadcast_in_dim3A_27 = vector.broadcast %broadcast_in_dim3A_26 : i32 to vector<1x1xi32>
    %swap3A_28 = arith.constant 0 : index
    %swap3A_29 = arith.constant 0 : index
    %swap3A_30 = arith.constant 0 : index
    %swap3A_31 = vector.load %arg2[%swap3A_28, %swap3A_29, %swap3A_30] : memref<1x272x1xi32, #tpu.memory_space<vmem>>, vector<1x1x1xi32>
    %swap3A_32 = vector.shape_cast %swap3A_31 : vector<1x1x1xi32> to vector<1x1xi32>
    %swap3A_33 = vector.shape_cast %broadcast_in_dim3A_27 : vector<1x1xi32> to vector<1x1x1xi32>
    tpu.vector_store %arg2[%swap3A_28, %swap3A_29, %swap3A_30], %swap3A_33 {strides = array<i32>} : memref<1x272x1xi32, #tpu.memory_space<vmem>>, vector<1x1x1xi32>,
    %scan3A = arith.constant 0 : i32
    %scan3A_34 = arith.constant 1 : i32
    %scan3A_35 = arith.constant 271 : i32
    %scan3A_36 = arith.addi %scan3A_34, %scan3A_35 : i32
    %scan3A_37 = arith.constant 1 : i32
    %scan3A_38 = scf.for %scan3A_40 = %scan3A_34 to %scan3A_36 step %scan3A_37 iter_args(%scan3A_41 = %scan3A) -> (i32)  : i32 {
      %eq3A = vector.broadcast %scan3A_41 : i32 to vector<8x136xi32>
      %eq3A_42 = arith.cmpi eq, %add3A, %eq3A : vector<8x136xi32>
      %jit3A_43 = arith.constant 0.000000e+00 : f32
      %broadcast_in_dim3A_44 = vector.broadcast %jit3A_43 : f32 to vector<8x136xf32>
      %select_n3A_45 = arith.select %eq3A_42, %get3A_4, %broadcast_in_dim3A_44 : vector<8x136xi1>, vector<8x136xf32>
      %reduce_sum3A = vector.shape_cast %select_n3A_45 : vector<8x136xf32> to vector<1x8x136xf32>
      %reduce_sum3A_46 = arith.constant dense<0.000000e+00> : vector<1xf32>
      %reduce_sum3A_47 = vector.multi_reduction <add>, %reduce_sum3A, %reduce_sum3A_46 [1, 2] : vector<1x8x136xf32> to vector<1xf32>
      %reduce_sum3A_48 = vector.shape_cast %reduce_sum3A_47 : vector<1xf32> to vector<1x1x1xf32>
      %reduce_sum3A_49 = vector.extract %reduce_sum3A_48[0, 0, 0] : f32 from vector<1x1x1xf32>
      %jit3A_50 = arith.constant 0.000000e+00 : f32
      %broadcast_in_dim3A_51 = vector.broadcast %jit3A_50 : f32 to vector<8x136xf32>
      %select_n3A_52 = arith.select %eq3A_42, %get3A_10, %broadcast_in_dim3A_51 : vector<8x136xi1>, vector<8x136xf32>
      %reduce_sum3A_53 = vector.shape_cast %select_n3A_52 : vector<8x136xf32> to vector<1x8x136xf32>
      %reduce_sum3A_54 = arith.constant dense<0.000000e+00> : vector<1xf32>
      %reduce_sum3A_55 = vector.multi_reduction <add>, %reduce_sum3A_53, %reduce_sum3A_54 [1, 2] : vector<1x8x136xf32> to vector<1xf32>
      %reduce_sum3A_56 = vector.shape_cast %reduce_sum3A_55 : vector<1xf32> to vector<1x1x1xf32>
      %reduce_sum3A_57 = vector.extract %reduce_sum3A_56[0, 0, 0] : f32 from vector<1x1x1xf32>
      %jit3A_58 = arith.constant 0.000000e+00 : f32
      %broadcast_in_dim3A_59 = vector.broadcast %jit3A_58 : f32 to vector<8x136xf32>
      %select_n3A_60 = arith.select %eq3A_42, %get3A_16, %broadcast_in_dim3A_59 : vector<8x136xi1>, vector<8x136xf32>
      %reduce_sum3A_61 = vector.shape_cast %select_n3A_60 : vector<8x136xf32> to vector<1x8x136xf32>
      %reduce_sum3A_62 = arith.constant dense<0.000000e+00> : vector<1xf32>
      %reduce_sum3A_63 = vector.multi_reduction <add>, %reduce_sum3A_61, %reduce_sum3A_62 [1, 2] : vector<1x8x136xf32> to vector<1xf32>
      %reduce_sum3A_64 = vector.shape_cast %reduce_sum3A_63 : vector<1xf32> to vector<1x1x1xf32>
      %reduce_sum3A_65 = vector.extract %reduce_sum3A_64[0, 0, 0] : f32 from vector<1x1x1xf32>
      %sub3A = vector.broadcast %reduce_sum3A_49 : f32 to vector<8x136xf32>
      %sub3A_66 = arith.subf %get3A_4, %sub3A : vector<8x136xf32>
      %sub3A_67 = vector.broadcast %reduce_sum3A_57 : f32 to vector<8x136xf32>
      %sub3A_68 = arith.subf %get3A_10, %sub3A_67 : vector<8x136xf32>
      %sub3A_69 = vector.broadcast %reduce_sum3A_65 : f32 to vector<8x136xf32>
      %sub3A_70 = arith.subf %get3A_16, %sub3A_69 : vector<8x136xf32>
      %mul3A_71 = arith.mulf %sub3A_66, %sub3A_66 : vector<8x136xf32>
      %mul3A_72 = arith.mulf %sub3A_68, %sub3A_68 : vector<8x136xf32>
      %add3A_73 = arith.addf %mul3A_71, %mul3A_72 : vector<8x136xf32>
      %mul3A_74 = arith.mulf %sub3A_70, %sub3A_70 : vector<8x136xf32>
      %add3A_75 = arith.addf %add3A_73, %mul3A_74 : vector<8x136xf32>
      %get3A_76 = arith.constant 0 : index
      %get3A_77 = arith.constant 0 : index
      %get3A_78 = vector.load %arg3[%get3A_76, %get3A_77] : memref<8x136xf32, #tpu.memory_space<vmem>>, vector<8x136xf32>
      %min3A = arith.minimumf %get3A_78, %add3A_75 : vector<8x136xf32>
      %swap3A_79 = arith.constant 0 : index
      %swap3A_80 = arith.constant 0 : index
      %swap3A_81 = vector.load %arg3[%swap3A_79, %swap3A_80] : memref<8x136xf32, #tpu.memory_space<vmem>>, vector<8x136xf32>
      tpu.vector_store %arg3[%swap3A_79, %swap3A_80], %min3A {strides = array<i32>} : memref<8x136xf32, #tpu.memory_space<vmem>>, vector<8x136xf32>,
      %reduce_max3A = vector.shape_cast %min3A : vector<8x136xf32> to vector<1x8x136xf32>
      %reduce_max3A_82 = arith.constant dense<0xFF800000> : vector<1xf32>
      %reduce_max3A_83 = vector.multi_reduction <maximumf>, %reduce_max3A, %reduce_max3A_82 [1, 2] : vector<1x8x136xf32> to vector<1xf32>
      %reduce_max3A_84 = vector.shape_cast %reduce_max3A_83 : vector<1xf32> to vector<1x1x1xf32>
      %reduce_max3A_85 = vector.extract %reduce_max3A_84[0, 0, 0] : f32 from vector<1x1x1xf32>
      %eq3A_86 = vector.broadcast %reduce_max3A_85 : f32 to vector<8x136xf32>
      %eq3A_87 = arith.cmpf oeq, %min3A, %eq3A_86 : vector<8x136xf32>
      %jit3A_88 = arith.constant 1073741824 : i32
      %broadcast_in_dim3A_89 = vector.broadcast %jit3A_88 : i32 to vector<8x136xi32>
      %select_n3A_90 = arith.select %eq3A_87, %add3A, %broadcast_in_dim3A_89 : vector<8x136xi1>, vector<8x136xi32>
      %reduce_min3A = vector.shape_cast %select_n3A_90 : vector<8x136xi32> to vector<1x8x136xi32>
      %reduce_min3A_91 = arith.constant dense<2147483647> : vector<1xi32>
      %reduce_min3A_92 = vector.multi_reduction <minsi>, %reduce_min3A, %reduce_min3A_91 [1, 2] : vector<1x8x136xi32> to vector<1xi32>
      %reduce_min3A_93 = vector.shape_cast %reduce_min3A_92 : vector<1xi32> to vector<1x1x1xi32>
      %reduce_min3A_94 = vector.extract %reduce_min3A_93[0, 0, 0] : i32 from vector<1x1x1xi32>
      %broadcast_in_dim3A_95 = vector.broadcast %reduce_min3A_94 : i32 to vector<1x1xi32>
      %swap3A_96 = arith.constant 0 : index
      %swap3A_97 = arith.index_cast %scan3A_40 : i32 to index
      %swap3A_98 = arith.constant 0 : index
      %swap3A_99 = vector.load %arg2[%swap3A_96, %swap3A_97, %swap3A_98] : memref<1x272x1xi32, #tpu.memory_space<vmem>>, vector<1x1x1xi32>
      %swap3A_100 = vector.shape_cast %swap3A_99 : vector<1x1x1xi32> to vector<1x1xi32>
      %swap3A_101 = vector.shape_cast %broadcast_in_dim3A_95 : vector<1x1xi32> to vector<1x1x1xi32>
      tpu.vector_store %arg2[%swap3A_96, %swap3A_97, %swap3A_98], %swap3A_101 {strides = array<i32>} : memref<1x272x1xi32, #tpu.memory_space<vmem>>, vector<1x1x1xi32>,
      scf.yield %reduce_min3A_94 : i32
    }
    %scan3A_39 = arith.constant 271 : i32
    return
  }
  func.func @transform_0(%arg0: i32) -> (i32, i32, i32, i32) {
    %c0_i32 = arith.constant 0 : i32
    %c0_i32_0 = arith.constant 0 : i32
    %c0_i32_1 = arith.constant 0 : i32
    %c0_i32_2 = arith.constant 0 : i32
    return %arg0, %c0_i32, %c0_i32_0, %c0_i32_1 : i32, i32, i32, i32
  }
  func.func @transform_1(%arg0: i32) -> (i32, i32, i32) {
    %c0_i32 = arith.constant 0 : i32
    %c0_i32_0 = arith.constant 0 : i32
    %c0_i32_1 = arith.constant 0 : i32
    return %arg0, %c0_i32, %c0_i32_0 : i32, i32, i32
  }
}

module attributes {stable_mosaic.version = 14 : i64} {
  func.func @_fps_kernel(%arg0: i32, %arg1: memref<1x3x8x34xf32, #tpu.memory_space<vmem>>, %arg2: memref<1x68x1xi32, #tpu.memory_space<vmem>>, %arg3: memref<8x34xf32, #tpu.memory_space<vmem>>) attributes {dimension_semantics = [#tpu.dimension_semantics<arbitrary>], iteration_bounds = array<i64: 2>, scalar_prefetch = 0 : i64, scratch_operands = 1 : i64, tpu.core_type = #tpu.core_type<tc>, window_params = [{transform_indices = @transform_0, window_bounds = array<i64: 1, 3, 8, 34>}, {transform_indices = @transform_1, window_bounds = array<i64: 1, 68, 1>}]} {
    %get3A = arith.constant 0 : index
    %get3A_0 = arith.constant 0 : index
    %get3A_1 = arith.constant 0 : index
    %get3A_2 = arith.constant 0 : index
    %get3A_3 = vector.load %arg1[%get3A, %get3A_0, %get3A_1, %get3A_2] : memref<1x3x8x34xf32, #tpu.memory_space<vmem>>, vector<1x1x8x34xf32>
    %get3A_4 = vector.shape_cast %get3A_3 : vector<1x1x8x34xf32> to vector<8x34xf32>
    %get3A_5 = arith.constant 0 : index
    %get3A_6 = arith.constant 1 : index
    %get3A_7 = arith.constant 0 : index
    %get3A_8 = arith.constant 0 : index
    %get3A_9 = vector.load %arg1[%get3A_5, %get3A_6, %get3A_7, %get3A_8] : memref<1x3x8x34xf32, #tpu.memory_space<vmem>>, vector<1x1x8x34xf32>
    %get3A_10 = vector.shape_cast %get3A_9 : vector<1x1x8x34xf32> to vector<8x34xf32>
    %get3A_11 = arith.constant 0 : index
    %get3A_12 = arith.constant 2 : index
    %get3A_13 = arith.constant 0 : index
    %get3A_14 = arith.constant 0 : index
    %get3A_15 = vector.load %arg1[%get3A_11, %get3A_12, %get3A_13, %get3A_14] : memref<1x3x8x34xf32, #tpu.memory_space<vmem>>, vector<1x1x8x34xf32>
    %get3A_16 = vector.shape_cast %get3A_15 : vector<1x1x8x34xf32> to vector<8x34xf32>
    %iota3A = tpu.iota {dimensions = array<i32: 0>} : vector<8x34xi32>
    %mul3A = arith.constant 34 : i32
    %mul3A_17 = vector.broadcast %mul3A : i32 to vector<8x34xi32>
    %mul3A_18 = arith.muli %iota3A, %mul3A_17 : vector<8x34xi32>
    %iota3A_19 = tpu.iota {dimensions = array<i32: 1>} : vector<8x34xi32>
    %add3A = arith.addi %mul3A_18, %iota3A_19 : vector<8x34xi32>
    %lt3A = arith.constant 272 : i32
    %lt3A_20 = vector.broadcast %lt3A : i32 to vector<8x34xi32>
    %lt3A_21 = arith.cmpi slt, %add3A, %lt3A_20 : vector<8x34xi32>
    %jit3A = arith.constant 1.000000e+10 : f32
    %jit3A_22 = arith.constant -1.000000e+00 : f32
    %broadcast_in_dim3A = vector.broadcast %jit3A : f32 to vector<8x34xf32>
    %broadcast_in_dim3A_23 = vector.broadcast %jit3A_22 : f32 to vector<8x34xf32>
    %select_n3A = arith.select %lt3A_21, %broadcast_in_dim3A, %broadcast_in_dim3A_23 : vector<8x34xi1>, vector<8x34xf32>
    %swap3A = arith.constant 0 : index
    %swap3A_24 = arith.constant 0 : index
    %swap3A_25 = vector.load %arg3[%swap3A, %swap3A_24] : memref<8x34xf32, #tpu.memory_space<vmem>>, vector<8x34xf32>
    tpu.vector_store %arg3[%swap3A, %swap3A_24], %select_n3A {strides = array<i32>} : memref<8x34xf32, #tpu.memory_space<vmem>>, vector<8x34xf32>,
    %broadcast_in_dim3A_26 = arith.constant 0 : i32
    %broadcast_in_dim3A_27 = vector.broadcast %broadcast_in_dim3A_26 : i32 to vector<1x1xi32>
    %swap3A_28 = arith.constant 0 : index
    %swap3A_29 = arith.constant 0 : index
    %swap3A_30 = arith.constant 0 : index
    %swap3A_31 = vector.load %arg2[%swap3A_28, %swap3A_29, %swap3A_30] : memref<1x68x1xi32, #tpu.memory_space<vmem>>, vector<1x1x1xi32>
    %swap3A_32 = vector.shape_cast %swap3A_31 : vector<1x1x1xi32> to vector<1x1xi32>
    %swap3A_33 = vector.shape_cast %broadcast_in_dim3A_27 : vector<1x1xi32> to vector<1x1x1xi32>
    tpu.vector_store %arg2[%swap3A_28, %swap3A_29, %swap3A_30], %swap3A_33 {strides = array<i32>} : memref<1x68x1xi32, #tpu.memory_space<vmem>>, vector<1x1x1xi32>,
    %scan3A = arith.constant 0 : i32
    %scan3A_34 = arith.constant 1 : i32
    %scan3A_35 = arith.constant 67 : i32
    %scan3A_36 = arith.addi %scan3A_34, %scan3A_35 : i32
    %scan3A_37 = arith.constant 1 : i32
    %scan3A_38 = scf.for %scan3A_40 = %scan3A_34 to %scan3A_36 step %scan3A_37 iter_args(%scan3A_41 = %scan3A) -> (i32)  : i32 {
      %eq3A = vector.broadcast %scan3A_41 : i32 to vector<8x34xi32>
      %eq3A_42 = arith.cmpi eq, %add3A, %eq3A : vector<8x34xi32>
      %jit3A_43 = arith.constant 0.000000e+00 : f32
      %broadcast_in_dim3A_44 = vector.broadcast %jit3A_43 : f32 to vector<8x34xf32>
      %select_n3A_45 = arith.select %eq3A_42, %get3A_4, %broadcast_in_dim3A_44 : vector<8x34xi1>, vector<8x34xf32>
      %reduce_sum3A = vector.shape_cast %select_n3A_45 : vector<8x34xf32> to vector<1x8x34xf32>
      %reduce_sum3A_46 = arith.constant dense<0.000000e+00> : vector<1xf32>
      %reduce_sum3A_47 = vector.multi_reduction <add>, %reduce_sum3A, %reduce_sum3A_46 [1, 2] : vector<1x8x34xf32> to vector<1xf32>
      %reduce_sum3A_48 = vector.shape_cast %reduce_sum3A_47 : vector<1xf32> to vector<1x1x1xf32>
      %reduce_sum3A_49 = vector.extract %reduce_sum3A_48[0, 0, 0] : f32 from vector<1x1x1xf32>
      %jit3A_50 = arith.constant 0.000000e+00 : f32
      %broadcast_in_dim3A_51 = vector.broadcast %jit3A_50 : f32 to vector<8x34xf32>
      %select_n3A_52 = arith.select %eq3A_42, %get3A_10, %broadcast_in_dim3A_51 : vector<8x34xi1>, vector<8x34xf32>
      %reduce_sum3A_53 = vector.shape_cast %select_n3A_52 : vector<8x34xf32> to vector<1x8x34xf32>
      %reduce_sum3A_54 = arith.constant dense<0.000000e+00> : vector<1xf32>
      %reduce_sum3A_55 = vector.multi_reduction <add>, %reduce_sum3A_53, %reduce_sum3A_54 [1, 2] : vector<1x8x34xf32> to vector<1xf32>
      %reduce_sum3A_56 = vector.shape_cast %reduce_sum3A_55 : vector<1xf32> to vector<1x1x1xf32>
      %reduce_sum3A_57 = vector.extract %reduce_sum3A_56[0, 0, 0] : f32 from vector<1x1x1xf32>
      %jit3A_58 = arith.constant 0.000000e+00 : f32
      %broadcast_in_dim3A_59 = vector.broadcast %jit3A_58 : f32 to vector<8x34xf32>
      %select_n3A_60 = arith.select %eq3A_42, %get3A_16, %broadcast_in_dim3A_59 : vector<8x34xi1>, vector<8x34xf32>
      %reduce_sum3A_61 = vector.shape_cast %select_n3A_60 : vector<8x34xf32> to vector<1x8x34xf32>
      %reduce_sum3A_62 = arith.constant dense<0.000000e+00> : vector<1xf32>
      %reduce_sum3A_63 = vector.multi_reduction <add>, %reduce_sum3A_61, %reduce_sum3A_62 [1, 2] : vector<1x8x34xf32> to vector<1xf32>
      %reduce_sum3A_64 = vector.shape_cast %reduce_sum3A_63 : vector<1xf32> to vector<1x1x1xf32>
      %reduce_sum3A_65 = vector.extract %reduce_sum3A_64[0, 0, 0] : f32 from vector<1x1x1xf32>
      %sub3A = vector.broadcast %reduce_sum3A_49 : f32 to vector<8x34xf32>
      %sub3A_66 = arith.subf %get3A_4, %sub3A : vector<8x34xf32>
      %sub3A_67 = vector.broadcast %reduce_sum3A_57 : f32 to vector<8x34xf32>
      %sub3A_68 = arith.subf %get3A_10, %sub3A_67 : vector<8x34xf32>
      %sub3A_69 = vector.broadcast %reduce_sum3A_65 : f32 to vector<8x34xf32>
      %sub3A_70 = arith.subf %get3A_16, %sub3A_69 : vector<8x34xf32>
      %mul3A_71 = arith.mulf %sub3A_66, %sub3A_66 : vector<8x34xf32>
      %mul3A_72 = arith.mulf %sub3A_68, %sub3A_68 : vector<8x34xf32>
      %add3A_73 = arith.addf %mul3A_71, %mul3A_72 : vector<8x34xf32>
      %mul3A_74 = arith.mulf %sub3A_70, %sub3A_70 : vector<8x34xf32>
      %add3A_75 = arith.addf %add3A_73, %mul3A_74 : vector<8x34xf32>
      %get3A_76 = arith.constant 0 : index
      %get3A_77 = arith.constant 0 : index
      %get3A_78 = vector.load %arg3[%get3A_76, %get3A_77] : memref<8x34xf32, #tpu.memory_space<vmem>>, vector<8x34xf32>
      %min3A = arith.minimumf %get3A_78, %add3A_75 : vector<8x34xf32>
      %swap3A_79 = arith.constant 0 : index
      %swap3A_80 = arith.constant 0 : index
      %swap3A_81 = vector.load %arg3[%swap3A_79, %swap3A_80] : memref<8x34xf32, #tpu.memory_space<vmem>>, vector<8x34xf32>
      tpu.vector_store %arg3[%swap3A_79, %swap3A_80], %min3A {strides = array<i32>} : memref<8x34xf32, #tpu.memory_space<vmem>>, vector<8x34xf32>,
      %reduce_max3A = vector.shape_cast %min3A : vector<8x34xf32> to vector<1x8x34xf32>
      %reduce_max3A_82 = arith.constant dense<0xFF800000> : vector<1xf32>
      %reduce_max3A_83 = vector.multi_reduction <maximumf>, %reduce_max3A, %reduce_max3A_82 [1, 2] : vector<1x8x34xf32> to vector<1xf32>
      %reduce_max3A_84 = vector.shape_cast %reduce_max3A_83 : vector<1xf32> to vector<1x1x1xf32>
      %reduce_max3A_85 = vector.extract %reduce_max3A_84[0, 0, 0] : f32 from vector<1x1x1xf32>
      %eq3A_86 = vector.broadcast %reduce_max3A_85 : f32 to vector<8x34xf32>
      %eq3A_87 = arith.cmpf oeq, %min3A, %eq3A_86 : vector<8x34xf32>
      %jit3A_88 = arith.constant 1073741824 : i32
      %broadcast_in_dim3A_89 = vector.broadcast %jit3A_88 : i32 to vector<8x34xi32>
      %select_n3A_90 = arith.select %eq3A_87, %add3A, %broadcast_in_dim3A_89 : vector<8x34xi1>, vector<8x34xi32>
      %reduce_min3A = vector.shape_cast %select_n3A_90 : vector<8x34xi32> to vector<1x8x34xi32>
      %reduce_min3A_91 = arith.constant dense<2147483647> : vector<1xi32>
      %reduce_min3A_92 = vector.multi_reduction <minsi>, %reduce_min3A, %reduce_min3A_91 [1, 2] : vector<1x8x34xi32> to vector<1xi32>
      %reduce_min3A_93 = vector.shape_cast %reduce_min3A_92 : vector<1xi32> to vector<1x1x1xi32>
      %reduce_min3A_94 = vector.extract %reduce_min3A_93[0, 0, 0] : i32 from vector<1x1x1xi32>
      %broadcast_in_dim3A_95 = vector.broadcast %reduce_min3A_94 : i32 to vector<1x1xi32>
      %swap3A_96 = arith.constant 0 : index
      %swap3A_97 = arith.index_cast %scan3A_40 : i32 to index
      %swap3A_98 = arith.constant 0 : index
      %swap3A_99 = vector.load %arg2[%swap3A_96, %swap3A_97, %swap3A_98] : memref<1x68x1xi32, #tpu.memory_space<vmem>>, vector<1x1x1xi32>
      %swap3A_100 = vector.shape_cast %swap3A_99 : vector<1x1x1xi32> to vector<1x1xi32>
      %swap3A_101 = vector.shape_cast %broadcast_in_dim3A_95 : vector<1x1xi32> to vector<1x1x1xi32>
      tpu.vector_store %arg2[%swap3A_96, %swap3A_97, %swap3A_98], %swap3A_101 {strides = array<i32>} : memref<1x68x1xi32, #tpu.memory_space<vmem>>, vector<1x1x1xi32>,
      scf.yield %reduce_min3A_94 : i32
    }
    %scan3A_39 = arith.constant 67 : i32
    return
  }
  func.func @transform_0(%arg0: i32) -> (i32, i32, i32, i32) {
    %c0_i32 = arith.constant 0 : i32
    %c0_i32_0 = arith.constant 0 : i32
    %c0_i32_1 = arith.constant 0 : i32
    %c0_i32_2 = arith.constant 0 : i32
    return %arg0, %c0_i32, %c0_i32_0, %c0_i32_1 : i32, i32, i32, i32
  }
  func.func @transform_1(%arg0: i32) -> (i32, i32, i32) {
    %c0_i32 = arith.constant 0 : i32
    %c0_i32_0 = arith.constant 0 : i32
    %c0_i32_1 = arith.constant 0 : i32
    return %arg0, %c0_i32, %c0_i32_0 : i32, i32, i32
  }
}

module attributes {stable_mosaic.version = 14 : i64} {
  func.func @_knn_kernel(%arg0: i32, %arg1: i32, %arg2: memref<1x256x3xf32, #tpu.memory_space<vmem>>, %arg3: memref<1x3x384xf32, #tpu.memory_space<vmem>>, %arg4: memref<1x256x17xi32, #tpu.memory_space<vmem>>, %arg5: memref<256x384xf32, #tpu.memory_space<vmem>>) attributes {dimension_semantics = [#tpu.dimension_semantics<arbitrary>, #tpu.dimension_semantics<arbitrary>], iteration_bounds = array<i64: 2, 2>, scalar_prefetch = 0 : i64, scratch_operands = 1 : i64, tpu.core_type = #tpu.core_type<tc>, window_params = [{transform_indices = @transform_0, window_bounds = array<i64: 1, 256, 3>}, {transform_indices = @transform_1, window_bounds = array<i64: 1, 3, 384>}, {transform_indices = @transform_2, window_bounds = array<i64: 1, 256, 17>}]} {
    %get3A = arith.constant 0 : index
    %get3A_0 = arith.constant 0 : index
    %get3A_1 = arith.constant 0 : index
    %get3A_2 = vector.load %arg2[%get3A, %get3A_0, %get3A_1] : memref<1x256x3xf32, #tpu.memory_space<vmem>>, vector<1x256x3xf32>
    %get3A_3 = vector.shape_cast %get3A_2 : vector<1x256x3xf32> to vector<256x3xf32>
    %get3A_4 = arith.constant 0 : index
    %get3A_5 = arith.constant 0 : index
    %get3A_6 = arith.constant 0 : index
    %get3A_7 = vector.load %arg3[%get3A_4, %get3A_5, %get3A_6] : memref<1x3x384xf32, #tpu.memory_space<vmem>>, vector<1x3x384xf32>
    %get3A_8 = vector.shape_cast %get3A_7 : vector<1x3x384xf32> to vector<3x384xf32>
    %dot_general3A = arith.constant dense<0.000000e+00> : vector<256x384xf32>
    %dot_general3A_9 = tpu.matmul %get3A_3, %get3A_8, %dot_general3A {dimension_numbers = #tpu.dot_dimension_numbers<[1], [0], [0], [1], [0, 0, 1, 1], [], []>, transpose_lhs_hint = false} : vector<256x3xf32>, vector<3x384xf32>, vector<256x384xf32> -> vector<256x384xf32>
    %mul3A = arith.mulf %get3A_3, %get3A_3 : vector<256x3xf32>
    %reduce_sum3A = arith.constant dense<0.000000e+00> : vector<256xf32>
    %reduce_sum3A_10 = vector.multi_reduction <add>, %mul3A, %reduce_sum3A [1] : vector<256x3xf32> to vector<256xf32>
    %broadcast_in_dim3A = vector.shape_cast %reduce_sum3A_10 : vector<256xf32> to vector<256x1xf32>
    %slice3A = vector.extract_strided_slice %get3A_8 {offsets = [0, 0], sizes = [1, 384], strides = [1, 1]} : vector<3x384xf32> to vector<1x384xf32>
    %slice3A_11 = vector.extract_strided_slice %get3A_8 {offsets = [0, 0], sizes = [1, 384], strides = [1, 1]} : vector<3x384xf32> to vector<1x384xf32>
    %mul3A_12 = arith.mulf %slice3A, %slice3A_11 : vector<1x384xf32>
    %slice3A_13 = vector.extract_strided_slice %get3A_8 {offsets = [1, 0], sizes = [1, 384], strides = [1, 1]} : vector<3x384xf32> to vector<1x384xf32>
    %slice3A_14 = vector.extract_strided_slice %get3A_8 {offsets = [1, 0], sizes = [1, 384], strides = [1, 1]} : vector<3x384xf32> to vector<1x384xf32>
    %mul3A_15 = arith.mulf %slice3A_13, %slice3A_14 : vector<1x384xf32>
    %add3A = arith.addf %mul3A_12, %mul3A_15 : vector<1x384xf32>
    %slice3A_16 = vector.extract_strided_slice %get3A_8 {offsets = [2, 0], sizes = [1, 384], strides = [1, 1]} : vector<3x384xf32> to vector<1x384xf32>
    %slice3A_17 = vector.extract_strided_slice %get3A_8 {offsets = [2, 0], sizes = [1, 384], strides = [1, 1]} : vector<3x384xf32> to vector<1x384xf32>
    %mul3A_18 = arith.mulf %slice3A_16, %slice3A_17 : vector<1x384xf32>
    %add3A_19 = arith.addf %add3A, %mul3A_18 : vector<1x384xf32>
    %mul3A_20 = arith.constant 2.000000e+00 : f32
    %mul3A_21 = vector.broadcast %mul3A_20 : f32 to vector<256x384xf32>
    %mul3A_22 = arith.mulf %mul3A_21, %dot_general3A_9 : vector<256x384xf32>
    %sub3A = vector.broadcast %broadcast_in_dim3A : vector<256x1xf32> to vector<256x384xf32>
    %sub3A_23 = arith.subf %sub3A, %mul3A_22 : vector<256x384xf32>
    %add3A_24 = vector.broadcast %add3A_19 : vector<1x384xf32> to vector<256x384xf32>
    %add3A_25 = arith.addf %sub3A_23, %add3A_24 : vector<256x384xf32>
    %swap3A = arith.constant 0 : index
    %swap3A_26 = arith.constant 0 : index
    %swap3A_27 = vector.load %arg5[%swap3A, %swap3A_26] : memref<256x384xf32, #tpu.memory_space<vmem>>, vector<256x384xf32>
    tpu.vector_store %arg5[%swap3A, %swap3A_26], %add3A_25 {strides = array<i32>} : memref<256x384xf32, #tpu.memory_space<vmem>>, vector<256x384xf32>,
    %iota3A = tpu.iota {dimensions = array<i32: 1>} : vector<256x384xi32>
    %get3A_28 = arith.constant 0 : index
    %get3A_29 = arith.constant 0 : index
    %get3A_30 = vector.load %arg5[%get3A_28, %get3A_29] : memref<256x384xf32, #tpu.memory_space<vmem>>, vector<256x384xf32>
    %reduce_min3A = arith.constant dense<0x7F800000> : vector<256xf32>
    %reduce_min3A_31 = vector.multi_reduction <minimumf>, %get3A_30, %reduce_min3A [1] : vector<256x384xf32> to vector<256xf32>
    %broadcast_in_dim3A_32 = vector.shape_cast %reduce_min3A_31 : vector<256xf32> to vector<256x1xf32>
    %eq3A = vector.broadcast %broadcast_in_dim3A_32 : vector<256x1xf32> to vector<256x384xf32>
    %eq3A_33 = arith.cmpf oeq, %get3A_30, %eq3A : vector<256x384xf32>
    %jit3A = arith.constant 1073741824 : i32
    %broadcast_in_dim3A_34 = vector.broadcast %jit3A : i32 to vector<256x384xi32>
    %select_n3A = arith.select %eq3A_33, %iota3A, %broadcast_in_dim3A_34 : vector<256x384xi1>, vector<256x384xi32>
    %reduce_min3A_35 = arith.constant dense<2147483647> : vector<256xi32>
    %reduce_min3A_36 = vector.multi_reduction <minsi>, %select_n3A, %reduce_min3A_35 [1] : vector<256x384xi32> to vector<256xi32>
    %broadcast_in_dim3A_37 = vector.shape_cast %reduce_min3A_36 : vector<256xi32> to vector<256x1xi32>
    %swap3A_38 = arith.constant 0 : index
    %swap3A_39 = arith.constant 0 : index
    %swap3A_40 = arith.constant 0 : index
    %swap3A_41 = vector.load %arg4[%swap3A_38, %swap3A_39, %swap3A_40] : memref<1x256x17xi32, #tpu.memory_space<vmem>>, vector<1x256x1xi32>
    %swap3A_42 = vector.shape_cast %swap3A_41 : vector<1x256x1xi32> to vector<256x1xi32>
    %swap3A_43 = vector.shape_cast %broadcast_in_dim3A_37 : vector<256x1xi32> to vector<1x256x1xi32>
    tpu.vector_store %arg4[%swap3A_38, %swap3A_39, %swap3A_40], %swap3A_43 {strides = array<i32>} : memref<1x256x17xi32, #tpu.memory_space<vmem>>, vector<1x256x1xi32>,
    %eq3A_44 = vector.broadcast %broadcast_in_dim3A_37 : vector<256x1xi32> to vector<256x384xi32>
    %eq3A_45 = arith.cmpi eq, %iota3A, %eq3A_44 : vector<256x384xi32>
    %jit3A_46 = arith.constant 0x7F800000 : f32
    %broadcast_in_dim3A_47 = vector.broadcast %jit3A_46 : f32 to vector<256x384xf32>
    %select_n3A_48 = arith.select %eq3A_45, %broadcast_in_dim3A_47, %get3A_30 : vector<256x384xi1>, vector<256x384xf32>
    %swap3A_49 = arith.constant 0 : index
    %swap3A_50 = arith.constant 0 : index
    %swap3A_51 = vector.load %arg5[%swap3A_49, %swap3A_50] : memref<256x384xf32, #tpu.memory_space<vmem>>, vector<256x384xf32>
    tpu.vector_store %arg5[%swap3A_49, %swap3A_50], %select_n3A_48 {strides = array<i32>} : memref<256x384xf32, #tpu.memory_space<vmem>>, vector<256x384xf32>,
    %get3A_52 = arith.constant 0 : index
    %get3A_53 = arith.constant 0 : index
    %get3A_54 = vector.load %arg5[%get3A_52, %get3A_53] : memref<256x384xf32, #tpu.memory_space<vmem>>, vector<256x384xf32>
    %reduce_min3A_55 = arith.constant dense<0x7F800000> : vector<256xf32>
    %reduce_min3A_56 = vector.multi_reduction <minimumf>, %get3A_54, %reduce_min3A_55 [1] : vector<256x384xf32> to vector<256xf32>
    %broadcast_in_dim3A_57 = vector.shape_cast %reduce_min3A_56 : vector<256xf32> to vector<256x1xf32>
    %eq3A_58 = vector.broadcast %broadcast_in_dim3A_57 : vector<256x1xf32> to vector<256x384xf32>
    %eq3A_59 = arith.cmpf oeq, %get3A_54, %eq3A_58 : vector<256x384xf32>
    %jit3A_60 = arith.constant 1073741824 : i32
    %broadcast_in_dim3A_61 = vector.broadcast %jit3A_60 : i32 to vector<256x384xi32>
    %select_n3A_62 = arith.select %eq3A_59, %iota3A, %broadcast_in_dim3A_61 : vector<256x384xi1>, vector<256x384xi32>
    %reduce_min3A_63 = arith.constant dense<2147483647> : vector<256xi32>
    %reduce_min3A_64 = vector.multi_reduction <minsi>, %select_n3A_62, %reduce_min3A_63 [1] : vector<256x384xi32> to vector<256xi32>
    %broadcast_in_dim3A_65 = vector.shape_cast %reduce_min3A_64 : vector<256xi32> to vector<256x1xi32>
    %swap3A_66 = arith.constant 0 : index
    %swap3A_67 = arith.constant 0 : index
    %swap3A_68 = arith.constant 1 : index
    %swap3A_69 = vector.load %arg4[%swap3A_66, %swap3A_67, %swap3A_68] : memref<1x256x17xi32, #tpu.memory_space<vmem>>, vector<1x256x1xi32>
    %swap3A_70 = vector.shape_cast %swap3A_69 : vector<1x256x1xi32> to vector<256x1xi32>
    %swap3A_71 = vector.shape_cast %broadcast_in_dim3A_65 : vector<256x1xi32> to vector<1x256x1xi32>
    tpu.vector_store %arg4[%swap3A_66, %swap3A_67, %swap3A_68], %swap3A_71 {strides = array<i32>} : memref<1x256x17xi32, #tpu.memory_space<vmem>>, vector<1x256x1xi32>,
    %eq3A_72 = vector.broadcast %broadcast_in_dim3A_65 : vector<256x1xi32> to vector<256x384xi32>
    %eq3A_73 = arith.cmpi eq, %iota3A, %eq3A_72 : vector<256x384xi32>
    %jit3A_74 = arith.constant 0x7F800000 : f32
    %broadcast_in_dim3A_75 = vector.broadcast %jit3A_74 : f32 to vector<256x384xf32>
    %select_n3A_76 = arith.select %eq3A_73, %broadcast_in_dim3A_75, %get3A_54 : vector<256x384xi1>, vector<256x384xf32>
    %swap3A_77 = arith.constant 0 : index
    %swap3A_78 = arith.constant 0 : index
    %swap3A_79 = vector.load %arg5[%swap3A_77, %swap3A_78] : memref<256x384xf32, #tpu.memory_space<vmem>>, vector<256x384xf32>
    tpu.vector_store %arg5[%swap3A_77, %swap3A_78], %select_n3A_76 {strides = array<i32>} : memref<256x384xf32, #tpu.memory_space<vmem>>, vector<256x384xf32>,
    %get3A_80 = arith.constant 0 : index
    %get3A_81 = arith.constant 0 : index
    %get3A_82 = vector.load %arg5[%get3A_80, %get3A_81] : memref<256x384xf32, #tpu.memory_space<vmem>>, vector<256x384xf32>
    %reduce_min3A_83 = arith.constant dense<0x7F800000> : vector<256xf32>
    %reduce_min3A_84 = vector.multi_reduction <minimumf>, %get3A_82, %reduce_min3A_83 [1] : vector<256x384xf32> to vector<256xf32>
    %broadcast_in_dim3A_85 = vector.shape_cast %reduce_min3A_84 : vector<256xf32> to vector<256x1xf32>
    %eq3A_86 = vector.broadcast %broadcast_in_dim3A_85 : vector<256x1xf32> to vector<256x384xf32>
    %eq3A_87 = arith.cmpf oeq, %get3A_82, %eq3A_86 : vector<256x384xf32>
    %jit3A_88 = arith.constant 1073741824 : i32
    %broadcast_in_dim3A_89 = vector.broadcast %jit3A_88 : i32 to vector<256x384xi32>
    %select_n3A_90 = arith.select %eq3A_87, %iota3A, %broadcast_in_dim3A_89 : vector<256x384xi1>, vector<256x384xi32>
    %reduce_min3A_91 = arith.constant dense<2147483647> : vector<256xi32>
    %reduce_min3A_92 = vector.multi_reduction <minsi>, %select_n3A_90, %reduce_min3A_91 [1] : vector<256x384xi32> to vector<256xi32>
    %broadcast_in_dim3A_93 = vector.shape_cast %reduce_min3A_92 : vector<256xi32> to vector<256x1xi32>
    %swap3A_94 = arith.constant 0 : index
    %swap3A_95 = arith.constant 0 : index
    %swap3A_96 = arith.constant 2 : index
    %swap3A_97 = vector.load %arg4[%swap3A_94, %swap3A_95, %swap3A_96] : memref<1x256x17xi32, #tpu.memory_space<vmem>>, vector<1x256x1xi32>
    %swap3A_98 = vector.shape_cast %swap3A_97 : vector<1x256x1xi32> to vector<256x1xi32>
    %swap3A_99 = vector.shape_cast %broadcast_in_dim3A_93 : vector<256x1xi32> to vector<1x256x1xi32>
    tpu.vector_store %arg4[%swap3A_94, %swap3A_95, %swap3A_96], %swap3A_99 {strides = array<i32>} : memref<1x256x17xi32, #tpu.memory_space<vmem>>, vector<1x256x1xi32>,
    %eq3A_100 = vector.broadcast %broadcast_in_dim3A_93 : vector<256x1xi32> to vector<256x384xi32>
    %eq3A_101 = arith.cmpi eq, %iota3A, %eq3A_100 : vector<256x384xi32>
    %jit3A_102 = arith.constant 0x7F800000 : f32
    %broadcast_in_dim3A_103 = vector.broadcast %jit3A_102 : f32 to vector<256x384xf32>
    %select_n3A_104 = arith.select %eq3A_101, %broadcast_in_dim3A_103, %get3A_82 : vector<256x384xi1>, vector<256x384xf32>
    %swap3A_105 = arith.constant 0 : index
    %swap3A_106 = arith.constant 0 : index
    %swap3A_107 = vector.load %arg5[%swap3A_105, %swap3A_106] : memref<256x384xf32, #tpu.memory_space<vmem>>, vector<256x384xf32>
    tpu.vector_store %arg5[%swap3A_105, %swap3A_106], %select_n3A_104 {strides = array<i32>} : memref<256x384xf32, #tpu.memory_space<vmem>>, vector<256x384xf32>,
    %get3A_108 = arith.constant 0 : index
    %get3A_109 = arith.constant 0 : index
    %get3A_110 = vector.load %arg5[%get3A_108, %get3A_109] : memref<256x384xf32, #tpu.memory_space<vmem>>, vector<256x384xf32>
    %reduce_min3A_111 = arith.constant dense<0x7F800000> : vector<256xf32>
    %reduce_min3A_112 = vector.multi_reduction <minimumf>, %get3A_110, %reduce_min3A_111 [1] : vector<256x384xf32> to vector<256xf32>
    %broadcast_in_dim3A_113 = vector.shape_cast %reduce_min3A_112 : vector<256xf32> to vector<256x1xf32>
    %eq3A_114 = vector.broadcast %broadcast_in_dim3A_113 : vector<256x1xf32> to vector<256x384xf32>
    %eq3A_115 = arith.cmpf oeq, %get3A_110, %eq3A_114 : vector<256x384xf32>
    %jit3A_116 = arith.constant 1073741824 : i32
    %broadcast_in_dim3A_117 = vector.broadcast %jit3A_116 : i32 to vector<256x384xi32>
    %select_n3A_118 = arith.select %eq3A_115, %iota3A, %broadcast_in_dim3A_117 : vector<256x384xi1>, vector<256x384xi32>
    %reduce_min3A_119 = arith.constant dense<2147483647> : vector<256xi32>
    %reduce_min3A_120 = vector.multi_reduction <minsi>, %select_n3A_118, %reduce_min3A_119 [1] : vector<256x384xi32> to vector<256xi32>
    %broadcast_in_dim3A_121 = vector.shape_cast %reduce_min3A_120 : vector<256xi32> to vector<256x1xi32>
    %swap3A_122 = arith.constant 0 : index
    %swap3A_123 = arith.constant 0 : index
    %swap3A_124 = arith.constant 3 : index
    %swap3A_125 = vector.load %arg4[%swap3A_122, %swap3A_123, %swap3A_124] : memref<1x256x17xi32, #tpu.memory_space<vmem>>, vector<1x256x1xi32>
    %swap3A_126 = vector.shape_cast %swap3A_125 : vector<1x256x1xi32> to vector<256x1xi32>
    %swap3A_127 = vector.shape_cast %broadcast_in_dim3A_121 : vector<256x1xi32> to vector<1x256x1xi32>
    tpu.vector_store %arg4[%swap3A_122, %swap3A_123, %swap3A_124], %swap3A_127 {strides = array<i32>} : memref<1x256x17xi32, #tpu.memory_space<vmem>>, vector<1x256x1xi32>,
    %eq3A_128 = vector.broadcast %broadcast_in_dim3A_121 : vector<256x1xi32> to vector<256x384xi32>
    %eq3A_129 = arith.cmpi eq, %iota3A, %eq3A_128 : vector<256x384xi32>
    %jit3A_130 = arith.constant 0x7F800000 : f32
    %broadcast_in_dim3A_131 = vector.broadcast %jit3A_130 : f32 to vector<256x384xf32>
    %select_n3A_132 = arith.select %eq3A_129, %broadcast_in_dim3A_131, %get3A_110 : vector<256x384xi1>, vector<256x384xf32>
    %swap3A_133 = arith.constant 0 : index
    %swap3A_134 = arith.constant 0 : index
    %swap3A_135 = vector.load %arg5[%swap3A_133, %swap3A_134] : memref<256x384xf32, #tpu.memory_space<vmem>>, vector<256x384xf32>
    tpu.vector_store %arg5[%swap3A_133, %swap3A_134], %select_n3A_132 {strides = array<i32>} : memref<256x384xf32, #tpu.memory_space<vmem>>, vector<256x384xf32>,
    %get3A_136 = arith.constant 0 : index
    %get3A_137 = arith.constant 0 : index
    %get3A_138 = vector.load %arg5[%get3A_136, %get3A_137] : memref<256x384xf32, #tpu.memory_space<vmem>>, vector<256x384xf32>
    %reduce_min3A_139 = arith.constant dense<0x7F800000> : vector<256xf32>
    %reduce_min3A_140 = vector.multi_reduction <minimumf>, %get3A_138, %reduce_min3A_139 [1] : vector<256x384xf32> to vector<256xf32>
    %broadcast_in_dim3A_141 = vector.shape_cast %reduce_min3A_140 : vector<256xf32> to vector<256x1xf32>
    %eq3A_142 = vector.broadcast %broadcast_in_dim3A_141 : vector<256x1xf32> to vector<256x384xf32>
    %eq3A_143 = arith.cmpf oeq, %get3A_138, %eq3A_142 : vector<256x384xf32>
    %jit3A_144 = arith.constant 1073741824 : i32
    %broadcast_in_dim3A_145 = vector.broadcast %jit3A_144 : i32 to vector<256x384xi32>
    %select_n3A_146 = arith.select %eq3A_143, %iota3A, %broadcast_in_dim3A_145 : vector<256x384xi1>, vector<256x384xi32>
    %reduce_min3A_147 = arith.constant dense<2147483647> : vector<256xi32>
    %reduce_min3A_148 = vector.multi_reduction <minsi>, %select_n3A_146, %reduce_min3A_147 [1] : vector<256x384xi32> to vector<256xi32>
    %broadcast_in_dim3A_149 = vector.shape_cast %reduce_min3A_148 : vector<256xi32> to vector<256x1xi32>
    %swap3A_150 = arith.constant 0 : index
    %swap3A_151 = arith.constant 0 : index
    %swap3A_152 = arith.constant 4 : index
    %swap3A_153 = vector.load %arg4[%swap3A_150, %swap3A_151, %swap3A_152] : memref<1x256x17xi32, #tpu.memory_space<vmem>>, vector<1x256x1xi32>
    %swap3A_154 = vector.shape_cast %swap3A_153 : vector<1x256x1xi32> to vector<256x1xi32>
    %swap3A_155 = vector.shape_cast %broadcast_in_dim3A_149 : vector<256x1xi32> to vector<1x256x1xi32>
    tpu.vector_store %arg4[%swap3A_150, %swap3A_151, %swap3A_152], %swap3A_155 {strides = array<i32>} : memref<1x256x17xi32, #tpu.memory_space<vmem>>, vector<1x256x1xi32>,
    %eq3A_156 = vector.broadcast %broadcast_in_dim3A_149 : vector<256x1xi32> to vector<256x384xi32>
    %eq3A_157 = arith.cmpi eq, %iota3A, %eq3A_156 : vector<256x384xi32>
    %jit3A_158 = arith.constant 0x7F800000 : f32
    %broadcast_in_dim3A_159 = vector.broadcast %jit3A_158 : f32 to vector<256x384xf32>
    %select_n3A_160 = arith.select %eq3A_157, %broadcast_in_dim3A_159, %get3A_138 : vector<256x384xi1>, vector<256x384xf32>
    %swap3A_161 = arith.constant 0 : index
    %swap3A_162 = arith.constant 0 : index
    %swap3A_163 = vector.load %arg5[%swap3A_161, %swap3A_162] : memref<256x384xf32, #tpu.memory_space<vmem>>, vector<256x384xf32>
    tpu.vector_store %arg5[%swap3A_161, %swap3A_162], %select_n3A_160 {strides = array<i32>} : memref<256x384xf32, #tpu.memory_space<vmem>>, vector<256x384xf32>,
    %get3A_164 = arith.constant 0 : index
    %get3A_165 = arith.constant 0 : index
    %get3A_166 = vector.load %arg5[%get3A_164, %get3A_165] : memref<256x384xf32, #tpu.memory_space<vmem>>, vector<256x384xf32>
    %reduce_min3A_167 = arith.constant dense<0x7F800000> : vector<256xf32>
    %reduce_min3A_168 = vector.multi_reduction <minimumf>, %get3A_166, %reduce_min3A_167 [1] : vector<256x384xf32> to vector<256xf32>
    %broadcast_in_dim3A_169 = vector.shape_cast %reduce_min3A_168 : vector<256xf32> to vector<256x1xf32>
    %eq3A_170 = vector.broadcast %broadcast_in_dim3A_169 : vector<256x1xf32> to vector<256x384xf32>
    %eq3A_171 = arith.cmpf oeq, %get3A_166, %eq3A_170 : vector<256x384xf32>
    %jit3A_172 = arith.constant 1073741824 : i32
    %broadcast_in_dim3A_173 = vector.broadcast %jit3A_172 : i32 to vector<256x384xi32>
    %select_n3A_174 = arith.select %eq3A_171, %iota3A, %broadcast_in_dim3A_173 : vector<256x384xi1>, vector<256x384xi32>
    %reduce_min3A_175 = arith.constant dense<2147483647> : vector<256xi32>
    %reduce_min3A_176 = vector.multi_reduction <minsi>, %select_n3A_174, %reduce_min3A_175 [1] : vector<256x384xi32> to vector<256xi32>
    %broadcast_in_dim3A_177 = vector.shape_cast %reduce_min3A_176 : vector<256xi32> to vector<256x1xi32>
    %swap3A_178 = arith.constant 0 : index
    %swap3A_179 = arith.constant 0 : index
    %swap3A_180 = arith.constant 5 : index
    %swap3A_181 = vector.load %arg4[%swap3A_178, %swap3A_179, %swap3A_180] : memref<1x256x17xi32, #tpu.memory_space<vmem>>, vector<1x256x1xi32>
    %swap3A_182 = vector.shape_cast %swap3A_181 : vector<1x256x1xi32> to vector<256x1xi32>
    %swap3A_183 = vector.shape_cast %broadcast_in_dim3A_177 : vector<256x1xi32> to vector<1x256x1xi32>
    tpu.vector_store %arg4[%swap3A_178, %swap3A_179, %swap3A_180], %swap3A_183 {strides = array<i32>} : memref<1x256x17xi32, #tpu.memory_space<vmem>>, vector<1x256x1xi32>,
    %eq3A_184 = vector.broadcast %broadcast_in_dim3A_177 : vector<256x1xi32> to vector<256x384xi32>
    %eq3A_185 = arith.cmpi eq, %iota3A, %eq3A_184 : vector<256x384xi32>
    %jit3A_186 = arith.constant 0x7F800000 : f32
    %broadcast_in_dim3A_187 = vector.broadcast %jit3A_186 : f32 to vector<256x384xf32>
    %select_n3A_188 = arith.select %eq3A_185, %broadcast_in_dim3A_187, %get3A_166 : vector<256x384xi1>, vector<256x384xf32>
    %swap3A_189 = arith.constant 0 : index
    %swap3A_190 = arith.constant 0 : index
    %swap3A_191 = vector.load %arg5[%swap3A_189, %swap3A_190] : memref<256x384xf32, #tpu.memory_space<vmem>>, vector<256x384xf32>
    tpu.vector_store %arg5[%swap3A_189, %swap3A_190], %select_n3A_188 {strides = array<i32>} : memref<256x384xf32, #tpu.memory_space<vmem>>, vector<256x384xf32>,
    %get3A_192 = arith.constant 0 : index
    %get3A_193 = arith.constant 0 : index
    %get3A_194 = vector.load %arg5[%get3A_192, %get3A_193] : memref<256x384xf32, #tpu.memory_space<vmem>>, vector<256x384xf32>
    %reduce_min3A_195 = arith.constant dense<0x7F800000> : vector<256xf32>
    %reduce_min3A_196 = vector.multi_reduction <minimumf>, %get3A_194, %reduce_min3A_195 [1] : vector<256x384xf32> to vector<256xf32>
    %broadcast_in_dim3A_197 = vector.shape_cast %reduce_min3A_196 : vector<256xf32> to vector<256x1xf32>
    %eq3A_198 = vector.broadcast %broadcast_in_dim3A_197 : vector<256x1xf32> to vector<256x384xf32>
    %eq3A_199 = arith.cmpf oeq, %get3A_194, %eq3A_198 : vector<256x384xf32>
    %jit3A_200 = arith.constant 1073741824 : i32
    %broadcast_in_dim3A_201 = vector.broadcast %jit3A_200 : i32 to vector<256x384xi32>
    %select_n3A_202 = arith.select %eq3A_199, %iota3A, %broadcast_in_dim3A_201 : vector<256x384xi1>, vector<256x384xi32>
    %reduce_min3A_203 = arith.constant dense<2147483647> : vector<256xi32>
    %reduce_min3A_204 = vector.multi_reduction <minsi>, %select_n3A_202, %reduce_min3A_203 [1] : vector<256x384xi32> to vector<256xi32>
    %broadcast_in_dim3A_205 = vector.shape_cast %reduce_min3A_204 : vector<256xi32> to vector<256x1xi32>
    %swap3A_206 = arith.constant 0 : index
    %swap3A_207 = arith.constant 0 : index
    %swap3A_208 = arith.constant 6 : index
    %swap3A_209 = vector.load %arg4[%swap3A_206, %swap3A_207, %swap3A_208] : memref<1x256x17xi32, #tpu.memory_space<vmem>>, vector<1x256x1xi32>
    %swap3A_210 = vector.shape_cast %swap3A_209 : vector<1x256x1xi32> to vector<256x1xi32>
    %swap3A_211 = vector.shape_cast %broadcast_in_dim3A_205 : vector<256x1xi32> to vector<1x256x1xi32>
    tpu.vector_store %arg4[%swap3A_206, %swap3A_207, %swap3A_208], %swap3A_211 {strides = array<i32>} : memref<1x256x17xi32, #tpu.memory_space<vmem>>, vector<1x256x1xi32>,
    %eq3A_212 = vector.broadcast %broadcast_in_dim3A_205 : vector<256x1xi32> to vector<256x384xi32>
    %eq3A_213 = arith.cmpi eq, %iota3A, %eq3A_212 : vector<256x384xi32>
    %jit3A_214 = arith.constant 0x7F800000 : f32
    %broadcast_in_dim3A_215 = vector.broadcast %jit3A_214 : f32 to vector<256x384xf32>
    %select_n3A_216 = arith.select %eq3A_213, %broadcast_in_dim3A_215, %get3A_194 : vector<256x384xi1>, vector<256x384xf32>
    %swap3A_217 = arith.constant 0 : index
    %swap3A_218 = arith.constant 0 : index
    %swap3A_219 = vector.load %arg5[%swap3A_217, %swap3A_218] : memref<256x384xf32, #tpu.memory_space<vmem>>, vector<256x384xf32>
    tpu.vector_store %arg5[%swap3A_217, %swap3A_218], %select_n3A_216 {strides = array<i32>} : memref<256x384xf32, #tpu.memory_space<vmem>>, vector<256x384xf32>,
    %get3A_220 = arith.constant 0 : index
    %get3A_221 = arith.constant 0 : index
    %get3A_222 = vector.load %arg5[%get3A_220, %get3A_221] : memref<256x384xf32, #tpu.memory_space<vmem>>, vector<256x384xf32>
    %reduce_min3A_223 = arith.constant dense<0x7F800000> : vector<256xf32>
    %reduce_min3A_224 = vector.multi_reduction <minimumf>, %get3A_222, %reduce_min3A_223 [1] : vector<256x384xf32> to vector<256xf32>
    %broadcast_in_dim3A_225 = vector.shape_cast %reduce_min3A_224 : vector<256xf32> to vector<256x1xf32>
    %eq3A_226 = vector.broadcast %broadcast_in_dim3A_225 : vector<256x1xf32> to vector<256x384xf32>
    %eq3A_227 = arith.cmpf oeq, %get3A_222, %eq3A_226 : vector<256x384xf32>
    %jit3A_228 = arith.constant 1073741824 : i32
    %broadcast_in_dim3A_229 = vector.broadcast %jit3A_228 : i32 to vector<256x384xi32>
    %select_n3A_230 = arith.select %eq3A_227, %iota3A, %broadcast_in_dim3A_229 : vector<256x384xi1>, vector<256x384xi32>
    %reduce_min3A_231 = arith.constant dense<2147483647> : vector<256xi32>
    %reduce_min3A_232 = vector.multi_reduction <minsi>, %select_n3A_230, %reduce_min3A_231 [1] : vector<256x384xi32> to vector<256xi32>
    %broadcast_in_dim3A_233 = vector.shape_cast %reduce_min3A_232 : vector<256xi32> to vector<256x1xi32>
    %swap3A_234 = arith.constant 0 : index
    %swap3A_235 = arith.constant 0 : index
    %swap3A_236 = arith.constant 7 : index
    %swap3A_237 = vector.load %arg4[%swap3A_234, %swap3A_235, %swap3A_236] : memref<1x256x17xi32, #tpu.memory_space<vmem>>, vector<1x256x1xi32>
    %swap3A_238 = vector.shape_cast %swap3A_237 : vector<1x256x1xi32> to vector<256x1xi32>
    %swap3A_239 = vector.shape_cast %broadcast_in_dim3A_233 : vector<256x1xi32> to vector<1x256x1xi32>
    tpu.vector_store %arg4[%swap3A_234, %swap3A_235, %swap3A_236], %swap3A_239 {strides = array<i32>} : memref<1x256x17xi32, #tpu.memory_space<vmem>>, vector<1x256x1xi32>,
    %eq3A_240 = vector.broadcast %broadcast_in_dim3A_233 : vector<256x1xi32> to vector<256x384xi32>
    %eq3A_241 = arith.cmpi eq, %iota3A, %eq3A_240 : vector<256x384xi32>
    %jit3A_242 = arith.constant 0x7F800000 : f32
    %broadcast_in_dim3A_243 = vector.broadcast %jit3A_242 : f32 to vector<256x384xf32>
    %select_n3A_244 = arith.select %eq3A_241, %broadcast_in_dim3A_243, %get3A_222 : vector<256x384xi1>, vector<256x384xf32>
    %swap3A_245 = arith.constant 0 : index
    %swap3A_246 = arith.constant 0 : index
    %swap3A_247 = vector.load %arg5[%swap3A_245, %swap3A_246] : memref<256x384xf32, #tpu.memory_space<vmem>>, vector<256x384xf32>
    tpu.vector_store %arg5[%swap3A_245, %swap3A_246], %select_n3A_244 {strides = array<i32>} : memref<256x384xf32, #tpu.memory_space<vmem>>, vector<256x384xf32>,
    %get3A_248 = arith.constant 0 : index
    %get3A_249 = arith.constant 0 : index
    %get3A_250 = vector.load %arg5[%get3A_248, %get3A_249] : memref<256x384xf32, #tpu.memory_space<vmem>>, vector<256x384xf32>
    %reduce_min3A_251 = arith.constant dense<0x7F800000> : vector<256xf32>
    %reduce_min3A_252 = vector.multi_reduction <minimumf>, %get3A_250, %reduce_min3A_251 [1] : vector<256x384xf32> to vector<256xf32>
    %broadcast_in_dim3A_253 = vector.shape_cast %reduce_min3A_252 : vector<256xf32> to vector<256x1xf32>
    %eq3A_254 = vector.broadcast %broadcast_in_dim3A_253 : vector<256x1xf32> to vector<256x384xf32>
    %eq3A_255 = arith.cmpf oeq, %get3A_250, %eq3A_254 : vector<256x384xf32>
    %jit3A_256 = arith.constant 1073741824 : i32
    %broadcast_in_dim3A_257 = vector.broadcast %jit3A_256 : i32 to vector<256x384xi32>
    %select_n3A_258 = arith.select %eq3A_255, %iota3A, %broadcast_in_dim3A_257 : vector<256x384xi1>, vector<256x384xi32>
    %reduce_min3A_259 = arith.constant dense<2147483647> : vector<256xi32>
    %reduce_min3A_260 = vector.multi_reduction <minsi>, %select_n3A_258, %reduce_min3A_259 [1] : vector<256x384xi32> to vector<256xi32>
    %broadcast_in_dim3A_261 = vector.shape_cast %reduce_min3A_260 : vector<256xi32> to vector<256x1xi32>
    %swap3A_262 = arith.constant 0 : index
    %swap3A_263 = arith.constant 0 : index
    %swap3A_264 = arith.constant 8 : index
    %swap3A_265 = vector.load %arg4[%swap3A_262, %swap3A_263, %swap3A_264] : memref<1x256x17xi32, #tpu.memory_space<vmem>>, vector<1x256x1xi32>
    %swap3A_266 = vector.shape_cast %swap3A_265 : vector<1x256x1xi32> to vector<256x1xi32>
    %swap3A_267 = vector.shape_cast %broadcast_in_dim3A_261 : vector<256x1xi32> to vector<1x256x1xi32>
    tpu.vector_store %arg4[%swap3A_262, %swap3A_263, %swap3A_264], %swap3A_267 {strides = array<i32>} : memref<1x256x17xi32, #tpu.memory_space<vmem>>, vector<1x256x1xi32>,
    %eq3A_268 = vector.broadcast %broadcast_in_dim3A_261 : vector<256x1xi32> to vector<256x384xi32>
    %eq3A_269 = arith.cmpi eq, %iota3A, %eq3A_268 : vector<256x384xi32>
    %jit3A_270 = arith.constant 0x7F800000 : f32
    %broadcast_in_dim3A_271 = vector.broadcast %jit3A_270 : f32 to vector<256x384xf32>
    %select_n3A_272 = arith.select %eq3A_269, %broadcast_in_dim3A_271, %get3A_250 : vector<256x384xi1>, vector<256x384xf32>
    %swap3A_273 = arith.constant 0 : index
    %swap3A_274 = arith.constant 0 : index
    %swap3A_275 = vector.load %arg5[%swap3A_273, %swap3A_274] : memref<256x384xf32, #tpu.memory_space<vmem>>, vector<256x384xf32>
    tpu.vector_store %arg5[%swap3A_273, %swap3A_274], %select_n3A_272 {strides = array<i32>} : memref<256x384xf32, #tpu.memory_space<vmem>>, vector<256x384xf32>,
    %get3A_276 = arith.constant 0 : index
    %get3A_277 = arith.constant 0 : index
    %get3A_278 = vector.load %arg5[%get3A_276, %get3A_277] : memref<256x384xf32, #tpu.memory_space<vmem>>, vector<256x384xf32>
    %reduce_min3A_279 = arith.constant dense<0x7F800000> : vector<256xf32>
    %reduce_min3A_280 = vector.multi_reduction <minimumf>, %get3A_278, %reduce_min3A_279 [1] : vector<256x384xf32> to vector<256xf32>
    %broadcast_in_dim3A_281 = vector.shape_cast %reduce_min3A_280 : vector<256xf32> to vector<256x1xf32>
    %eq3A_282 = vector.broadcast %broadcast_in_dim3A_281 : vector<256x1xf32> to vector<256x384xf32>
    %eq3A_283 = arith.cmpf oeq, %get3A_278, %eq3A_282 : vector<256x384xf32>
    %jit3A_284 = arith.constant 1073741824 : i32
    %broadcast_in_dim3A_285 = vector.broadcast %jit3A_284 : i32 to vector<256x384xi32>
    %select_n3A_286 = arith.select %eq3A_283, %iota3A, %broadcast_in_dim3A_285 : vector<256x384xi1>, vector<256x384xi32>
    %reduce_min3A_287 = arith.constant dense<2147483647> : vector<256xi32>
    %reduce_min3A_288 = vector.multi_reduction <minsi>, %select_n3A_286, %reduce_min3A_287 [1] : vector<256x384xi32> to vector<256xi32>
    %broadcast_in_dim3A_289 = vector.shape_cast %reduce_min3A_288 : vector<256xi32> to vector<256x1xi32>
    %swap3A_290 = arith.constant 0 : index
    %swap3A_291 = arith.constant 0 : index
    %swap3A_292 = arith.constant 9 : index
    %swap3A_293 = vector.load %arg4[%swap3A_290, %swap3A_291, %swap3A_292] : memref<1x256x17xi32, #tpu.memory_space<vmem>>, vector<1x256x1xi32>
    %swap3A_294 = vector.shape_cast %swap3A_293 : vector<1x256x1xi32> to vector<256x1xi32>
    %swap3A_295 = vector.shape_cast %broadcast_in_dim3A_289 : vector<256x1xi32> to vector<1x256x1xi32>
    tpu.vector_store %arg4[%swap3A_290, %swap3A_291, %swap3A_292], %swap3A_295 {strides = array<i32>} : memref<1x256x17xi32, #tpu.memory_space<vmem>>, vector<1x256x1xi32>,
    %eq3A_296 = vector.broadcast %broadcast_in_dim3A_289 : vector<256x1xi32> to vector<256x384xi32>
    %eq3A_297 = arith.cmpi eq, %iota3A, %eq3A_296 : vector<256x384xi32>
    %jit3A_298 = arith.constant 0x7F800000 : f32
    %broadcast_in_dim3A_299 = vector.broadcast %jit3A_298 : f32 to vector<256x384xf32>
    %select_n3A_300 = arith.select %eq3A_297, %broadcast_in_dim3A_299, %get3A_278 : vector<256x384xi1>, vector<256x384xf32>
    %swap3A_301 = arith.constant 0 : index
    %swap3A_302 = arith.constant 0 : index
    %swap3A_303 = vector.load %arg5[%swap3A_301, %swap3A_302] : memref<256x384xf32, #tpu.memory_space<vmem>>, vector<256x384xf32>
    tpu.vector_store %arg5[%swap3A_301, %swap3A_302], %select_n3A_300 {strides = array<i32>} : memref<256x384xf32, #tpu.memory_space<vmem>>, vector<256x384xf32>,
    %get3A_304 = arith.constant 0 : index
    %get3A_305 = arith.constant 0 : index
    %get3A_306 = vector.load %arg5[%get3A_304, %get3A_305] : memref<256x384xf32, #tpu.memory_space<vmem>>, vector<256x384xf32>
    %reduce_min3A_307 = arith.constant dense<0x7F800000> : vector<256xf32>
    %reduce_min3A_308 = vector.multi_reduction <minimumf>, %get3A_306, %reduce_min3A_307 [1] : vector<256x384xf32> to vector<256xf32>
    %broadcast_in_dim3A_309 = vector.shape_cast %reduce_min3A_308 : vector<256xf32> to vector<256x1xf32>
    %eq3A_310 = vector.broadcast %broadcast_in_dim3A_309 : vector<256x1xf32> to vector<256x384xf32>
    %eq3A_311 = arith.cmpf oeq, %get3A_306, %eq3A_310 : vector<256x384xf32>
    %jit3A_312 = arith.constant 1073741824 : i32
    %broadcast_in_dim3A_313 = vector.broadcast %jit3A_312 : i32 to vector<256x384xi32>
    %select_n3A_314 = arith.select %eq3A_311, %iota3A, %broadcast_in_dim3A_313 : vector<256x384xi1>, vector<256x384xi32>
    %reduce_min3A_315 = arith.constant dense<2147483647> : vector<256xi32>
    %reduce_min3A_316 = vector.multi_reduction <minsi>, %select_n3A_314, %reduce_min3A_315 [1] : vector<256x384xi32> to vector<256xi32>
    %broadcast_in_dim3A_317 = vector.shape_cast %reduce_min3A_316 : vector<256xi32> to vector<256x1xi32>
    %swap3A_318 = arith.constant 0 : index
    %swap3A_319 = arith.constant 0 : index
    %swap3A_320 = arith.constant 10 : index
    %swap3A_321 = vector.load %arg4[%swap3A_318, %swap3A_319, %swap3A_320] : memref<1x256x17xi32, #tpu.memory_space<vmem>>, vector<1x256x1xi32>
    %swap3A_322 = vector.shape_cast %swap3A_321 : vector<1x256x1xi32> to vector<256x1xi32>
    %swap3A_323 = vector.shape_cast %broadcast_in_dim3A_317 : vector<256x1xi32> to vector<1x256x1xi32>
    tpu.vector_store %arg4[%swap3A_318, %swap3A_319, %swap3A_320], %swap3A_323 {strides = array<i32>} : memref<1x256x17xi32, #tpu.memory_space<vmem>>, vector<1x256x1xi32>,
    %eq3A_324 = vector.broadcast %broadcast_in_dim3A_317 : vector<256x1xi32> to vector<256x384xi32>
    %eq3A_325 = arith.cmpi eq, %iota3A, %eq3A_324 : vector<256x384xi32>
    %jit3A_326 = arith.constant 0x7F800000 : f32
    %broadcast_in_dim3A_327 = vector.broadcast %jit3A_326 : f32 to vector<256x384xf32>
    %select_n3A_328 = arith.select %eq3A_325, %broadcast_in_dim3A_327, %get3A_306 : vector<256x384xi1>, vector<256x384xf32>
    %swap3A_329 = arith.constant 0 : index
    %swap3A_330 = arith.constant 0 : index
    %swap3A_331 = vector.load %arg5[%swap3A_329, %swap3A_330] : memref<256x384xf32, #tpu.memory_space<vmem>>, vector<256x384xf32>
    tpu.vector_store %arg5[%swap3A_329, %swap3A_330], %select_n3A_328 {strides = array<i32>} : memref<256x384xf32, #tpu.memory_space<vmem>>, vector<256x384xf32>,
    %get3A_332 = arith.constant 0 : index
    %get3A_333 = arith.constant 0 : index
    %get3A_334 = vector.load %arg5[%get3A_332, %get3A_333] : memref<256x384xf32, #tpu.memory_space<vmem>>, vector<256x384xf32>
    %reduce_min3A_335 = arith.constant dense<0x7F800000> : vector<256xf32>
    %reduce_min3A_336 = vector.multi_reduction <minimumf>, %get3A_334, %reduce_min3A_335 [1] : vector<256x384xf32> to vector<256xf32>
    %broadcast_in_dim3A_337 = vector.shape_cast %reduce_min3A_336 : vector<256xf32> to vector<256x1xf32>
    %eq3A_338 = vector.broadcast %broadcast_in_dim3A_337 : vector<256x1xf32> to vector<256x384xf32>
    %eq3A_339 = arith.cmpf oeq, %get3A_334, %eq3A_338 : vector<256x384xf32>
    %jit3A_340 = arith.constant 1073741824 : i32
    %broadcast_in_dim3A_341 = vector.broadcast %jit3A_340 : i32 to vector<256x384xi32>
    %select_n3A_342 = arith.select %eq3A_339, %iota3A, %broadcast_in_dim3A_341 : vector<256x384xi1>, vector<256x384xi32>
    %reduce_min3A_343 = arith.constant dense<2147483647> : vector<256xi32>
    %reduce_min3A_344 = vector.multi_reduction <minsi>, %select_n3A_342, %reduce_min3A_343 [1] : vector<256x384xi32> to vector<256xi32>
    %broadcast_in_dim3A_345 = vector.shape_cast %reduce_min3A_344 : vector<256xi32> to vector<256x1xi32>
    %swap3A_346 = arith.constant 0 : index
    %swap3A_347 = arith.constant 0 : index
    %swap3A_348 = arith.constant 11 : index
    %swap3A_349 = vector.load %arg4[%swap3A_346, %swap3A_347, %swap3A_348] : memref<1x256x17xi32, #tpu.memory_space<vmem>>, vector<1x256x1xi32>
    %swap3A_350 = vector.shape_cast %swap3A_349 : vector<1x256x1xi32> to vector<256x1xi32>
    %swap3A_351 = vector.shape_cast %broadcast_in_dim3A_345 : vector<256x1xi32> to vector<1x256x1xi32>
    tpu.vector_store %arg4[%swap3A_346, %swap3A_347, %swap3A_348], %swap3A_351 {strides = array<i32>} : memref<1x256x17xi32, #tpu.memory_space<vmem>>, vector<1x256x1xi32>,
    %eq3A_352 = vector.broadcast %broadcast_in_dim3A_345 : vector<256x1xi32> to vector<256x384xi32>
    %eq3A_353 = arith.cmpi eq, %iota3A, %eq3A_352 : vector<256x384xi32>
    %jit3A_354 = arith.constant 0x7F800000 : f32
    %broadcast_in_dim3A_355 = vector.broadcast %jit3A_354 : f32 to vector<256x384xf32>
    %select_n3A_356 = arith.select %eq3A_353, %broadcast_in_dim3A_355, %get3A_334 : vector<256x384xi1>, vector<256x384xf32>
    %swap3A_357 = arith.constant 0 : index
    %swap3A_358 = arith.constant 0 : index
    %swap3A_359 = vector.load %arg5[%swap3A_357, %swap3A_358] : memref<256x384xf32, #tpu.memory_space<vmem>>, vector<256x384xf32>
    tpu.vector_store %arg5[%swap3A_357, %swap3A_358], %select_n3A_356 {strides = array<i32>} : memref<256x384xf32, #tpu.memory_space<vmem>>, vector<256x384xf32>,
    %get3A_360 = arith.constant 0 : index
    %get3A_361 = arith.constant 0 : index
    %get3A_362 = vector.load %arg5[%get3A_360, %get3A_361] : memref<256x384xf32, #tpu.memory_space<vmem>>, vector<256x384xf32>
    %reduce_min3A_363 = arith.constant dense<0x7F800000> : vector<256xf32>
    %reduce_min3A_364 = vector.multi_reduction <minimumf>, %get3A_362, %reduce_min3A_363 [1] : vector<256x384xf32> to vector<256xf32>
    %broadcast_in_dim3A_365 = vector.shape_cast %reduce_min3A_364 : vector<256xf32> to vector<256x1xf32>
    %eq3A_366 = vector.broadcast %broadcast_in_dim3A_365 : vector<256x1xf32> to vector<256x384xf32>
    %eq3A_367 = arith.cmpf oeq, %get3A_362, %eq3A_366 : vector<256x384xf32>
    %jit3A_368 = arith.constant 1073741824 : i32
    %broadcast_in_dim3A_369 = vector.broadcast %jit3A_368 : i32 to vector<256x384xi32>
    %select_n3A_370 = arith.select %eq3A_367, %iota3A, %broadcast_in_dim3A_369 : vector<256x384xi1>, vector<256x384xi32>
    %reduce_min3A_371 = arith.constant dense<2147483647> : vector<256xi32>
    %reduce_min3A_372 = vector.multi_reduction <minsi>, %select_n3A_370, %reduce_min3A_371 [1] : vector<256x384xi32> to vector<256xi32>
    %broadcast_in_dim3A_373 = vector.shape_cast %reduce_min3A_372 : vector<256xi32> to vector<256x1xi32>
    %swap3A_374 = arith.constant 0 : index
    %swap3A_375 = arith.constant 0 : index
    %swap3A_376 = arith.constant 12 : index
    %swap3A_377 = vector.load %arg4[%swap3A_374, %swap3A_375, %swap3A_376] : memref<1x256x17xi32, #tpu.memory_space<vmem>>, vector<1x256x1xi32>
    %swap3A_378 = vector.shape_cast %swap3A_377 : vector<1x256x1xi32> to vector<256x1xi32>
    %swap3A_379 = vector.shape_cast %broadcast_in_dim3A_373 : vector<256x1xi32> to vector<1x256x1xi32>
    tpu.vector_store %arg4[%swap3A_374, %swap3A_375, %swap3A_376], %swap3A_379 {strides = array<i32>} : memref<1x256x17xi32, #tpu.memory_space<vmem>>, vector<1x256x1xi32>,
    %eq3A_380 = vector.broadcast %broadcast_in_dim3A_373 : vector<256x1xi32> to vector<256x384xi32>
    %eq3A_381 = arith.cmpi eq, %iota3A, %eq3A_380 : vector<256x384xi32>
    %jit3A_382 = arith.constant 0x7F800000 : f32
    %broadcast_in_dim3A_383 = vector.broadcast %jit3A_382 : f32 to vector<256x384xf32>
    %select_n3A_384 = arith.select %eq3A_381, %broadcast_in_dim3A_383, %get3A_362 : vector<256x384xi1>, vector<256x384xf32>
    %swap3A_385 = arith.constant 0 : index
    %swap3A_386 = arith.constant 0 : index
    %swap3A_387 = vector.load %arg5[%swap3A_385, %swap3A_386] : memref<256x384xf32, #tpu.memory_space<vmem>>, vector<256x384xf32>
    tpu.vector_store %arg5[%swap3A_385, %swap3A_386], %select_n3A_384 {strides = array<i32>} : memref<256x384xf32, #tpu.memory_space<vmem>>, vector<256x384xf32>,
    %get3A_388 = arith.constant 0 : index
    %get3A_389 = arith.constant 0 : index
    %get3A_390 = vector.load %arg5[%get3A_388, %get3A_389] : memref<256x384xf32, #tpu.memory_space<vmem>>, vector<256x384xf32>
    %reduce_min3A_391 = arith.constant dense<0x7F800000> : vector<256xf32>
    %reduce_min3A_392 = vector.multi_reduction <minimumf>, %get3A_390, %reduce_min3A_391 [1] : vector<256x384xf32> to vector<256xf32>
    %broadcast_in_dim3A_393 = vector.shape_cast %reduce_min3A_392 : vector<256xf32> to vector<256x1xf32>
    %eq3A_394 = vector.broadcast %broadcast_in_dim3A_393 : vector<256x1xf32> to vector<256x384xf32>
    %eq3A_395 = arith.cmpf oeq, %get3A_390, %eq3A_394 : vector<256x384xf32>
    %jit3A_396 = arith.constant 1073741824 : i32
    %broadcast_in_dim3A_397 = vector.broadcast %jit3A_396 : i32 to vector<256x384xi32>
    %select_n3A_398 = arith.select %eq3A_395, %iota3A, %broadcast_in_dim3A_397 : vector<256x384xi1>, vector<256x384xi32>
    %reduce_min3A_399 = arith.constant dense<2147483647> : vector<256xi32>
    %reduce_min3A_400 = vector.multi_reduction <minsi>, %select_n3A_398, %reduce_min3A_399 [1] : vector<256x384xi32> to vector<256xi32>
    %broadcast_in_dim3A_401 = vector.shape_cast %reduce_min3A_400 : vector<256xi32> to vector<256x1xi32>
    %swap3A_402 = arith.constant 0 : index
    %swap3A_403 = arith.constant 0 : index
    %swap3A_404 = arith.constant 13 : index
    %swap3A_405 = vector.load %arg4[%swap3A_402, %swap3A_403, %swap3A_404] : memref<1x256x17xi32, #tpu.memory_space<vmem>>, vector<1x256x1xi32>
    %swap3A_406 = vector.shape_cast %swap3A_405 : vector<1x256x1xi32> to vector<256x1xi32>
    %swap3A_407 = vector.shape_cast %broadcast_in_dim3A_401 : vector<256x1xi32> to vector<1x256x1xi32>
    tpu.vector_store %arg4[%swap3A_402, %swap3A_403, %swap3A_404], %swap3A_407 {strides = array<i32>} : memref<1x256x17xi32, #tpu.memory_space<vmem>>, vector<1x256x1xi32>,
    %eq3A_408 = vector.broadcast %broadcast_in_dim3A_401 : vector<256x1xi32> to vector<256x384xi32>
    %eq3A_409 = arith.cmpi eq, %iota3A, %eq3A_408 : vector<256x384xi32>
    %jit3A_410 = arith.constant 0x7F800000 : f32
    %broadcast_in_dim3A_411 = vector.broadcast %jit3A_410 : f32 to vector<256x384xf32>
    %select_n3A_412 = arith.select %eq3A_409, %broadcast_in_dim3A_411, %get3A_390 : vector<256x384xi1>, vector<256x384xf32>
    %swap3A_413 = arith.constant 0 : index
    %swap3A_414 = arith.constant 0 : index
    %swap3A_415 = vector.load %arg5[%swap3A_413, %swap3A_414] : memref<256x384xf32, #tpu.memory_space<vmem>>, vector<256x384xf32>
    tpu.vector_store %arg5[%swap3A_413, %swap3A_414], %select_n3A_412 {strides = array<i32>} : memref<256x384xf32, #tpu.memory_space<vmem>>, vector<256x384xf32>,
    %get3A_416 = arith.constant 0 : index
    %get3A_417 = arith.constant 0 : index
    %get3A_418 = vector.load %arg5[%get3A_416, %get3A_417] : memref<256x384xf32, #tpu.memory_space<vmem>>, vector<256x384xf32>
    %reduce_min3A_419 = arith.constant dense<0x7F800000> : vector<256xf32>
    %reduce_min3A_420 = vector.multi_reduction <minimumf>, %get3A_418, %reduce_min3A_419 [1] : vector<256x384xf32> to vector<256xf32>
    %broadcast_in_dim3A_421 = vector.shape_cast %reduce_min3A_420 : vector<256xf32> to vector<256x1xf32>
    %eq3A_422 = vector.broadcast %broadcast_in_dim3A_421 : vector<256x1xf32> to vector<256x384xf32>
    %eq3A_423 = arith.cmpf oeq, %get3A_418, %eq3A_422 : vector<256x384xf32>
    %jit3A_424 = arith.constant 1073741824 : i32
    %broadcast_in_dim3A_425 = vector.broadcast %jit3A_424 : i32 to vector<256x384xi32>
    %select_n3A_426 = arith.select %eq3A_423, %iota3A, %broadcast_in_dim3A_425 : vector<256x384xi1>, vector<256x384xi32>
    %reduce_min3A_427 = arith.constant dense<2147483647> : vector<256xi32>
    %reduce_min3A_428 = vector.multi_reduction <minsi>, %select_n3A_426, %reduce_min3A_427 [1] : vector<256x384xi32> to vector<256xi32>
    %broadcast_in_dim3A_429 = vector.shape_cast %reduce_min3A_428 : vector<256xi32> to vector<256x1xi32>
    %swap3A_430 = arith.constant 0 : index
    %swap3A_431 = arith.constant 0 : index
    %swap3A_432 = arith.constant 14 : index
    %swap3A_433 = vector.load %arg4[%swap3A_430, %swap3A_431, %swap3A_432] : memref<1x256x17xi32, #tpu.memory_space<vmem>>, vector<1x256x1xi32>
    %swap3A_434 = vector.shape_cast %swap3A_433 : vector<1x256x1xi32> to vector<256x1xi32>
    %swap3A_435 = vector.shape_cast %broadcast_in_dim3A_429 : vector<256x1xi32> to vector<1x256x1xi32>
    tpu.vector_store %arg4[%swap3A_430, %swap3A_431, %swap3A_432], %swap3A_435 {strides = array<i32>} : memref<1x256x17xi32, #tpu.memory_space<vmem>>, vector<1x256x1xi32>,
    %eq3A_436 = vector.broadcast %broadcast_in_dim3A_429 : vector<256x1xi32> to vector<256x384xi32>
    %eq3A_437 = arith.cmpi eq, %iota3A, %eq3A_436 : vector<256x384xi32>
    %jit3A_438 = arith.constant 0x7F800000 : f32
    %broadcast_in_dim3A_439 = vector.broadcast %jit3A_438 : f32 to vector<256x384xf32>
    %select_n3A_440 = arith.select %eq3A_437, %broadcast_in_dim3A_439, %get3A_418 : vector<256x384xi1>, vector<256x384xf32>
    %swap3A_441 = arith.constant 0 : index
    %swap3A_442 = arith.constant 0 : index
    %swap3A_443 = vector.load %arg5[%swap3A_441, %swap3A_442] : memref<256x384xf32, #tpu.memory_space<vmem>>, vector<256x384xf32>
    tpu.vector_store %arg5[%swap3A_441, %swap3A_442], %select_n3A_440 {strides = array<i32>} : memref<256x384xf32, #tpu.memory_space<vmem>>, vector<256x384xf32>,
    %get3A_444 = arith.constant 0 : index
    %get3A_445 = arith.constant 0 : index
    %get3A_446 = vector.load %arg5[%get3A_444, %get3A_445] : memref<256x384xf32, #tpu.memory_space<vmem>>, vector<256x384xf32>
    %reduce_min3A_447 = arith.constant dense<0x7F800000> : vector<256xf32>
    %reduce_min3A_448 = vector.multi_reduction <minimumf>, %get3A_446, %reduce_min3A_447 [1] : vector<256x384xf32> to vector<256xf32>
    %broadcast_in_dim3A_449 = vector.shape_cast %reduce_min3A_448 : vector<256xf32> to vector<256x1xf32>
    %eq3A_450 = vector.broadcast %broadcast_in_dim3A_449 : vector<256x1xf32> to vector<256x384xf32>
    %eq3A_451 = arith.cmpf oeq, %get3A_446, %eq3A_450 : vector<256x384xf32>
    %jit3A_452 = arith.constant 1073741824 : i32
    %broadcast_in_dim3A_453 = vector.broadcast %jit3A_452 : i32 to vector<256x384xi32>
    %select_n3A_454 = arith.select %eq3A_451, %iota3A, %broadcast_in_dim3A_453 : vector<256x384xi1>, vector<256x384xi32>
    %reduce_min3A_455 = arith.constant dense<2147483647> : vector<256xi32>
    %reduce_min3A_456 = vector.multi_reduction <minsi>, %select_n3A_454, %reduce_min3A_455 [1] : vector<256x384xi32> to vector<256xi32>
    %broadcast_in_dim3A_457 = vector.shape_cast %reduce_min3A_456 : vector<256xi32> to vector<256x1xi32>
    %swap3A_458 = arith.constant 0 : index
    %swap3A_459 = arith.constant 0 : index
    %swap3A_460 = arith.constant 15 : index
    %swap3A_461 = vector.load %arg4[%swap3A_458, %swap3A_459, %swap3A_460] : memref<1x256x17xi32, #tpu.memory_space<vmem>>, vector<1x256x1xi32>
    %swap3A_462 = vector.shape_cast %swap3A_461 : vector<1x256x1xi32> to vector<256x1xi32>
    %swap3A_463 = vector.shape_cast %broadcast_in_dim3A_457 : vector<256x1xi32> to vector<1x256x1xi32>
    tpu.vector_store %arg4[%swap3A_458, %swap3A_459, %swap3A_460], %swap3A_463 {strides = array<i32>} : memref<1x256x17xi32, #tpu.memory_space<vmem>>, vector<1x256x1xi32>,
    %eq3A_464 = vector.broadcast %broadcast_in_dim3A_457 : vector<256x1xi32> to vector<256x384xi32>
    %eq3A_465 = arith.cmpi eq, %iota3A, %eq3A_464 : vector<256x384xi32>
    %jit3A_466 = arith.constant 0x7F800000 : f32
    %broadcast_in_dim3A_467 = vector.broadcast %jit3A_466 : f32 to vector<256x384xf32>
    %select_n3A_468 = arith.select %eq3A_465, %broadcast_in_dim3A_467, %get3A_446 : vector<256x384xi1>, vector<256x384xf32>
    %swap3A_469 = arith.constant 0 : index
    %swap3A_470 = arith.constant 0 : index
    %swap3A_471 = vector.load %arg5[%swap3A_469, %swap3A_470] : memref<256x384xf32, #tpu.memory_space<vmem>>, vector<256x384xf32>
    tpu.vector_store %arg5[%swap3A_469, %swap3A_470], %select_n3A_468 {strides = array<i32>} : memref<256x384xf32, #tpu.memory_space<vmem>>, vector<256x384xf32>,
    %get3A_472 = arith.constant 0 : index
    %get3A_473 = arith.constant 0 : index
    %get3A_474 = vector.load %arg5[%get3A_472, %get3A_473] : memref<256x384xf32, #tpu.memory_space<vmem>>, vector<256x384xf32>
    %reduce_min3A_475 = arith.constant dense<0x7F800000> : vector<256xf32>
    %reduce_min3A_476 = vector.multi_reduction <minimumf>, %get3A_474, %reduce_min3A_475 [1] : vector<256x384xf32> to vector<256xf32>
    %broadcast_in_dim3A_477 = vector.shape_cast %reduce_min3A_476 : vector<256xf32> to vector<256x1xf32>
    %eq3A_478 = vector.broadcast %broadcast_in_dim3A_477 : vector<256x1xf32> to vector<256x384xf32>
    %eq3A_479 = arith.cmpf oeq, %get3A_474, %eq3A_478 : vector<256x384xf32>
    %jit3A_480 = arith.constant 1073741824 : i32
    %broadcast_in_dim3A_481 = vector.broadcast %jit3A_480 : i32 to vector<256x384xi32>
    %select_n3A_482 = arith.select %eq3A_479, %iota3A, %broadcast_in_dim3A_481 : vector<256x384xi1>, vector<256x384xi32>
    %reduce_min3A_483 = arith.constant dense<2147483647> : vector<256xi32>
    %reduce_min3A_484 = vector.multi_reduction <minsi>, %select_n3A_482, %reduce_min3A_483 [1] : vector<256x384xi32> to vector<256xi32>
    %broadcast_in_dim3A_485 = vector.shape_cast %reduce_min3A_484 : vector<256xi32> to vector<256x1xi32>
    %swap3A_486 = arith.constant 0 : index
    %swap3A_487 = arith.constant 0 : index
    %swap3A_488 = arith.constant 16 : index
    %swap3A_489 = vector.load %arg4[%swap3A_486, %swap3A_487, %swap3A_488] : memref<1x256x17xi32, #tpu.memory_space<vmem>>, vector<1x256x1xi32>
    %swap3A_490 = vector.shape_cast %swap3A_489 : vector<1x256x1xi32> to vector<256x1xi32>
    %swap3A_491 = vector.shape_cast %broadcast_in_dim3A_485 : vector<256x1xi32> to vector<1x256x1xi32>
    tpu.vector_store %arg4[%swap3A_486, %swap3A_487, %swap3A_488], %swap3A_491 {strides = array<i32>} : memref<1x256x17xi32, #tpu.memory_space<vmem>>, vector<1x256x1xi32>,
    %eq3A_492 = vector.broadcast %broadcast_in_dim3A_485 : vector<256x1xi32> to vector<256x384xi32>
    %eq3A_493 = arith.cmpi eq, %iota3A, %eq3A_492 : vector<256x384xi32>
    %jit3A_494 = arith.constant 0x7F800000 : f32
    %broadcast_in_dim3A_495 = vector.broadcast %jit3A_494 : f32 to vector<256x384xf32>
    %select_n3A_496 = arith.select %eq3A_493, %broadcast_in_dim3A_495, %get3A_474 : vector<256x384xi1>, vector<256x384xf32>
    %swap3A_497 = arith.constant 0 : index
    %swap3A_498 = arith.constant 0 : index
    %swap3A_499 = vector.load %arg5[%swap3A_497, %swap3A_498] : memref<256x384xf32, #tpu.memory_space<vmem>>, vector<256x384xf32>
    tpu.vector_store %arg5[%swap3A_497, %swap3A_498], %select_n3A_496 {strides = array<i32>} : memref<256x384xf32, #tpu.memory_space<vmem>>, vector<256x384xf32>,
    return
  }
  func.func @transform_0(%arg0: i32, %arg1: i32) -> (i32, i32, i32) {
    %c0_i32 = arith.constant 0 : i32
    %c0_i32_0 = arith.constant 0 : i32
    return %arg0, %arg1, %c0_i32 : i32, i32, i32
  }
  func.func @transform_1(%arg0: i32, %arg1: i32) -> (i32, i32, i32) {
    %c0_i32 = arith.constant 0 : i32
    %c0_i32_0 = arith.constant 0 : i32
    %c0_i32_1 = arith.constant 0 : i32
    return %arg0, %c0_i32, %c0_i32_0 : i32, i32, i32
  }
  func.func @transform_2(%arg0: i32, %arg1: i32) -> (i32, i32, i32) {
    %c0_i32 = arith.constant 0 : i32
    %c0_i32_0 = arith.constant 0 : i32
    return %arg0, %arg1, %c0_i32 : i32, i32, i32
  }
}

module attributes {stable_mosaic.version = 14 : i64} {
  func.func @_knn_kernel(%arg0: i32, %arg1: i32, %arg2: memref<1x72x3xf32, #tpu.memory_space<vmem>>, %arg3: memref<1x3x128xf32, #tpu.memory_space<vmem>>, %arg4: memref<1x72x17xi32, #tpu.memory_space<vmem>>, %arg5: memref<72x128xf32, #tpu.memory_space<vmem>>) attributes {dimension_semantics = [#tpu.dimension_semantics<arbitrary>, #tpu.dimension_semantics<arbitrary>], iteration_bounds = array<i64: 2, 1>, scalar_prefetch = 0 : i64, scratch_operands = 1 : i64, tpu.core_type = #tpu.core_type<tc>, window_params = [{transform_indices = @transform_0, window_bounds = array<i64: 1, 72, 3>}, {transform_indices = @transform_1, window_bounds = array<i64: 1, 3, 128>}, {transform_indices = @transform_2, window_bounds = array<i64: 1, 72, 17>}]} {
    %get3A = arith.constant 0 : index
    %get3A_0 = arith.constant 0 : index
    %get3A_1 = arith.constant 0 : index
    %get3A_2 = vector.load %arg2[%get3A, %get3A_0, %get3A_1] : memref<1x72x3xf32, #tpu.memory_space<vmem>>, vector<1x72x3xf32>
    %get3A_3 = vector.shape_cast %get3A_2 : vector<1x72x3xf32> to vector<72x3xf32>
    %get3A_4 = arith.constant 0 : index
    %get3A_5 = arith.constant 0 : index
    %get3A_6 = arith.constant 0 : index
    %get3A_7 = vector.load %arg3[%get3A_4, %get3A_5, %get3A_6] : memref<1x3x128xf32, #tpu.memory_space<vmem>>, vector<1x3x128xf32>
    %get3A_8 = vector.shape_cast %get3A_7 : vector<1x3x128xf32> to vector<3x128xf32>
    %dot_general3A = arith.constant dense<0.000000e+00> : vector<72x128xf32>
    %dot_general3A_9 = tpu.matmul %get3A_3, %get3A_8, %dot_general3A {dimension_numbers = #tpu.dot_dimension_numbers<[1], [0], [0], [1], [0, 0, 1, 1], [], []>, transpose_lhs_hint = false} : vector<72x3xf32>, vector<3x128xf32>, vector<72x128xf32> -> vector<72x128xf32>
    %mul3A = arith.mulf %get3A_3, %get3A_3 : vector<72x3xf32>
    %reduce_sum3A = arith.constant dense<0.000000e+00> : vector<72xf32>
    %reduce_sum3A_10 = vector.multi_reduction <add>, %mul3A, %reduce_sum3A [1] : vector<72x3xf32> to vector<72xf32>
    %broadcast_in_dim3A = vector.shape_cast %reduce_sum3A_10 : vector<72xf32> to vector<72x1xf32>
    %slice3A = vector.extract_strided_slice %get3A_8 {offsets = [0, 0], sizes = [1, 128], strides = [1, 1]} : vector<3x128xf32> to vector<1x128xf32>
    %slice3A_11 = vector.extract_strided_slice %get3A_8 {offsets = [0, 0], sizes = [1, 128], strides = [1, 1]} : vector<3x128xf32> to vector<1x128xf32>
    %mul3A_12 = arith.mulf %slice3A, %slice3A_11 : vector<1x128xf32>
    %slice3A_13 = vector.extract_strided_slice %get3A_8 {offsets = [1, 0], sizes = [1, 128], strides = [1, 1]} : vector<3x128xf32> to vector<1x128xf32>
    %slice3A_14 = vector.extract_strided_slice %get3A_8 {offsets = [1, 0], sizes = [1, 128], strides = [1, 1]} : vector<3x128xf32> to vector<1x128xf32>
    %mul3A_15 = arith.mulf %slice3A_13, %slice3A_14 : vector<1x128xf32>
    %add3A = arith.addf %mul3A_12, %mul3A_15 : vector<1x128xf32>
    %slice3A_16 = vector.extract_strided_slice %get3A_8 {offsets = [2, 0], sizes = [1, 128], strides = [1, 1]} : vector<3x128xf32> to vector<1x128xf32>
    %slice3A_17 = vector.extract_strided_slice %get3A_8 {offsets = [2, 0], sizes = [1, 128], strides = [1, 1]} : vector<3x128xf32> to vector<1x128xf32>
    %mul3A_18 = arith.mulf %slice3A_16, %slice3A_17 : vector<1x128xf32>
    %add3A_19 = arith.addf %add3A, %mul3A_18 : vector<1x128xf32>
    %mul3A_20 = arith.constant 2.000000e+00 : f32
    %mul3A_21 = vector.broadcast %mul3A_20 : f32 to vector<72x128xf32>
    %mul3A_22 = arith.mulf %mul3A_21, %dot_general3A_9 : vector<72x128xf32>
    %sub3A = vector.broadcast %broadcast_in_dim3A : vector<72x1xf32> to vector<72x128xf32>
    %sub3A_23 = arith.subf %sub3A, %mul3A_22 : vector<72x128xf32>
    %add3A_24 = vector.broadcast %add3A_19 : vector<1x128xf32> to vector<72x128xf32>
    %add3A_25 = arith.addf %sub3A_23, %add3A_24 : vector<72x128xf32>
    %swap3A = arith.constant 0 : index
    %swap3A_26 = arith.constant 0 : index
    %swap3A_27 = vector.load %arg5[%swap3A, %swap3A_26] : memref<72x128xf32, #tpu.memory_space<vmem>>, vector<72x128xf32>
    tpu.vector_store %arg5[%swap3A, %swap3A_26], %add3A_25 {strides = array<i32>} : memref<72x128xf32, #tpu.memory_space<vmem>>, vector<72x128xf32>,
    %iota3A = tpu.iota {dimensions = array<i32: 1>} : vector<72x128xi32>
    %get3A_28 = arith.constant 0 : index
    %get3A_29 = arith.constant 0 : index
    %get3A_30 = vector.load %arg5[%get3A_28, %get3A_29] : memref<72x128xf32, #tpu.memory_space<vmem>>, vector<72x128xf32>
    %reduce_min3A = arith.constant dense<0x7F800000> : vector<72xf32>
    %reduce_min3A_31 = vector.multi_reduction <minimumf>, %get3A_30, %reduce_min3A [1] : vector<72x128xf32> to vector<72xf32>
    %broadcast_in_dim3A_32 = vector.shape_cast %reduce_min3A_31 : vector<72xf32> to vector<72x1xf32>
    %eq3A = vector.broadcast %broadcast_in_dim3A_32 : vector<72x1xf32> to vector<72x128xf32>
    %eq3A_33 = arith.cmpf oeq, %get3A_30, %eq3A : vector<72x128xf32>
    %jit3A = arith.constant 1073741824 : i32
    %broadcast_in_dim3A_34 = vector.broadcast %jit3A : i32 to vector<72x128xi32>
    %select_n3A = arith.select %eq3A_33, %iota3A, %broadcast_in_dim3A_34 : vector<72x128xi1>, vector<72x128xi32>
    %reduce_min3A_35 = arith.constant dense<2147483647> : vector<72xi32>
    %reduce_min3A_36 = vector.multi_reduction <minsi>, %select_n3A, %reduce_min3A_35 [1] : vector<72x128xi32> to vector<72xi32>
    %broadcast_in_dim3A_37 = vector.shape_cast %reduce_min3A_36 : vector<72xi32> to vector<72x1xi32>
    %swap3A_38 = arith.constant 0 : index
    %swap3A_39 = arith.constant 0 : index
    %swap3A_40 = arith.constant 0 : index
    %swap3A_41 = vector.load %arg4[%swap3A_38, %swap3A_39, %swap3A_40] : memref<1x72x17xi32, #tpu.memory_space<vmem>>, vector<1x72x1xi32>
    %swap3A_42 = vector.shape_cast %swap3A_41 : vector<1x72x1xi32> to vector<72x1xi32>
    %swap3A_43 = vector.shape_cast %broadcast_in_dim3A_37 : vector<72x1xi32> to vector<1x72x1xi32>
    tpu.vector_store %arg4[%swap3A_38, %swap3A_39, %swap3A_40], %swap3A_43 {strides = array<i32>} : memref<1x72x17xi32, #tpu.memory_space<vmem>>, vector<1x72x1xi32>,
    %eq3A_44 = vector.broadcast %broadcast_in_dim3A_37 : vector<72x1xi32> to vector<72x128xi32>
    %eq3A_45 = arith.cmpi eq, %iota3A, %eq3A_44 : vector<72x128xi32>
    %jit3A_46 = arith.constant 0x7F800000 : f32
    %broadcast_in_dim3A_47 = vector.broadcast %jit3A_46 : f32 to vector<72x128xf32>
    %select_n3A_48 = arith.select %eq3A_45, %broadcast_in_dim3A_47, %get3A_30 : vector<72x128xi1>, vector<72x128xf32>
    %swap3A_49 = arith.constant 0 : index
    %swap3A_50 = arith.constant 0 : index
    %swap3A_51 = vector.load %arg5[%swap3A_49, %swap3A_50] : memref<72x128xf32, #tpu.memory_space<vmem>>, vector<72x128xf32>
    tpu.vector_store %arg5[%swap3A_49, %swap3A_50], %select_n3A_48 {strides = array<i32>} : memref<72x128xf32, #tpu.memory_space<vmem>>, vector<72x128xf32>,
    %get3A_52 = arith.constant 0 : index
    %get3A_53 = arith.constant 0 : index
    %get3A_54 = vector.load %arg5[%get3A_52, %get3A_53] : memref<72x128xf32, #tpu.memory_space<vmem>>, vector<72x128xf32>
    %reduce_min3A_55 = arith.constant dense<0x7F800000> : vector<72xf32>
    %reduce_min3A_56 = vector.multi_reduction <minimumf>, %get3A_54, %reduce_min3A_55 [1] : vector<72x128xf32> to vector<72xf32>
    %broadcast_in_dim3A_57 = vector.shape_cast %reduce_min3A_56 : vector<72xf32> to vector<72x1xf32>
    %eq3A_58 = vector.broadcast %broadcast_in_dim3A_57 : vector<72x1xf32> to vector<72x128xf32>
    %eq3A_59 = arith.cmpf oeq, %get3A_54, %eq3A_58 : vector<72x128xf32>
    %jit3A_60 = arith.constant 1073741824 : i32
    %broadcast_in_dim3A_61 = vector.broadcast %jit3A_60 : i32 to vector<72x128xi32>
    %select_n3A_62 = arith.select %eq3A_59, %iota3A, %broadcast_in_dim3A_61 : vector<72x128xi1>, vector<72x128xi32>
    %reduce_min3A_63 = arith.constant dense<2147483647> : vector<72xi32>
    %reduce_min3A_64 = vector.multi_reduction <minsi>, %select_n3A_62, %reduce_min3A_63 [1] : vector<72x128xi32> to vector<72xi32>
    %broadcast_in_dim3A_65 = vector.shape_cast %reduce_min3A_64 : vector<72xi32> to vector<72x1xi32>
    %swap3A_66 = arith.constant 0 : index
    %swap3A_67 = arith.constant 0 : index
    %swap3A_68 = arith.constant 1 : index
    %swap3A_69 = vector.load %arg4[%swap3A_66, %swap3A_67, %swap3A_68] : memref<1x72x17xi32, #tpu.memory_space<vmem>>, vector<1x72x1xi32>
    %swap3A_70 = vector.shape_cast %swap3A_69 : vector<1x72x1xi32> to vector<72x1xi32>
    %swap3A_71 = vector.shape_cast %broadcast_in_dim3A_65 : vector<72x1xi32> to vector<1x72x1xi32>
    tpu.vector_store %arg4[%swap3A_66, %swap3A_67, %swap3A_68], %swap3A_71 {strides = array<i32>} : memref<1x72x17xi32, #tpu.memory_space<vmem>>, vector<1x72x1xi32>,
    %eq3A_72 = vector.broadcast %broadcast_in_dim3A_65 : vector<72x1xi32> to vector<72x128xi32>
    %eq3A_73 = arith.cmpi eq, %iota3A, %eq3A_72 : vector<72x128xi32>
    %jit3A_74 = arith.constant 0x7F800000 : f32
    %broadcast_in_dim3A_75 = vector.broadcast %jit3A_74 : f32 to vector<72x128xf32>
    %select_n3A_76 = arith.select %eq3A_73, %broadcast_in_dim3A_75, %get3A_54 : vector<72x128xi1>, vector<72x128xf32>
    %swap3A_77 = arith.constant 0 : index
    %swap3A_78 = arith.constant 0 : index
    %swap3A_79 = vector.load %arg5[%swap3A_77, %swap3A_78] : memref<72x128xf32, #tpu.memory_space<vmem>>, vector<72x128xf32>
    tpu.vector_store %arg5[%swap3A_77, %swap3A_78], %select_n3A_76 {strides = array<i32>} : memref<72x128xf32, #tpu.memory_space<vmem>>, vector<72x128xf32>,
    %get3A_80 = arith.constant 0 : index
    %get3A_81 = arith.constant 0 : index
    %get3A_82 = vector.load %arg5[%get3A_80, %get3A_81] : memref<72x128xf32, #tpu.memory_space<vmem>>, vector<72x128xf32>
    %reduce_min3A_83 = arith.constant dense<0x7F800000> : vector<72xf32>
    %reduce_min3A_84 = vector.multi_reduction <minimumf>, %get3A_82, %reduce_min3A_83 [1] : vector<72x128xf32> to vector<72xf32>
    %broadcast_in_dim3A_85 = vector.shape_cast %reduce_min3A_84 : vector<72xf32> to vector<72x1xf32>
    %eq3A_86 = vector.broadcast %broadcast_in_dim3A_85 : vector<72x1xf32> to vector<72x128xf32>
    %eq3A_87 = arith.cmpf oeq, %get3A_82, %eq3A_86 : vector<72x128xf32>
    %jit3A_88 = arith.constant 1073741824 : i32
    %broadcast_in_dim3A_89 = vector.broadcast %jit3A_88 : i32 to vector<72x128xi32>
    %select_n3A_90 = arith.select %eq3A_87, %iota3A, %broadcast_in_dim3A_89 : vector<72x128xi1>, vector<72x128xi32>
    %reduce_min3A_91 = arith.constant dense<2147483647> : vector<72xi32>
    %reduce_min3A_92 = vector.multi_reduction <minsi>, %select_n3A_90, %reduce_min3A_91 [1] : vector<72x128xi32> to vector<72xi32>
    %broadcast_in_dim3A_93 = vector.shape_cast %reduce_min3A_92 : vector<72xi32> to vector<72x1xi32>
    %swap3A_94 = arith.constant 0 : index
    %swap3A_95 = arith.constant 0 : index
    %swap3A_96 = arith.constant 2 : index
    %swap3A_97 = vector.load %arg4[%swap3A_94, %swap3A_95, %swap3A_96] : memref<1x72x17xi32, #tpu.memory_space<vmem>>, vector<1x72x1xi32>
    %swap3A_98 = vector.shape_cast %swap3A_97 : vector<1x72x1xi32> to vector<72x1xi32>
    %swap3A_99 = vector.shape_cast %broadcast_in_dim3A_93 : vector<72x1xi32> to vector<1x72x1xi32>
    tpu.vector_store %arg4[%swap3A_94, %swap3A_95, %swap3A_96], %swap3A_99 {strides = array<i32>} : memref<1x72x17xi32, #tpu.memory_space<vmem>>, vector<1x72x1xi32>,
    %eq3A_100 = vector.broadcast %broadcast_in_dim3A_93 : vector<72x1xi32> to vector<72x128xi32>
    %eq3A_101 = arith.cmpi eq, %iota3A, %eq3A_100 : vector<72x128xi32>
    %jit3A_102 = arith.constant 0x7F800000 : f32
    %broadcast_in_dim3A_103 = vector.broadcast %jit3A_102 : f32 to vector<72x128xf32>
    %select_n3A_104 = arith.select %eq3A_101, %broadcast_in_dim3A_103, %get3A_82 : vector<72x128xi1>, vector<72x128xf32>
    %swap3A_105 = arith.constant 0 : index
    %swap3A_106 = arith.constant 0 : index
    %swap3A_107 = vector.load %arg5[%swap3A_105, %swap3A_106] : memref<72x128xf32, #tpu.memory_space<vmem>>, vector<72x128xf32>
    tpu.vector_store %arg5[%swap3A_105, %swap3A_106], %select_n3A_104 {strides = array<i32>} : memref<72x128xf32, #tpu.memory_space<vmem>>, vector<72x128xf32>,
    %get3A_108 = arith.constant 0 : index
    %get3A_109 = arith.constant 0 : index
    %get3A_110 = vector.load %arg5[%get3A_108, %get3A_109] : memref<72x128xf32, #tpu.memory_space<vmem>>, vector<72x128xf32>
    %reduce_min3A_111 = arith.constant dense<0x7F800000> : vector<72xf32>
    %reduce_min3A_112 = vector.multi_reduction <minimumf>, %get3A_110, %reduce_min3A_111 [1] : vector<72x128xf32> to vector<72xf32>
    %broadcast_in_dim3A_113 = vector.shape_cast %reduce_min3A_112 : vector<72xf32> to vector<72x1xf32>
    %eq3A_114 = vector.broadcast %broadcast_in_dim3A_113 : vector<72x1xf32> to vector<72x128xf32>
    %eq3A_115 = arith.cmpf oeq, %get3A_110, %eq3A_114 : vector<72x128xf32>
    %jit3A_116 = arith.constant 1073741824 : i32
    %broadcast_in_dim3A_117 = vector.broadcast %jit3A_116 : i32 to vector<72x128xi32>
    %select_n3A_118 = arith.select %eq3A_115, %iota3A, %broadcast_in_dim3A_117 : vector<72x128xi1>, vector<72x128xi32>
    %reduce_min3A_119 = arith.constant dense<2147483647> : vector<72xi32>
    %reduce_min3A_120 = vector.multi_reduction <minsi>, %select_n3A_118, %reduce_min3A_119 [1] : vector<72x128xi32> to vector<72xi32>
    %broadcast_in_dim3A_121 = vector.shape_cast %reduce_min3A_120 : vector<72xi32> to vector<72x1xi32>
    %swap3A_122 = arith.constant 0 : index
    %swap3A_123 = arith.constant 0 : index
    %swap3A_124 = arith.constant 3 : index
    %swap3A_125 = vector.load %arg4[%swap3A_122, %swap3A_123, %swap3A_124] : memref<1x72x17xi32, #tpu.memory_space<vmem>>, vector<1x72x1xi32>
    %swap3A_126 = vector.shape_cast %swap3A_125 : vector<1x72x1xi32> to vector<72x1xi32>
    %swap3A_127 = vector.shape_cast %broadcast_in_dim3A_121 : vector<72x1xi32> to vector<1x72x1xi32>
    tpu.vector_store %arg4[%swap3A_122, %swap3A_123, %swap3A_124], %swap3A_127 {strides = array<i32>} : memref<1x72x17xi32, #tpu.memory_space<vmem>>, vector<1x72x1xi32>,
    %eq3A_128 = vector.broadcast %broadcast_in_dim3A_121 : vector<72x1xi32> to vector<72x128xi32>
    %eq3A_129 = arith.cmpi eq, %iota3A, %eq3A_128 : vector<72x128xi32>
    %jit3A_130 = arith.constant 0x7F800000 : f32
    %broadcast_in_dim3A_131 = vector.broadcast %jit3A_130 : f32 to vector<72x128xf32>
    %select_n3A_132 = arith.select %eq3A_129, %broadcast_in_dim3A_131, %get3A_110 : vector<72x128xi1>, vector<72x128xf32>
    %swap3A_133 = arith.constant 0 : index
    %swap3A_134 = arith.constant 0 : index
    %swap3A_135 = vector.load %arg5[%swap3A_133, %swap3A_134] : memref<72x128xf32, #tpu.memory_space<vmem>>, vector<72x128xf32>
    tpu.vector_store %arg5[%swap3A_133, %swap3A_134], %select_n3A_132 {strides = array<i32>} : memref<72x128xf32, #tpu.memory_space<vmem>>, vector<72x128xf32>,
    %get3A_136 = arith.constant 0 : index
    %get3A_137 = arith.constant 0 : index
    %get3A_138 = vector.load %arg5[%get3A_136, %get3A_137] : memref<72x128xf32, #tpu.memory_space<vmem>>, vector<72x128xf32>
    %reduce_min3A_139 = arith.constant dense<0x7F800000> : vector<72xf32>
    %reduce_min3A_140 = vector.multi_reduction <minimumf>, %get3A_138, %reduce_min3A_139 [1] : vector<72x128xf32> to vector<72xf32>
    %broadcast_in_dim3A_141 = vector.shape_cast %reduce_min3A_140 : vector<72xf32> to vector<72x1xf32>
    %eq3A_142 = vector.broadcast %broadcast_in_dim3A_141 : vector<72x1xf32> to vector<72x128xf32>
    %eq3A_143 = arith.cmpf oeq, %get3A_138, %eq3A_142 : vector<72x128xf32>
    %jit3A_144 = arith.constant 1073741824 : i32
    %broadcast_in_dim3A_145 = vector.broadcast %jit3A_144 : i32 to vector<72x128xi32>
    %select_n3A_146 = arith.select %eq3A_143, %iota3A, %broadcast_in_dim3A_145 : vector<72x128xi1>, vector<72x128xi32>
    %reduce_min3A_147 = arith.constant dense<2147483647> : vector<72xi32>
    %reduce_min3A_148 = vector.multi_reduction <minsi>, %select_n3A_146, %reduce_min3A_147 [1] : vector<72x128xi32> to vector<72xi32>
    %broadcast_in_dim3A_149 = vector.shape_cast %reduce_min3A_148 : vector<72xi32> to vector<72x1xi32>
    %swap3A_150 = arith.constant 0 : index
    %swap3A_151 = arith.constant 0 : index
    %swap3A_152 = arith.constant 4 : index
    %swap3A_153 = vector.load %arg4[%swap3A_150, %swap3A_151, %swap3A_152] : memref<1x72x17xi32, #tpu.memory_space<vmem>>, vector<1x72x1xi32>
    %swap3A_154 = vector.shape_cast %swap3A_153 : vector<1x72x1xi32> to vector<72x1xi32>
    %swap3A_155 = vector.shape_cast %broadcast_in_dim3A_149 : vector<72x1xi32> to vector<1x72x1xi32>
    tpu.vector_store %arg4[%swap3A_150, %swap3A_151, %swap3A_152], %swap3A_155 {strides = array<i32>} : memref<1x72x17xi32, #tpu.memory_space<vmem>>, vector<1x72x1xi32>,
    %eq3A_156 = vector.broadcast %broadcast_in_dim3A_149 : vector<72x1xi32> to vector<72x128xi32>
    %eq3A_157 = arith.cmpi eq, %iota3A, %eq3A_156 : vector<72x128xi32>
    %jit3A_158 = arith.constant 0x7F800000 : f32
    %broadcast_in_dim3A_159 = vector.broadcast %jit3A_158 : f32 to vector<72x128xf32>
    %select_n3A_160 = arith.select %eq3A_157, %broadcast_in_dim3A_159, %get3A_138 : vector<72x128xi1>, vector<72x128xf32>
    %swap3A_161 = arith.constant 0 : index
    %swap3A_162 = arith.constant 0 : index
    %swap3A_163 = vector.load %arg5[%swap3A_161, %swap3A_162] : memref<72x128xf32, #tpu.memory_space<vmem>>, vector<72x128xf32>
    tpu.vector_store %arg5[%swap3A_161, %swap3A_162], %select_n3A_160 {strides = array<i32>} : memref<72x128xf32, #tpu.memory_space<vmem>>, vector<72x128xf32>,
    %get3A_164 = arith.constant 0 : index
    %get3A_165 = arith.constant 0 : index
    %get3A_166 = vector.load %arg5[%get3A_164, %get3A_165] : memref<72x128xf32, #tpu.memory_space<vmem>>, vector<72x128xf32>
    %reduce_min3A_167 = arith.constant dense<0x7F800000> : vector<72xf32>
    %reduce_min3A_168 = vector.multi_reduction <minimumf>, %get3A_166, %reduce_min3A_167 [1] : vector<72x128xf32> to vector<72xf32>
    %broadcast_in_dim3A_169 = vector.shape_cast %reduce_min3A_168 : vector<72xf32> to vector<72x1xf32>
    %eq3A_170 = vector.broadcast %broadcast_in_dim3A_169 : vector<72x1xf32> to vector<72x128xf32>
    %eq3A_171 = arith.cmpf oeq, %get3A_166, %eq3A_170 : vector<72x128xf32>
    %jit3A_172 = arith.constant 1073741824 : i32
    %broadcast_in_dim3A_173 = vector.broadcast %jit3A_172 : i32 to vector<72x128xi32>
    %select_n3A_174 = arith.select %eq3A_171, %iota3A, %broadcast_in_dim3A_173 : vector<72x128xi1>, vector<72x128xi32>
    %reduce_min3A_175 = arith.constant dense<2147483647> : vector<72xi32>
    %reduce_min3A_176 = vector.multi_reduction <minsi>, %select_n3A_174, %reduce_min3A_175 [1] : vector<72x128xi32> to vector<72xi32>
    %broadcast_in_dim3A_177 = vector.shape_cast %reduce_min3A_176 : vector<72xi32> to vector<72x1xi32>
    %swap3A_178 = arith.constant 0 : index
    %swap3A_179 = arith.constant 0 : index
    %swap3A_180 = arith.constant 5 : index
    %swap3A_181 = vector.load %arg4[%swap3A_178, %swap3A_179, %swap3A_180] : memref<1x72x17xi32, #tpu.memory_space<vmem>>, vector<1x72x1xi32>
    %swap3A_182 = vector.shape_cast %swap3A_181 : vector<1x72x1xi32> to vector<72x1xi32>
    %swap3A_183 = vector.shape_cast %broadcast_in_dim3A_177 : vector<72x1xi32> to vector<1x72x1xi32>
    tpu.vector_store %arg4[%swap3A_178, %swap3A_179, %swap3A_180], %swap3A_183 {strides = array<i32>} : memref<1x72x17xi32, #tpu.memory_space<vmem>>, vector<1x72x1xi32>,
    %eq3A_184 = vector.broadcast %broadcast_in_dim3A_177 : vector<72x1xi32> to vector<72x128xi32>
    %eq3A_185 = arith.cmpi eq, %iota3A, %eq3A_184 : vector<72x128xi32>
    %jit3A_186 = arith.constant 0x7F800000 : f32
    %broadcast_in_dim3A_187 = vector.broadcast %jit3A_186 : f32 to vector<72x128xf32>
    %select_n3A_188 = arith.select %eq3A_185, %broadcast_in_dim3A_187, %get3A_166 : vector<72x128xi1>, vector<72x128xf32>
    %swap3A_189 = arith.constant 0 : index
    %swap3A_190 = arith.constant 0 : index
    %swap3A_191 = vector.load %arg5[%swap3A_189, %swap3A_190] : memref<72x128xf32, #tpu.memory_space<vmem>>, vector<72x128xf32>
    tpu.vector_store %arg5[%swap3A_189, %swap3A_190], %select_n3A_188 {strides = array<i32>} : memref<72x128xf32, #tpu.memory_space<vmem>>, vector<72x128xf32>,
    %get3A_192 = arith.constant 0 : index
    %get3A_193 = arith.constant 0 : index
    %get3A_194 = vector.load %arg5[%get3A_192, %get3A_193] : memref<72x128xf32, #tpu.memory_space<vmem>>, vector<72x128xf32>
    %reduce_min3A_195 = arith.constant dense<0x7F800000> : vector<72xf32>
    %reduce_min3A_196 = vector.multi_reduction <minimumf>, %get3A_194, %reduce_min3A_195 [1] : vector<72x128xf32> to vector<72xf32>
    %broadcast_in_dim3A_197 = vector.shape_cast %reduce_min3A_196 : vector<72xf32> to vector<72x1xf32>
    %eq3A_198 = vector.broadcast %broadcast_in_dim3A_197 : vector<72x1xf32> to vector<72x128xf32>
    %eq3A_199 = arith.cmpf oeq, %get3A_194, %eq3A_198 : vector<72x128xf32>
    %jit3A_200 = arith.constant 1073741824 : i32
    %broadcast_in_dim3A_201 = vector.broadcast %jit3A_200 : i32 to vector<72x128xi32>
    %select_n3A_202 = arith.select %eq3A_199, %iota3A, %broadcast_in_dim3A_201 : vector<72x128xi1>, vector<72x128xi32>
    %reduce_min3A_203 = arith.constant dense<2147483647> : vector<72xi32>
    %reduce_min3A_204 = vector.multi_reduction <minsi>, %select_n3A_202, %reduce_min3A_203 [1] : vector<72x128xi32> to vector<72xi32>
    %broadcast_in_dim3A_205 = vector.shape_cast %reduce_min3A_204 : vector<72xi32> to vector<72x1xi32>
    %swap3A_206 = arith.constant 0 : index
    %swap3A_207 = arith.constant 0 : index
    %swap3A_208 = arith.constant 6 : index
    %swap3A_209 = vector.load %arg4[%swap3A_206, %swap3A_207, %swap3A_208] : memref<1x72x17xi32, #tpu.memory_space<vmem>>, vector<1x72x1xi32>
    %swap3A_210 = vector.shape_cast %swap3A_209 : vector<1x72x1xi32> to vector<72x1xi32>
    %swap3A_211 = vector.shape_cast %broadcast_in_dim3A_205 : vector<72x1xi32> to vector<1x72x1xi32>
    tpu.vector_store %arg4[%swap3A_206, %swap3A_207, %swap3A_208], %swap3A_211 {strides = array<i32>} : memref<1x72x17xi32, #tpu.memory_space<vmem>>, vector<1x72x1xi32>,
    %eq3A_212 = vector.broadcast %broadcast_in_dim3A_205 : vector<72x1xi32> to vector<72x128xi32>
    %eq3A_213 = arith.cmpi eq, %iota3A, %eq3A_212 : vector<72x128xi32>
    %jit3A_214 = arith.constant 0x7F800000 : f32
    %broadcast_in_dim3A_215 = vector.broadcast %jit3A_214 : f32 to vector<72x128xf32>
    %select_n3A_216 = arith.select %eq3A_213, %broadcast_in_dim3A_215, %get3A_194 : vector<72x128xi1>, vector<72x128xf32>
    %swap3A_217 = arith.constant 0 : index
    %swap3A_218 = arith.constant 0 : index
    %swap3A_219 = vector.load %arg5[%swap3A_217, %swap3A_218] : memref<72x128xf32, #tpu.memory_space<vmem>>, vector<72x128xf32>
    tpu.vector_store %arg5[%swap3A_217, %swap3A_218], %select_n3A_216 {strides = array<i32>} : memref<72x128xf32, #tpu.memory_space<vmem>>, vector<72x128xf32>,
    %get3A_220 = arith.constant 0 : index
    %get3A_221 = arith.constant 0 : index
    %get3A_222 = vector.load %arg5[%get3A_220, %get3A_221] : memref<72x128xf32, #tpu.memory_space<vmem>>, vector<72x128xf32>
    %reduce_min3A_223 = arith.constant dense<0x7F800000> : vector<72xf32>
    %reduce_min3A_224 = vector.multi_reduction <minimumf>, %get3A_222, %reduce_min3A_223 [1] : vector<72x128xf32> to vector<72xf32>
    %broadcast_in_dim3A_225 = vector.shape_cast %reduce_min3A_224 : vector<72xf32> to vector<72x1xf32>
    %eq3A_226 = vector.broadcast %broadcast_in_dim3A_225 : vector<72x1xf32> to vector<72x128xf32>
    %eq3A_227 = arith.cmpf oeq, %get3A_222, %eq3A_226 : vector<72x128xf32>
    %jit3A_228 = arith.constant 1073741824 : i32
    %broadcast_in_dim3A_229 = vector.broadcast %jit3A_228 : i32 to vector<72x128xi32>
    %select_n3A_230 = arith.select %eq3A_227, %iota3A, %broadcast_in_dim3A_229 : vector<72x128xi1>, vector<72x128xi32>
    %reduce_min3A_231 = arith.constant dense<2147483647> : vector<72xi32>
    %reduce_min3A_232 = vector.multi_reduction <minsi>, %select_n3A_230, %reduce_min3A_231 [1] : vector<72x128xi32> to vector<72xi32>
    %broadcast_in_dim3A_233 = vector.shape_cast %reduce_min3A_232 : vector<72xi32> to vector<72x1xi32>
    %swap3A_234 = arith.constant 0 : index
    %swap3A_235 = arith.constant 0 : index
    %swap3A_236 = arith.constant 7 : index
    %swap3A_237 = vector.load %arg4[%swap3A_234, %swap3A_235, %swap3A_236] : memref<1x72x17xi32, #tpu.memory_space<vmem>>, vector<1x72x1xi32>
    %swap3A_238 = vector.shape_cast %swap3A_237 : vector<1x72x1xi32> to vector<72x1xi32>
    %swap3A_239 = vector.shape_cast %broadcast_in_dim3A_233 : vector<72x1xi32> to vector<1x72x1xi32>
    tpu.vector_store %arg4[%swap3A_234, %swap3A_235, %swap3A_236], %swap3A_239 {strides = array<i32>} : memref<1x72x17xi32, #tpu.memory_space<vmem>>, vector<1x72x1xi32>,
    %eq3A_240 = vector.broadcast %broadcast_in_dim3A_233 : vector<72x1xi32> to vector<72x128xi32>
    %eq3A_241 = arith.cmpi eq, %iota3A, %eq3A_240 : vector<72x128xi32>
    %jit3A_242 = arith.constant 0x7F800000 : f32
    %broadcast_in_dim3A_243 = vector.broadcast %jit3A_242 : f32 to vector<72x128xf32>
    %select_n3A_244 = arith.select %eq3A_241, %broadcast_in_dim3A_243, %get3A_222 : vector<72x128xi1>, vector<72x128xf32>
    %swap3A_245 = arith.constant 0 : index
    %swap3A_246 = arith.constant 0 : index
    %swap3A_247 = vector.load %arg5[%swap3A_245, %swap3A_246] : memref<72x128xf32, #tpu.memory_space<vmem>>, vector<72x128xf32>
    tpu.vector_store %arg5[%swap3A_245, %swap3A_246], %select_n3A_244 {strides = array<i32>} : memref<72x128xf32, #tpu.memory_space<vmem>>, vector<72x128xf32>,
    %get3A_248 = arith.constant 0 : index
    %get3A_249 = arith.constant 0 : index
    %get3A_250 = vector.load %arg5[%get3A_248, %get3A_249] : memref<72x128xf32, #tpu.memory_space<vmem>>, vector<72x128xf32>
    %reduce_min3A_251 = arith.constant dense<0x7F800000> : vector<72xf32>
    %reduce_min3A_252 = vector.multi_reduction <minimumf>, %get3A_250, %reduce_min3A_251 [1] : vector<72x128xf32> to vector<72xf32>
    %broadcast_in_dim3A_253 = vector.shape_cast %reduce_min3A_252 : vector<72xf32> to vector<72x1xf32>
    %eq3A_254 = vector.broadcast %broadcast_in_dim3A_253 : vector<72x1xf32> to vector<72x128xf32>
    %eq3A_255 = arith.cmpf oeq, %get3A_250, %eq3A_254 : vector<72x128xf32>
    %jit3A_256 = arith.constant 1073741824 : i32
    %broadcast_in_dim3A_257 = vector.broadcast %jit3A_256 : i32 to vector<72x128xi32>
    %select_n3A_258 = arith.select %eq3A_255, %iota3A, %broadcast_in_dim3A_257 : vector<72x128xi1>, vector<72x128xi32>
    %reduce_min3A_259 = arith.constant dense<2147483647> : vector<72xi32>
    %reduce_min3A_260 = vector.multi_reduction <minsi>, %select_n3A_258, %reduce_min3A_259 [1] : vector<72x128xi32> to vector<72xi32>
    %broadcast_in_dim3A_261 = vector.shape_cast %reduce_min3A_260 : vector<72xi32> to vector<72x1xi32>
    %swap3A_262 = arith.constant 0 : index
    %swap3A_263 = arith.constant 0 : index
    %swap3A_264 = arith.constant 8 : index
    %swap3A_265 = vector.load %arg4[%swap3A_262, %swap3A_263, %swap3A_264] : memref<1x72x17xi32, #tpu.memory_space<vmem>>, vector<1x72x1xi32>
    %swap3A_266 = vector.shape_cast %swap3A_265 : vector<1x72x1xi32> to vector<72x1xi32>
    %swap3A_267 = vector.shape_cast %broadcast_in_dim3A_261 : vector<72x1xi32> to vector<1x72x1xi32>
    tpu.vector_store %arg4[%swap3A_262, %swap3A_263, %swap3A_264], %swap3A_267 {strides = array<i32>} : memref<1x72x17xi32, #tpu.memory_space<vmem>>, vector<1x72x1xi32>,
    %eq3A_268 = vector.broadcast %broadcast_in_dim3A_261 : vector<72x1xi32> to vector<72x128xi32>
    %eq3A_269 = arith.cmpi eq, %iota3A, %eq3A_268 : vector<72x128xi32>
    %jit3A_270 = arith.constant 0x7F800000 : f32
    %broadcast_in_dim3A_271 = vector.broadcast %jit3A_270 : f32 to vector<72x128xf32>
    %select_n3A_272 = arith.select %eq3A_269, %broadcast_in_dim3A_271, %get3A_250 : vector<72x128xi1>, vector<72x128xf32>
    %swap3A_273 = arith.constant 0 : index
    %swap3A_274 = arith.constant 0 : index
    %swap3A_275 = vector.load %arg5[%swap3A_273, %swap3A_274] : memref<72x128xf32, #tpu.memory_space<vmem>>, vector<72x128xf32>
    tpu.vector_store %arg5[%swap3A_273, %swap3A_274], %select_n3A_272 {strides = array<i32>} : memref<72x128xf32, #tpu.memory_space<vmem>>, vector<72x128xf32>,
    %get3A_276 = arith.constant 0 : index
    %get3A_277 = arith.constant 0 : index
    %get3A_278 = vector.load %arg5[%get3A_276, %get3A_277] : memref<72x128xf32, #tpu.memory_space<vmem>>, vector<72x128xf32>
    %reduce_min3A_279 = arith.constant dense<0x7F800000> : vector<72xf32>
    %reduce_min3A_280 = vector.multi_reduction <minimumf>, %get3A_278, %reduce_min3A_279 [1] : vector<72x128xf32> to vector<72xf32>
    %broadcast_in_dim3A_281 = vector.shape_cast %reduce_min3A_280 : vector<72xf32> to vector<72x1xf32>
    %eq3A_282 = vector.broadcast %broadcast_in_dim3A_281 : vector<72x1xf32> to vector<72x128xf32>
    %eq3A_283 = arith.cmpf oeq, %get3A_278, %eq3A_282 : vector<72x128xf32>
    %jit3A_284 = arith.constant 1073741824 : i32
    %broadcast_in_dim3A_285 = vector.broadcast %jit3A_284 : i32 to vector<72x128xi32>
    %select_n3A_286 = arith.select %eq3A_283, %iota3A, %broadcast_in_dim3A_285 : vector<72x128xi1>, vector<72x128xi32>
    %reduce_min3A_287 = arith.constant dense<2147483647> : vector<72xi32>
    %reduce_min3A_288 = vector.multi_reduction <minsi>, %select_n3A_286, %reduce_min3A_287 [1] : vector<72x128xi32> to vector<72xi32>
    %broadcast_in_dim3A_289 = vector.shape_cast %reduce_min3A_288 : vector<72xi32> to vector<72x1xi32>
    %swap3A_290 = arith.constant 0 : index
    %swap3A_291 = arith.constant 0 : index
    %swap3A_292 = arith.constant 9 : index
    %swap3A_293 = vector.load %arg4[%swap3A_290, %swap3A_291, %swap3A_292] : memref<1x72x17xi32, #tpu.memory_space<vmem>>, vector<1x72x1xi32>
    %swap3A_294 = vector.shape_cast %swap3A_293 : vector<1x72x1xi32> to vector<72x1xi32>
    %swap3A_295 = vector.shape_cast %broadcast_in_dim3A_289 : vector<72x1xi32> to vector<1x72x1xi32>
    tpu.vector_store %arg4[%swap3A_290, %swap3A_291, %swap3A_292], %swap3A_295 {strides = array<i32>} : memref<1x72x17xi32, #tpu.memory_space<vmem>>, vector<1x72x1xi32>,
    %eq3A_296 = vector.broadcast %broadcast_in_dim3A_289 : vector<72x1xi32> to vector<72x128xi32>
    %eq3A_297 = arith.cmpi eq, %iota3A, %eq3A_296 : vector<72x128xi32>
    %jit3A_298 = arith.constant 0x7F800000 : f32
    %broadcast_in_dim3A_299 = vector.broadcast %jit3A_298 : f32 to vector<72x128xf32>
    %select_n3A_300 = arith.select %eq3A_297, %broadcast_in_dim3A_299, %get3A_278 : vector<72x128xi1>, vector<72x128xf32>
    %swap3A_301 = arith.constant 0 : index
    %swap3A_302 = arith.constant 0 : index
    %swap3A_303 = vector.load %arg5[%swap3A_301, %swap3A_302] : memref<72x128xf32, #tpu.memory_space<vmem>>, vector<72x128xf32>
    tpu.vector_store %arg5[%swap3A_301, %swap3A_302], %select_n3A_300 {strides = array<i32>} : memref<72x128xf32, #tpu.memory_space<vmem>>, vector<72x128xf32>,
    %get3A_304 = arith.constant 0 : index
    %get3A_305 = arith.constant 0 : index
    %get3A_306 = vector.load %arg5[%get3A_304, %get3A_305] : memref<72x128xf32, #tpu.memory_space<vmem>>, vector<72x128xf32>
    %reduce_min3A_307 = arith.constant dense<0x7F800000> : vector<72xf32>
    %reduce_min3A_308 = vector.multi_reduction <minimumf>, %get3A_306, %reduce_min3A_307 [1] : vector<72x128xf32> to vector<72xf32>
    %broadcast_in_dim3A_309 = vector.shape_cast %reduce_min3A_308 : vector<72xf32> to vector<72x1xf32>
    %eq3A_310 = vector.broadcast %broadcast_in_dim3A_309 : vector<72x1xf32> to vector<72x128xf32>
    %eq3A_311 = arith.cmpf oeq, %get3A_306, %eq3A_310 : vector<72x128xf32>
    %jit3A_312 = arith.constant 1073741824 : i32
    %broadcast_in_dim3A_313 = vector.broadcast %jit3A_312 : i32 to vector<72x128xi32>
    %select_n3A_314 = arith.select %eq3A_311, %iota3A, %broadcast_in_dim3A_313 : vector<72x128xi1>, vector<72x128xi32>
    %reduce_min3A_315 = arith.constant dense<2147483647> : vector<72xi32>
    %reduce_min3A_316 = vector.multi_reduction <minsi>, %select_n3A_314, %reduce_min3A_315 [1] : vector<72x128xi32> to vector<72xi32>
    %broadcast_in_dim3A_317 = vector.shape_cast %reduce_min3A_316 : vector<72xi32> to vector<72x1xi32>
    %swap3A_318 = arith.constant 0 : index
    %swap3A_319 = arith.constant 0 : index
    %swap3A_320 = arith.constant 10 : index
    %swap3A_321 = vector.load %arg4[%swap3A_318, %swap3A_319, %swap3A_320] : memref<1x72x17xi32, #tpu.memory_space<vmem>>, vector<1x72x1xi32>
    %swap3A_322 = vector.shape_cast %swap3A_321 : vector<1x72x1xi32> to vector<72x1xi32>
    %swap3A_323 = vector.shape_cast %broadcast_in_dim3A_317 : vector<72x1xi32> to vector<1x72x1xi32>
    tpu.vector_store %arg4[%swap3A_318, %swap3A_319, %swap3A_320], %swap3A_323 {strides = array<i32>} : memref<1x72x17xi32, #tpu.memory_space<vmem>>, vector<1x72x1xi32>,
    %eq3A_324 = vector.broadcast %broadcast_in_dim3A_317 : vector<72x1xi32> to vector<72x128xi32>
    %eq3A_325 = arith.cmpi eq, %iota3A, %eq3A_324 : vector<72x128xi32>
    %jit3A_326 = arith.constant 0x7F800000 : f32
    %broadcast_in_dim3A_327 = vector.broadcast %jit3A_326 : f32 to vector<72x128xf32>
    %select_n3A_328 = arith.select %eq3A_325, %broadcast_in_dim3A_327, %get3A_306 : vector<72x128xi1>, vector<72x128xf32>
    %swap3A_329 = arith.constant 0 : index
    %swap3A_330 = arith.constant 0 : index
    %swap3A_331 = vector.load %arg5[%swap3A_329, %swap3A_330] : memref<72x128xf32, #tpu.memory_space<vmem>>, vector<72x128xf32>
    tpu.vector_store %arg5[%swap3A_329, %swap3A_330], %select_n3A_328 {strides = array<i32>} : memref<72x128xf32, #tpu.memory_space<vmem>>, vector<72x128xf32>,
    %get3A_332 = arith.constant 0 : index
    %get3A_333 = arith.constant 0 : index
    %get3A_334 = vector.load %arg5[%get3A_332, %get3A_333] : memref<72x128xf32, #tpu.memory_space<vmem>>, vector<72x128xf32>
    %reduce_min3A_335 = arith.constant dense<0x7F800000> : vector<72xf32>
    %reduce_min3A_336 = vector.multi_reduction <minimumf>, %get3A_334, %reduce_min3A_335 [1] : vector<72x128xf32> to vector<72xf32>
    %broadcast_in_dim3A_337 = vector.shape_cast %reduce_min3A_336 : vector<72xf32> to vector<72x1xf32>
    %eq3A_338 = vector.broadcast %broadcast_in_dim3A_337 : vector<72x1xf32> to vector<72x128xf32>
    %eq3A_339 = arith.cmpf oeq, %get3A_334, %eq3A_338 : vector<72x128xf32>
    %jit3A_340 = arith.constant 1073741824 : i32
    %broadcast_in_dim3A_341 = vector.broadcast %jit3A_340 : i32 to vector<72x128xi32>
    %select_n3A_342 = arith.select %eq3A_339, %iota3A, %broadcast_in_dim3A_341 : vector<72x128xi1>, vector<72x128xi32>
    %reduce_min3A_343 = arith.constant dense<2147483647> : vector<72xi32>
    %reduce_min3A_344 = vector.multi_reduction <minsi>, %select_n3A_342, %reduce_min3A_343 [1] : vector<72x128xi32> to vector<72xi32>
    %broadcast_in_dim3A_345 = vector.shape_cast %reduce_min3A_344 : vector<72xi32> to vector<72x1xi32>
    %swap3A_346 = arith.constant 0 : index
    %swap3A_347 = arith.constant 0 : index
    %swap3A_348 = arith.constant 11 : index
    %swap3A_349 = vector.load %arg4[%swap3A_346, %swap3A_347, %swap3A_348] : memref<1x72x17xi32, #tpu.memory_space<vmem>>, vector<1x72x1xi32>
    %swap3A_350 = vector.shape_cast %swap3A_349 : vector<1x72x1xi32> to vector<72x1xi32>
    %swap3A_351 = vector.shape_cast %broadcast_in_dim3A_345 : vector<72x1xi32> to vector<1x72x1xi32>
    tpu.vector_store %arg4[%swap3A_346, %swap3A_347, %swap3A_348], %swap3A_351 {strides = array<i32>} : memref<1x72x17xi32, #tpu.memory_space<vmem>>, vector<1x72x1xi32>,
    %eq3A_352 = vector.broadcast %broadcast_in_dim3A_345 : vector<72x1xi32> to vector<72x128xi32>
    %eq3A_353 = arith.cmpi eq, %iota3A, %eq3A_352 : vector<72x128xi32>
    %jit3A_354 = arith.constant 0x7F800000 : f32
    %broadcast_in_dim3A_355 = vector.broadcast %jit3A_354 : f32 to vector<72x128xf32>
    %select_n3A_356 = arith.select %eq3A_353, %broadcast_in_dim3A_355, %get3A_334 : vector<72x128xi1>, vector<72x128xf32>
    %swap3A_357 = arith.constant 0 : index
    %swap3A_358 = arith.constant 0 : index
    %swap3A_359 = vector.load %arg5[%swap3A_357, %swap3A_358] : memref<72x128xf32, #tpu.memory_space<vmem>>, vector<72x128xf32>
    tpu.vector_store %arg5[%swap3A_357, %swap3A_358], %select_n3A_356 {strides = array<i32>} : memref<72x128xf32, #tpu.memory_space<vmem>>, vector<72x128xf32>,
    %get3A_360 = arith.constant 0 : index
    %get3A_361 = arith.constant 0 : index
    %get3A_362 = vector.load %arg5[%get3A_360, %get3A_361] : memref<72x128xf32, #tpu.memory_space<vmem>>, vector<72x128xf32>
    %reduce_min3A_363 = arith.constant dense<0x7F800000> : vector<72xf32>
    %reduce_min3A_364 = vector.multi_reduction <minimumf>, %get3A_362, %reduce_min3A_363 [1] : vector<72x128xf32> to vector<72xf32>
    %broadcast_in_dim3A_365 = vector.shape_cast %reduce_min3A_364 : vector<72xf32> to vector<72x1xf32>
    %eq3A_366 = vector.broadcast %broadcast_in_dim3A_365 : vector<72x1xf32> to vector<72x128xf32>
    %eq3A_367 = arith.cmpf oeq, %get3A_362, %eq3A_366 : vector<72x128xf32>
    %jit3A_368 = arith.constant 1073741824 : i32
    %broadcast_in_dim3A_369 = vector.broadcast %jit3A_368 : i32 to vector<72x128xi32>
    %select_n3A_370 = arith.select %eq3A_367, %iota3A, %broadcast_in_dim3A_369 : vector<72x128xi1>, vector<72x128xi32>
    %reduce_min3A_371 = arith.constant dense<2147483647> : vector<72xi32>
    %reduce_min3A_372 = vector.multi_reduction <minsi>, %select_n3A_370, %reduce_min3A_371 [1] : vector<72x128xi32> to vector<72xi32>
    %broadcast_in_dim3A_373 = vector.shape_cast %reduce_min3A_372 : vector<72xi32> to vector<72x1xi32>
    %swap3A_374 = arith.constant 0 : index
    %swap3A_375 = arith.constant 0 : index
    %swap3A_376 = arith.constant 12 : index
    %swap3A_377 = vector.load %arg4[%swap3A_374, %swap3A_375, %swap3A_376] : memref<1x72x17xi32, #tpu.memory_space<vmem>>, vector<1x72x1xi32>
    %swap3A_378 = vector.shape_cast %swap3A_377 : vector<1x72x1xi32> to vector<72x1xi32>
    %swap3A_379 = vector.shape_cast %broadcast_in_dim3A_373 : vector<72x1xi32> to vector<1x72x1xi32>
    tpu.vector_store %arg4[%swap3A_374, %swap3A_375, %swap3A_376], %swap3A_379 {strides = array<i32>} : memref<1x72x17xi32, #tpu.memory_space<vmem>>, vector<1x72x1xi32>,
    %eq3A_380 = vector.broadcast %broadcast_in_dim3A_373 : vector<72x1xi32> to vector<72x128xi32>
    %eq3A_381 = arith.cmpi eq, %iota3A, %eq3A_380 : vector<72x128xi32>
    %jit3A_382 = arith.constant 0x7F800000 : f32
    %broadcast_in_dim3A_383 = vector.broadcast %jit3A_382 : f32 to vector<72x128xf32>
    %select_n3A_384 = arith.select %eq3A_381, %broadcast_in_dim3A_383, %get3A_362 : vector<72x128xi1>, vector<72x128xf32>
    %swap3A_385 = arith.constant 0 : index
    %swap3A_386 = arith.constant 0 : index
    %swap3A_387 = vector.load %arg5[%swap3A_385, %swap3A_386] : memref<72x128xf32, #tpu.memory_space<vmem>>, vector<72x128xf32>
    tpu.vector_store %arg5[%swap3A_385, %swap3A_386], %select_n3A_384 {strides = array<i32>} : memref<72x128xf32, #tpu.memory_space<vmem>>, vector<72x128xf32>,
    %get3A_388 = arith.constant 0 : index
    %get3A_389 = arith.constant 0 : index
    %get3A_390 = vector.load %arg5[%get3A_388, %get3A_389] : memref<72x128xf32, #tpu.memory_space<vmem>>, vector<72x128xf32>
    %reduce_min3A_391 = arith.constant dense<0x7F800000> : vector<72xf32>
    %reduce_min3A_392 = vector.multi_reduction <minimumf>, %get3A_390, %reduce_min3A_391 [1] : vector<72x128xf32> to vector<72xf32>
    %broadcast_in_dim3A_393 = vector.shape_cast %reduce_min3A_392 : vector<72xf32> to vector<72x1xf32>
    %eq3A_394 = vector.broadcast %broadcast_in_dim3A_393 : vector<72x1xf32> to vector<72x128xf32>
    %eq3A_395 = arith.cmpf oeq, %get3A_390, %eq3A_394 : vector<72x128xf32>
    %jit3A_396 = arith.constant 1073741824 : i32
    %broadcast_in_dim3A_397 = vector.broadcast %jit3A_396 : i32 to vector<72x128xi32>
    %select_n3A_398 = arith.select %eq3A_395, %iota3A, %broadcast_in_dim3A_397 : vector<72x128xi1>, vector<72x128xi32>
    %reduce_min3A_399 = arith.constant dense<2147483647> : vector<72xi32>
    %reduce_min3A_400 = vector.multi_reduction <minsi>, %select_n3A_398, %reduce_min3A_399 [1] : vector<72x128xi32> to vector<72xi32>
    %broadcast_in_dim3A_401 = vector.shape_cast %reduce_min3A_400 : vector<72xi32> to vector<72x1xi32>
    %swap3A_402 = arith.constant 0 : index
    %swap3A_403 = arith.constant 0 : index
    %swap3A_404 = arith.constant 13 : index
    %swap3A_405 = vector.load %arg4[%swap3A_402, %swap3A_403, %swap3A_404] : memref<1x72x17xi32, #tpu.memory_space<vmem>>, vector<1x72x1xi32>
    %swap3A_406 = vector.shape_cast %swap3A_405 : vector<1x72x1xi32> to vector<72x1xi32>
    %swap3A_407 = vector.shape_cast %broadcast_in_dim3A_401 : vector<72x1xi32> to vector<1x72x1xi32>
    tpu.vector_store %arg4[%swap3A_402, %swap3A_403, %swap3A_404], %swap3A_407 {strides = array<i32>} : memref<1x72x17xi32, #tpu.memory_space<vmem>>, vector<1x72x1xi32>,
    %eq3A_408 = vector.broadcast %broadcast_in_dim3A_401 : vector<72x1xi32> to vector<72x128xi32>
    %eq3A_409 = arith.cmpi eq, %iota3A, %eq3A_408 : vector<72x128xi32>
    %jit3A_410 = arith.constant 0x7F800000 : f32
    %broadcast_in_dim3A_411 = vector.broadcast %jit3A_410 : f32 to vector<72x128xf32>
    %select_n3A_412 = arith.select %eq3A_409, %broadcast_in_dim3A_411, %get3A_390 : vector<72x128xi1>, vector<72x128xf32>
    %swap3A_413 = arith.constant 0 : index
    %swap3A_414 = arith.constant 0 : index
    %swap3A_415 = vector.load %arg5[%swap3A_413, %swap3A_414] : memref<72x128xf32, #tpu.memory_space<vmem>>, vector<72x128xf32>
    tpu.vector_store %arg5[%swap3A_413, %swap3A_414], %select_n3A_412 {strides = array<i32>} : memref<72x128xf32, #tpu.memory_space<vmem>>, vector<72x128xf32>,
    %get3A_416 = arith.constant 0 : index
    %get3A_417 = arith.constant 0 : index
    %get3A_418 = vector.load %arg5[%get3A_416, %get3A_417] : memref<72x128xf32, #tpu.memory_space<vmem>>, vector<72x128xf32>
    %reduce_min3A_419 = arith.constant dense<0x7F800000> : vector<72xf32>
    %reduce_min3A_420 = vector.multi_reduction <minimumf>, %get3A_418, %reduce_min3A_419 [1] : vector<72x128xf32> to vector<72xf32>
    %broadcast_in_dim3A_421 = vector.shape_cast %reduce_min3A_420 : vector<72xf32> to vector<72x1xf32>
    %eq3A_422 = vector.broadcast %broadcast_in_dim3A_421 : vector<72x1xf32> to vector<72x128xf32>
    %eq3A_423 = arith.cmpf oeq, %get3A_418, %eq3A_422 : vector<72x128xf32>
    %jit3A_424 = arith.constant 1073741824 : i32
    %broadcast_in_dim3A_425 = vector.broadcast %jit3A_424 : i32 to vector<72x128xi32>
    %select_n3A_426 = arith.select %eq3A_423, %iota3A, %broadcast_in_dim3A_425 : vector<72x128xi1>, vector<72x128xi32>
    %reduce_min3A_427 = arith.constant dense<2147483647> : vector<72xi32>
    %reduce_min3A_428 = vector.multi_reduction <minsi>, %select_n3A_426, %reduce_min3A_427 [1] : vector<72x128xi32> to vector<72xi32>
    %broadcast_in_dim3A_429 = vector.shape_cast %reduce_min3A_428 : vector<72xi32> to vector<72x1xi32>
    %swap3A_430 = arith.constant 0 : index
    %swap3A_431 = arith.constant 0 : index
    %swap3A_432 = arith.constant 14 : index
    %swap3A_433 = vector.load %arg4[%swap3A_430, %swap3A_431, %swap3A_432] : memref<1x72x17xi32, #tpu.memory_space<vmem>>, vector<1x72x1xi32>
    %swap3A_434 = vector.shape_cast %swap3A_433 : vector<1x72x1xi32> to vector<72x1xi32>
    %swap3A_435 = vector.shape_cast %broadcast_in_dim3A_429 : vector<72x1xi32> to vector<1x72x1xi32>
    tpu.vector_store %arg4[%swap3A_430, %swap3A_431, %swap3A_432], %swap3A_435 {strides = array<i32>} : memref<1x72x17xi32, #tpu.memory_space<vmem>>, vector<1x72x1xi32>,
    %eq3A_436 = vector.broadcast %broadcast_in_dim3A_429 : vector<72x1xi32> to vector<72x128xi32>
    %eq3A_437 = arith.cmpi eq, %iota3A, %eq3A_436 : vector<72x128xi32>
    %jit3A_438 = arith.constant 0x7F800000 : f32
    %broadcast_in_dim3A_439 = vector.broadcast %jit3A_438 : f32 to vector<72x128xf32>
    %select_n3A_440 = arith.select %eq3A_437, %broadcast_in_dim3A_439, %get3A_418 : vector<72x128xi1>, vector<72x128xf32>
    %swap3A_441 = arith.constant 0 : index
    %swap3A_442 = arith.constant 0 : index
    %swap3A_443 = vector.load %arg5[%swap3A_441, %swap3A_442] : memref<72x128xf32, #tpu.memory_space<vmem>>, vector<72x128xf32>
    tpu.vector_store %arg5[%swap3A_441, %swap3A_442], %select_n3A_440 {strides = array<i32>} : memref<72x128xf32, #tpu.memory_space<vmem>>, vector<72x128xf32>,
    %get3A_444 = arith.constant 0 : index
    %get3A_445 = arith.constant 0 : index
    %get3A_446 = vector.load %arg5[%get3A_444, %get3A_445] : memref<72x128xf32, #tpu.memory_space<vmem>>, vector<72x128xf32>
    %reduce_min3A_447 = arith.constant dense<0x7F800000> : vector<72xf32>
    %reduce_min3A_448 = vector.multi_reduction <minimumf>, %get3A_446, %reduce_min3A_447 [1] : vector<72x128xf32> to vector<72xf32>
    %broadcast_in_dim3A_449 = vector.shape_cast %reduce_min3A_448 : vector<72xf32> to vector<72x1xf32>
    %eq3A_450 = vector.broadcast %broadcast_in_dim3A_449 : vector<72x1xf32> to vector<72x128xf32>
    %eq3A_451 = arith.cmpf oeq, %get3A_446, %eq3A_450 : vector<72x128xf32>
    %jit3A_452 = arith.constant 1073741824 : i32
    %broadcast_in_dim3A_453 = vector.broadcast %jit3A_452 : i32 to vector<72x128xi32>
    %select_n3A_454 = arith.select %eq3A_451, %iota3A, %broadcast_in_dim3A_453 : vector<72x128xi1>, vector<72x128xi32>
    %reduce_min3A_455 = arith.constant dense<2147483647> : vector<72xi32>
    %reduce_min3A_456 = vector.multi_reduction <minsi>, %select_n3A_454, %reduce_min3A_455 [1] : vector<72x128xi32> to vector<72xi32>
    %broadcast_in_dim3A_457 = vector.shape_cast %reduce_min3A_456 : vector<72xi32> to vector<72x1xi32>
    %swap3A_458 = arith.constant 0 : index
    %swap3A_459 = arith.constant 0 : index
    %swap3A_460 = arith.constant 15 : index
    %swap3A_461 = vector.load %arg4[%swap3A_458, %swap3A_459, %swap3A_460] : memref<1x72x17xi32, #tpu.memory_space<vmem>>, vector<1x72x1xi32>
    %swap3A_462 = vector.shape_cast %swap3A_461 : vector<1x72x1xi32> to vector<72x1xi32>
    %swap3A_463 = vector.shape_cast %broadcast_in_dim3A_457 : vector<72x1xi32> to vector<1x72x1xi32>
    tpu.vector_store %arg4[%swap3A_458, %swap3A_459, %swap3A_460], %swap3A_463 {strides = array<i32>} : memref<1x72x17xi32, #tpu.memory_space<vmem>>, vector<1x72x1xi32>,
    %eq3A_464 = vector.broadcast %broadcast_in_dim3A_457 : vector<72x1xi32> to vector<72x128xi32>
    %eq3A_465 = arith.cmpi eq, %iota3A, %eq3A_464 : vector<72x128xi32>
    %jit3A_466 = arith.constant 0x7F800000 : f32
    %broadcast_in_dim3A_467 = vector.broadcast %jit3A_466 : f32 to vector<72x128xf32>
    %select_n3A_468 = arith.select %eq3A_465, %broadcast_in_dim3A_467, %get3A_446 : vector<72x128xi1>, vector<72x128xf32>
    %swap3A_469 = arith.constant 0 : index
    %swap3A_470 = arith.constant 0 : index
    %swap3A_471 = vector.load %arg5[%swap3A_469, %swap3A_470] : memref<72x128xf32, #tpu.memory_space<vmem>>, vector<72x128xf32>
    tpu.vector_store %arg5[%swap3A_469, %swap3A_470], %select_n3A_468 {strides = array<i32>} : memref<72x128xf32, #tpu.memory_space<vmem>>, vector<72x128xf32>,
    %get3A_472 = arith.constant 0 : index
    %get3A_473 = arith.constant 0 : index
    %get3A_474 = vector.load %arg5[%get3A_472, %get3A_473] : memref<72x128xf32, #tpu.memory_space<vmem>>, vector<72x128xf32>
    %reduce_min3A_475 = arith.constant dense<0x7F800000> : vector<72xf32>
    %reduce_min3A_476 = vector.multi_reduction <minimumf>, %get3A_474, %reduce_min3A_475 [1] : vector<72x128xf32> to vector<72xf32>
    %broadcast_in_dim3A_477 = vector.shape_cast %reduce_min3A_476 : vector<72xf32> to vector<72x1xf32>
    %eq3A_478 = vector.broadcast %broadcast_in_dim3A_477 : vector<72x1xf32> to vector<72x128xf32>
    %eq3A_479 = arith.cmpf oeq, %get3A_474, %eq3A_478 : vector<72x128xf32>
    %jit3A_480 = arith.constant 1073741824 : i32
    %broadcast_in_dim3A_481 = vector.broadcast %jit3A_480 : i32 to vector<72x128xi32>
    %select_n3A_482 = arith.select %eq3A_479, %iota3A, %broadcast_in_dim3A_481 : vector<72x128xi1>, vector<72x128xi32>
    %reduce_min3A_483 = arith.constant dense<2147483647> : vector<72xi32>
    %reduce_min3A_484 = vector.multi_reduction <minsi>, %select_n3A_482, %reduce_min3A_483 [1] : vector<72x128xi32> to vector<72xi32>
    %broadcast_in_dim3A_485 = vector.shape_cast %reduce_min3A_484 : vector<72xi32> to vector<72x1xi32>
    %swap3A_486 = arith.constant 0 : index
    %swap3A_487 = arith.constant 0 : index
    %swap3A_488 = arith.constant 16 : index
    %swap3A_489 = vector.load %arg4[%swap3A_486, %swap3A_487, %swap3A_488] : memref<1x72x17xi32, #tpu.memory_space<vmem>>, vector<1x72x1xi32>
    %swap3A_490 = vector.shape_cast %swap3A_489 : vector<1x72x1xi32> to vector<72x1xi32>
    %swap3A_491 = vector.shape_cast %broadcast_in_dim3A_485 : vector<72x1xi32> to vector<1x72x1xi32>
    tpu.vector_store %arg4[%swap3A_486, %swap3A_487, %swap3A_488], %swap3A_491 {strides = array<i32>} : memref<1x72x17xi32, #tpu.memory_space<vmem>>, vector<1x72x1xi32>,
    %eq3A_492 = vector.broadcast %broadcast_in_dim3A_485 : vector<72x1xi32> to vector<72x128xi32>
    %eq3A_493 = arith.cmpi eq, %iota3A, %eq3A_492 : vector<72x128xi32>
    %jit3A_494 = arith.constant 0x7F800000 : f32
    %broadcast_in_dim3A_495 = vector.broadcast %jit3A_494 : f32 to vector<72x128xf32>
    %select_n3A_496 = arith.select %eq3A_493, %broadcast_in_dim3A_495, %get3A_474 : vector<72x128xi1>, vector<72x128xf32>
    %swap3A_497 = arith.constant 0 : index
    %swap3A_498 = arith.constant 0 : index
    %swap3A_499 = vector.load %arg5[%swap3A_497, %swap3A_498] : memref<72x128xf32, #tpu.memory_space<vmem>>, vector<72x128xf32>
    tpu.vector_store %arg5[%swap3A_497, %swap3A_498], %select_n3A_496 {strides = array<i32>} : memref<72x128xf32, #tpu.memory_space<vmem>>, vector<72x128xf32>,
    return
  }
  func.func @transform_0(%arg0: i32, %arg1: i32) -> (i32, i32, i32) {
    %c0_i32 = arith.constant 0 : i32
    %c0_i32_0 = arith.constant 0 : i32
    return %arg0, %arg1, %c0_i32 : i32, i32, i32
  }
  func.func @transform_1(%arg0: i32, %arg1: i32) -> (i32, i32, i32) {
    %c0_i32 = arith.constant 0 : i32
    %c0_i32_0 = arith.constant 0 : i32
    %c0_i32_1 = arith.constant 0 : i32
    return %arg0, %c0_i32, %c0_i32_0 : i32, i32, i32
  }
  func.func @transform_2(%arg0: i32, %arg1: i32) -> (i32, i32, i32) {
    %c0_i32 = arith.constant 0 : i32
    %c0_i32_0 = arith.constant 0 : i32
    return %arg0, %arg1, %c0_i32 : i32, i32, i32
  }
}

module attributes {stable_mosaic.version = 14 : i64} {
  func.func @_fps_kernel(%arg0: i32, %arg1: memref<1x3x8x9xf32, #tpu.memory_space<vmem>>, %arg2: memref<1x17x1xi32, #tpu.memory_space<vmem>>, %arg3: memref<8x9xf32, #tpu.memory_space<vmem>>) attributes {dimension_semantics = [#tpu.dimension_semantics<arbitrary>], iteration_bounds = array<i64: 2>, scalar_prefetch = 0 : i64, scratch_operands = 1 : i64, tpu.core_type = #tpu.core_type<tc>, window_params = [{transform_indices = @transform_0, window_bounds = array<i64: 1, 3, 8, 9>}, {transform_indices = @transform_1, window_bounds = array<i64: 1, 17, 1>}]} {
    %get3A = arith.constant 0 : index
    %get3A_0 = arith.constant 0 : index
    %get3A_1 = arith.constant 0 : index
    %get3A_2 = arith.constant 0 : index
    %get3A_3 = vector.load %arg1[%get3A, %get3A_0, %get3A_1, %get3A_2] : memref<1x3x8x9xf32, #tpu.memory_space<vmem>>, vector<1x1x8x9xf32>
    %get3A_4 = vector.shape_cast %get3A_3 : vector<1x1x8x9xf32> to vector<8x9xf32>
    %get3A_5 = arith.constant 0 : index
    %get3A_6 = arith.constant 1 : index
    %get3A_7 = arith.constant 0 : index
    %get3A_8 = arith.constant 0 : index
    %get3A_9 = vector.load %arg1[%get3A_5, %get3A_6, %get3A_7, %get3A_8] : memref<1x3x8x9xf32, #tpu.memory_space<vmem>>, vector<1x1x8x9xf32>
    %get3A_10 = vector.shape_cast %get3A_9 : vector<1x1x8x9xf32> to vector<8x9xf32>
    %get3A_11 = arith.constant 0 : index
    %get3A_12 = arith.constant 2 : index
    %get3A_13 = arith.constant 0 : index
    %get3A_14 = arith.constant 0 : index
    %get3A_15 = vector.load %arg1[%get3A_11, %get3A_12, %get3A_13, %get3A_14] : memref<1x3x8x9xf32, #tpu.memory_space<vmem>>, vector<1x1x8x9xf32>
    %get3A_16 = vector.shape_cast %get3A_15 : vector<1x1x8x9xf32> to vector<8x9xf32>
    %iota3A = tpu.iota {dimensions = array<i32: 0>} : vector<8x9xi32>
    %mul3A = arith.constant 9 : i32
    %mul3A_17 = vector.broadcast %mul3A : i32 to vector<8x9xi32>
    %mul3A_18 = arith.muli %iota3A, %mul3A_17 : vector<8x9xi32>
    %iota3A_19 = tpu.iota {dimensions = array<i32: 1>} : vector<8x9xi32>
    %add3A = arith.addi %mul3A_18, %iota3A_19 : vector<8x9xi32>
    %lt3A = arith.constant 68 : i32
    %lt3A_20 = vector.broadcast %lt3A : i32 to vector<8x9xi32>
    %lt3A_21 = arith.cmpi slt, %add3A, %lt3A_20 : vector<8x9xi32>
    %jit3A = arith.constant 1.000000e+10 : f32
    %jit3A_22 = arith.constant -1.000000e+00 : f32
    %broadcast_in_dim3A = vector.broadcast %jit3A : f32 to vector<8x9xf32>
    %broadcast_in_dim3A_23 = vector.broadcast %jit3A_22 : f32 to vector<8x9xf32>
    %select_n3A = arith.select %lt3A_21, %broadcast_in_dim3A, %broadcast_in_dim3A_23 : vector<8x9xi1>, vector<8x9xf32>
    %swap3A = arith.constant 0 : index
    %swap3A_24 = arith.constant 0 : index
    %swap3A_25 = vector.load %arg3[%swap3A, %swap3A_24] : memref<8x9xf32, #tpu.memory_space<vmem>>, vector<8x9xf32>
    tpu.vector_store %arg3[%swap3A, %swap3A_24], %select_n3A {strides = array<i32>} : memref<8x9xf32, #tpu.memory_space<vmem>>, vector<8x9xf32>,
    %broadcast_in_dim3A_26 = arith.constant 0 : i32
    %broadcast_in_dim3A_27 = vector.broadcast %broadcast_in_dim3A_26 : i32 to vector<1x1xi32>
    %swap3A_28 = arith.constant 0 : index
    %swap3A_29 = arith.constant 0 : index
    %swap3A_30 = arith.constant 0 : index
    %swap3A_31 = vector.load %arg2[%swap3A_28, %swap3A_29, %swap3A_30] : memref<1x17x1xi32, #tpu.memory_space<vmem>>, vector<1x1x1xi32>
    %swap3A_32 = vector.shape_cast %swap3A_31 : vector<1x1x1xi32> to vector<1x1xi32>
    %swap3A_33 = vector.shape_cast %broadcast_in_dim3A_27 : vector<1x1xi32> to vector<1x1x1xi32>
    tpu.vector_store %arg2[%swap3A_28, %swap3A_29, %swap3A_30], %swap3A_33 {strides = array<i32>} : memref<1x17x1xi32, #tpu.memory_space<vmem>>, vector<1x1x1xi32>,
    %scan3A = arith.constant 0 : i32
    %scan3A_34 = arith.constant 1 : i32
    %scan3A_35 = arith.constant 16 : i32
    %scan3A_36 = arith.addi %scan3A_34, %scan3A_35 : i32
    %scan3A_37 = arith.constant 1 : i32
    %scan3A_38 = scf.for %scan3A_40 = %scan3A_34 to %scan3A_36 step %scan3A_37 iter_args(%scan3A_41 = %scan3A) -> (i32)  : i32 {
      %eq3A = vector.broadcast %scan3A_41 : i32 to vector<8x9xi32>
      %eq3A_42 = arith.cmpi eq, %add3A, %eq3A : vector<8x9xi32>
      %jit3A_43 = arith.constant 0.000000e+00 : f32
      %broadcast_in_dim3A_44 = vector.broadcast %jit3A_43 : f32 to vector<8x9xf32>
      %select_n3A_45 = arith.select %eq3A_42, %get3A_4, %broadcast_in_dim3A_44 : vector<8x9xi1>, vector<8x9xf32>
      %reduce_sum3A = vector.shape_cast %select_n3A_45 : vector<8x9xf32> to vector<1x8x9xf32>
      %reduce_sum3A_46 = arith.constant dense<0.000000e+00> : vector<1xf32>
      %reduce_sum3A_47 = vector.multi_reduction <add>, %reduce_sum3A, %reduce_sum3A_46 [1, 2] : vector<1x8x9xf32> to vector<1xf32>
      %reduce_sum3A_48 = vector.shape_cast %reduce_sum3A_47 : vector<1xf32> to vector<1x1x1xf32>
      %reduce_sum3A_49 = vector.extract %reduce_sum3A_48[0, 0, 0] : f32 from vector<1x1x1xf32>
      %jit3A_50 = arith.constant 0.000000e+00 : f32
      %broadcast_in_dim3A_51 = vector.broadcast %jit3A_50 : f32 to vector<8x9xf32>
      %select_n3A_52 = arith.select %eq3A_42, %get3A_10, %broadcast_in_dim3A_51 : vector<8x9xi1>, vector<8x9xf32>
      %reduce_sum3A_53 = vector.shape_cast %select_n3A_52 : vector<8x9xf32> to vector<1x8x9xf32>
      %reduce_sum3A_54 = arith.constant dense<0.000000e+00> : vector<1xf32>
      %reduce_sum3A_55 = vector.multi_reduction <add>, %reduce_sum3A_53, %reduce_sum3A_54 [1, 2] : vector<1x8x9xf32> to vector<1xf32>
      %reduce_sum3A_56 = vector.shape_cast %reduce_sum3A_55 : vector<1xf32> to vector<1x1x1xf32>
      %reduce_sum3A_57 = vector.extract %reduce_sum3A_56[0, 0, 0] : f32 from vector<1x1x1xf32>
      %jit3A_58 = arith.constant 0.000000e+00 : f32
      %broadcast_in_dim3A_59 = vector.broadcast %jit3A_58 : f32 to vector<8x9xf32>
      %select_n3A_60 = arith.select %eq3A_42, %get3A_16, %broadcast_in_dim3A_59 : vector<8x9xi1>, vector<8x9xf32>
      %reduce_sum3A_61 = vector.shape_cast %select_n3A_60 : vector<8x9xf32> to vector<1x8x9xf32>
      %reduce_sum3A_62 = arith.constant dense<0.000000e+00> : vector<1xf32>
      %reduce_sum3A_63 = vector.multi_reduction <add>, %reduce_sum3A_61, %reduce_sum3A_62 [1, 2] : vector<1x8x9xf32> to vector<1xf32>
      %reduce_sum3A_64 = vector.shape_cast %reduce_sum3A_63 : vector<1xf32> to vector<1x1x1xf32>
      %reduce_sum3A_65 = vector.extract %reduce_sum3A_64[0, 0, 0] : f32 from vector<1x1x1xf32>
      %sub3A = vector.broadcast %reduce_sum3A_49 : f32 to vector<8x9xf32>
      %sub3A_66 = arith.subf %get3A_4, %sub3A : vector<8x9xf32>
      %sub3A_67 = vector.broadcast %reduce_sum3A_57 : f32 to vector<8x9xf32>
      %sub3A_68 = arith.subf %get3A_10, %sub3A_67 : vector<8x9xf32>
      %sub3A_69 = vector.broadcast %reduce_sum3A_65 : f32 to vector<8x9xf32>
      %sub3A_70 = arith.subf %get3A_16, %sub3A_69 : vector<8x9xf32>
      %mul3A_71 = arith.mulf %sub3A_66, %sub3A_66 : vector<8x9xf32>
      %mul3A_72 = arith.mulf %sub3A_68, %sub3A_68 : vector<8x9xf32>
      %add3A_73 = arith.addf %mul3A_71, %mul3A_72 : vector<8x9xf32>
      %mul3A_74 = arith.mulf %sub3A_70, %sub3A_70 : vector<8x9xf32>
      %add3A_75 = arith.addf %add3A_73, %mul3A_74 : vector<8x9xf32>
      %get3A_76 = arith.constant 0 : index
      %get3A_77 = arith.constant 0 : index
      %get3A_78 = vector.load %arg3[%get3A_76, %get3A_77] : memref<8x9xf32, #tpu.memory_space<vmem>>, vector<8x9xf32>
      %min3A = arith.minimumf %get3A_78, %add3A_75 : vector<8x9xf32>
      %swap3A_79 = arith.constant 0 : index
      %swap3A_80 = arith.constant 0 : index
      %swap3A_81 = vector.load %arg3[%swap3A_79, %swap3A_80] : memref<8x9xf32, #tpu.memory_space<vmem>>, vector<8x9xf32>
      tpu.vector_store %arg3[%swap3A_79, %swap3A_80], %min3A {strides = array<i32>} : memref<8x9xf32, #tpu.memory_space<vmem>>, vector<8x9xf32>,
      %reduce_max3A = vector.shape_cast %min3A : vector<8x9xf32> to vector<1x8x9xf32>
      %reduce_max3A_82 = arith.constant dense<0xFF800000> : vector<1xf32>
      %reduce_max3A_83 = vector.multi_reduction <maximumf>, %reduce_max3A, %reduce_max3A_82 [1, 2] : vector<1x8x9xf32> to vector<1xf32>
      %reduce_max3A_84 = vector.shape_cast %reduce_max3A_83 : vector<1xf32> to vector<1x1x1xf32>
      %reduce_max3A_85 = vector.extract %reduce_max3A_84[0, 0, 0] : f32 from vector<1x1x1xf32>
      %eq3A_86 = vector.broadcast %reduce_max3A_85 : f32 to vector<8x9xf32>
      %eq3A_87 = arith.cmpf oeq, %min3A, %eq3A_86 : vector<8x9xf32>
      %jit3A_88 = arith.constant 1073741824 : i32
      %broadcast_in_dim3A_89 = vector.broadcast %jit3A_88 : i32 to vector<8x9xi32>
      %select_n3A_90 = arith.select %eq3A_87, %add3A, %broadcast_in_dim3A_89 : vector<8x9xi1>, vector<8x9xi32>
      %reduce_min3A = vector.shape_cast %select_n3A_90 : vector<8x9xi32> to vector<1x8x9xi32>
      %reduce_min3A_91 = arith.constant dense<2147483647> : vector<1xi32>
      %reduce_min3A_92 = vector.multi_reduction <minsi>, %reduce_min3A, %reduce_min3A_91 [1, 2] : vector<1x8x9xi32> to vector<1xi32>
      %reduce_min3A_93 = vector.shape_cast %reduce_min3A_92 : vector<1xi32> to vector<1x1x1xi32>
      %reduce_min3A_94 = vector.extract %reduce_min3A_93[0, 0, 0] : i32 from vector<1x1x1xi32>
      %broadcast_in_dim3A_95 = vector.broadcast %reduce_min3A_94 : i32 to vector<1x1xi32>
      %swap3A_96 = arith.constant 0 : index
      %swap3A_97 = arith.index_cast %scan3A_40 : i32 to index
      %swap3A_98 = arith.constant 0 : index
      %swap3A_99 = vector.load %arg2[%swap3A_96, %swap3A_97, %swap3A_98] : memref<1x17x1xi32, #tpu.memory_space<vmem>>, vector<1x1x1xi32>
      %swap3A_100 = vector.shape_cast %swap3A_99 : vector<1x1x1xi32> to vector<1x1xi32>
      %swap3A_101 = vector.shape_cast %broadcast_in_dim3A_95 : vector<1x1xi32> to vector<1x1x1xi32>
      tpu.vector_store %arg2[%swap3A_96, %swap3A_97, %swap3A_98], %swap3A_101 {strides = array<i32>} : memref<1x17x1xi32, #tpu.memory_space<vmem>>, vector<1x1x1xi32>,
      scf.yield %reduce_min3A_94 : i32
    }
    %scan3A_39 = arith.constant 16 : i32
    return
  }
  func.func @transform_0(%arg0: i32) -> (i32, i32, i32, i32) {
    %c0_i32 = arith.constant 0 : i32
    %c0_i32_0 = arith.constant 0 : i32
    %c0_i32_1 = arith.constant 0 : i32
    %c0_i32_2 = arith.constant 0 : i32
    return %arg0, %c0_i32, %c0_i32_0, %c0_i32_1 : i32, i32, i32, i32
  }
  func.func @transform_1(%arg0: i32) -> (i32, i32, i32) {
    %c0_i32 = arith.constant 0 : i32
    %c0_i32_0 = arith.constant 0 : i32
    %c0_i32_1 = arith.constant 0 : i32
    return %arg0, %c0_i32, %c0_i32_0 : i32, i32, i32
  }
}

module attributes {stable_mosaic.version = 14 : i64} {
  func.func @_knn_kernel(%arg0: i32, %arg1: i32, %arg2: memref<1x256x3xf32, #tpu.memory_space<vmem>>, %arg3: memref<1x3x1152xf32, #tpu.memory_space<vmem>>, %arg4: memref<1x256x17xi32, #tpu.memory_space<vmem>>, %arg5: memref<256x1152xf32, #tpu.memory_space<vmem>>) attributes {dimension_semantics = [#tpu.dimension_semantics<arbitrary>, #tpu.dimension_semantics<arbitrary>], iteration_bounds = array<i64: 2, 5>, scalar_prefetch = 0 : i64, scratch_operands = 1 : i64, tpu.core_type = #tpu.core_type<tc>, window_params = [{transform_indices = @transform_0, window_bounds = array<i64: 1, 256, 3>}, {transform_indices = @transform_1, window_bounds = array<i64: 1, 3, 1152>}, {transform_indices = @transform_2, window_bounds = array<i64: 1, 256, 17>}]} {
    %get3A = arith.constant 0 : index
    %get3A_0 = arith.constant 0 : index
    %get3A_1 = arith.constant 0 : index
    %get3A_2 = vector.load %arg2[%get3A, %get3A_0, %get3A_1] : memref<1x256x3xf32, #tpu.memory_space<vmem>>, vector<1x256x3xf32>
    %get3A_3 = vector.shape_cast %get3A_2 : vector<1x256x3xf32> to vector<256x3xf32>
    %get3A_4 = arith.constant 0 : index
    %get3A_5 = arith.constant 0 : index
    %get3A_6 = arith.constant 0 : index
    %get3A_7 = vector.load %arg3[%get3A_4, %get3A_5, %get3A_6] : memref<1x3x1152xf32, #tpu.memory_space<vmem>>, vector<1x3x1152xf32>
    %get3A_8 = vector.shape_cast %get3A_7 : vector<1x3x1152xf32> to vector<3x1152xf32>
    %dot_general3A = arith.constant dense<0.000000e+00> : vector<256x1152xf32>
    %dot_general3A_9 = tpu.matmul %get3A_3, %get3A_8, %dot_general3A {dimension_numbers = #tpu.dot_dimension_numbers<[1], [0], [0], [1], [0, 0, 1, 1], [], []>, transpose_lhs_hint = false} : vector<256x3xf32>, vector<3x1152xf32>, vector<256x1152xf32> -> vector<256x1152xf32>
    %mul3A = arith.mulf %get3A_3, %get3A_3 : vector<256x3xf32>
    %reduce_sum3A = arith.constant dense<0.000000e+00> : vector<256xf32>
    %reduce_sum3A_10 = vector.multi_reduction <add>, %mul3A, %reduce_sum3A [1] : vector<256x3xf32> to vector<256xf32>
    %broadcast_in_dim3A = vector.shape_cast %reduce_sum3A_10 : vector<256xf32> to vector<256x1xf32>
    %slice3A = vector.extract_strided_slice %get3A_8 {offsets = [0, 0], sizes = [1, 1152], strides = [1, 1]} : vector<3x1152xf32> to vector<1x1152xf32>
    %slice3A_11 = vector.extract_strided_slice %get3A_8 {offsets = [0, 0], sizes = [1, 1152], strides = [1, 1]} : vector<3x1152xf32> to vector<1x1152xf32>
    %mul3A_12 = arith.mulf %slice3A, %slice3A_11 : vector<1x1152xf32>
    %slice3A_13 = vector.extract_strided_slice %get3A_8 {offsets = [1, 0], sizes = [1, 1152], strides = [1, 1]} : vector<3x1152xf32> to vector<1x1152xf32>
    %slice3A_14 = vector.extract_strided_slice %get3A_8 {offsets = [1, 0], sizes = [1, 1152], strides = [1, 1]} : vector<3x1152xf32> to vector<1x1152xf32>
    %mul3A_15 = arith.mulf %slice3A_13, %slice3A_14 : vector<1x1152xf32>
    %add3A = arith.addf %mul3A_12, %mul3A_15 : vector<1x1152xf32>
    %slice3A_16 = vector.extract_strided_slice %get3A_8 {offsets = [2, 0], sizes = [1, 1152], strides = [1, 1]} : vector<3x1152xf32> to vector<1x1152xf32>
    %slice3A_17 = vector.extract_strided_slice %get3A_8 {offsets = [2, 0], sizes = [1, 1152], strides = [1, 1]} : vector<3x1152xf32> to vector<1x1152xf32>
    %mul3A_18 = arith.mulf %slice3A_16, %slice3A_17 : vector<1x1152xf32>
    %add3A_19 = arith.addf %add3A, %mul3A_18 : vector<1x1152xf32>
    %mul3A_20 = arith.constant 2.000000e+00 : f32
    %mul3A_21 = vector.broadcast %mul3A_20 : f32 to vector<256x1152xf32>
    %mul3A_22 = arith.mulf %mul3A_21, %dot_general3A_9 : vector<256x1152xf32>
    %sub3A = vector.broadcast %broadcast_in_dim3A : vector<256x1xf32> to vector<256x1152xf32>
    %sub3A_23 = arith.subf %sub3A, %mul3A_22 : vector<256x1152xf32>
    %add3A_24 = vector.broadcast %add3A_19 : vector<1x1152xf32> to vector<256x1152xf32>
    %add3A_25 = arith.addf %sub3A_23, %add3A_24 : vector<256x1152xf32>
    %swap3A = arith.constant 0 : index
    %swap3A_26 = arith.constant 0 : index
    %swap3A_27 = vector.load %arg5[%swap3A, %swap3A_26] : memref<256x1152xf32, #tpu.memory_space<vmem>>, vector<256x1152xf32>
    tpu.vector_store %arg5[%swap3A, %swap3A_26], %add3A_25 {strides = array<i32>} : memref<256x1152xf32, #tpu.memory_space<vmem>>, vector<256x1152xf32>,
    %iota3A = tpu.iota {dimensions = array<i32: 1>} : vector<256x1152xi32>
    %get3A_28 = arith.constant 0 : index
    %get3A_29 = arith.constant 0 : index
    %get3A_30 = vector.load %arg5[%get3A_28, %get3A_29] : memref<256x1152xf32, #tpu.memory_space<vmem>>, vector<256x1152xf32>
    %reduce_min3A = arith.constant dense<0x7F800000> : vector<256xf32>
    %reduce_min3A_31 = vector.multi_reduction <minimumf>, %get3A_30, %reduce_min3A [1] : vector<256x1152xf32> to vector<256xf32>
    %broadcast_in_dim3A_32 = vector.shape_cast %reduce_min3A_31 : vector<256xf32> to vector<256x1xf32>
    %eq3A = vector.broadcast %broadcast_in_dim3A_32 : vector<256x1xf32> to vector<256x1152xf32>
    %eq3A_33 = arith.cmpf oeq, %get3A_30, %eq3A : vector<256x1152xf32>
    %jit3A = arith.constant 1073741824 : i32
    %broadcast_in_dim3A_34 = vector.broadcast %jit3A : i32 to vector<256x1152xi32>
    %select_n3A = arith.select %eq3A_33, %iota3A, %broadcast_in_dim3A_34 : vector<256x1152xi1>, vector<256x1152xi32>
    %reduce_min3A_35 = arith.constant dense<2147483647> : vector<256xi32>
    %reduce_min3A_36 = vector.multi_reduction <minsi>, %select_n3A, %reduce_min3A_35 [1] : vector<256x1152xi32> to vector<256xi32>
    %broadcast_in_dim3A_37 = vector.shape_cast %reduce_min3A_36 : vector<256xi32> to vector<256x1xi32>
    %swap3A_38 = arith.constant 0 : index
    %swap3A_39 = arith.constant 0 : index
    %swap3A_40 = arith.constant 0 : index
    %swap3A_41 = vector.load %arg4[%swap3A_38, %swap3A_39, %swap3A_40] : memref<1x256x17xi32, #tpu.memory_space<vmem>>, vector<1x256x1xi32>
    %swap3A_42 = vector.shape_cast %swap3A_41 : vector<1x256x1xi32> to vector<256x1xi32>
    %swap3A_43 = vector.shape_cast %broadcast_in_dim3A_37 : vector<256x1xi32> to vector<1x256x1xi32>
    tpu.vector_store %arg4[%swap3A_38, %swap3A_39, %swap3A_40], %swap3A_43 {strides = array<i32>} : memref<1x256x17xi32, #tpu.memory_space<vmem>>, vector<1x256x1xi32>,
    %eq3A_44 = vector.broadcast %broadcast_in_dim3A_37 : vector<256x1xi32> to vector<256x1152xi32>
    %eq3A_45 = arith.cmpi eq, %iota3A, %eq3A_44 : vector<256x1152xi32>
    %jit3A_46 = arith.constant 0x7F800000 : f32
    %broadcast_in_dim3A_47 = vector.broadcast %jit3A_46 : f32 to vector<256x1152xf32>
    %select_n3A_48 = arith.select %eq3A_45, %broadcast_in_dim3A_47, %get3A_30 : vector<256x1152xi1>, vector<256x1152xf32>
    %swap3A_49 = arith.constant 0 : index
    %swap3A_50 = arith.constant 0 : index
    %swap3A_51 = vector.load %arg5[%swap3A_49, %swap3A_50] : memref<256x1152xf32, #tpu.memory_space<vmem>>, vector<256x1152xf32>
    tpu.vector_store %arg5[%swap3A_49, %swap3A_50], %select_n3A_48 {strides = array<i32>} : memref<256x1152xf32, #tpu.memory_space<vmem>>, vector<256x1152xf32>,
    %get3A_52 = arith.constant 0 : index
    %get3A_53 = arith.constant 0 : index
    %get3A_54 = vector.load %arg5[%get3A_52, %get3A_53] : memref<256x1152xf32, #tpu.memory_space<vmem>>, vector<256x1152xf32>
    %reduce_min3A_55 = arith.constant dense<0x7F800000> : vector<256xf32>
    %reduce_min3A_56 = vector.multi_reduction <minimumf>, %get3A_54, %reduce_min3A_55 [1] : vector<256x1152xf32> to vector<256xf32>
    %broadcast_in_dim3A_57 = vector.shape_cast %reduce_min3A_56 : vector<256xf32> to vector<256x1xf32>
    %eq3A_58 = vector.broadcast %broadcast_in_dim3A_57 : vector<256x1xf32> to vector<256x1152xf32>
    %eq3A_59 = arith.cmpf oeq, %get3A_54, %eq3A_58 : vector<256x1152xf32>
    %jit3A_60 = arith.constant 1073741824 : i32
    %broadcast_in_dim3A_61 = vector.broadcast %jit3A_60 : i32 to vector<256x1152xi32>
    %select_n3A_62 = arith.select %eq3A_59, %iota3A, %broadcast_in_dim3A_61 : vector<256x1152xi1>, vector<256x1152xi32>
    %reduce_min3A_63 = arith.constant dense<2147483647> : vector<256xi32>
    %reduce_min3A_64 = vector.multi_reduction <minsi>, %select_n3A_62, %reduce_min3A_63 [1] : vector<256x1152xi32> to vector<256xi32>
    %broadcast_in_dim3A_65 = vector.shape_cast %reduce_min3A_64 : vector<256xi32> to vector<256x1xi32>
    %swap3A_66 = arith.constant 0 : index
    %swap3A_67 = arith.constant 0 : index
    %swap3A_68 = arith.constant 1 : index
    %swap3A_69 = vector.load %arg4[%swap3A_66, %swap3A_67, %swap3A_68] : memref<1x256x17xi32, #tpu.memory_space<vmem>>, vector<1x256x1xi32>
    %swap3A_70 = vector.shape_cast %swap3A_69 : vector<1x256x1xi32> to vector<256x1xi32>
    %swap3A_71 = vector.shape_cast %broadcast_in_dim3A_65 : vector<256x1xi32> to vector<1x256x1xi32>
    tpu.vector_store %arg4[%swap3A_66, %swap3A_67, %swap3A_68], %swap3A_71 {strides = array<i32>} : memref<1x256x17xi32, #tpu.memory_space<vmem>>, vector<1x256x1xi32>,
    %eq3A_72 = vector.broadcast %broadcast_in_dim3A_65 : vector<256x1xi32> to vector<256x1152xi32>
    %eq3A_73 = arith.cmpi eq, %iota3A, %eq3A_72 : vector<256x1152xi32>
    %jit3A_74 = arith.constant 0x7F800000 : f32
    %broadcast_in_dim3A_75 = vector.broadcast %jit3A_74 : f32 to vector<256x1152xf32>
    %select_n3A_76 = arith.select %eq3A_73, %broadcast_in_dim3A_75, %get3A_54 : vector<256x1152xi1>, vector<256x1152xf32>
    %swap3A_77 = arith.constant 0 : index
    %swap3A_78 = arith.constant 0 : index
    %swap3A_79 = vector.load %arg5[%swap3A_77, %swap3A_78] : memref<256x1152xf32, #tpu.memory_space<vmem>>, vector<256x1152xf32>
    tpu.vector_store %arg5[%swap3A_77, %swap3A_78], %select_n3A_76 {strides = array<i32>} : memref<256x1152xf32, #tpu.memory_space<vmem>>, vector<256x1152xf32>,
    %get3A_80 = arith.constant 0 : index
    %get3A_81 = arith.constant 0 : index
    %get3A_82 = vector.load %arg5[%get3A_80, %get3A_81] : memref<256x1152xf32, #tpu.memory_space<vmem>>, vector<256x1152xf32>
    %reduce_min3A_83 = arith.constant dense<0x7F800000> : vector<256xf32>
    %reduce_min3A_84 = vector.multi_reduction <minimumf>, %get3A_82, %reduce_min3A_83 [1] : vector<256x1152xf32> to vector<256xf32>
    %broadcast_in_dim3A_85 = vector.shape_cast %reduce_min3A_84 : vector<256xf32> to vector<256x1xf32>
    %eq3A_86 = vector.broadcast %broadcast_in_dim3A_85 : vector<256x1xf32> to vector<256x1152xf32>
    %eq3A_87 = arith.cmpf oeq, %get3A_82, %eq3A_86 : vector<256x1152xf32>
    %jit3A_88 = arith.constant 1073741824 : i32
    %broadcast_in_dim3A_89 = vector.broadcast %jit3A_88 : i32 to vector<256x1152xi32>
    %select_n3A_90 = arith.select %eq3A_87, %iota3A, %broadcast_in_dim3A_89 : vector<256x1152xi1>, vector<256x1152xi32>
    %reduce_min3A_91 = arith.constant dense<2147483647> : vector<256xi32>
    %reduce_min3A_92 = vector.multi_reduction <minsi>, %select_n3A_90, %reduce_min3A_91 [1] : vector<256x1152xi32> to vector<256xi32>
    %broadcast_in_dim3A_93 = vector.shape_cast %reduce_min3A_92 : vector<256xi32> to vector<256x1xi32>
    %swap3A_94 = arith.constant 0 : index
    %swap3A_95 = arith.constant 0 : index
    %swap3A_96 = arith.constant 2 : index
    %swap3A_97 = vector.load %arg4[%swap3A_94, %swap3A_95, %swap3A_96] : memref<1x256x17xi32, #tpu.memory_space<vmem>>, vector<1x256x1xi32>
    %swap3A_98 = vector.shape_cast %swap3A_97 : vector<1x256x1xi32> to vector<256x1xi32>
    %swap3A_99 = vector.shape_cast %broadcast_in_dim3A_93 : vector<256x1xi32> to vector<1x256x1xi32>
    tpu.vector_store %arg4[%swap3A_94, %swap3A_95, %swap3A_96], %swap3A_99 {strides = array<i32>} : memref<1x256x17xi32, #tpu.memory_space<vmem>>, vector<1x256x1xi32>,
    %eq3A_100 = vector.broadcast %broadcast_in_dim3A_93 : vector<256x1xi32> to vector<256x1152xi32>
    %eq3A_101 = arith.cmpi eq, %iota3A, %eq3A_100 : vector<256x1152xi32>
    %jit3A_102 = arith.constant 0x7F800000 : f32
    %broadcast_in_dim3A_103 = vector.broadcast %jit3A_102 : f32 to vector<256x1152xf32>
    %select_n3A_104 = arith.select %eq3A_101, %broadcast_in_dim3A_103, %get3A_82 : vector<256x1152xi1>, vector<256x1152xf32>
    %swap3A_105 = arith.constant 0 : index
    %swap3A_106 = arith.constant 0 : index
    %swap3A_107 = vector.load %arg5[%swap3A_105, %swap3A_106] : memref<256x1152xf32, #tpu.memory_space<vmem>>, vector<256x1152xf32>
    tpu.vector_store %arg5[%swap3A_105, %swap3A_106], %select_n3A_104 {strides = array<i32>} : memref<256x1152xf32, #tpu.memory_space<vmem>>, vector<256x1152xf32>,
    %get3A_108 = arith.constant 0 : index
    %get3A_109 = arith.constant 0 : index
    %get3A_110 = vector.load %arg5[%get3A_108, %get3A_109] : memref<256x1152xf32, #tpu.memory_space<vmem>>, vector<256x1152xf32>
    %reduce_min3A_111 = arith.constant dense<0x7F800000> : vector<256xf32>
    %reduce_min3A_112 = vector.multi_reduction <minimumf>, %get3A_110, %reduce_min3A_111 [1] : vector<256x1152xf32> to vector<256xf32>
    %broadcast_in_dim3A_113 = vector.shape_cast %reduce_min3A_112 : vector<256xf32> to vector<256x1xf32>
    %eq3A_114 = vector.broadcast %broadcast_in_dim3A_113 : vector<256x1xf32> to vector<256x1152xf32>
    %eq3A_115 = arith.cmpf oeq, %get3A_110, %eq3A_114 : vector<256x1152xf32>
    %jit3A_116 = arith.constant 1073741824 : i32
    %broadcast_in_dim3A_117 = vector.broadcast %jit3A_116 : i32 to vector<256x1152xi32>
    %select_n3A_118 = arith.select %eq3A_115, %iota3A, %broadcast_in_dim3A_117 : vector<256x1152xi1>, vector<256x1152xi32>
    %reduce_min3A_119 = arith.constant dense<2147483647> : vector<256xi32>
    %reduce_min3A_120 = vector.multi_reduction <minsi>, %select_n3A_118, %reduce_min3A_119 [1] : vector<256x1152xi32> to vector<256xi32>
    %broadcast_in_dim3A_121 = vector.shape_cast %reduce_min3A_120 : vector<256xi32> to vector<256x1xi32>
    %swap3A_122 = arith.constant 0 : index
    %swap3A_123 = arith.constant 0 : index
    %swap3A_124 = arith.constant 3 : index
    %swap3A_125 = vector.load %arg4[%swap3A_122, %swap3A_123, %swap3A_124] : memref<1x256x17xi32, #tpu.memory_space<vmem>>, vector<1x256x1xi32>
    %swap3A_126 = vector.shape_cast %swap3A_125 : vector<1x256x1xi32> to vector<256x1xi32>
    %swap3A_127 = vector.shape_cast %broadcast_in_dim3A_121 : vector<256x1xi32> to vector<1x256x1xi32>
    tpu.vector_store %arg4[%swap3A_122, %swap3A_123, %swap3A_124], %swap3A_127 {strides = array<i32>} : memref<1x256x17xi32, #tpu.memory_space<vmem>>, vector<1x256x1xi32>,
    %eq3A_128 = vector.broadcast %broadcast_in_dim3A_121 : vector<256x1xi32> to vector<256x1152xi32>
    %eq3A_129 = arith.cmpi eq, %iota3A, %eq3A_128 : vector<256x1152xi32>
    %jit3A_130 = arith.constant 0x7F800000 : f32
    %broadcast_in_dim3A_131 = vector.broadcast %jit3A_130 : f32 to vector<256x1152xf32>
    %select_n3A_132 = arith.select %eq3A_129, %broadcast_in_dim3A_131, %get3A_110 : vector<256x1152xi1>, vector<256x1152xf32>
    %swap3A_133 = arith.constant 0 : index
    %swap3A_134 = arith.constant 0 : index
    %swap3A_135 = vector.load %arg5[%swap3A_133, %swap3A_134] : memref<256x1152xf32, #tpu.memory_space<vmem>>, vector<256x1152xf32>
    tpu.vector_store %arg5[%swap3A_133, %swap3A_134], %select_n3A_132 {strides = array<i32>} : memref<256x1152xf32, #tpu.memory_space<vmem>>, vector<256x1152xf32>,
    %get3A_136 = arith.constant 0 : index
    %get3A_137 = arith.constant 0 : index
    %get3A_138 = vector.load %arg5[%get3A_136, %get3A_137] : memref<256x1152xf32, #tpu.memory_space<vmem>>, vector<256x1152xf32>
    %reduce_min3A_139 = arith.constant dense<0x7F800000> : vector<256xf32>
    %reduce_min3A_140 = vector.multi_reduction <minimumf>, %get3A_138, %reduce_min3A_139 [1] : vector<256x1152xf32> to vector<256xf32>
    %broadcast_in_dim3A_141 = vector.shape_cast %reduce_min3A_140 : vector<256xf32> to vector<256x1xf32>
    %eq3A_142 = vector.broadcast %broadcast_in_dim3A_141 : vector<256x1xf32> to vector<256x1152xf32>
    %eq3A_143 = arith.cmpf oeq, %get3A_138, %eq3A_142 : vector<256x1152xf32>
    %jit3A_144 = arith.constant 1073741824 : i32
    %broadcast_in_dim3A_145 = vector.broadcast %jit3A_144 : i32 to vector<256x1152xi32>
    %select_n3A_146 = arith.select %eq3A_143, %iota3A, %broadcast_in_dim3A_145 : vector<256x1152xi1>, vector<256x1152xi32>
    %reduce_min3A_147 = arith.constant dense<2147483647> : vector<256xi32>
    %reduce_min3A_148 = vector.multi_reduction <minsi>, %select_n3A_146, %reduce_min3A_147 [1] : vector<256x1152xi32> to vector<256xi32>
    %broadcast_in_dim3A_149 = vector.shape_cast %reduce_min3A_148 : vector<256xi32> to vector<256x1xi32>
    %swap3A_150 = arith.constant 0 : index
    %swap3A_151 = arith.constant 0 : index
    %swap3A_152 = arith.constant 4 : index
    %swap3A_153 = vector.load %arg4[%swap3A_150, %swap3A_151, %swap3A_152] : memref<1x256x17xi32, #tpu.memory_space<vmem>>, vector<1x256x1xi32>
    %swap3A_154 = vector.shape_cast %swap3A_153 : vector<1x256x1xi32> to vector<256x1xi32>
    %swap3A_155 = vector.shape_cast %broadcast_in_dim3A_149 : vector<256x1xi32> to vector<1x256x1xi32>
    tpu.vector_store %arg4[%swap3A_150, %swap3A_151, %swap3A_152], %swap3A_155 {strides = array<i32>} : memref<1x256x17xi32, #tpu.memory_space<vmem>>, vector<1x256x1xi32>,
    %eq3A_156 = vector.broadcast %broadcast_in_dim3A_149 : vector<256x1xi32> to vector<256x1152xi32>
    %eq3A_157 = arith.cmpi eq, %iota3A, %eq3A_156 : vector<256x1152xi32>
    %jit3A_158 = arith.constant 0x7F800000 : f32
    %broadcast_in_dim3A_159 = vector.broadcast %jit3A_158 : f32 to vector<256x1152xf32>
    %select_n3A_160 = arith.select %eq3A_157, %broadcast_in_dim3A_159, %get3A_138 : vector<256x1152xi1>, vector<256x1152xf32>
    %swap3A_161 = arith.constant 0 : index
    %swap3A_162 = arith.constant 0 : index
    %swap3A_163 = vector.load %arg5[%swap3A_161, %swap3A_162] : memref<256x1152xf32, #tpu.memory_space<vmem>>, vector<256x1152xf32>
    tpu.vector_store %arg5[%swap3A_161, %swap3A_162], %select_n3A_160 {strides = array<i32>} : memref<256x1152xf32, #tpu.memory_space<vmem>>, vector<256x1152xf32>,
    %get3A_164 = arith.constant 0 : index
    %get3A_165 = arith.constant 0 : index
    %get3A_166 = vector.load %arg5[%get3A_164, %get3A_165] : memref<256x1152xf32, #tpu.memory_space<vmem>>, vector<256x1152xf32>
    %reduce_min3A_167 = arith.constant dense<0x7F800000> : vector<256xf32>
    %reduce_min3A_168 = vector.multi_reduction <minimumf>, %get3A_166, %reduce_min3A_167 [1] : vector<256x1152xf32> to vector<256xf32>
    %broadcast_in_dim3A_169 = vector.shape_cast %reduce_min3A_168 : vector<256xf32> to vector<256x1xf32>
    %eq3A_170 = vector.broadcast %broadcast_in_dim3A_169 : vector<256x1xf32> to vector<256x1152xf32>
    %eq3A_171 = arith.cmpf oeq, %get3A_166, %eq3A_170 : vector<256x1152xf32>
    %jit3A_172 = arith.constant 1073741824 : i32
    %broadcast_in_dim3A_173 = vector.broadcast %jit3A_172 : i32 to vector<256x1152xi32>
    %select_n3A_174 = arith.select %eq3A_171, %iota3A, %broadcast_in_dim3A_173 : vector<256x1152xi1>, vector<256x1152xi32>
    %reduce_min3A_175 = arith.constant dense<2147483647> : vector<256xi32>
    %reduce_min3A_176 = vector.multi_reduction <minsi>, %select_n3A_174, %reduce_min3A_175 [1] : vector<256x1152xi32> to vector<256xi32>
    %broadcast_in_dim3A_177 = vector.shape_cast %reduce_min3A_176 : vector<256xi32> to vector<256x1xi32>
    %swap3A_178 = arith.constant 0 : index
    %swap3A_179 = arith.constant 0 : index
    %swap3A_180 = arith.constant 5 : index
    %swap3A_181 = vector.load %arg4[%swap3A_178, %swap3A_179, %swap3A_180] : memref<1x256x17xi32, #tpu.memory_space<vmem>>, vector<1x256x1xi32>
    %swap3A_182 = vector.shape_cast %swap3A_181 : vector<1x256x1xi32> to vector<256x1xi32>
    %swap3A_183 = vector.shape_cast %broadcast_in_dim3A_177 : vector<256x1xi32> to vector<1x256x1xi32>
    tpu.vector_store %arg4[%swap3A_178, %swap3A_179, %swap3A_180], %swap3A_183 {strides = array<i32>} : memref<1x256x17xi32, #tpu.memory_space<vmem>>, vector<1x256x1xi32>,
    %eq3A_184 = vector.broadcast %broadcast_in_dim3A_177 : vector<256x1xi32> to vector<256x1152xi32>
    %eq3A_185 = arith.cmpi eq, %iota3A, %eq3A_184 : vector<256x1152xi32>
    %jit3A_186 = arith.constant 0x7F800000 : f32
    %broadcast_in_dim3A_187 = vector.broadcast %jit3A_186 : f32 to vector<256x1152xf32>
    %select_n3A_188 = arith.select %eq3A_185, %broadcast_in_dim3A_187, %get3A_166 : vector<256x1152xi1>, vector<256x1152xf32>
    %swap3A_189 = arith.constant 0 : index
    %swap3A_190 = arith.constant 0 : index
    %swap3A_191 = vector.load %arg5[%swap3A_189, %swap3A_190] : memref<256x1152xf32, #tpu.memory_space<vmem>>, vector<256x1152xf32>
    tpu.vector_store %arg5[%swap3A_189, %swap3A_190], %select_n3A_188 {strides = array<i32>} : memref<256x1152xf32, #tpu.memory_space<vmem>>, vector<256x1152xf32>,
    %get3A_192 = arith.constant 0 : index
    %get3A_193 = arith.constant 0 : index
    %get3A_194 = vector.load %arg5[%get3A_192, %get3A_193] : memref<256x1152xf32, #tpu.memory_space<vmem>>, vector<256x1152xf32>
    %reduce_min3A_195 = arith.constant dense<0x7F800000> : vector<256xf32>
    %reduce_min3A_196 = vector.multi_reduction <minimumf>, %get3A_194, %reduce_min3A_195 [1] : vector<256x1152xf32> to vector<256xf32>
    %broadcast_in_dim3A_197 = vector.shape_cast %reduce_min3A_196 : vector<256xf32> to vector<256x1xf32>
    %eq3A_198 = vector.broadcast %broadcast_in_dim3A_197 : vector<256x1xf32> to vector<256x1152xf32>
    %eq3A_199 = arith.cmpf oeq, %get3A_194, %eq3A_198 : vector<256x1152xf32>
    %jit3A_200 = arith.constant 1073741824 : i32
    %broadcast_in_dim3A_201 = vector.broadcast %jit3A_200 : i32 to vector<256x1152xi32>
    %select_n3A_202 = arith.select %eq3A_199, %iota3A, %broadcast_in_dim3A_201 : vector<256x1152xi1>, vector<256x1152xi32>
    %reduce_min3A_203 = arith.constant dense<2147483647> : vector<256xi32>
    %reduce_min3A_204 = vector.multi_reduction <minsi>, %select_n3A_202, %reduce_min3A_203 [1] : vector<256x1152xi32> to vector<256xi32>
    %broadcast_in_dim3A_205 = vector.shape_cast %reduce_min3A_204 : vector<256xi32> to vector<256x1xi32>
    %swap3A_206 = arith.constant 0 : index
    %swap3A_207 = arith.constant 0 : index
    %swap3A_208 = arith.constant 6 : index
    %swap3A_209 = vector.load %arg4[%swap3A_206, %swap3A_207, %swap3A_208] : memref<1x256x17xi32, #tpu.memory_space<vmem>>, vector<1x256x1xi32>
    %swap3A_210 = vector.shape_cast %swap3A_209 : vector<1x256x1xi32> to vector<256x1xi32>
    %swap3A_211 = vector.shape_cast %broadcast_in_dim3A_205 : vector<256x1xi32> to vector<1x256x1xi32>
    tpu.vector_store %arg4[%swap3A_206, %swap3A_207, %swap3A_208], %swap3A_211 {strides = array<i32>} : memref<1x256x17xi32, #tpu.memory_space<vmem>>, vector<1x256x1xi32>,
    %eq3A_212 = vector.broadcast %broadcast_in_dim3A_205 : vector<256x1xi32> to vector<256x1152xi32>
    %eq3A_213 = arith.cmpi eq, %iota3A, %eq3A_212 : vector<256x1152xi32>
    %jit3A_214 = arith.constant 0x7F800000 : f32
    %broadcast_in_dim3A_215 = vector.broadcast %jit3A_214 : f32 to vector<256x1152xf32>
    %select_n3A_216 = arith.select %eq3A_213, %broadcast_in_dim3A_215, %get3A_194 : vector<256x1152xi1>, vector<256x1152xf32>
    %swap3A_217 = arith.constant 0 : index
    %swap3A_218 = arith.constant 0 : index
    %swap3A_219 = vector.load %arg5[%swap3A_217, %swap3A_218] : memref<256x1152xf32, #tpu.memory_space<vmem>>, vector<256x1152xf32>
    tpu.vector_store %arg5[%swap3A_217, %swap3A_218], %select_n3A_216 {strides = array<i32>} : memref<256x1152xf32, #tpu.memory_space<vmem>>, vector<256x1152xf32>,
    %get3A_220 = arith.constant 0 : index
    %get3A_221 = arith.constant 0 : index
    %get3A_222 = vector.load %arg5[%get3A_220, %get3A_221] : memref<256x1152xf32, #tpu.memory_space<vmem>>, vector<256x1152xf32>
    %reduce_min3A_223 = arith.constant dense<0x7F800000> : vector<256xf32>
    %reduce_min3A_224 = vector.multi_reduction <minimumf>, %get3A_222, %reduce_min3A_223 [1] : vector<256x1152xf32> to vector<256xf32>
    %broadcast_in_dim3A_225 = vector.shape_cast %reduce_min3A_224 : vector<256xf32> to vector<256x1xf32>
    %eq3A_226 = vector.broadcast %broadcast_in_dim3A_225 : vector<256x1xf32> to vector<256x1152xf32>
    %eq3A_227 = arith.cmpf oeq, %get3A_222, %eq3A_226 : vector<256x1152xf32>
    %jit3A_228 = arith.constant 1073741824 : i32
    %broadcast_in_dim3A_229 = vector.broadcast %jit3A_228 : i32 to vector<256x1152xi32>
    %select_n3A_230 = arith.select %eq3A_227, %iota3A, %broadcast_in_dim3A_229 : vector<256x1152xi1>, vector<256x1152xi32>
    %reduce_min3A_231 = arith.constant dense<2147483647> : vector<256xi32>
    %reduce_min3A_232 = vector.multi_reduction <minsi>, %select_n3A_230, %reduce_min3A_231 [1] : vector<256x1152xi32> to vector<256xi32>
    %broadcast_in_dim3A_233 = vector.shape_cast %reduce_min3A_232 : vector<256xi32> to vector<256x1xi32>
    %swap3A_234 = arith.constant 0 : index
    %swap3A_235 = arith.constant 0 : index
    %swap3A_236 = arith.constant 7 : index
    %swap3A_237 = vector.load %arg4[%swap3A_234, %swap3A_235, %swap3A_236] : memref<1x256x17xi32, #tpu.memory_space<vmem>>, vector<1x256x1xi32>
    %swap3A_238 = vector.shape_cast %swap3A_237 : vector<1x256x1xi32> to vector<256x1xi32>
    %swap3A_239 = vector.shape_cast %broadcast_in_dim3A_233 : vector<256x1xi32> to vector<1x256x1xi32>
    tpu.vector_store %arg4[%swap3A_234, %swap3A_235, %swap3A_236], %swap3A_239 {strides = array<i32>} : memref<1x256x17xi32, #tpu.memory_space<vmem>>, vector<1x256x1xi32>,
    %eq3A_240 = vector.broadcast %broadcast_in_dim3A_233 : vector<256x1xi32> to vector<256x1152xi32>
    %eq3A_241 = arith.cmpi eq, %iota3A, %eq3A_240 : vector<256x1152xi32>
    %jit3A_242 = arith.constant 0x7F800000 : f32
    %broadcast_in_dim3A_243 = vector.broadcast %jit3A_242 : f32 to vector<256x1152xf32>
    %select_n3A_244 = arith.select %eq3A_241, %broadcast_in_dim3A_243, %get3A_222 : vector<256x1152xi1>, vector<256x1152xf32>
    %swap3A_245 = arith.constant 0 : index
    %swap3A_246 = arith.constant 0 : index
    %swap3A_247 = vector.load %arg5[%swap3A_245, %swap3A_246] : memref<256x1152xf32, #tpu.memory_space<vmem>>, vector<256x1152xf32>
    tpu.vector_store %arg5[%swap3A_245, %swap3A_246], %select_n3A_244 {strides = array<i32>} : memref<256x1152xf32, #tpu.memory_space<vmem>>, vector<256x1152xf32>,
    %get3A_248 = arith.constant 0 : index
    %get3A_249 = arith.constant 0 : index
    %get3A_250 = vector.load %arg5[%get3A_248, %get3A_249] : memref<256x1152xf32, #tpu.memory_space<vmem>>, vector<256x1152xf32>
    %reduce_min3A_251 = arith.constant dense<0x7F800000> : vector<256xf32>
    %reduce_min3A_252 = vector.multi_reduction <minimumf>, %get3A_250, %reduce_min3A_251 [1] : vector<256x1152xf32> to vector<256xf32>
    %broadcast_in_dim3A_253 = vector.shape_cast %reduce_min3A_252 : vector<256xf32> to vector<256x1xf32>
    %eq3A_254 = vector.broadcast %broadcast_in_dim3A_253 : vector<256x1xf32> to vector<256x1152xf32>
    %eq3A_255 = arith.cmpf oeq, %get3A_250, %eq3A_254 : vector<256x1152xf32>
    %jit3A_256 = arith.constant 1073741824 : i32
    %broadcast_in_dim3A_257 = vector.broadcast %jit3A_256 : i32 to vector<256x1152xi32>
    %select_n3A_258 = arith.select %eq3A_255, %iota3A, %broadcast_in_dim3A_257 : vector<256x1152xi1>, vector<256x1152xi32>
    %reduce_min3A_259 = arith.constant dense<2147483647> : vector<256xi32>
    %reduce_min3A_260 = vector.multi_reduction <minsi>, %select_n3A_258, %reduce_min3A_259 [1] : vector<256x1152xi32> to vector<256xi32>
    %broadcast_in_dim3A_261 = vector.shape_cast %reduce_min3A_260 : vector<256xi32> to vector<256x1xi32>
    %swap3A_262 = arith.constant 0 : index
    %swap3A_263 = arith.constant 0 : index
    %swap3A_264 = arith.constant 8 : index
    %swap3A_265 = vector.load %arg4[%swap3A_262, %swap3A_263, %swap3A_264] : memref<1x256x17xi32, #tpu.memory_space<vmem>>, vector<1x256x1xi32>
    %swap3A_266 = vector.shape_cast %swap3A_265 : vector<1x256x1xi32> to vector<256x1xi32>
    %swap3A_267 = vector.shape_cast %broadcast_in_dim3A_261 : vector<256x1xi32> to vector<1x256x1xi32>
    tpu.vector_store %arg4[%swap3A_262, %swap3A_263, %swap3A_264], %swap3A_267 {strides = array<i32>} : memref<1x256x17xi32, #tpu.memory_space<vmem>>, vector<1x256x1xi32>,
    %eq3A_268 = vector.broadcast %broadcast_in_dim3A_261 : vector<256x1xi32> to vector<256x1152xi32>
    %eq3A_269 = arith.cmpi eq, %iota3A, %eq3A_268 : vector<256x1152xi32>
    %jit3A_270 = arith.constant 0x7F800000 : f32
    %broadcast_in_dim3A_271 = vector.broadcast %jit3A_270 : f32 to vector<256x1152xf32>
    %select_n3A_272 = arith.select %eq3A_269, %broadcast_in_dim3A_271, %get3A_250 : vector<256x1152xi1>, vector<256x1152xf32>
    %swap3A_273 = arith.constant 0 : index
    %swap3A_274 = arith.constant 0 : index
    %swap3A_275 = vector.load %arg5[%swap3A_273, %swap3A_274] : memref<256x1152xf32, #tpu.memory_space<vmem>>, vector<256x1152xf32>
    tpu.vector_store %arg5[%swap3A_273, %swap3A_274], %select_n3A_272 {strides = array<i32>} : memref<256x1152xf32, #tpu.memory_space<vmem>>, vector<256x1152xf32>,
    %get3A_276 = arith.constant 0 : index
    %get3A_277 = arith.constant 0 : index
    %get3A_278 = vector.load %arg5[%get3A_276, %get3A_277] : memref<256x1152xf32, #tpu.memory_space<vmem>>, vector<256x1152xf32>
    %reduce_min3A_279 = arith.constant dense<0x7F800000> : vector<256xf32>
    %reduce_min3A_280 = vector.multi_reduction <minimumf>, %get3A_278, %reduce_min3A_279 [1] : vector<256x1152xf32> to vector<256xf32>
    %broadcast_in_dim3A_281 = vector.shape_cast %reduce_min3A_280 : vector<256xf32> to vector<256x1xf32>
    %eq3A_282 = vector.broadcast %broadcast_in_dim3A_281 : vector<256x1xf32> to vector<256x1152xf32>
    %eq3A_283 = arith.cmpf oeq, %get3A_278, %eq3A_282 : vector<256x1152xf32>
    %jit3A_284 = arith.constant 1073741824 : i32
    %broadcast_in_dim3A_285 = vector.broadcast %jit3A_284 : i32 to vector<256x1152xi32>
    %select_n3A_286 = arith.select %eq3A_283, %iota3A, %broadcast_in_dim3A_285 : vector<256x1152xi1>, vector<256x1152xi32>
    %reduce_min3A_287 = arith.constant dense<2147483647> : vector<256xi32>
    %reduce_min3A_288 = vector.multi_reduction <minsi>, %select_n3A_286, %reduce_min3A_287 [1] : vector<256x1152xi32> to vector<256xi32>
    %broadcast_in_dim3A_289 = vector.shape_cast %reduce_min3A_288 : vector<256xi32> to vector<256x1xi32>
    %swap3A_290 = arith.constant 0 : index
    %swap3A_291 = arith.constant 0 : index
    %swap3A_292 = arith.constant 9 : index
    %swap3A_293 = vector.load %arg4[%swap3A_290, %swap3A_291, %swap3A_292] : memref<1x256x17xi32, #tpu.memory_space<vmem>>, vector<1x256x1xi32>
    %swap3A_294 = vector.shape_cast %swap3A_293 : vector<1x256x1xi32> to vector<256x1xi32>
    %swap3A_295 = vector.shape_cast %broadcast_in_dim3A_289 : vector<256x1xi32> to vector<1x256x1xi32>
    tpu.vector_store %arg4[%swap3A_290, %swap3A_291, %swap3A_292], %swap3A_295 {strides = array<i32>} : memref<1x256x17xi32, #tpu.memory_space<vmem>>, vector<1x256x1xi32>,
    %eq3A_296 = vector.broadcast %broadcast_in_dim3A_289 : vector<256x1xi32> to vector<256x1152xi32>
    %eq3A_297 = arith.cmpi eq, %iota3A, %eq3A_296 : vector<256x1152xi32>
    %jit3A_298 = arith.constant 0x7F800000 : f32
    %broadcast_in_dim3A_299 = vector.broadcast %jit3A_298 : f32 to vector<256x1152xf32>
    %select_n3A_300 = arith.select %eq3A_297, %broadcast_in_dim3A_299, %get3A_278 : vector<256x1152xi1>, vector<256x1152xf32>
    %swap3A_301 = arith.constant 0 : index
    %swap3A_302 = arith.constant 0 : index
    %swap3A_303 = vector.load %arg5[%swap3A_301, %swap3A_302] : memref<256x1152xf32, #tpu.memory_space<vmem>>, vector<256x1152xf32>
    tpu.vector_store %arg5[%swap3A_301, %swap3A_302], %select_n3A_300 {strides = array<i32>} : memref<256x1152xf32, #tpu.memory_space<vmem>>, vector<256x1152xf32>,
    %get3A_304 = arith.constant 0 : index
    %get3A_305 = arith.constant 0 : index
    %get3A_306 = vector.load %arg5[%get3A_304, %get3A_305] : memref<256x1152xf32, #tpu.memory_space<vmem>>, vector<256x1152xf32>
    %reduce_min3A_307 = arith.constant dense<0x7F800000> : vector<256xf32>
    %reduce_min3A_308 = vector.multi_reduction <minimumf>, %get3A_306, %reduce_min3A_307 [1] : vector<256x1152xf32> to vector<256xf32>
    %broadcast_in_dim3A_309 = vector.shape_cast %reduce_min3A_308 : vector<256xf32> to vector<256x1xf32>
    %eq3A_310 = vector.broadcast %broadcast_in_dim3A_309 : vector<256x1xf32> to vector<256x1152xf32>
    %eq3A_311 = arith.cmpf oeq, %get3A_306, %eq3A_310 : vector<256x1152xf32>
    %jit3A_312 = arith.constant 1073741824 : i32
    %broadcast_in_dim3A_313 = vector.broadcast %jit3A_312 : i32 to vector<256x1152xi32>
    %select_n3A_314 = arith.select %eq3A_311, %iota3A, %broadcast_in_dim3A_313 : vector<256x1152xi1>, vector<256x1152xi32>
    %reduce_min3A_315 = arith.constant dense<2147483647> : vector<256xi32>
    %reduce_min3A_316 = vector.multi_reduction <minsi>, %select_n3A_314, %reduce_min3A_315 [1] : vector<256x1152xi32> to vector<256xi32>
    %broadcast_in_dim3A_317 = vector.shape_cast %reduce_min3A_316 : vector<256xi32> to vector<256x1xi32>
    %swap3A_318 = arith.constant 0 : index
    %swap3A_319 = arith.constant 0 : index
    %swap3A_320 = arith.constant 10 : index
    %swap3A_321 = vector.load %arg4[%swap3A_318, %swap3A_319, %swap3A_320] : memref<1x256x17xi32, #tpu.memory_space<vmem>>, vector<1x256x1xi32>
    %swap3A_322 = vector.shape_cast %swap3A_321 : vector<1x256x1xi32> to vector<256x1xi32>
    %swap3A_323 = vector.shape_cast %broadcast_in_dim3A_317 : vector<256x1xi32> to vector<1x256x1xi32>
    tpu.vector_store %arg4[%swap3A_318, %swap3A_319, %swap3A_320], %swap3A_323 {strides = array<i32>} : memref<1x256x17xi32, #tpu.memory_space<vmem>>, vector<1x256x1xi32>,
    %eq3A_324 = vector.broadcast %broadcast_in_dim3A_317 : vector<256x1xi32> to vector<256x1152xi32>
    %eq3A_325 = arith.cmpi eq, %iota3A, %eq3A_324 : vector<256x1152xi32>
    %jit3A_326 = arith.constant 0x7F800000 : f32
    %broadcast_in_dim3A_327 = vector.broadcast %jit3A_326 : f32 to vector<256x1152xf32>
    %select_n3A_328 = arith.select %eq3A_325, %broadcast_in_dim3A_327, %get3A_306 : vector<256x1152xi1>, vector<256x1152xf32>
    %swap3A_329 = arith.constant 0 : index
    %swap3A_330 = arith.constant 0 : index
    %swap3A_331 = vector.load %arg5[%swap3A_329, %swap3A_330] : memref<256x1152xf32, #tpu.memory_space<vmem>>, vector<256x1152xf32>
    tpu.vector_store %arg5[%swap3A_329, %swap3A_330], %select_n3A_328 {strides = array<i32>} : memref<256x1152xf32, #tpu.memory_space<vmem>>, vector<256x1152xf32>,
    %get3A_332 = arith.constant 0 : index
    %get3A_333 = arith.constant 0 : index
    %get3A_334 = vector.load %arg5[%get3A_332, %get3A_333] : memref<256x1152xf32, #tpu.memory_space<vmem>>, vector<256x1152xf32>
    %reduce_min3A_335 = arith.constant dense<0x7F800000> : vector<256xf32>
    %reduce_min3A_336 = vector.multi_reduction <minimumf>, %get3A_334, %reduce_min3A_335 [1] : vector<256x1152xf32> to vector<256xf32>
    %broadcast_in_dim3A_337 = vector.shape_cast %reduce_min3A_336 : vector<256xf32> to vector<256x1xf32>
    %eq3A_338 = vector.broadcast %broadcast_in_dim3A_337 : vector<256x1xf32> to vector<256x1152xf32>
    %eq3A_339 = arith.cmpf oeq, %get3A_334, %eq3A_338 : vector<256x1152xf32>
    %jit3A_340 = arith.constant 1073741824 : i32
    %broadcast_in_dim3A_341 = vector.broadcast %jit3A_340 : i32 to vector<256x1152xi32>
    %select_n3A_342 = arith.select %eq3A_339, %iota3A, %broadcast_in_dim3A_341 : vector<256x1152xi1>, vector<256x1152xi32>
    %reduce_min3A_343 = arith.constant dense<2147483647> : vector<256xi32>
    %reduce_min3A_344 = vector.multi_reduction <minsi>, %select_n3A_342, %reduce_min3A_343 [1] : vector<256x1152xi32> to vector<256xi32>
    %broadcast_in_dim3A_345 = vector.shape_cast %reduce_min3A_344 : vector<256xi32> to vector<256x1xi32>
    %swap3A_346 = arith.constant 0 : index
    %swap3A_347 = arith.constant 0 : index
    %swap3A_348 = arith.constant 11 : index
    %swap3A_349 = vector.load %arg4[%swap3A_346, %swap3A_347, %swap3A_348] : memref<1x256x17xi32, #tpu.memory_space<vmem>>, vector<1x256x1xi32>
    %swap3A_350 = vector.shape_cast %swap3A_349 : vector<1x256x1xi32> to vector<256x1xi32>
    %swap3A_351 = vector.shape_cast %broadcast_in_dim3A_345 : vector<256x1xi32> to vector<1x256x1xi32>
    tpu.vector_store %arg4[%swap3A_346, %swap3A_347, %swap3A_348], %swap3A_351 {strides = array<i32>} : memref<1x256x17xi32, #tpu.memory_space<vmem>>, vector<1x256x1xi32>,
    %eq3A_352 = vector.broadcast %broadcast_in_dim3A_345 : vector<256x1xi32> to vector<256x1152xi32>
    %eq3A_353 = arith.cmpi eq, %iota3A, %eq3A_352 : vector<256x1152xi32>
    %jit3A_354 = arith.constant 0x7F800000 : f32
    %broadcast_in_dim3A_355 = vector.broadcast %jit3A_354 : f32 to vector<256x1152xf32>
    %select_n3A_356 = arith.select %eq3A_353, %broadcast_in_dim3A_355, %get3A_334 : vector<256x1152xi1>, vector<256x1152xf32>
    %swap3A_357 = arith.constant 0 : index
    %swap3A_358 = arith.constant 0 : index
    %swap3A_359 = vector.load %arg5[%swap3A_357, %swap3A_358] : memref<256x1152xf32, #tpu.memory_space<vmem>>, vector<256x1152xf32>
    tpu.vector_store %arg5[%swap3A_357, %swap3A_358], %select_n3A_356 {strides = array<i32>} : memref<256x1152xf32, #tpu.memory_space<vmem>>, vector<256x1152xf32>,
    %get3A_360 = arith.constant 0 : index
    %get3A_361 = arith.constant 0 : index
    %get3A_362 = vector.load %arg5[%get3A_360, %get3A_361] : memref<256x1152xf32, #tpu.memory_space<vmem>>, vector<256x1152xf32>
    %reduce_min3A_363 = arith.constant dense<0x7F800000> : vector<256xf32>
    %reduce_min3A_364 = vector.multi_reduction <minimumf>, %get3A_362, %reduce_min3A_363 [1] : vector<256x1152xf32> to vector<256xf32>
    %broadcast_in_dim3A_365 = vector.shape_cast %reduce_min3A_364 : vector<256xf32> to vector<256x1xf32>
    %eq3A_366 = vector.broadcast %broadcast_in_dim3A_365 : vector<256x1xf32> to vector<256x1152xf32>
    %eq3A_367 = arith.cmpf oeq, %get3A_362, %eq3A_366 : vector<256x1152xf32>
    %jit3A_368 = arith.constant 1073741824 : i32
    %broadcast_in_dim3A_369 = vector.broadcast %jit3A_368 : i32 to vector<256x1152xi32>
    %select_n3A_370 = arith.select %eq3A_367, %iota3A, %broadcast_in_dim3A_369 : vector<256x1152xi1>, vector<256x1152xi32>
    %reduce_min3A_371 = arith.constant dense<2147483647> : vector<256xi32>
    %reduce_min3A_372 = vector.multi_reduction <minsi>, %select_n3A_370, %reduce_min3A_371 [1] : vector<256x1152xi32> to vector<256xi32>
    %broadcast_in_dim3A_373 = vector.shape_cast %reduce_min3A_372 : vector<256xi32> to vector<256x1xi32>
    %swap3A_374 = arith.constant 0 : index
    %swap3A_375 = arith.constant 0 : index
    %swap3A_376 = arith.constant 12 : index
    %swap3A_377 = vector.load %arg4[%swap3A_374, %swap3A_375, %swap3A_376] : memref<1x256x17xi32, #tpu.memory_space<vmem>>, vector<1x256x1xi32>
    %swap3A_378 = vector.shape_cast %swap3A_377 : vector<1x256x1xi32> to vector<256x1xi32>
    %swap3A_379 = vector.shape_cast %broadcast_in_dim3A_373 : vector<256x1xi32> to vector<1x256x1xi32>
    tpu.vector_store %arg4[%swap3A_374, %swap3A_375, %swap3A_376], %swap3A_379 {strides = array<i32>} : memref<1x256x17xi32, #tpu.memory_space<vmem>>, vector<1x256x1xi32>,
    %eq3A_380 = vector.broadcast %broadcast_in_dim3A_373 : vector<256x1xi32> to vector<256x1152xi32>
    %eq3A_381 = arith.cmpi eq, %iota3A, %eq3A_380 : vector<256x1152xi32>
    %jit3A_382 = arith.constant 0x7F800000 : f32
    %broadcast_in_dim3A_383 = vector.broadcast %jit3A_382 : f32 to vector<256x1152xf32>
    %select_n3A_384 = arith.select %eq3A_381, %broadcast_in_dim3A_383, %get3A_362 : vector<256x1152xi1>, vector<256x1152xf32>
    %swap3A_385 = arith.constant 0 : index
    %swap3A_386 = arith.constant 0 : index
    %swap3A_387 = vector.load %arg5[%swap3A_385, %swap3A_386] : memref<256x1152xf32, #tpu.memory_space<vmem>>, vector<256x1152xf32>
    tpu.vector_store %arg5[%swap3A_385, %swap3A_386], %select_n3A_384 {strides = array<i32>} : memref<256x1152xf32, #tpu.memory_space<vmem>>, vector<256x1152xf32>,
    %get3A_388 = arith.constant 0 : index
    %get3A_389 = arith.constant 0 : index
    %get3A_390 = vector.load %arg5[%get3A_388, %get3A_389] : memref<256x1152xf32, #tpu.memory_space<vmem>>, vector<256x1152xf32>
    %reduce_min3A_391 = arith.constant dense<0x7F800000> : vector<256xf32>
    %reduce_min3A_392 = vector.multi_reduction <minimumf>, %get3A_390, %reduce_min3A_391 [1] : vector<256x1152xf32> to vector<256xf32>
    %broadcast_in_dim3A_393 = vector.shape_cast %reduce_min3A_392 : vector<256xf32> to vector<256x1xf32>
    %eq3A_394 = vector.broadcast %broadcast_in_dim3A_393 : vector<256x1xf32> to vector<256x1152xf32>
    %eq3A_395 = arith.cmpf oeq, %get3A_390, %eq3A_394 : vector<256x1152xf32>
    %jit3A_396 = arith.constant 1073741824 : i32
    %broadcast_in_dim3A_397 = vector.broadcast %jit3A_396 : i32 to vector<256x1152xi32>
    %select_n3A_398 = arith.select %eq3A_395, %iota3A, %broadcast_in_dim3A_397 : vector<256x1152xi1>, vector<256x1152xi32>
    %reduce_min3A_399 = arith.constant dense<2147483647> : vector<256xi32>
    %reduce_min3A_400 = vector.multi_reduction <minsi>, %select_n3A_398, %reduce_min3A_399 [1] : vector<256x1152xi32> to vector<256xi32>
    %broadcast_in_dim3A_401 = vector.shape_cast %reduce_min3A_400 : vector<256xi32> to vector<256x1xi32>
    %swap3A_402 = arith.constant 0 : index
    %swap3A_403 = arith.constant 0 : index
    %swap3A_404 = arith.constant 13 : index
    %swap3A_405 = vector.load %arg4[%swap3A_402, %swap3A_403, %swap3A_404] : memref<1x256x17xi32, #tpu.memory_space<vmem>>, vector<1x256x1xi32>
    %swap3A_406 = vector.shape_cast %swap3A_405 : vector<1x256x1xi32> to vector<256x1xi32>
    %swap3A_407 = vector.shape_cast %broadcast_in_dim3A_401 : vector<256x1xi32> to vector<1x256x1xi32>
    tpu.vector_store %arg4[%swap3A_402, %swap3A_403, %swap3A_404], %swap3A_407 {strides = array<i32>} : memref<1x256x17xi32, #tpu.memory_space<vmem>>, vector<1x256x1xi32>,
    %eq3A_408 = vector.broadcast %broadcast_in_dim3A_401 : vector<256x1xi32> to vector<256x1152xi32>
    %eq3A_409 = arith.cmpi eq, %iota3A, %eq3A_408 : vector<256x1152xi32>
    %jit3A_410 = arith.constant 0x7F800000 : f32
    %broadcast_in_dim3A_411 = vector.broadcast %jit3A_410 : f32 to vector<256x1152xf32>
    %select_n3A_412 = arith.select %eq3A_409, %broadcast_in_dim3A_411, %get3A_390 : vector<256x1152xi1>, vector<256x1152xf32>
    %swap3A_413 = arith.constant 0 : index
    %swap3A_414 = arith.constant 0 : index
    %swap3A_415 = vector.load %arg5[%swap3A_413, %swap3A_414] : memref<256x1152xf32, #tpu.memory_space<vmem>>, vector<256x1152xf32>
    tpu.vector_store %arg5[%swap3A_413, %swap3A_414], %select_n3A_412 {strides = array<i32>} : memref<256x1152xf32, #tpu.memory_space<vmem>>, vector<256x1152xf32>,
    %get3A_416 = arith.constant 0 : index
    %get3A_417 = arith.constant 0 : index
    %get3A_418 = vector.load %arg5[%get3A_416, %get3A_417] : memref<256x1152xf32, #tpu.memory_space<vmem>>, vector<256x1152xf32>
    %reduce_min3A_419 = arith.constant dense<0x7F800000> : vector<256xf32>
    %reduce_min3A_420 = vector.multi_reduction <minimumf>, %get3A_418, %reduce_min3A_419 [1] : vector<256x1152xf32> to vector<256xf32>
    %broadcast_in_dim3A_421 = vector.shape_cast %reduce_min3A_420 : vector<256xf32> to vector<256x1xf32>
    %eq3A_422 = vector.broadcast %broadcast_in_dim3A_421 : vector<256x1xf32> to vector<256x1152xf32>
    %eq3A_423 = arith.cmpf oeq, %get3A_418, %eq3A_422 : vector<256x1152xf32>
    %jit3A_424 = arith.constant 1073741824 : i32
    %broadcast_in_dim3A_425 = vector.broadcast %jit3A_424 : i32 to vector<256x1152xi32>
    %select_n3A_426 = arith.select %eq3A_423, %iota3A, %broadcast_in_dim3A_425 : vector<256x1152xi1>, vector<256x1152xi32>
    %reduce_min3A_427 = arith.constant dense<2147483647> : vector<256xi32>
    %reduce_min3A_428 = vector.multi_reduction <minsi>, %select_n3A_426, %reduce_min3A_427 [1] : vector<256x1152xi32> to vector<256xi32>
    %broadcast_in_dim3A_429 = vector.shape_cast %reduce_min3A_428 : vector<256xi32> to vector<256x1xi32>
    %swap3A_430 = arith.constant 0 : index
    %swap3A_431 = arith.constant 0 : index
    %swap3A_432 = arith.constant 14 : index
    %swap3A_433 = vector.load %arg4[%swap3A_430, %swap3A_431, %swap3A_432] : memref<1x256x17xi32, #tpu.memory_space<vmem>>, vector<1x256x1xi32>
    %swap3A_434 = vector.shape_cast %swap3A_433 : vector<1x256x1xi32> to vector<256x1xi32>
    %swap3A_435 = vector.shape_cast %broadcast_in_dim3A_429 : vector<256x1xi32> to vector<1x256x1xi32>
    tpu.vector_store %arg4[%swap3A_430, %swap3A_431, %swap3A_432], %swap3A_435 {strides = array<i32>} : memref<1x256x17xi32, #tpu.memory_space<vmem>>, vector<1x256x1xi32>,
    %eq3A_436 = vector.broadcast %broadcast_in_dim3A_429 : vector<256x1xi32> to vector<256x1152xi32>
    %eq3A_437 = arith.cmpi eq, %iota3A, %eq3A_436 : vector<256x1152xi32>
    %jit3A_438 = arith.constant 0x7F800000 : f32
    %broadcast_in_dim3A_439 = vector.broadcast %jit3A_438 : f32 to vector<256x1152xf32>
    %select_n3A_440 = arith.select %eq3A_437, %broadcast_in_dim3A_439, %get3A_418 : vector<256x1152xi1>, vector<256x1152xf32>
    %swap3A_441 = arith.constant 0 : index
    %swap3A_442 = arith.constant 0 : index
    %swap3A_443 = vector.load %arg5[%swap3A_441, %swap3A_442] : memref<256x1152xf32, #tpu.memory_space<vmem>>, vector<256x1152xf32>
    tpu.vector_store %arg5[%swap3A_441, %swap3A_442], %select_n3A_440 {strides = array<i32>} : memref<256x1152xf32, #tpu.memory_space<vmem>>, vector<256x1152xf32>,
    %get3A_444 = arith.constant 0 : index
    %get3A_445 = arith.constant 0 : index
    %get3A_446 = vector.load %arg5[%get3A_444, %get3A_445] : memref<256x1152xf32, #tpu.memory_space<vmem>>, vector<256x1152xf32>
    %reduce_min3A_447 = arith.constant dense<0x7F800000> : vector<256xf32>
    %reduce_min3A_448 = vector.multi_reduction <minimumf>, %get3A_446, %reduce_min3A_447 [1] : vector<256x1152xf32> to vector<256xf32>
    %broadcast_in_dim3A_449 = vector.shape_cast %reduce_min3A_448 : vector<256xf32> to vector<256x1xf32>
    %eq3A_450 = vector.broadcast %broadcast_in_dim3A_449 : vector<256x1xf32> to vector<256x1152xf32>
    %eq3A_451 = arith.cmpf oeq, %get3A_446, %eq3A_450 : vector<256x1152xf32>
    %jit3A_452 = arith.constant 1073741824 : i32
    %broadcast_in_dim3A_453 = vector.broadcast %jit3A_452 : i32 to vector<256x1152xi32>
    %select_n3A_454 = arith.select %eq3A_451, %iota3A, %broadcast_in_dim3A_453 : vector<256x1152xi1>, vector<256x1152xi32>
    %reduce_min3A_455 = arith.constant dense<2147483647> : vector<256xi32>
    %reduce_min3A_456 = vector.multi_reduction <minsi>, %select_n3A_454, %reduce_min3A_455 [1] : vector<256x1152xi32> to vector<256xi32>
    %broadcast_in_dim3A_457 = vector.shape_cast %reduce_min3A_456 : vector<256xi32> to vector<256x1xi32>
    %swap3A_458 = arith.constant 0 : index
    %swap3A_459 = arith.constant 0 : index
    %swap3A_460 = arith.constant 15 : index
    %swap3A_461 = vector.load %arg4[%swap3A_458, %swap3A_459, %swap3A_460] : memref<1x256x17xi32, #tpu.memory_space<vmem>>, vector<1x256x1xi32>
    %swap3A_462 = vector.shape_cast %swap3A_461 : vector<1x256x1xi32> to vector<256x1xi32>
    %swap3A_463 = vector.shape_cast %broadcast_in_dim3A_457 : vector<256x1xi32> to vector<1x256x1xi32>
    tpu.vector_store %arg4[%swap3A_458, %swap3A_459, %swap3A_460], %swap3A_463 {strides = array<i32>} : memref<1x256x17xi32, #tpu.memory_space<vmem>>, vector<1x256x1xi32>,
    %eq3A_464 = vector.broadcast %broadcast_in_dim3A_457 : vector<256x1xi32> to vector<256x1152xi32>
    %eq3A_465 = arith.cmpi eq, %iota3A, %eq3A_464 : vector<256x1152xi32>
    %jit3A_466 = arith.constant 0x7F800000 : f32
    %broadcast_in_dim3A_467 = vector.broadcast %jit3A_466 : f32 to vector<256x1152xf32>
    %select_n3A_468 = arith.select %eq3A_465, %broadcast_in_dim3A_467, %get3A_446 : vector<256x1152xi1>, vector<256x1152xf32>
    %swap3A_469 = arith.constant 0 : index
    %swap3A_470 = arith.constant 0 : index
    %swap3A_471 = vector.load %arg5[%swap3A_469, %swap3A_470] : memref<256x1152xf32, #tpu.memory_space<vmem>>, vector<256x1152xf32>
    tpu.vector_store %arg5[%swap3A_469, %swap3A_470], %select_n3A_468 {strides = array<i32>} : memref<256x1152xf32, #tpu.memory_space<vmem>>, vector<256x1152xf32>,
    %get3A_472 = arith.constant 0 : index
    %get3A_473 = arith.constant 0 : index
    %get3A_474 = vector.load %arg5[%get3A_472, %get3A_473] : memref<256x1152xf32, #tpu.memory_space<vmem>>, vector<256x1152xf32>
    %reduce_min3A_475 = arith.constant dense<0x7F800000> : vector<256xf32>
    %reduce_min3A_476 = vector.multi_reduction <minimumf>, %get3A_474, %reduce_min3A_475 [1] : vector<256x1152xf32> to vector<256xf32>
    %broadcast_in_dim3A_477 = vector.shape_cast %reduce_min3A_476 : vector<256xf32> to vector<256x1xf32>
    %eq3A_478 = vector.broadcast %broadcast_in_dim3A_477 : vector<256x1xf32> to vector<256x1152xf32>
    %eq3A_479 = arith.cmpf oeq, %get3A_474, %eq3A_478 : vector<256x1152xf32>
    %jit3A_480 = arith.constant 1073741824 : i32
    %broadcast_in_dim3A_481 = vector.broadcast %jit3A_480 : i32 to vector<256x1152xi32>
    %select_n3A_482 = arith.select %eq3A_479, %iota3A, %broadcast_in_dim3A_481 : vector<256x1152xi1>, vector<256x1152xi32>
    %reduce_min3A_483 = arith.constant dense<2147483647> : vector<256xi32>
    %reduce_min3A_484 = vector.multi_reduction <minsi>, %select_n3A_482, %reduce_min3A_483 [1] : vector<256x1152xi32> to vector<256xi32>
    %broadcast_in_dim3A_485 = vector.shape_cast %reduce_min3A_484 : vector<256xi32> to vector<256x1xi32>
    %swap3A_486 = arith.constant 0 : index
    %swap3A_487 = arith.constant 0 : index
    %swap3A_488 = arith.constant 16 : index
    %swap3A_489 = vector.load %arg4[%swap3A_486, %swap3A_487, %swap3A_488] : memref<1x256x17xi32, #tpu.memory_space<vmem>>, vector<1x256x1xi32>
    %swap3A_490 = vector.shape_cast %swap3A_489 : vector<1x256x1xi32> to vector<256x1xi32>
    %swap3A_491 = vector.shape_cast %broadcast_in_dim3A_485 : vector<256x1xi32> to vector<1x256x1xi32>
    tpu.vector_store %arg4[%swap3A_486, %swap3A_487, %swap3A_488], %swap3A_491 {strides = array<i32>} : memref<1x256x17xi32, #tpu.memory_space<vmem>>, vector<1x256x1xi32>,
    %eq3A_492 = vector.broadcast %broadcast_in_dim3A_485 : vector<256x1xi32> to vector<256x1152xi32>
    %eq3A_493 = arith.cmpi eq, %iota3A, %eq3A_492 : vector<256x1152xi32>
    %jit3A_494 = arith.constant 0x7F800000 : f32
    %broadcast_in_dim3A_495 = vector.broadcast %jit3A_494 : f32 to vector<256x1152xf32>
    %select_n3A_496 = arith.select %eq3A_493, %broadcast_in_dim3A_495, %get3A_474 : vector<256x1152xi1>, vector<256x1152xf32>
    %swap3A_497 = arith.constant 0 : index
    %swap3A_498 = arith.constant 0 : index
    %swap3A_499 = vector.load %arg5[%swap3A_497, %swap3A_498] : memref<256x1152xf32, #tpu.memory_space<vmem>>, vector<256x1152xf32>
    tpu.vector_store %arg5[%swap3A_497, %swap3A_498], %select_n3A_496 {strides = array<i32>} : memref<256x1152xf32, #tpu.memory_space<vmem>>, vector<256x1152xf32>,
    return
  }
  func.func @transform_0(%arg0: i32, %arg1: i32) -> (i32, i32, i32) {
    %c0_i32 = arith.constant 0 : i32
    %c0_i32_0 = arith.constant 0 : i32
    return %arg0, %arg1, %c0_i32 : i32, i32, i32
  }
  func.func @transform_1(%arg0: i32, %arg1: i32) -> (i32, i32, i32) {
    %c0_i32 = arith.constant 0 : i32
    %c0_i32_0 = arith.constant 0 : i32
    %c0_i32_1 = arith.constant 0 : i32
    return %arg0, %c0_i32, %c0_i32_0 : i32, i32, i32
  }
  func.func @transform_2(%arg0: i32, %arg1: i32) -> (i32, i32, i32) {
    %c0_i32 = arith.constant 0 : i32
    %c0_i32_0 = arith.constant 0 : i32
    return %arg0, %arg1, %c0_i32 : i32, i32, i32
  }
}

module attributes {stable_mosaic.version = 14 : i64} {
  func.func @_knn_kernel(%arg0: i32, %arg1: i32, %arg2: memref<1x24x3xf32, #tpu.memory_space<vmem>>, %arg3: memref<1x3x128xf32, #tpu.memory_space<vmem>>, %arg4: memref<1x24x17xi32, #tpu.memory_space<vmem>>, %arg5: memref<24x128xf32, #tpu.memory_space<vmem>>) attributes {dimension_semantics = [#tpu.dimension_semantics<arbitrary>, #tpu.dimension_semantics<arbitrary>], iteration_bounds = array<i64: 2, 1>, scalar_prefetch = 0 : i64, scratch_operands = 1 : i64, tpu.core_type = #tpu.core_type<tc>, window_params = [{transform_indices = @transform_0, window_bounds = array<i64: 1, 24, 3>}, {transform_indices = @transform_1, window_bounds = array<i64: 1, 3, 128>}, {transform_indices = @transform_2, window_bounds = array<i64: 1, 24, 17>}]} {
    %get3A = arith.constant 0 : index
    %get3A_0 = arith.constant 0 : index
    %get3A_1 = arith.constant 0 : index
    %get3A_2 = vector.load %arg2[%get3A, %get3A_0, %get3A_1] : memref<1x24x3xf32, #tpu.memory_space<vmem>>, vector<1x24x3xf32>
    %get3A_3 = vector.shape_cast %get3A_2 : vector<1x24x3xf32> to vector<24x3xf32>
    %get3A_4 = arith.constant 0 : index
    %get3A_5 = arith.constant 0 : index
    %get3A_6 = arith.constant 0 : index
    %get3A_7 = vector.load %arg3[%get3A_4, %get3A_5, %get3A_6] : memref<1x3x128xf32, #tpu.memory_space<vmem>>, vector<1x3x128xf32>
    %get3A_8 = vector.shape_cast %get3A_7 : vector<1x3x128xf32> to vector<3x128xf32>
    %dot_general3A = arith.constant dense<0.000000e+00> : vector<24x128xf32>
    %dot_general3A_9 = tpu.matmul %get3A_3, %get3A_8, %dot_general3A {dimension_numbers = #tpu.dot_dimension_numbers<[1], [0], [0], [1], [0, 0, 1, 1], [], []>, transpose_lhs_hint = false} : vector<24x3xf32>, vector<3x128xf32>, vector<24x128xf32> -> vector<24x128xf32>
    %mul3A = arith.mulf %get3A_3, %get3A_3 : vector<24x3xf32>
    %reduce_sum3A = arith.constant dense<0.000000e+00> : vector<24xf32>
    %reduce_sum3A_10 = vector.multi_reduction <add>, %mul3A, %reduce_sum3A [1] : vector<24x3xf32> to vector<24xf32>
    %broadcast_in_dim3A = vector.shape_cast %reduce_sum3A_10 : vector<24xf32> to vector<24x1xf32>
    %slice3A = vector.extract_strided_slice %get3A_8 {offsets = [0, 0], sizes = [1, 128], strides = [1, 1]} : vector<3x128xf32> to vector<1x128xf32>
    %slice3A_11 = vector.extract_strided_slice %get3A_8 {offsets = [0, 0], sizes = [1, 128], strides = [1, 1]} : vector<3x128xf32> to vector<1x128xf32>
    %mul3A_12 = arith.mulf %slice3A, %slice3A_11 : vector<1x128xf32>
    %slice3A_13 = vector.extract_strided_slice %get3A_8 {offsets = [1, 0], sizes = [1, 128], strides = [1, 1]} : vector<3x128xf32> to vector<1x128xf32>
    %slice3A_14 = vector.extract_strided_slice %get3A_8 {offsets = [1, 0], sizes = [1, 128], strides = [1, 1]} : vector<3x128xf32> to vector<1x128xf32>
    %mul3A_15 = arith.mulf %slice3A_13, %slice3A_14 : vector<1x128xf32>
    %add3A = arith.addf %mul3A_12, %mul3A_15 : vector<1x128xf32>
    %slice3A_16 = vector.extract_strided_slice %get3A_8 {offsets = [2, 0], sizes = [1, 128], strides = [1, 1]} : vector<3x128xf32> to vector<1x128xf32>
    %slice3A_17 = vector.extract_strided_slice %get3A_8 {offsets = [2, 0], sizes = [1, 128], strides = [1, 1]} : vector<3x128xf32> to vector<1x128xf32>
    %mul3A_18 = arith.mulf %slice3A_16, %slice3A_17 : vector<1x128xf32>
    %add3A_19 = arith.addf %add3A, %mul3A_18 : vector<1x128xf32>
    %mul3A_20 = arith.constant 2.000000e+00 : f32
    %mul3A_21 = vector.broadcast %mul3A_20 : f32 to vector<24x128xf32>
    %mul3A_22 = arith.mulf %mul3A_21, %dot_general3A_9 : vector<24x128xf32>
    %sub3A = vector.broadcast %broadcast_in_dim3A : vector<24x1xf32> to vector<24x128xf32>
    %sub3A_23 = arith.subf %sub3A, %mul3A_22 : vector<24x128xf32>
    %add3A_24 = vector.broadcast %add3A_19 : vector<1x128xf32> to vector<24x128xf32>
    %add3A_25 = arith.addf %sub3A_23, %add3A_24 : vector<24x128xf32>
    %swap3A = arith.constant 0 : index
    %swap3A_26 = arith.constant 0 : index
    %swap3A_27 = vector.load %arg5[%swap3A, %swap3A_26] : memref<24x128xf32, #tpu.memory_space<vmem>>, vector<24x128xf32>
    tpu.vector_store %arg5[%swap3A, %swap3A_26], %add3A_25 {strides = array<i32>} : memref<24x128xf32, #tpu.memory_space<vmem>>, vector<24x128xf32>,
    %iota3A = tpu.iota {dimensions = array<i32: 1>} : vector<24x128xi32>
    %get3A_28 = arith.constant 0 : index
    %get3A_29 = arith.constant 0 : index
    %get3A_30 = vector.load %arg5[%get3A_28, %get3A_29] : memref<24x128xf32, #tpu.memory_space<vmem>>, vector<24x128xf32>
    %reduce_min3A = arith.constant dense<0x7F800000> : vector<24xf32>
    %reduce_min3A_31 = vector.multi_reduction <minimumf>, %get3A_30, %reduce_min3A [1] : vector<24x128xf32> to vector<24xf32>
    %broadcast_in_dim3A_32 = vector.shape_cast %reduce_min3A_31 : vector<24xf32> to vector<24x1xf32>
    %eq3A = vector.broadcast %broadcast_in_dim3A_32 : vector<24x1xf32> to vector<24x128xf32>
    %eq3A_33 = arith.cmpf oeq, %get3A_30, %eq3A : vector<24x128xf32>
    %jit3A = arith.constant 1073741824 : i32
    %broadcast_in_dim3A_34 = vector.broadcast %jit3A : i32 to vector<24x128xi32>
    %select_n3A = arith.select %eq3A_33, %iota3A, %broadcast_in_dim3A_34 : vector<24x128xi1>, vector<24x128xi32>
    %reduce_min3A_35 = arith.constant dense<2147483647> : vector<24xi32>
    %reduce_min3A_36 = vector.multi_reduction <minsi>, %select_n3A, %reduce_min3A_35 [1] : vector<24x128xi32> to vector<24xi32>
    %broadcast_in_dim3A_37 = vector.shape_cast %reduce_min3A_36 : vector<24xi32> to vector<24x1xi32>
    %swap3A_38 = arith.constant 0 : index
    %swap3A_39 = arith.constant 0 : index
    %swap3A_40 = arith.constant 0 : index
    %swap3A_41 = vector.load %arg4[%swap3A_38, %swap3A_39, %swap3A_40] : memref<1x24x17xi32, #tpu.memory_space<vmem>>, vector<1x24x1xi32>
    %swap3A_42 = vector.shape_cast %swap3A_41 : vector<1x24x1xi32> to vector<24x1xi32>
    %swap3A_43 = vector.shape_cast %broadcast_in_dim3A_37 : vector<24x1xi32> to vector<1x24x1xi32>
    tpu.vector_store %arg4[%swap3A_38, %swap3A_39, %swap3A_40], %swap3A_43 {strides = array<i32>} : memref<1x24x17xi32, #tpu.memory_space<vmem>>, vector<1x24x1xi32>,
    %eq3A_44 = vector.broadcast %broadcast_in_dim3A_37 : vector<24x1xi32> to vector<24x128xi32>
    %eq3A_45 = arith.cmpi eq, %iota3A, %eq3A_44 : vector<24x128xi32>
    %jit3A_46 = arith.constant 0x7F800000 : f32
    %broadcast_in_dim3A_47 = vector.broadcast %jit3A_46 : f32 to vector<24x128xf32>
    %select_n3A_48 = arith.select %eq3A_45, %broadcast_in_dim3A_47, %get3A_30 : vector<24x128xi1>, vector<24x128xf32>
    %swap3A_49 = arith.constant 0 : index
    %swap3A_50 = arith.constant 0 : index
    %swap3A_51 = vector.load %arg5[%swap3A_49, %swap3A_50] : memref<24x128xf32, #tpu.memory_space<vmem>>, vector<24x128xf32>
    tpu.vector_store %arg5[%swap3A_49, %swap3A_50], %select_n3A_48 {strides = array<i32>} : memref<24x128xf32, #tpu.memory_space<vmem>>, vector<24x128xf32>,
    %get3A_52 = arith.constant 0 : index
    %get3A_53 = arith.constant 0 : index
    %get3A_54 = vector.load %arg5[%get3A_52, %get3A_53] : memref<24x128xf32, #tpu.memory_space<vmem>>, vector<24x128xf32>
    %reduce_min3A_55 = arith.constant dense<0x7F800000> : vector<24xf32>
    %reduce_min3A_56 = vector.multi_reduction <minimumf>, %get3A_54, %reduce_min3A_55 [1] : vector<24x128xf32> to vector<24xf32>
    %broadcast_in_dim3A_57 = vector.shape_cast %reduce_min3A_56 : vector<24xf32> to vector<24x1xf32>
    %eq3A_58 = vector.broadcast %broadcast_in_dim3A_57 : vector<24x1xf32> to vector<24x128xf32>
    %eq3A_59 = arith.cmpf oeq, %get3A_54, %eq3A_58 : vector<24x128xf32>
    %jit3A_60 = arith.constant 1073741824 : i32
    %broadcast_in_dim3A_61 = vector.broadcast %jit3A_60 : i32 to vector<24x128xi32>
    %select_n3A_62 = arith.select %eq3A_59, %iota3A, %broadcast_in_dim3A_61 : vector<24x128xi1>, vector<24x128xi32>
    %reduce_min3A_63 = arith.constant dense<2147483647> : vector<24xi32>
    %reduce_min3A_64 = vector.multi_reduction <minsi>, %select_n3A_62, %reduce_min3A_63 [1] : vector<24x128xi32> to vector<24xi32>
    %broadcast_in_dim3A_65 = vector.shape_cast %reduce_min3A_64 : vector<24xi32> to vector<24x1xi32>
    %swap3A_66 = arith.constant 0 : index
    %swap3A_67 = arith.constant 0 : index
    %swap3A_68 = arith.constant 1 : index
    %swap3A_69 = vector.load %arg4[%swap3A_66, %swap3A_67, %swap3A_68] : memref<1x24x17xi32, #tpu.memory_space<vmem>>, vector<1x24x1xi32>
    %swap3A_70 = vector.shape_cast %swap3A_69 : vector<1x24x1xi32> to vector<24x1xi32>
    %swap3A_71 = vector.shape_cast %broadcast_in_dim3A_65 : vector<24x1xi32> to vector<1x24x1xi32>
    tpu.vector_store %arg4[%swap3A_66, %swap3A_67, %swap3A_68], %swap3A_71 {strides = array<i32>} : memref<1x24x17xi32, #tpu.memory_space<vmem>>, vector<1x24x1xi32>,
    %eq3A_72 = vector.broadcast %broadcast_in_dim3A_65 : vector<24x1xi32> to vector<24x128xi32>
    %eq3A_73 = arith.cmpi eq, %iota3A, %eq3A_72 : vector<24x128xi32>
    %jit3A_74 = arith.constant 0x7F800000 : f32
    %broadcast_in_dim3A_75 = vector.broadcast %jit3A_74 : f32 to vector<24x128xf32>
    %select_n3A_76 = arith.select %eq3A_73, %broadcast_in_dim3A_75, %get3A_54 : vector<24x128xi1>, vector<24x128xf32>
    %swap3A_77 = arith.constant 0 : index
    %swap3A_78 = arith.constant 0 : index
    %swap3A_79 = vector.load %arg5[%swap3A_77, %swap3A_78] : memref<24x128xf32, #tpu.memory_space<vmem>>, vector<24x128xf32>
    tpu.vector_store %arg5[%swap3A_77, %swap3A_78], %select_n3A_76 {strides = array<i32>} : memref<24x128xf32, #tpu.memory_space<vmem>>, vector<24x128xf32>,
    %get3A_80 = arith.constant 0 : index
    %get3A_81 = arith.constant 0 : index
    %get3A_82 = vector.load %arg5[%get3A_80, %get3A_81] : memref<24x128xf32, #tpu.memory_space<vmem>>, vector<24x128xf32>
    %reduce_min3A_83 = arith.constant dense<0x7F800000> : vector<24xf32>
    %reduce_min3A_84 = vector.multi_reduction <minimumf>, %get3A_82, %reduce_min3A_83 [1] : vector<24x128xf32> to vector<24xf32>
    %broadcast_in_dim3A_85 = vector.shape_cast %reduce_min3A_84 : vector<24xf32> to vector<24x1xf32>
    %eq3A_86 = vector.broadcast %broadcast_in_dim3A_85 : vector<24x1xf32> to vector<24x128xf32>
    %eq3A_87 = arith.cmpf oeq, %get3A_82, %eq3A_86 : vector<24x128xf32>
    %jit3A_88 = arith.constant 1073741824 : i32
    %broadcast_in_dim3A_89 = vector.broadcast %jit3A_88 : i32 to vector<24x128xi32>
    %select_n3A_90 = arith.select %eq3A_87, %iota3A, %broadcast_in_dim3A_89 : vector<24x128xi1>, vector<24x128xi32>
    %reduce_min3A_91 = arith.constant dense<2147483647> : vector<24xi32>
    %reduce_min3A_92 = vector.multi_reduction <minsi>, %select_n3A_90, %reduce_min3A_91 [1] : vector<24x128xi32> to vector<24xi32>
    %broadcast_in_dim3A_93 = vector.shape_cast %reduce_min3A_92 : vector<24xi32> to vector<24x1xi32>
    %swap3A_94 = arith.constant 0 : index
    %swap3A_95 = arith.constant 0 : index
    %swap3A_96 = arith.constant 2 : index
    %swap3A_97 = vector.load %arg4[%swap3A_94, %swap3A_95, %swap3A_96] : memref<1x24x17xi32, #tpu.memory_space<vmem>>, vector<1x24x1xi32>
    %swap3A_98 = vector.shape_cast %swap3A_97 : vector<1x24x1xi32> to vector<24x1xi32>
    %swap3A_99 = vector.shape_cast %broadcast_in_dim3A_93 : vector<24x1xi32> to vector<1x24x1xi32>
    tpu.vector_store %arg4[%swap3A_94, %swap3A_95, %swap3A_96], %swap3A_99 {strides = array<i32>} : memref<1x24x17xi32, #tpu.memory_space<vmem>>, vector<1x24x1xi32>,
    %eq3A_100 = vector.broadcast %broadcast_in_dim3A_93 : vector<24x1xi32> to vector<24x128xi32>
    %eq3A_101 = arith.cmpi eq, %iota3A, %eq3A_100 : vector<24x128xi32>
    %jit3A_102 = arith.constant 0x7F800000 : f32
    %broadcast_in_dim3A_103 = vector.broadcast %jit3A_102 : f32 to vector<24x128xf32>
    %select_n3A_104 = arith.select %eq3A_101, %broadcast_in_dim3A_103, %get3A_82 : vector<24x128xi1>, vector<24x128xf32>
    %swap3A_105 = arith.constant 0 : index
    %swap3A_106 = arith.constant 0 : index
    %swap3A_107 = vector.load %arg5[%swap3A_105, %swap3A_106] : memref<24x128xf32, #tpu.memory_space<vmem>>, vector<24x128xf32>
    tpu.vector_store %arg5[%swap3A_105, %swap3A_106], %select_n3A_104 {strides = array<i32>} : memref<24x128xf32, #tpu.memory_space<vmem>>, vector<24x128xf32>,
    %get3A_108 = arith.constant 0 : index
    %get3A_109 = arith.constant 0 : index
    %get3A_110 = vector.load %arg5[%get3A_108, %get3A_109] : memref<24x128xf32, #tpu.memory_space<vmem>>, vector<24x128xf32>
    %reduce_min3A_111 = arith.constant dense<0x7F800000> : vector<24xf32>
    %reduce_min3A_112 = vector.multi_reduction <minimumf>, %get3A_110, %reduce_min3A_111 [1] : vector<24x128xf32> to vector<24xf32>
    %broadcast_in_dim3A_113 = vector.shape_cast %reduce_min3A_112 : vector<24xf32> to vector<24x1xf32>
    %eq3A_114 = vector.broadcast %broadcast_in_dim3A_113 : vector<24x1xf32> to vector<24x128xf32>
    %eq3A_115 = arith.cmpf oeq, %get3A_110, %eq3A_114 : vector<24x128xf32>
    %jit3A_116 = arith.constant 1073741824 : i32
    %broadcast_in_dim3A_117 = vector.broadcast %jit3A_116 : i32 to vector<24x128xi32>
    %select_n3A_118 = arith.select %eq3A_115, %iota3A, %broadcast_in_dim3A_117 : vector<24x128xi1>, vector<24x128xi32>
    %reduce_min3A_119 = arith.constant dense<2147483647> : vector<24xi32>
    %reduce_min3A_120 = vector.multi_reduction <minsi>, %select_n3A_118, %reduce_min3A_119 [1] : vector<24x128xi32> to vector<24xi32>
    %broadcast_in_dim3A_121 = vector.shape_cast %reduce_min3A_120 : vector<24xi32> to vector<24x1xi32>
    %swap3A_122 = arith.constant 0 : index
    %swap3A_123 = arith.constant 0 : index
    %swap3A_124 = arith.constant 3 : index
    %swap3A_125 = vector.load %arg4[%swap3A_122, %swap3A_123, %swap3A_124] : memref<1x24x17xi32, #tpu.memory_space<vmem>>, vector<1x24x1xi32>
    %swap3A_126 = vector.shape_cast %swap3A_125 : vector<1x24x1xi32> to vector<24x1xi32>
    %swap3A_127 = vector.shape_cast %broadcast_in_dim3A_121 : vector<24x1xi32> to vector<1x24x1xi32>
    tpu.vector_store %arg4[%swap3A_122, %swap3A_123, %swap3A_124], %swap3A_127 {strides = array<i32>} : memref<1x24x17xi32, #tpu.memory_space<vmem>>, vector<1x24x1xi32>,
    %eq3A_128 = vector.broadcast %broadcast_in_dim3A_121 : vector<24x1xi32> to vector<24x128xi32>
    %eq3A_129 = arith.cmpi eq, %iota3A, %eq3A_128 : vector<24x128xi32>
    %jit3A_130 = arith.constant 0x7F800000 : f32
    %broadcast_in_dim3A_131 = vector.broadcast %jit3A_130 : f32 to vector<24x128xf32>
    %select_n3A_132 = arith.select %eq3A_129, %broadcast_in_dim3A_131, %get3A_110 : vector<24x128xi1>, vector<24x128xf32>
    %swap3A_133 = arith.constant 0 : index
    %swap3A_134 = arith.constant 0 : index
    %swap3A_135 = vector.load %arg5[%swap3A_133, %swap3A_134] : memref<24x128xf32, #tpu.memory_space<vmem>>, vector<24x128xf32>
    tpu.vector_store %arg5[%swap3A_133, %swap3A_134], %select_n3A_132 {strides = array<i32>} : memref<24x128xf32, #tpu.memory_space<vmem>>, vector<24x128xf32>,
    %get3A_136 = arith.constant 0 : index
    %get3A_137 = arith.constant 0 : index
    %get3A_138 = vector.load %arg5[%get3A_136, %get3A_137] : memref<24x128xf32, #tpu.memory_space<vmem>>, vector<24x128xf32>
    %reduce_min3A_139 = arith.constant dense<0x7F800000> : vector<24xf32>
    %reduce_min3A_140 = vector.multi_reduction <minimumf>, %get3A_138, %reduce_min3A_139 [1] : vector<24x128xf32> to vector<24xf32>
    %broadcast_in_dim3A_141 = vector.shape_cast %reduce_min3A_140 : vector<24xf32> to vector<24x1xf32>
    %eq3A_142 = vector.broadcast %broadcast_in_dim3A_141 : vector<24x1xf32> to vector<24x128xf32>
    %eq3A_143 = arith.cmpf oeq, %get3A_138, %eq3A_142 : vector<24x128xf32>
    %jit3A_144 = arith.constant 1073741824 : i32
    %broadcast_in_dim3A_145 = vector.broadcast %jit3A_144 : i32 to vector<24x128xi32>
    %select_n3A_146 = arith.select %eq3A_143, %iota3A, %broadcast_in_dim3A_145 : vector<24x128xi1>, vector<24x128xi32>
    %reduce_min3A_147 = arith.constant dense<2147483647> : vector<24xi32>
    %reduce_min3A_148 = vector.multi_reduction <minsi>, %select_n3A_146, %reduce_min3A_147 [1] : vector<24x128xi32> to vector<24xi32>
    %broadcast_in_dim3A_149 = vector.shape_cast %reduce_min3A_148 : vector<24xi32> to vector<24x1xi32>
    %swap3A_150 = arith.constant 0 : index
    %swap3A_151 = arith.constant 0 : index
    %swap3A_152 = arith.constant 4 : index
    %swap3A_153 = vector.load %arg4[%swap3A_150, %swap3A_151, %swap3A_152] : memref<1x24x17xi32, #tpu.memory_space<vmem>>, vector<1x24x1xi32>
    %swap3A_154 = vector.shape_cast %swap3A_153 : vector<1x24x1xi32> to vector<24x1xi32>
    %swap3A_155 = vector.shape_cast %broadcast_in_dim3A_149 : vector<24x1xi32> to vector<1x24x1xi32>
    tpu.vector_store %arg4[%swap3A_150, %swap3A_151, %swap3A_152], %swap3A_155 {strides = array<i32>} : memref<1x24x17xi32, #tpu.memory_space<vmem>>, vector<1x24x1xi32>,
    %eq3A_156 = vector.broadcast %broadcast_in_dim3A_149 : vector<24x1xi32> to vector<24x128xi32>
    %eq3A_157 = arith.cmpi eq, %iota3A, %eq3A_156 : vector<24x128xi32>
    %jit3A_158 = arith.constant 0x7F800000 : f32
    %broadcast_in_dim3A_159 = vector.broadcast %jit3A_158 : f32 to vector<24x128xf32>
    %select_n3A_160 = arith.select %eq3A_157, %broadcast_in_dim3A_159, %get3A_138 : vector<24x128xi1>, vector<24x128xf32>
    %swap3A_161 = arith.constant 0 : index
    %swap3A_162 = arith.constant 0 : index
    %swap3A_163 = vector.load %arg5[%swap3A_161, %swap3A_162] : memref<24x128xf32, #tpu.memory_space<vmem>>, vector<24x128xf32>
    tpu.vector_store %arg5[%swap3A_161, %swap3A_162], %select_n3A_160 {strides = array<i32>} : memref<24x128xf32, #tpu.memory_space<vmem>>, vector<24x128xf32>,
    %get3A_164 = arith.constant 0 : index
    %get3A_165 = arith.constant 0 : index
    %get3A_166 = vector.load %arg5[%get3A_164, %get3A_165] : memref<24x128xf32, #tpu.memory_space<vmem>>, vector<24x128xf32>
    %reduce_min3A_167 = arith.constant dense<0x7F800000> : vector<24xf32>
    %reduce_min3A_168 = vector.multi_reduction <minimumf>, %get3A_166, %reduce_min3A_167 [1] : vector<24x128xf32> to vector<24xf32>
    %broadcast_in_dim3A_169 = vector.shape_cast %reduce_min3A_168 : vector<24xf32> to vector<24x1xf32>
    %eq3A_170 = vector.broadcast %broadcast_in_dim3A_169 : vector<24x1xf32> to vector<24x128xf32>
    %eq3A_171 = arith.cmpf oeq, %get3A_166, %eq3A_170 : vector<24x128xf32>
    %jit3A_172 = arith.constant 1073741824 : i32
    %broadcast_in_dim3A_173 = vector.broadcast %jit3A_172 : i32 to vector<24x128xi32>
    %select_n3A_174 = arith.select %eq3A_171, %iota3A, %broadcast_in_dim3A_173 : vector<24x128xi1>, vector<24x128xi32>
    %reduce_min3A_175 = arith.constant dense<2147483647> : vector<24xi32>
    %reduce_min3A_176 = vector.multi_reduction <minsi>, %select_n3A_174, %reduce_min3A_175 [1] : vector<24x128xi32> to vector<24xi32>
    %broadcast_in_dim3A_177 = vector.shape_cast %reduce_min3A_176 : vector<24xi32> to vector<24x1xi32>
    %swap3A_178 = arith.constant 0 : index
    %swap3A_179 = arith.constant 0 : index
    %swap3A_180 = arith.constant 5 : index
    %swap3A_181 = vector.load %arg4[%swap3A_178, %swap3A_179, %swap3A_180] : memref<1x24x17xi32, #tpu.memory_space<vmem>>, vector<1x24x1xi32>
    %swap3A_182 = vector.shape_cast %swap3A_181 : vector<1x24x1xi32> to vector<24x1xi32>
    %swap3A_183 = vector.shape_cast %broadcast_in_dim3A_177 : vector<24x1xi32> to vector<1x24x1xi32>
    tpu.vector_store %arg4[%swap3A_178, %swap3A_179, %swap3A_180], %swap3A_183 {strides = array<i32>} : memref<1x24x17xi32, #tpu.memory_space<vmem>>, vector<1x24x1xi32>,
    %eq3A_184 = vector.broadcast %broadcast_in_dim3A_177 : vector<24x1xi32> to vector<24x128xi32>
    %eq3A_185 = arith.cmpi eq, %iota3A, %eq3A_184 : vector<24x128xi32>
    %jit3A_186 = arith.constant 0x7F800000 : f32
    %broadcast_in_dim3A_187 = vector.broadcast %jit3A_186 : f32 to vector<24x128xf32>
    %select_n3A_188 = arith.select %eq3A_185, %broadcast_in_dim3A_187, %get3A_166 : vector<24x128xi1>, vector<24x128xf32>
    %swap3A_189 = arith.constant 0 : index
    %swap3A_190 = arith.constant 0 : index
    %swap3A_191 = vector.load %arg5[%swap3A_189, %swap3A_190] : memref<24x128xf32, #tpu.memory_space<vmem>>, vector<24x128xf32>
    tpu.vector_store %arg5[%swap3A_189, %swap3A_190], %select_n3A_188 {strides = array<i32>} : memref<24x128xf32, #tpu.memory_space<vmem>>, vector<24x128xf32>,
    %get3A_192 = arith.constant 0 : index
    %get3A_193 = arith.constant 0 : index
    %get3A_194 = vector.load %arg5[%get3A_192, %get3A_193] : memref<24x128xf32, #tpu.memory_space<vmem>>, vector<24x128xf32>
    %reduce_min3A_195 = arith.constant dense<0x7F800000> : vector<24xf32>
    %reduce_min3A_196 = vector.multi_reduction <minimumf>, %get3A_194, %reduce_min3A_195 [1] : vector<24x128xf32> to vector<24xf32>
    %broadcast_in_dim3A_197 = vector.shape_cast %reduce_min3A_196 : vector<24xf32> to vector<24x1xf32>
    %eq3A_198 = vector.broadcast %broadcast_in_dim3A_197 : vector<24x1xf32> to vector<24x128xf32>
    %eq3A_199 = arith.cmpf oeq, %get3A_194, %eq3A_198 : vector<24x128xf32>
    %jit3A_200 = arith.constant 1073741824 : i32
    %broadcast_in_dim3A_201 = vector.broadcast %jit3A_200 : i32 to vector<24x128xi32>
    %select_n3A_202 = arith.select %eq3A_199, %iota3A, %broadcast_in_dim3A_201 : vector<24x128xi1>, vector<24x128xi32>
    %reduce_min3A_203 = arith.constant dense<2147483647> : vector<24xi32>
    %reduce_min3A_204 = vector.multi_reduction <minsi>, %select_n3A_202, %reduce_min3A_203 [1] : vector<24x128xi32> to vector<24xi32>
    %broadcast_in_dim3A_205 = vector.shape_cast %reduce_min3A_204 : vector<24xi32> to vector<24x1xi32>
    %swap3A_206 = arith.constant 0 : index
    %swap3A_207 = arith.constant 0 : index
    %swap3A_208 = arith.constant 6 : index
    %swap3A_209 = vector.load %arg4[%swap3A_206, %swap3A_207, %swap3A_208] : memref<1x24x17xi32, #tpu.memory_space<vmem>>, vector<1x24x1xi32>
    %swap3A_210 = vector.shape_cast %swap3A_209 : vector<1x24x1xi32> to vector<24x1xi32>
    %swap3A_211 = vector.shape_cast %broadcast_in_dim3A_205 : vector<24x1xi32> to vector<1x24x1xi32>
    tpu.vector_store %arg4[%swap3A_206, %swap3A_207, %swap3A_208], %swap3A_211 {strides = array<i32>} : memref<1x24x17xi32, #tpu.memory_space<vmem>>, vector<1x24x1xi32>,
    %eq3A_212 = vector.broadcast %broadcast_in_dim3A_205 : vector<24x1xi32> to vector<24x128xi32>
    %eq3A_213 = arith.cmpi eq, %iota3A, %eq3A_212 : vector<24x128xi32>
    %jit3A_214 = arith.constant 0x7F800000 : f32
    %broadcast_in_dim3A_215 = vector.broadcast %jit3A_214 : f32 to vector<24x128xf32>
    %select_n3A_216 = arith.select %eq3A_213, %broadcast_in_dim3A_215, %get3A_194 : vector<24x128xi1>, vector<24x128xf32>
    %swap3A_217 = arith.constant 0 : index
    %swap3A_218 = arith.constant 0 : index
    %swap3A_219 = vector.load %arg5[%swap3A_217, %swap3A_218] : memref<24x128xf32, #tpu.memory_space<vmem>>, vector<24x128xf32>
    tpu.vector_store %arg5[%swap3A_217, %swap3A_218], %select_n3A_216 {strides = array<i32>} : memref<24x128xf32, #tpu.memory_space<vmem>>, vector<24x128xf32>,
    %get3A_220 = arith.constant 0 : index
    %get3A_221 = arith.constant 0 : index
    %get3A_222 = vector.load %arg5[%get3A_220, %get3A_221] : memref<24x128xf32, #tpu.memory_space<vmem>>, vector<24x128xf32>
    %reduce_min3A_223 = arith.constant dense<0x7F800000> : vector<24xf32>
    %reduce_min3A_224 = vector.multi_reduction <minimumf>, %get3A_222, %reduce_min3A_223 [1] : vector<24x128xf32> to vector<24xf32>
    %broadcast_in_dim3A_225 = vector.shape_cast %reduce_min3A_224 : vector<24xf32> to vector<24x1xf32>
    %eq3A_226 = vector.broadcast %broadcast_in_dim3A_225 : vector<24x1xf32> to vector<24x128xf32>
    %eq3A_227 = arith.cmpf oeq, %get3A_222, %eq3A_226 : vector<24x128xf32>
    %jit3A_228 = arith.constant 1073741824 : i32
    %broadcast_in_dim3A_229 = vector.broadcast %jit3A_228 : i32 to vector<24x128xi32>
    %select_n3A_230 = arith.select %eq3A_227, %iota3A, %broadcast_in_dim3A_229 : vector<24x128xi1>, vector<24x128xi32>
    %reduce_min3A_231 = arith.constant dense<2147483647> : vector<24xi32>
    %reduce_min3A_232 = vector.multi_reduction <minsi>, %select_n3A_230, %reduce_min3A_231 [1] : vector<24x128xi32> to vector<24xi32>
    %broadcast_in_dim3A_233 = vector.shape_cast %reduce_min3A_232 : vector<24xi32> to vector<24x1xi32>
    %swap3A_234 = arith.constant 0 : index
    %swap3A_235 = arith.constant 0 : index
    %swap3A_236 = arith.constant 7 : index
    %swap3A_237 = vector.load %arg4[%swap3A_234, %swap3A_235, %swap3A_236] : memref<1x24x17xi32, #tpu.memory_space<vmem>>, vector<1x24x1xi32>
    %swap3A_238 = vector.shape_cast %swap3A_237 : vector<1x24x1xi32> to vector<24x1xi32>
    %swap3A_239 = vector.shape_cast %broadcast_in_dim3A_233 : vector<24x1xi32> to vector<1x24x1xi32>
    tpu.vector_store %arg4[%swap3A_234, %swap3A_235, %swap3A_236], %swap3A_239 {strides = array<i32>} : memref<1x24x17xi32, #tpu.memory_space<vmem>>, vector<1x24x1xi32>,
    %eq3A_240 = vector.broadcast %broadcast_in_dim3A_233 : vector<24x1xi32> to vector<24x128xi32>
    %eq3A_241 = arith.cmpi eq, %iota3A, %eq3A_240 : vector<24x128xi32>
    %jit3A_242 = arith.constant 0x7F800000 : f32
    %broadcast_in_dim3A_243 = vector.broadcast %jit3A_242 : f32 to vector<24x128xf32>
    %select_n3A_244 = arith.select %eq3A_241, %broadcast_in_dim3A_243, %get3A_222 : vector<24x128xi1>, vector<24x128xf32>
    %swap3A_245 = arith.constant 0 : index
    %swap3A_246 = arith.constant 0 : index
    %swap3A_247 = vector.load %arg5[%swap3A_245, %swap3A_246] : memref<24x128xf32, #tpu.memory_space<vmem>>, vector<24x128xf32>
    tpu.vector_store %arg5[%swap3A_245, %swap3A_246], %select_n3A_244 {strides = array<i32>} : memref<24x128xf32, #tpu.memory_space<vmem>>, vector<24x128xf32>,
    %get3A_248 = arith.constant 0 : index
    %get3A_249 = arith.constant 0 : index
    %get3A_250 = vector.load %arg5[%get3A_248, %get3A_249] : memref<24x128xf32, #tpu.memory_space<vmem>>, vector<24x128xf32>
    %reduce_min3A_251 = arith.constant dense<0x7F800000> : vector<24xf32>
    %reduce_min3A_252 = vector.multi_reduction <minimumf>, %get3A_250, %reduce_min3A_251 [1] : vector<24x128xf32> to vector<24xf32>
    %broadcast_in_dim3A_253 = vector.shape_cast %reduce_min3A_252 : vector<24xf32> to vector<24x1xf32>
    %eq3A_254 = vector.broadcast %broadcast_in_dim3A_253 : vector<24x1xf32> to vector<24x128xf32>
    %eq3A_255 = arith.cmpf oeq, %get3A_250, %eq3A_254 : vector<24x128xf32>
    %jit3A_256 = arith.constant 1073741824 : i32
    %broadcast_in_dim3A_257 = vector.broadcast %jit3A_256 : i32 to vector<24x128xi32>
    %select_n3A_258 = arith.select %eq3A_255, %iota3A, %broadcast_in_dim3A_257 : vector<24x128xi1>, vector<24x128xi32>
    %reduce_min3A_259 = arith.constant dense<2147483647> : vector<24xi32>
    %reduce_min3A_260 = vector.multi_reduction <minsi>, %select_n3A_258, %reduce_min3A_259 [1] : vector<24x128xi32> to vector<24xi32>
    %broadcast_in_dim3A_261 = vector.shape_cast %reduce_min3A_260 : vector<24xi32> to vector<24x1xi32>
    %swap3A_262 = arith.constant 0 : index
    %swap3A_263 = arith.constant 0 : index
    %swap3A_264 = arith.constant 8 : index
    %swap3A_265 = vector.load %arg4[%swap3A_262, %swap3A_263, %swap3A_264] : memref<1x24x17xi32, #tpu.memory_space<vmem>>, vector<1x24x1xi32>
    %swap3A_266 = vector.shape_cast %swap3A_265 : vector<1x24x1xi32> to vector<24x1xi32>
    %swap3A_267 = vector.shape_cast %broadcast_in_dim3A_261 : vector<24x1xi32> to vector<1x24x1xi32>
    tpu.vector_store %arg4[%swap3A_262, %swap3A_263, %swap3A_264], %swap3A_267 {strides = array<i32>} : memref<1x24x17xi32, #tpu.memory_space<vmem>>, vector<1x24x1xi32>,
    %eq3A_268 = vector.broadcast %broadcast_in_dim3A_261 : vector<24x1xi32> to vector<24x128xi32>
    %eq3A_269 = arith.cmpi eq, %iota3A, %eq3A_268 : vector<24x128xi32>
    %jit3A_270 = arith.constant 0x7F800000 : f32
    %broadcast_in_dim3A_271 = vector.broadcast %jit3A_270 : f32 to vector<24x128xf32>
    %select_n3A_272 = arith.select %eq3A_269, %broadcast_in_dim3A_271, %get3A_250 : vector<24x128xi1>, vector<24x128xf32>
    %swap3A_273 = arith.constant 0 : index
    %swap3A_274 = arith.constant 0 : index
    %swap3A_275 = vector.load %arg5[%swap3A_273, %swap3A_274] : memref<24x128xf32, #tpu.memory_space<vmem>>, vector<24x128xf32>
    tpu.vector_store %arg5[%swap3A_273, %swap3A_274], %select_n3A_272 {strides = array<i32>} : memref<24x128xf32, #tpu.memory_space<vmem>>, vector<24x128xf32>,
    %get3A_276 = arith.constant 0 : index
    %get3A_277 = arith.constant 0 : index
    %get3A_278 = vector.load %arg5[%get3A_276, %get3A_277] : memref<24x128xf32, #tpu.memory_space<vmem>>, vector<24x128xf32>
    %reduce_min3A_279 = arith.constant dense<0x7F800000> : vector<24xf32>
    %reduce_min3A_280 = vector.multi_reduction <minimumf>, %get3A_278, %reduce_min3A_279 [1] : vector<24x128xf32> to vector<24xf32>
    %broadcast_in_dim3A_281 = vector.shape_cast %reduce_min3A_280 : vector<24xf32> to vector<24x1xf32>
    %eq3A_282 = vector.broadcast %broadcast_in_dim3A_281 : vector<24x1xf32> to vector<24x128xf32>
    %eq3A_283 = arith.cmpf oeq, %get3A_278, %eq3A_282 : vector<24x128xf32>
    %jit3A_284 = arith.constant 1073741824 : i32
    %broadcast_in_dim3A_285 = vector.broadcast %jit3A_284 : i32 to vector<24x128xi32>
    %select_n3A_286 = arith.select %eq3A_283, %iota3A, %broadcast_in_dim3A_285 : vector<24x128xi1>, vector<24x128xi32>
    %reduce_min3A_287 = arith.constant dense<2147483647> : vector<24xi32>
    %reduce_min3A_288 = vector.multi_reduction <minsi>, %select_n3A_286, %reduce_min3A_287 [1] : vector<24x128xi32> to vector<24xi32>
    %broadcast_in_dim3A_289 = vector.shape_cast %reduce_min3A_288 : vector<24xi32> to vector<24x1xi32>
    %swap3A_290 = arith.constant 0 : index
    %swap3A_291 = arith.constant 0 : index
    %swap3A_292 = arith.constant 9 : index
    %swap3A_293 = vector.load %arg4[%swap3A_290, %swap3A_291, %swap3A_292] : memref<1x24x17xi32, #tpu.memory_space<vmem>>, vector<1x24x1xi32>
    %swap3A_294 = vector.shape_cast %swap3A_293 : vector<1x24x1xi32> to vector<24x1xi32>
    %swap3A_295 = vector.shape_cast %broadcast_in_dim3A_289 : vector<24x1xi32> to vector<1x24x1xi32>
    tpu.vector_store %arg4[%swap3A_290, %swap3A_291, %swap3A_292], %swap3A_295 {strides = array<i32>} : memref<1x24x17xi32, #tpu.memory_space<vmem>>, vector<1x24x1xi32>,
    %eq3A_296 = vector.broadcast %broadcast_in_dim3A_289 : vector<24x1xi32> to vector<24x128xi32>
    %eq3A_297 = arith.cmpi eq, %iota3A, %eq3A_296 : vector<24x128xi32>
    %jit3A_298 = arith.constant 0x7F800000 : f32
    %broadcast_in_dim3A_299 = vector.broadcast %jit3A_298 : f32 to vector<24x128xf32>
    %select_n3A_300 = arith.select %eq3A_297, %broadcast_in_dim3A_299, %get3A_278 : vector<24x128xi1>, vector<24x128xf32>
    %swap3A_301 = arith.constant 0 : index
    %swap3A_302 = arith.constant 0 : index
    %swap3A_303 = vector.load %arg5[%swap3A_301, %swap3A_302] : memref<24x128xf32, #tpu.memory_space<vmem>>, vector<24x128xf32>
    tpu.vector_store %arg5[%swap3A_301, %swap3A_302], %select_n3A_300 {strides = array<i32>} : memref<24x128xf32, #tpu.memory_space<vmem>>, vector<24x128xf32>,
    %get3A_304 = arith.constant 0 : index
    %get3A_305 = arith.constant 0 : index
    %get3A_306 = vector.load %arg5[%get3A_304, %get3A_305] : memref<24x128xf32, #tpu.memory_space<vmem>>, vector<24x128xf32>
    %reduce_min3A_307 = arith.constant dense<0x7F800000> : vector<24xf32>
    %reduce_min3A_308 = vector.multi_reduction <minimumf>, %get3A_306, %reduce_min3A_307 [1] : vector<24x128xf32> to vector<24xf32>
    %broadcast_in_dim3A_309 = vector.shape_cast %reduce_min3A_308 : vector<24xf32> to vector<24x1xf32>
    %eq3A_310 = vector.broadcast %broadcast_in_dim3A_309 : vector<24x1xf32> to vector<24x128xf32>
    %eq3A_311 = arith.cmpf oeq, %get3A_306, %eq3A_310 : vector<24x128xf32>
    %jit3A_312 = arith.constant 1073741824 : i32
    %broadcast_in_dim3A_313 = vector.broadcast %jit3A_312 : i32 to vector<24x128xi32>
    %select_n3A_314 = arith.select %eq3A_311, %iota3A, %broadcast_in_dim3A_313 : vector<24x128xi1>, vector<24x128xi32>
    %reduce_min3A_315 = arith.constant dense<2147483647> : vector<24xi32>
    %reduce_min3A_316 = vector.multi_reduction <minsi>, %select_n3A_314, %reduce_min3A_315 [1] : vector<24x128xi32> to vector<24xi32>
    %broadcast_in_dim3A_317 = vector.shape_cast %reduce_min3A_316 : vector<24xi32> to vector<24x1xi32>
    %swap3A_318 = arith.constant 0 : index
    %swap3A_319 = arith.constant 0 : index
    %swap3A_320 = arith.constant 10 : index
    %swap3A_321 = vector.load %arg4[%swap3A_318, %swap3A_319, %swap3A_320] : memref<1x24x17xi32, #tpu.memory_space<vmem>>, vector<1x24x1xi32>
    %swap3A_322 = vector.shape_cast %swap3A_321 : vector<1x24x1xi32> to vector<24x1xi32>
    %swap3A_323 = vector.shape_cast %broadcast_in_dim3A_317 : vector<24x1xi32> to vector<1x24x1xi32>
    tpu.vector_store %arg4[%swap3A_318, %swap3A_319, %swap3A_320], %swap3A_323 {strides = array<i32>} : memref<1x24x17xi32, #tpu.memory_space<vmem>>, vector<1x24x1xi32>,
    %eq3A_324 = vector.broadcast %broadcast_in_dim3A_317 : vector<24x1xi32> to vector<24x128xi32>
    %eq3A_325 = arith.cmpi eq, %iota3A, %eq3A_324 : vector<24x128xi32>
    %jit3A_326 = arith.constant 0x7F800000 : f32
    %broadcast_in_dim3A_327 = vector.broadcast %jit3A_326 : f32 to vector<24x128xf32>
    %select_n3A_328 = arith.select %eq3A_325, %broadcast_in_dim3A_327, %get3A_306 : vector<24x128xi1>, vector<24x128xf32>
    %swap3A_329 = arith.constant 0 : index
    %swap3A_330 = arith.constant 0 : index
    %swap3A_331 = vector.load %arg5[%swap3A_329, %swap3A_330] : memref<24x128xf32, #tpu.memory_space<vmem>>, vector<24x128xf32>
    tpu.vector_store %arg5[%swap3A_329, %swap3A_330], %select_n3A_328 {strides = array<i32>} : memref<24x128xf32, #tpu.memory_space<vmem>>, vector<24x128xf32>,
    %get3A_332 = arith.constant 0 : index
    %get3A_333 = arith.constant 0 : index
    %get3A_334 = vector.load %arg5[%get3A_332, %get3A_333] : memref<24x128xf32, #tpu.memory_space<vmem>>, vector<24x128xf32>
    %reduce_min3A_335 = arith.constant dense<0x7F800000> : vector<24xf32>
    %reduce_min3A_336 = vector.multi_reduction <minimumf>, %get3A_334, %reduce_min3A_335 [1] : vector<24x128xf32> to vector<24xf32>
    %broadcast_in_dim3A_337 = vector.shape_cast %reduce_min3A_336 : vector<24xf32> to vector<24x1xf32>
    %eq3A_338 = vector.broadcast %broadcast_in_dim3A_337 : vector<24x1xf32> to vector<24x128xf32>
    %eq3A_339 = arith.cmpf oeq, %get3A_334, %eq3A_338 : vector<24x128xf32>
    %jit3A_340 = arith.constant 1073741824 : i32
    %broadcast_in_dim3A_341 = vector.broadcast %jit3A_340 : i32 to vector<24x128xi32>
    %select_n3A_342 = arith.select %eq3A_339, %iota3A, %broadcast_in_dim3A_341 : vector<24x128xi1>, vector<24x128xi32>
    %reduce_min3A_343 = arith.constant dense<2147483647> : vector<24xi32>
    %reduce_min3A_344 = vector.multi_reduction <minsi>, %select_n3A_342, %reduce_min3A_343 [1] : vector<24x128xi32> to vector<24xi32>
    %broadcast_in_dim3A_345 = vector.shape_cast %reduce_min3A_344 : vector<24xi32> to vector<24x1xi32>
    %swap3A_346 = arith.constant 0 : index
    %swap3A_347 = arith.constant 0 : index
    %swap3A_348 = arith.constant 11 : index
    %swap3A_349 = vector.load %arg4[%swap3A_346, %swap3A_347, %swap3A_348] : memref<1x24x17xi32, #tpu.memory_space<vmem>>, vector<1x24x1xi32>
    %swap3A_350 = vector.shape_cast %swap3A_349 : vector<1x24x1xi32> to vector<24x1xi32>
    %swap3A_351 = vector.shape_cast %broadcast_in_dim3A_345 : vector<24x1xi32> to vector<1x24x1xi32>
    tpu.vector_store %arg4[%swap3A_346, %swap3A_347, %swap3A_348], %swap3A_351 {strides = array<i32>} : memref<1x24x17xi32, #tpu.memory_space<vmem>>, vector<1x24x1xi32>,
    %eq3A_352 = vector.broadcast %broadcast_in_dim3A_345 : vector<24x1xi32> to vector<24x128xi32>
    %eq3A_353 = arith.cmpi eq, %iota3A, %eq3A_352 : vector<24x128xi32>
    %jit3A_354 = arith.constant 0x7F800000 : f32
    %broadcast_in_dim3A_355 = vector.broadcast %jit3A_354 : f32 to vector<24x128xf32>
    %select_n3A_356 = arith.select %eq3A_353, %broadcast_in_dim3A_355, %get3A_334 : vector<24x128xi1>, vector<24x128xf32>
    %swap3A_357 = arith.constant 0 : index
    %swap3A_358 = arith.constant 0 : index
    %swap3A_359 = vector.load %arg5[%swap3A_357, %swap3A_358] : memref<24x128xf32, #tpu.memory_space<vmem>>, vector<24x128xf32>
    tpu.vector_store %arg5[%swap3A_357, %swap3A_358], %select_n3A_356 {strides = array<i32>} : memref<24x128xf32, #tpu.memory_space<vmem>>, vector<24x128xf32>,
    %get3A_360 = arith.constant 0 : index
    %get3A_361 = arith.constant 0 : index
    %get3A_362 = vector.load %arg5[%get3A_360, %get3A_361] : memref<24x128xf32, #tpu.memory_space<vmem>>, vector<24x128xf32>
    %reduce_min3A_363 = arith.constant dense<0x7F800000> : vector<24xf32>
    %reduce_min3A_364 = vector.multi_reduction <minimumf>, %get3A_362, %reduce_min3A_363 [1] : vector<24x128xf32> to vector<24xf32>
    %broadcast_in_dim3A_365 = vector.shape_cast %reduce_min3A_364 : vector<24xf32> to vector<24x1xf32>
    %eq3A_366 = vector.broadcast %broadcast_in_dim3A_365 : vector<24x1xf32> to vector<24x128xf32>
    %eq3A_367 = arith.cmpf oeq, %get3A_362, %eq3A_366 : vector<24x128xf32>
    %jit3A_368 = arith.constant 1073741824 : i32
    %broadcast_in_dim3A_369 = vector.broadcast %jit3A_368 : i32 to vector<24x128xi32>
    %select_n3A_370 = arith.select %eq3A_367, %iota3A, %broadcast_in_dim3A_369 : vector<24x128xi1>, vector<24x128xi32>
    %reduce_min3A_371 = arith.constant dense<2147483647> : vector<24xi32>
    %reduce_min3A_372 = vector.multi_reduction <minsi>, %select_n3A_370, %reduce_min3A_371 [1] : vector<24x128xi32> to vector<24xi32>
    %broadcast_in_dim3A_373 = vector.shape_cast %reduce_min3A_372 : vector<24xi32> to vector<24x1xi32>
    %swap3A_374 = arith.constant 0 : index
    %swap3A_375 = arith.constant 0 : index
    %swap3A_376 = arith.constant 12 : index
    %swap3A_377 = vector.load %arg4[%swap3A_374, %swap3A_375, %swap3A_376] : memref<1x24x17xi32, #tpu.memory_space<vmem>>, vector<1x24x1xi32>
    %swap3A_378 = vector.shape_cast %swap3A_377 : vector<1x24x1xi32> to vector<24x1xi32>
    %swap3A_379 = vector.shape_cast %broadcast_in_dim3A_373 : vector<24x1xi32> to vector<1x24x1xi32>
    tpu.vector_store %arg4[%swap3A_374, %swap3A_375, %swap3A_376], %swap3A_379 {strides = array<i32>} : memref<1x24x17xi32, #tpu.memory_space<vmem>>, vector<1x24x1xi32>,
    %eq3A_380 = vector.broadcast %broadcast_in_dim3A_373 : vector<24x1xi32> to vector<24x128xi32>
    %eq3A_381 = arith.cmpi eq, %iota3A, %eq3A_380 : vector<24x128xi32>
    %jit3A_382 = arith.constant 0x7F800000 : f32
    %broadcast_in_dim3A_383 = vector.broadcast %jit3A_382 : f32 to vector<24x128xf32>
    %select_n3A_384 = arith.select %eq3A_381, %broadcast_in_dim3A_383, %get3A_362 : vector<24x128xi1>, vector<24x128xf32>
    %swap3A_385 = arith.constant 0 : index
    %swap3A_386 = arith.constant 0 : index
    %swap3A_387 = vector.load %arg5[%swap3A_385, %swap3A_386] : memref<24x128xf32, #tpu.memory_space<vmem>>, vector<24x128xf32>
    tpu.vector_store %arg5[%swap3A_385, %swap3A_386], %select_n3A_384 {strides = array<i32>} : memref<24x128xf32, #tpu.memory_space<vmem>>, vector<24x128xf32>,
    %get3A_388 = arith.constant 0 : index
    %get3A_389 = arith.constant 0 : index
    %get3A_390 = vector.load %arg5[%get3A_388, %get3A_389] : memref<24x128xf32, #tpu.memory_space<vmem>>, vector<24x128xf32>
    %reduce_min3A_391 = arith.constant dense<0x7F800000> : vector<24xf32>
    %reduce_min3A_392 = vector.multi_reduction <minimumf>, %get3A_390, %reduce_min3A_391 [1] : vector<24x128xf32> to vector<24xf32>
    %broadcast_in_dim3A_393 = vector.shape_cast %reduce_min3A_392 : vector<24xf32> to vector<24x1xf32>
    %eq3A_394 = vector.broadcast %broadcast_in_dim3A_393 : vector<24x1xf32> to vector<24x128xf32>
    %eq3A_395 = arith.cmpf oeq, %get3A_390, %eq3A_394 : vector<24x128xf32>
    %jit3A_396 = arith.constant 1073741824 : i32
    %broadcast_in_dim3A_397 = vector.broadcast %jit3A_396 : i32 to vector<24x128xi32>
    %select_n3A_398 = arith.select %eq3A_395, %iota3A, %broadcast_in_dim3A_397 : vector<24x128xi1>, vector<24x128xi32>
    %reduce_min3A_399 = arith.constant dense<2147483647> : vector<24xi32>
    %reduce_min3A_400 = vector.multi_reduction <minsi>, %select_n3A_398, %reduce_min3A_399 [1] : vector<24x128xi32> to vector<24xi32>
    %broadcast_in_dim3A_401 = vector.shape_cast %reduce_min3A_400 : vector<24xi32> to vector<24x1xi32>
    %swap3A_402 = arith.constant 0 : index
    %swap3A_403 = arith.constant 0 : index
    %swap3A_404 = arith.constant 13 : index
    %swap3A_405 = vector.load %arg4[%swap3A_402, %swap3A_403, %swap3A_404] : memref<1x24x17xi32, #tpu.memory_space<vmem>>, vector<1x24x1xi32>
    %swap3A_406 = vector.shape_cast %swap3A_405 : vector<1x24x1xi32> to vector<24x1xi32>
    %swap3A_407 = vector.shape_cast %broadcast_in_dim3A_401 : vector<24x1xi32> to vector<1x24x1xi32>
    tpu.vector_store %arg4[%swap3A_402, %swap3A_403, %swap3A_404], %swap3A_407 {strides = array<i32>} : memref<1x24x17xi32, #tpu.memory_space<vmem>>, vector<1x24x1xi32>,
    %eq3A_408 = vector.broadcast %broadcast_in_dim3A_401 : vector<24x1xi32> to vector<24x128xi32>
    %eq3A_409 = arith.cmpi eq, %iota3A, %eq3A_408 : vector<24x128xi32>
    %jit3A_410 = arith.constant 0x7F800000 : f32
    %broadcast_in_dim3A_411 = vector.broadcast %jit3A_410 : f32 to vector<24x128xf32>
    %select_n3A_412 = arith.select %eq3A_409, %broadcast_in_dim3A_411, %get3A_390 : vector<24x128xi1>, vector<24x128xf32>
    %swap3A_413 = arith.constant 0 : index
    %swap3A_414 = arith.constant 0 : index
    %swap3A_415 = vector.load %arg5[%swap3A_413, %swap3A_414] : memref<24x128xf32, #tpu.memory_space<vmem>>, vector<24x128xf32>
    tpu.vector_store %arg5[%swap3A_413, %swap3A_414], %select_n3A_412 {strides = array<i32>} : memref<24x128xf32, #tpu.memory_space<vmem>>, vector<24x128xf32>,
    %get3A_416 = arith.constant 0 : index
    %get3A_417 = arith.constant 0 : index
    %get3A_418 = vector.load %arg5[%get3A_416, %get3A_417] : memref<24x128xf32, #tpu.memory_space<vmem>>, vector<24x128xf32>
    %reduce_min3A_419 = arith.constant dense<0x7F800000> : vector<24xf32>
    %reduce_min3A_420 = vector.multi_reduction <minimumf>, %get3A_418, %reduce_min3A_419 [1] : vector<24x128xf32> to vector<24xf32>
    %broadcast_in_dim3A_421 = vector.shape_cast %reduce_min3A_420 : vector<24xf32> to vector<24x1xf32>
    %eq3A_422 = vector.broadcast %broadcast_in_dim3A_421 : vector<24x1xf32> to vector<24x128xf32>
    %eq3A_423 = arith.cmpf oeq, %get3A_418, %eq3A_422 : vector<24x128xf32>
    %jit3A_424 = arith.constant 1073741824 : i32
    %broadcast_in_dim3A_425 = vector.broadcast %jit3A_424 : i32 to vector<24x128xi32>
    %select_n3A_426 = arith.select %eq3A_423, %iota3A, %broadcast_in_dim3A_425 : vector<24x128xi1>, vector<24x128xi32>
    %reduce_min3A_427 = arith.constant dense<2147483647> : vector<24xi32>
    %reduce_min3A_428 = vector.multi_reduction <minsi>, %select_n3A_426, %reduce_min3A_427 [1] : vector<24x128xi32> to vector<24xi32>
    %broadcast_in_dim3A_429 = vector.shape_cast %reduce_min3A_428 : vector<24xi32> to vector<24x1xi32>
    %swap3A_430 = arith.constant 0 : index
    %swap3A_431 = arith.constant 0 : index
    %swap3A_432 = arith.constant 14 : index
    %swap3A_433 = vector.load %arg4[%swap3A_430, %swap3A_431, %swap3A_432] : memref<1x24x17xi32, #tpu.memory_space<vmem>>, vector<1x24x1xi32>
    %swap3A_434 = vector.shape_cast %swap3A_433 : vector<1x24x1xi32> to vector<24x1xi32>
    %swap3A_435 = vector.shape_cast %broadcast_in_dim3A_429 : vector<24x1xi32> to vector<1x24x1xi32>
    tpu.vector_store %arg4[%swap3A_430, %swap3A_431, %swap3A_432], %swap3A_435 {strides = array<i32>} : memref<1x24x17xi32, #tpu.memory_space<vmem>>, vector<1x24x1xi32>,
    %eq3A_436 = vector.broadcast %broadcast_in_dim3A_429 : vector<24x1xi32> to vector<24x128xi32>
    %eq3A_437 = arith.cmpi eq, %iota3A, %eq3A_436 : vector<24x128xi32>
    %jit3A_438 = arith.constant 0x7F800000 : f32
    %broadcast_in_dim3A_439 = vector.broadcast %jit3A_438 : f32 to vector<24x128xf32>
    %select_n3A_440 = arith.select %eq3A_437, %broadcast_in_dim3A_439, %get3A_418 : vector<24x128xi1>, vector<24x128xf32>
    %swap3A_441 = arith.constant 0 : index
    %swap3A_442 = arith.constant 0 : index
    %swap3A_443 = vector.load %arg5[%swap3A_441, %swap3A_442] : memref<24x128xf32, #tpu.memory_space<vmem>>, vector<24x128xf32>
    tpu.vector_store %arg5[%swap3A_441, %swap3A_442], %select_n3A_440 {strides = array<i32>} : memref<24x128xf32, #tpu.memory_space<vmem>>, vector<24x128xf32>,
    %get3A_444 = arith.constant 0 : index
    %get3A_445 = arith.constant 0 : index
    %get3A_446 = vector.load %arg5[%get3A_444, %get3A_445] : memref<24x128xf32, #tpu.memory_space<vmem>>, vector<24x128xf32>
    %reduce_min3A_447 = arith.constant dense<0x7F800000> : vector<24xf32>
    %reduce_min3A_448 = vector.multi_reduction <minimumf>, %get3A_446, %reduce_min3A_447 [1] : vector<24x128xf32> to vector<24xf32>
    %broadcast_in_dim3A_449 = vector.shape_cast %reduce_min3A_448 : vector<24xf32> to vector<24x1xf32>
    %eq3A_450 = vector.broadcast %broadcast_in_dim3A_449 : vector<24x1xf32> to vector<24x128xf32>
    %eq3A_451 = arith.cmpf oeq, %get3A_446, %eq3A_450 : vector<24x128xf32>
    %jit3A_452 = arith.constant 1073741824 : i32
    %broadcast_in_dim3A_453 = vector.broadcast %jit3A_452 : i32 to vector<24x128xi32>
    %select_n3A_454 = arith.select %eq3A_451, %iota3A, %broadcast_in_dim3A_453 : vector<24x128xi1>, vector<24x128xi32>
    %reduce_min3A_455 = arith.constant dense<2147483647> : vector<24xi32>
    %reduce_min3A_456 = vector.multi_reduction <minsi>, %select_n3A_454, %reduce_min3A_455 [1] : vector<24x128xi32> to vector<24xi32>
    %broadcast_in_dim3A_457 = vector.shape_cast %reduce_min3A_456 : vector<24xi32> to vector<24x1xi32>
    %swap3A_458 = arith.constant 0 : index
    %swap3A_459 = arith.constant 0 : index
    %swap3A_460 = arith.constant 15 : index
    %swap3A_461 = vector.load %arg4[%swap3A_458, %swap3A_459, %swap3A_460] : memref<1x24x17xi32, #tpu.memory_space<vmem>>, vector<1x24x1xi32>
    %swap3A_462 = vector.shape_cast %swap3A_461 : vector<1x24x1xi32> to vector<24x1xi32>
    %swap3A_463 = vector.shape_cast %broadcast_in_dim3A_457 : vector<24x1xi32> to vector<1x24x1xi32>
    tpu.vector_store %arg4[%swap3A_458, %swap3A_459, %swap3A_460], %swap3A_463 {strides = array<i32>} : memref<1x24x17xi32, #tpu.memory_space<vmem>>, vector<1x24x1xi32>,
    %eq3A_464 = vector.broadcast %broadcast_in_dim3A_457 : vector<24x1xi32> to vector<24x128xi32>
    %eq3A_465 = arith.cmpi eq, %iota3A, %eq3A_464 : vector<24x128xi32>
    %jit3A_466 = arith.constant 0x7F800000 : f32
    %broadcast_in_dim3A_467 = vector.broadcast %jit3A_466 : f32 to vector<24x128xf32>
    %select_n3A_468 = arith.select %eq3A_465, %broadcast_in_dim3A_467, %get3A_446 : vector<24x128xi1>, vector<24x128xf32>
    %swap3A_469 = arith.constant 0 : index
    %swap3A_470 = arith.constant 0 : index
    %swap3A_471 = vector.load %arg5[%swap3A_469, %swap3A_470] : memref<24x128xf32, #tpu.memory_space<vmem>>, vector<24x128xf32>
    tpu.vector_store %arg5[%swap3A_469, %swap3A_470], %select_n3A_468 {strides = array<i32>} : memref<24x128xf32, #tpu.memory_space<vmem>>, vector<24x128xf32>,
    %get3A_472 = arith.constant 0 : index
    %get3A_473 = arith.constant 0 : index
    %get3A_474 = vector.load %arg5[%get3A_472, %get3A_473] : memref<24x128xf32, #tpu.memory_space<vmem>>, vector<24x128xf32>
    %reduce_min3A_475 = arith.constant dense<0x7F800000> : vector<24xf32>
    %reduce_min3A_476 = vector.multi_reduction <minimumf>, %get3A_474, %reduce_min3A_475 [1] : vector<24x128xf32> to vector<24xf32>
    %broadcast_in_dim3A_477 = vector.shape_cast %reduce_min3A_476 : vector<24xf32> to vector<24x1xf32>
    %eq3A_478 = vector.broadcast %broadcast_in_dim3A_477 : vector<24x1xf32> to vector<24x128xf32>
    %eq3A_479 = arith.cmpf oeq, %get3A_474, %eq3A_478 : vector<24x128xf32>
    %jit3A_480 = arith.constant 1073741824 : i32
    %broadcast_in_dim3A_481 = vector.broadcast %jit3A_480 : i32 to vector<24x128xi32>
    %select_n3A_482 = arith.select %eq3A_479, %iota3A, %broadcast_in_dim3A_481 : vector<24x128xi1>, vector<24x128xi32>
    %reduce_min3A_483 = arith.constant dense<2147483647> : vector<24xi32>
    %reduce_min3A_484 = vector.multi_reduction <minsi>, %select_n3A_482, %reduce_min3A_483 [1] : vector<24x128xi32> to vector<24xi32>
    %broadcast_in_dim3A_485 = vector.shape_cast %reduce_min3A_484 : vector<24xi32> to vector<24x1xi32>
    %swap3A_486 = arith.constant 0 : index
    %swap3A_487 = arith.constant 0 : index
    %swap3A_488 = arith.constant 16 : index
    %swap3A_489 = vector.load %arg4[%swap3A_486, %swap3A_487, %swap3A_488] : memref<1x24x17xi32, #tpu.memory_space<vmem>>, vector<1x24x1xi32>
    %swap3A_490 = vector.shape_cast %swap3A_489 : vector<1x24x1xi32> to vector<24x1xi32>
    %swap3A_491 = vector.shape_cast %broadcast_in_dim3A_485 : vector<24x1xi32> to vector<1x24x1xi32>
    tpu.vector_store %arg4[%swap3A_486, %swap3A_487, %swap3A_488], %swap3A_491 {strides = array<i32>} : memref<1x24x17xi32, #tpu.memory_space<vmem>>, vector<1x24x1xi32>,
    %eq3A_492 = vector.broadcast %broadcast_in_dim3A_485 : vector<24x1xi32> to vector<24x128xi32>
    %eq3A_493 = arith.cmpi eq, %iota3A, %eq3A_492 : vector<24x128xi32>
    %jit3A_494 = arith.constant 0x7F800000 : f32
    %broadcast_in_dim3A_495 = vector.broadcast %jit3A_494 : f32 to vector<24x128xf32>
    %select_n3A_496 = arith.select %eq3A_493, %broadcast_in_dim3A_495, %get3A_474 : vector<24x128xi1>, vector<24x128xf32>
    %swap3A_497 = arith.constant 0 : index
    %swap3A_498 = arith.constant 0 : index
    %swap3A_499 = vector.load %arg5[%swap3A_497, %swap3A_498] : memref<24x128xf32, #tpu.memory_space<vmem>>, vector<24x128xf32>
    tpu.vector_store %arg5[%swap3A_497, %swap3A_498], %select_n3A_496 {strides = array<i32>} : memref<24x128xf32, #tpu.memory_space<vmem>>, vector<24x128xf32>,
    return
  }
  func.func @transform_0(%arg0: i32, %arg1: i32) -> (i32, i32, i32) {
    %c0_i32 = arith.constant 0 : i32
    %c0_i32_0 = arith.constant 0 : i32
    return %arg0, %arg1, %c0_i32 : i32, i32, i32
  }
  func.func @transform_1(%arg0: i32, %arg1: i32) -> (i32, i32, i32) {
    %c0_i32 = arith.constant 0 : i32
    %c0_i32_0 = arith.constant 0 : i32
    %c0_i32_1 = arith.constant 0 : i32
    return %arg0, %c0_i32, %c0_i32_0 : i32, i32, i32
  }
  func.func @transform_2(%arg0: i32, %arg1: i32) -> (i32, i32, i32) {
    %c0_i32 = arith.constant 0 : i32
    %c0_i32_0 = arith.constant 0 : i32
    return %arg0, %arg1, %c0_i32 : i32, i32, i32
  }
}

module attributes {stable_mosaic.version = 14 : i64} {
  func.func @_gather_kernel(%arg0: i32, %arg1: i32, %arg2: memref<1x512x1xi32, #tpu.memory_space<vmem>>, %arg3: memref<1x4352x35xf32, #tpu.memory_space<vmem>>, %arg4: memref<1x512x35xf32, #tpu.memory_space<vmem>>) attributes {dimension_semantics = [#tpu.dimension_semantics<arbitrary>, #tpu.dimension_semantics<arbitrary>], iteration_bounds = array<i64: 2, 34>, scalar_prefetch = 0 : i64, scratch_operands = 0 : i64, tpu.core_type = #tpu.core_type<tc>, window_params = [{transform_indices = @transform_0, window_bounds = array<i64: 1, 512, 1>}, {transform_indices = @transform_1, window_bounds = array<i64: 1, 4352, 35>}, {transform_indices = @transform_2, window_bounds = array<i64: 1, 512, 35>}]} {
    %get3A = arith.constant 0 : index
    %get3A_0 = arith.constant 0 : index
    %get3A_1 = arith.constant 0 : index
    %get3A_2 = vector.load %arg2[%get3A, %get3A_0, %get3A_1] : memref<1x512x1xi32, #tpu.memory_space<vmem>>, vector<1x512x1xi32>
    %get3A_3 = vector.shape_cast %get3A_2 : vector<1x512x1xi32> to vector<512x1xi32>
    %iota3A = tpu.iota {dimensions = array<i32: 1>} : vector<512x4352xi32>
    %eq3A = vector.broadcast %get3A_3 : vector<512x1xi32> to vector<512x4352xi32>
    %eq3A_4 = arith.cmpi eq, %iota3A, %eq3A : vector<512x4352xi32>
    %jit3A = arith.constant 1.000000e+00 : f32
    %jit3A_5 = arith.constant 0.000000e+00 : f32
    %broadcast_in_dim3A = vector.broadcast %jit3A : f32 to vector<512x4352xf32>
    %broadcast_in_dim3A_6 = vector.broadcast %jit3A_5 : f32 to vector<512x4352xf32>
    %select_n3A = arith.select %eq3A_4, %broadcast_in_dim3A, %broadcast_in_dim3A_6 : vector<512x4352xi1>, vector<512x4352xf32>
    %get3A_7 = arith.constant 0 : index
    %get3A_8 = arith.constant 0 : index
    %get3A_9 = arith.constant 0 : index
    %get3A_10 = vector.load %arg3[%get3A_7, %get3A_8, %get3A_9] : memref<1x4352x35xf32, #tpu.memory_space<vmem>>, vector<1x4352x35xf32>
    %get3A_11 = vector.shape_cast %get3A_10 : vector<1x4352x35xf32> to vector<4352x35xf32>
    %dot_general3A = arith.constant dense<0.000000e+00> : vector<512x35xf32>
    %dot_general3A_12 = tpu.matmul %select_n3A, %get3A_11, %dot_general3A {dimension_numbers = #tpu.dot_dimension_numbers<[1], [0], [0], [1], [0, 0, 1, 1], [], []>, precision = #tpu.contract_precision<fp32>, transpose_lhs_hint = false} : vector<512x4352xf32>, vector<4352x35xf32>, vector<512x35xf32> -> vector<512x35xf32>
    %swap3A = arith.constant 0 : index
    %swap3A_13 = arith.constant 0 : index
    %swap3A_14 = arith.constant 0 : index
    %swap3A_15 = vector.load %arg4[%swap3A, %swap3A_13, %swap3A_14] : memref<1x512x35xf32, #tpu.memory_space<vmem>>, vector<1x512x35xf32>
    %swap3A_16 = vector.shape_cast %swap3A_15 : vector<1x512x35xf32> to vector<512x35xf32>
    %swap3A_17 = vector.shape_cast %dot_general3A_12 : vector<512x35xf32> to vector<1x512x35xf32>
    tpu.vector_store %arg4[%swap3A, %swap3A_13, %swap3A_14], %swap3A_17 {strides = array<i32>} : memref<1x512x35xf32, #tpu.memory_space<vmem>>, vector<1x512x35xf32>,
    return
  }
  func.func @transform_0(%arg0: i32, %arg1: i32) -> (i32, i32, i32) {
    %c0_i32 = arith.constant 0 : i32
    %c0_i32_0 = arith.constant 0 : i32
    return %arg0, %arg1, %c0_i32 : i32, i32, i32
  }
  func.func @transform_1(%arg0: i32, %arg1: i32) -> (i32, i32, i32) {
    %c0_i32 = arith.constant 0 : i32
    %c0_i32_0 = arith.constant 0 : i32
    %c0_i32_1 = arith.constant 0 : i32
    return %arg0, %c0_i32, %c0_i32_0 : i32, i32, i32
  }
  func.func @transform_2(%arg0: i32, %arg1: i32) -> (i32, i32, i32) {
    %c0_i32 = arith.constant 0 : i32
    %c0_i32_0 = arith.constant 0 : i32
    return %arg0, %arg1, %c0_i32 : i32, i32, i32
  }
}

module attributes {stable_mosaic.version = 14 : i64} {
  func.func @_gather_kernel(%arg0: i32, %arg1: i32, %arg2: memref<1x512x1xi32, #tpu.memory_space<vmem>>, %arg3: memref<1x1088x131xf32, #tpu.memory_space<vmem>>, %arg4: memref<1x512x131xf32, #tpu.memory_space<vmem>>) attributes {dimension_semantics = [#tpu.dimension_semantics<arbitrary>, #tpu.dimension_semantics<arbitrary>], iteration_bounds = array<i64: 2, 34>, scalar_prefetch = 0 : i64, scratch_operands = 0 : i64, tpu.core_type = #tpu.core_type<tc>, window_params = [{transform_indices = @transform_0, window_bounds = array<i64: 1, 512, 1>}, {transform_indices = @transform_1, window_bounds = array<i64: 1, 1088, 131>}, {transform_indices = @transform_2, window_bounds = array<i64: 1, 512, 131>}]} {
    %get3A = arith.constant 0 : index
    %get3A_0 = arith.constant 0 : index
    %get3A_1 = arith.constant 0 : index
    %get3A_2 = vector.load %arg2[%get3A, %get3A_0, %get3A_1] : memref<1x512x1xi32, #tpu.memory_space<vmem>>, vector<1x512x1xi32>
    %get3A_3 = vector.shape_cast %get3A_2 : vector<1x512x1xi32> to vector<512x1xi32>
    %iota3A = tpu.iota {dimensions = array<i32: 1>} : vector<512x1088xi32>
    %eq3A = vector.broadcast %get3A_3 : vector<512x1xi32> to vector<512x1088xi32>
    %eq3A_4 = arith.cmpi eq, %iota3A, %eq3A : vector<512x1088xi32>
    %jit3A = arith.constant 1.000000e+00 : f32
    %jit3A_5 = arith.constant 0.000000e+00 : f32
    %broadcast_in_dim3A = vector.broadcast %jit3A : f32 to vector<512x1088xf32>
    %broadcast_in_dim3A_6 = vector.broadcast %jit3A_5 : f32 to vector<512x1088xf32>
    %select_n3A = arith.select %eq3A_4, %broadcast_in_dim3A, %broadcast_in_dim3A_6 : vector<512x1088xi1>, vector<512x1088xf32>
    %get3A_7 = arith.constant 0 : index
    %get3A_8 = arith.constant 0 : index
    %get3A_9 = arith.constant 0 : index
    %get3A_10 = vector.load %arg3[%get3A_7, %get3A_8, %get3A_9] : memref<1x1088x131xf32, #tpu.memory_space<vmem>>, vector<1x1088x131xf32>
    %get3A_11 = vector.shape_cast %get3A_10 : vector<1x1088x131xf32> to vector<1088x131xf32>
    %dot_general3A = arith.constant dense<0.000000e+00> : vector<512x131xf32>
    %dot_general3A_12 = tpu.matmul %select_n3A, %get3A_11, %dot_general3A {dimension_numbers = #tpu.dot_dimension_numbers<[1], [0], [0], [1], [0, 0, 1, 1], [], []>, precision = #tpu.contract_precision<fp32>, transpose_lhs_hint = false} : vector<512x1088xf32>, vector<1088x131xf32>, vector<512x131xf32> -> vector<512x131xf32>
    %swap3A = arith.constant 0 : index
    %swap3A_13 = arith.constant 0 : index
    %swap3A_14 = arith.constant 0 : index
    %swap3A_15 = vector.load %arg4[%swap3A, %swap3A_13, %swap3A_14] : memref<1x512x131xf32, #tpu.memory_space<vmem>>, vector<1x512x131xf32>
    %swap3A_16 = vector.shape_cast %swap3A_15 : vector<1x512x131xf32> to vector<512x131xf32>
    %swap3A_17 = vector.shape_cast %dot_general3A_12 : vector<512x131xf32> to vector<1x512x131xf32>
    tpu.vector_store %arg4[%swap3A, %swap3A_13, %swap3A_14], %swap3A_17 {strides = array<i32>} : memref<1x512x131xf32, #tpu.memory_space<vmem>>, vector<1x512x131xf32>,
    return
  }
  func.func @transform_0(%arg0: i32, %arg1: i32) -> (i32, i32, i32) {
    %c0_i32 = arith.constant 0 : i32
    %c0_i32_0 = arith.constant 0 : i32
    return %arg0, %arg1, %c0_i32 : i32, i32, i32
  }
  func.func @transform_1(%arg0: i32, %arg1: i32) -> (i32, i32, i32) {
    %c0_i32 = arith.constant 0 : i32
    %c0_i32_0 = arith.constant 0 : i32
    %c0_i32_1 = arith.constant 0 : i32
    return %arg0, %c0_i32, %c0_i32_0 : i32, i32, i32
  }
  func.func @transform_2(%arg0: i32, %arg1: i32) -> (i32, i32, i32) {
    %c0_i32 = arith.constant 0 : i32
    %c0_i32_0 = arith.constant 0 : i32
    return %arg0, %arg1, %c0_i32 : i32, i32, i32
  }
}

module attributes {stable_mosaic.version = 14 : i64} {
  func.func @_gather_kernel(%arg0: i32, %arg1: i32, %arg2: memref<1x512x1xi32, #tpu.memory_space<vmem>>, %arg3: memref<1x1088x67xf32, #tpu.memory_space<vmem>>, %arg4: memref<1x512x67xf32, #tpu.memory_space<vmem>>) attributes {dimension_semantics = [#tpu.dimension_semantics<arbitrary>, #tpu.dimension_semantics<arbitrary>], iteration_bounds = array<i64: 2, 9>, scalar_prefetch = 0 : i64, scratch_operands = 0 : i64, tpu.core_type = #tpu.core_type<tc>, window_params = [{transform_indices = @transform_0, window_bounds = array<i64: 1, 512, 1>}, {transform_indices = @transform_1, window_bounds = array<i64: 1, 1088, 67>}, {transform_indices = @transform_2, window_bounds = array<i64: 1, 512, 67>}]} {
    %get3A = arith.constant 0 : index
    %get3A_0 = arith.constant 0 : index
    %get3A_1 = arith.constant 0 : index
    %get3A_2 = vector.load %arg2[%get3A, %get3A_0, %get3A_1] : memref<1x512x1xi32, #tpu.memory_space<vmem>>, vector<1x512x1xi32>
    %get3A_3 = vector.shape_cast %get3A_2 : vector<1x512x1xi32> to vector<512x1xi32>
    %iota3A = tpu.iota {dimensions = array<i32: 1>} : vector<512x1088xi32>
    %eq3A = vector.broadcast %get3A_3 : vector<512x1xi32> to vector<512x1088xi32>
    %eq3A_4 = arith.cmpi eq, %iota3A, %eq3A : vector<512x1088xi32>
    %jit3A = arith.constant 1.000000e+00 : f32
    %jit3A_5 = arith.constant 0.000000e+00 : f32
    %broadcast_in_dim3A = vector.broadcast %jit3A : f32 to vector<512x1088xf32>
    %broadcast_in_dim3A_6 = vector.broadcast %jit3A_5 : f32 to vector<512x1088xf32>
    %select_n3A = arith.select %eq3A_4, %broadcast_in_dim3A, %broadcast_in_dim3A_6 : vector<512x1088xi1>, vector<512x1088xf32>
    %get3A_7 = arith.constant 0 : index
    %get3A_8 = arith.constant 0 : index
    %get3A_9 = arith.constant 0 : index
    %get3A_10 = vector.load %arg3[%get3A_7, %get3A_8, %get3A_9] : memref<1x1088x67xf32, #tpu.memory_space<vmem>>, vector<1x1088x67xf32>
    %get3A_11 = vector.shape_cast %get3A_10 : vector<1x1088x67xf32> to vector<1088x67xf32>
    %dot_general3A = arith.constant dense<0.000000e+00> : vector<512x67xf32>
    %dot_general3A_12 = tpu.matmul %select_n3A, %get3A_11, %dot_general3A {dimension_numbers = #tpu.dot_dimension_numbers<[1], [0], [0], [1], [0, 0, 1, 1], [], []>, precision = #tpu.contract_precision<fp32>, transpose_lhs_hint = false} : vector<512x1088xf32>, vector<1088x67xf32>, vector<512x67xf32> -> vector<512x67xf32>
    %swap3A = arith.constant 0 : index
    %swap3A_13 = arith.constant 0 : index
    %swap3A_14 = arith.constant 0 : index
    %swap3A_15 = vector.load %arg4[%swap3A, %swap3A_13, %swap3A_14] : memref<1x512x67xf32, #tpu.memory_space<vmem>>, vector<1x512x67xf32>
    %swap3A_16 = vector.shape_cast %swap3A_15 : vector<1x512x67xf32> to vector<512x67xf32>
    %swap3A_17 = vector.shape_cast %dot_general3A_12 : vector<512x67xf32> to vector<1x512x67xf32>
    tpu.vector_store %arg4[%swap3A, %swap3A_13, %swap3A_14], %swap3A_17 {strides = array<i32>} : memref<1x512x67xf32, #tpu.memory_space<vmem>>, vector<1x512x67xf32>,
    return
  }
  func.func @transform_0(%arg0: i32, %arg1: i32) -> (i32, i32, i32) {
    %c0_i32 = arith.constant 0 : i32
    %c0_i32_0 = arith.constant 0 : i32
    return %arg0, %arg1, %c0_i32 : i32, i32, i32
  }
  func.func @transform_1(%arg0: i32, %arg1: i32) -> (i32, i32, i32) {
    %c0_i32 = arith.constant 0 : i32
    %c0_i32_0 = arith.constant 0 : i32
    %c0_i32_1 = arith.constant 0 : i32
    return %arg0, %c0_i32, %c0_i32_0 : i32, i32, i32
  }
  func.func @transform_2(%arg0: i32, %arg1: i32) -> (i32, i32, i32) {
    %c0_i32 = arith.constant 0 : i32
    %c0_i32_0 = arith.constant 0 : i32
    return %arg0, %arg1, %c0_i32 : i32, i32, i32
  }
}

module attributes {stable_mosaic.version = 14 : i64} {
  func.func @_gather_kernel(%arg0: i32, %arg1: i32, %arg2: memref<1x512x1xi32, #tpu.memory_space<vmem>>, %arg3: memref<1x272x259xf32, #tpu.memory_space<vmem>>, %arg4: memref<1x512x259xf32, #tpu.memory_space<vmem>>) attributes {dimension_semantics = [#tpu.dimension_semantics<arbitrary>, #tpu.dimension_semantics<arbitrary>], iteration_bounds = array<i64: 2, 9>, scalar_prefetch = 0 : i64, scratch_operands = 0 : i64, tpu.core_type = #tpu.core_type<tc>, window_params = [{transform_indices = @transform_0, window_bounds = array<i64: 1, 512, 1>}, {transform_indices = @transform_1, window_bounds = array<i64: 1, 272, 259>}, {transform_indices = @transform_2, window_bounds = array<i64: 1, 512, 259>}]} {
    %get3A = arith.constant 0 : index
    %get3A_0 = arith.constant 0 : index
    %get3A_1 = arith.constant 0 : index
    %get3A_2 = vector.load %arg2[%get3A, %get3A_0, %get3A_1] : memref<1x512x1xi32, #tpu.memory_space<vmem>>, vector<1x512x1xi32>
    %get3A_3 = vector.shape_cast %get3A_2 : vector<1x512x1xi32> to vector<512x1xi32>
    %iota3A = tpu.iota {dimensions = array<i32: 1>} : vector<512x272xi32>
    %eq3A = vector.broadcast %get3A_3 : vector<512x1xi32> to vector<512x272xi32>
    %eq3A_4 = arith.cmpi eq, %iota3A, %eq3A : vector<512x272xi32>
    %jit3A = arith.constant 1.000000e+00 : f32
    %jit3A_5 = arith.constant 0.000000e+00 : f32
    %broadcast_in_dim3A = vector.broadcast %jit3A : f32 to vector<512x272xf32>
    %broadcast_in_dim3A_6 = vector.broadcast %jit3A_5 : f32 to vector<512x272xf32>
    %select_n3A = arith.select %eq3A_4, %broadcast_in_dim3A, %broadcast_in_dim3A_6 : vector<512x272xi1>, vector<512x272xf32>
    %get3A_7 = arith.constant 0 : index
    %get3A_8 = arith.constant 0 : index
    %get3A_9 = arith.constant 0 : index
    %get3A_10 = vector.load %arg3[%get3A_7, %get3A_8, %get3A_9] : memref<1x272x259xf32, #tpu.memory_space<vmem>>, vector<1x272x259xf32>
    %get3A_11 = vector.shape_cast %get3A_10 : vector<1x272x259xf32> to vector<272x259xf32>
    %dot_general3A = arith.constant dense<0.000000e+00> : vector<512x259xf32>
    %dot_general3A_12 = tpu.matmul %select_n3A, %get3A_11, %dot_general3A {dimension_numbers = #tpu.dot_dimension_numbers<[1], [0], [0], [1], [0, 0, 1, 1], [], []>, precision = #tpu.contract_precision<fp32>, transpose_lhs_hint = false} : vector<512x272xf32>, vector<272x259xf32>, vector<512x259xf32> -> vector<512x259xf32>
    %swap3A = arith.constant 0 : index
    %swap3A_13 = arith.constant 0 : index
    %swap3A_14 = arith.constant 0 : index
    %swap3A_15 = vector.load %arg4[%swap3A, %swap3A_13, %swap3A_14] : memref<1x512x259xf32, #tpu.memory_space<vmem>>, vector<1x512x259xf32>
    %swap3A_16 = vector.shape_cast %swap3A_15 : vector<1x512x259xf32> to vector<512x259xf32>
    %swap3A_17 = vector.shape_cast %dot_general3A_12 : vector<512x259xf32> to vector<1x512x259xf32>
    tpu.vector_store %arg4[%swap3A, %swap3A_13, %swap3A_14], %swap3A_17 {strides = array<i32>} : memref<1x512x259xf32, #tpu.memory_space<vmem>>, vector<1x512x259xf32>,
    return
  }
  func.func @transform_0(%arg0: i32, %arg1: i32) -> (i32, i32, i32) {
    %c0_i32 = arith.constant 0 : i32
    %c0_i32_0 = arith.constant 0 : i32
    return %arg0, %arg1, %c0_i32 : i32, i32, i32
  }
  func.func @transform_1(%arg0: i32, %arg1: i32) -> (i32, i32, i32) {
    %c0_i32 = arith.constant 0 : i32
    %c0_i32_0 = arith.constant 0 : i32
    %c0_i32_1 = arith.constant 0 : i32
    return %arg0, %c0_i32, %c0_i32_0 : i32, i32, i32
  }
  func.func @transform_2(%arg0: i32, %arg1: i32) -> (i32, i32, i32) {
    %c0_i32 = arith.constant 0 : i32
    %c0_i32_0 = arith.constant 0 : i32
    return %arg0, %arg1, %c0_i32 : i32, i32, i32
  }
}

module attributes {stable_mosaic.version = 14 : i64} {
  func.func @_gather_kernel(%arg0: i32, %arg1: i32, %arg2: memref<1x512x1xi32, #tpu.memory_space<vmem>>, %arg3: memref<1x272x131xf32, #tpu.memory_space<vmem>>, %arg4: memref<1x512x131xf32, #tpu.memory_space<vmem>>) attributes {dimension_semantics = [#tpu.dimension_semantics<arbitrary>, #tpu.dimension_semantics<arbitrary>], iteration_bounds = array<i64: 2, 3>, scalar_prefetch = 0 : i64, scratch_operands = 0 : i64, tpu.core_type = #tpu.core_type<tc>, window_params = [{transform_indices = @transform_0, window_bounds = array<i64: 1, 512, 1>}, {transform_indices = @transform_1, window_bounds = array<i64: 1, 272, 131>}, {transform_indices = @transform_2, window_bounds = array<i64: 1, 512, 131>}]} {
    %get3A = arith.constant 0 : index
    %get3A_0 = arith.constant 0 : index
    %get3A_1 = arith.constant 0 : index
    %get3A_2 = vector.load %arg2[%get3A, %get3A_0, %get3A_1] : memref<1x512x1xi32, #tpu.memory_space<vmem>>, vector<1x512x1xi32>
    %get3A_3 = vector.shape_cast %get3A_2 : vector<1x512x1xi32> to vector<512x1xi32>
    %iota3A = tpu.iota {dimensions = array<i32: 1>} : vector<512x272xi32>
    %eq3A = vector.broadcast %get3A_3 : vector<512x1xi32> to vector<512x272xi32>
    %eq3A_4 = arith.cmpi eq, %iota3A, %eq3A : vector<512x272xi32>
    %jit3A = arith.constant 1.000000e+00 : f32
    %jit3A_5 = arith.constant 0.000000e+00 : f32
    %broadcast_in_dim3A = vector.broadcast %jit3A : f32 to vector<512x272xf32>
    %broadcast_in_dim3A_6 = vector.broadcast %jit3A_5 : f32 to vector<512x272xf32>
    %select_n3A = arith.select %eq3A_4, %broadcast_in_dim3A, %broadcast_in_dim3A_6 : vector<512x272xi1>, vector<512x272xf32>
    %get3A_7 = arith.constant 0 : index
    %get3A_8 = arith.constant 0 : index
    %get3A_9 = arith.constant 0 : index
    %get3A_10 = vector.load %arg3[%get3A_7, %get3A_8, %get3A_9] : memref<1x272x131xf32, #tpu.memory_space<vmem>>, vector<1x272x131xf32>
    %get3A_11 = vector.shape_cast %get3A_10 : vector<1x272x131xf32> to vector<272x131xf32>
    %dot_general3A = arith.constant dense<0.000000e+00> : vector<512x131xf32>
    %dot_general3A_12 = tpu.matmul %select_n3A, %get3A_11, %dot_general3A {dimension_numbers = #tpu.dot_dimension_numbers<[1], [0], [0], [1], [0, 0, 1, 1], [], []>, precision = #tpu.contract_precision<fp32>, transpose_lhs_hint = false} : vector<512x272xf32>, vector<272x131xf32>, vector<512x131xf32> -> vector<512x131xf32>
    %swap3A = arith.constant 0 : index
    %swap3A_13 = arith.constant 0 : index
    %swap3A_14 = arith.constant 0 : index
    %swap3A_15 = vector.load %arg4[%swap3A, %swap3A_13, %swap3A_14] : memref<1x512x131xf32, #tpu.memory_space<vmem>>, vector<1x512x131xf32>
    %swap3A_16 = vector.shape_cast %swap3A_15 : vector<1x512x131xf32> to vector<512x131xf32>
    %swap3A_17 = vector.shape_cast %dot_general3A_12 : vector<512x131xf32> to vector<1x512x131xf32>
    tpu.vector_store %arg4[%swap3A, %swap3A_13, %swap3A_14], %swap3A_17 {strides = array<i32>} : memref<1x512x131xf32, #tpu.memory_space<vmem>>, vector<1x512x131xf32>,
    return
  }
  func.func @transform_0(%arg0: i32, %arg1: i32) -> (i32, i32, i32) {
    %c0_i32 = arith.constant 0 : i32
    %c0_i32_0 = arith.constant 0 : i32
    return %arg0, %arg1, %c0_i32 : i32, i32, i32
  }
  func.func @transform_1(%arg0: i32, %arg1: i32) -> (i32, i32, i32) {
    %c0_i32 = arith.constant 0 : i32
    %c0_i32_0 = arith.constant 0 : i32
    %c0_i32_1 = arith.constant 0 : i32
    return %arg0, %c0_i32, %c0_i32_0 : i32, i32, i32
  }
  func.func @transform_2(%arg0: i32, %arg1: i32) -> (i32, i32, i32) {
    %c0_i32 = arith.constant 0 : i32
    %c0_i32_0 = arith.constant 0 : i32
    return %arg0, %arg1, %c0_i32 : i32, i32, i32
  }
}

module attributes {stable_mosaic.version = 14 : i64} {
  func.func @_gather_kernel(%arg0: i32, %arg1: i32, %arg2: memref<1x512x1xi32, #tpu.memory_space<vmem>>, %arg3: memref<1x72x515xf32, #tpu.memory_space<vmem>>, %arg4: memref<1x512x515xf32, #tpu.memory_space<vmem>>) attributes {dimension_semantics = [#tpu.dimension_semantics<arbitrary>, #tpu.dimension_semantics<arbitrary>], iteration_bounds = array<i64: 2, 3>, scalar_prefetch = 0 : i64, scratch_operands = 0 : i64, tpu.core_type = #tpu.core_type<tc>, window_params = [{transform_indices = @transform_0, window_bounds = array<i64: 1, 512, 1>}, {transform_indices = @transform_1, window_bounds = array<i64: 1, 72, 515>}, {transform_indices = @transform_2, window_bounds = array<i64: 1, 512, 515>}]} {
    %get3A = arith.constant 0 : index
    %get3A_0 = arith.constant 0 : index
    %get3A_1 = arith.constant 0 : index
    %get3A_2 = vector.load %arg2[%get3A, %get3A_0, %get3A_1] : memref<1x512x1xi32, #tpu.memory_space<vmem>>, vector<1x512x1xi32>
    %get3A_3 = vector.shape_cast %get3A_2 : vector<1x512x1xi32> to vector<512x1xi32>
    %iota3A = tpu.iota {dimensions = array<i32: 1>} : vector<512x72xi32>
    %eq3A = vector.broadcast %get3A_3 : vector<512x1xi32> to vector<512x72xi32>
    %eq3A_4 = arith.cmpi eq, %iota3A, %eq3A : vector<512x72xi32>
    %jit3A = arith.constant 1.000000e+00 : f32
    %jit3A_5 = arith.constant 0.000000e+00 : f32
    %broadcast_in_dim3A = vector.broadcast %jit3A : f32 to vector<512x72xf32>
    %broadcast_in_dim3A_6 = vector.broadcast %jit3A_5 : f32 to vector<512x72xf32>
    %select_n3A = arith.select %eq3A_4, %broadcast_in_dim3A, %broadcast_in_dim3A_6 : vector<512x72xi1>, vector<512x72xf32>
    %get3A_7 = arith.constant 0 : index
    %get3A_8 = arith.constant 0 : index
    %get3A_9 = arith.constant 0 : index
    %get3A_10 = vector.load %arg3[%get3A_7, %get3A_8, %get3A_9] : memref<1x72x515xf32, #tpu.memory_space<vmem>>, vector<1x72x515xf32>
    %get3A_11 = vector.shape_cast %get3A_10 : vector<1x72x515xf32> to vector<72x515xf32>
    %dot_general3A = arith.constant dense<0.000000e+00> : vector<512x515xf32>
    %dot_general3A_12 = tpu.matmul %select_n3A, %get3A_11, %dot_general3A {dimension_numbers = #tpu.dot_dimension_numbers<[1], [0], [0], [1], [0, 0, 1, 1], [], []>, precision = #tpu.contract_precision<fp32>, transpose_lhs_hint = false} : vector<512x72xf32>, vector<72x515xf32>, vector<512x515xf32> -> vector<512x515xf32>
    %swap3A = arith.constant 0 : index
    %swap3A_13 = arith.constant 0 : index
    %swap3A_14 = arith.constant 0 : index
    %swap3A_15 = vector.load %arg4[%swap3A, %swap3A_13, %swap3A_14] : memref<1x512x515xf32, #tpu.memory_space<vmem>>, vector<1x512x515xf32>
    %swap3A_16 = vector.shape_cast %swap3A_15 : vector<1x512x515xf32> to vector<512x515xf32>
    %swap3A_17 = vector.shape_cast %dot_general3A_12 : vector<512x515xf32> to vector<1x512x515xf32>
    tpu.vector_store %arg4[%swap3A, %swap3A_13, %swap3A_14], %swap3A_17 {strides = array<i32>} : memref<1x512x515xf32, #tpu.memory_space<vmem>>, vector<1x512x515xf32>,
    return
  }
  func.func @transform_0(%arg0: i32, %arg1: i32) -> (i32, i32, i32) {
    %c0_i32 = arith.constant 0 : i32
    %c0_i32_0 = arith.constant 0 : i32
    return %arg0, %arg1, %c0_i32 : i32, i32, i32
  }
  func.func @transform_1(%arg0: i32, %arg1: i32) -> (i32, i32, i32) {
    %c0_i32 = arith.constant 0 : i32
    %c0_i32_0 = arith.constant 0 : i32
    %c0_i32_1 = arith.constant 0 : i32
    return %arg0, %c0_i32, %c0_i32_0 : i32, i32, i32
  }
  func.func @transform_2(%arg0: i32, %arg1: i32) -> (i32, i32, i32) {
    %c0_i32 = arith.constant 0 : i32
    %c0_i32_0 = arith.constant 0 : i32
    return %arg0, %arg1, %c0_i32 : i32, i32, i32
  }
}

module attributes {stable_mosaic.version = 14 : i64} {
  func.func @_gather_kernel(%arg0: i32, %arg1: i32, %arg2: memref<1x272x1xi32, #tpu.memory_space<vmem>>, %arg3: memref<1x72x259xf32, #tpu.memory_space<vmem>>, %arg4: memref<1x272x259xf32, #tpu.memory_space<vmem>>) attributes {dimension_semantics = [#tpu.dimension_semantics<arbitrary>, #tpu.dimension_semantics<arbitrary>], iteration_bounds = array<i64: 2, 1>, scalar_prefetch = 0 : i64, scratch_operands = 0 : i64, tpu.core_type = #tpu.core_type<tc>, window_params = [{transform_indices = @transform_0, window_bounds = array<i64: 1, 272, 1>}, {transform_indices = @transform_1, window_bounds = array<i64: 1, 72, 259>}, {transform_indices = @transform_2, window_bounds = array<i64: 1, 272, 259>}]} {
    %get3A = arith.constant 0 : index
    %get3A_0 = arith.constant 0 : index
    %get3A_1 = arith.constant 0 : index
    %get3A_2 = vector.load %arg2[%get3A, %get3A_0, %get3A_1] : memref<1x272x1xi32, #tpu.memory_space<vmem>>, vector<1x272x1xi32>
    %get3A_3 = vector.shape_cast %get3A_2 : vector<1x272x1xi32> to vector<272x1xi32>
    %iota3A = tpu.iota {dimensions = array<i32: 1>} : vector<272x72xi32>
    %eq3A = vector.broadcast %get3A_3 : vector<272x1xi32> to vector<272x72xi32>
    %eq3A_4 = arith.cmpi eq, %iota3A, %eq3A : vector<272x72xi32>
    %jit3A = arith.constant 1.000000e+00 : f32
    %jit3A_5 = arith.constant 0.000000e+00 : f32
    %broadcast_in_dim3A = vector.broadcast %jit3A : f32 to vector<272x72xf32>
    %broadcast_in_dim3A_6 = vector.broadcast %jit3A_5 : f32 to vector<272x72xf32>
    %select_n3A = arith.select %eq3A_4, %broadcast_in_dim3A, %broadcast_in_dim3A_6 : vector<272x72xi1>, vector<272x72xf32>
    %get3A_7 = arith.constant 0 : index
    %get3A_8 = arith.constant 0 : index
    %get3A_9 = arith.constant 0 : index
    %get3A_10 = vector.load %arg3[%get3A_7, %get3A_8, %get3A_9] : memref<1x72x259xf32, #tpu.memory_space<vmem>>, vector<1x72x259xf32>
    %get3A_11 = vector.shape_cast %get3A_10 : vector<1x72x259xf32> to vector<72x259xf32>
    %dot_general3A = arith.constant dense<0.000000e+00> : vector<272x259xf32>
    %dot_general3A_12 = tpu.matmul %select_n3A, %get3A_11, %dot_general3A {dimension_numbers = #tpu.dot_dimension_numbers<[1], [0], [0], [1], [0, 0, 1, 1], [], []>, precision = #tpu.contract_precision<fp32>, transpose_lhs_hint = false} : vector<272x72xf32>, vector<72x259xf32>, vector<272x259xf32> -> vector<272x259xf32>
    %swap3A = arith.constant 0 : index
    %swap3A_13 = arith.constant 0 : index
    %swap3A_14 = arith.constant 0 : index
    %swap3A_15 = vector.load %arg4[%swap3A, %swap3A_13, %swap3A_14] : memref<1x272x259xf32, #tpu.memory_space<vmem>>, vector<1x272x259xf32>
    %swap3A_16 = vector.shape_cast %swap3A_15 : vector<1x272x259xf32> to vector<272x259xf32>
    %swap3A_17 = vector.shape_cast %dot_general3A_12 : vector<272x259xf32> to vector<1x272x259xf32>
    tpu.vector_store %arg4[%swap3A, %swap3A_13, %swap3A_14], %swap3A_17 {strides = array<i32>} : memref<1x272x259xf32, #tpu.memory_space<vmem>>, vector<1x272x259xf32>,
    return
  }
  func.func @transform_0(%arg0: i32, %arg1: i32) -> (i32, i32, i32) {
    %c0_i32 = arith.constant 0 : i32
    %c0_i32_0 = arith.constant 0 : i32
    return %arg0, %arg1, %c0_i32 : i32, i32, i32
  }
  func.func @transform_1(%arg0: i32, %arg1: i32) -> (i32, i32, i32) {
    %c0_i32 = arith.constant 0 : i32
    %c0_i32_0 = arith.constant 0 : i32
    %c0_i32_1 = arith.constant 0 : i32
    return %arg0, %c0_i32, %c0_i32_0 : i32, i32, i32
  }
  func.func @transform_2(%arg0: i32, %arg1: i32) -> (i32, i32, i32) {
    %c0_i32 = arith.constant 0 : i32
    %c0_i32_0 = arith.constant 0 : i32
    return %arg0, %arg1, %c0_i32 : i32, i32, i32
  }
}

module attributes {stable_mosaic.version = 14 : i64} {
  func.func @_gather_kernel(%arg0: i32, %arg1: i32, %arg2: memref<1x272x1xi32, #tpu.memory_space<vmem>>, %arg3: memref<1x24x1027xf32, #tpu.memory_space<vmem>>, %arg4: memref<1x272x1027xf32, #tpu.memory_space<vmem>>) attributes {dimension_semantics = [#tpu.dimension_semantics<arbitrary>, #tpu.dimension_semantics<arbitrary>], iteration_bounds = array<i64: 2, 1>, scalar_prefetch = 0 : i64, scratch_operands = 0 : i64, tpu.core_type = #tpu.core_type<tc>, window_params = [{transform_indices = @transform_0, window_bounds = array<i64: 1, 272, 1>}, {transform_indices = @transform_1, window_bounds = array<i64: 1, 24, 1027>}, {transform_indices = @transform_2, window_bounds = array<i64: 1, 272, 1027>}]} {
    %get3A = arith.constant 0 : index
    %get3A_0 = arith.constant 0 : index
    %get3A_1 = arith.constant 0 : index
    %get3A_2 = vector.load %arg2[%get3A, %get3A_0, %get3A_1] : memref<1x272x1xi32, #tpu.memory_space<vmem>>, vector<1x272x1xi32>
    %get3A_3 = vector.shape_cast %get3A_2 : vector<1x272x1xi32> to vector<272x1xi32>
    %iota3A = tpu.iota {dimensions = array<i32: 1>} : vector<272x24xi32>
    %eq3A = vector.broadcast %get3A_3 : vector<272x1xi32> to vector<272x24xi32>
    %eq3A_4 = arith.cmpi eq, %iota3A, %eq3A : vector<272x24xi32>
    %jit3A = arith.constant 1.000000e+00 : f32
    %jit3A_5 = arith.constant 0.000000e+00 : f32
    %broadcast_in_dim3A = vector.broadcast %jit3A : f32 to vector<272x24xf32>
    %broadcast_in_dim3A_6 = vector.broadcast %jit3A_5 : f32 to vector<272x24xf32>
    %select_n3A = arith.select %eq3A_4, %broadcast_in_dim3A, %broadcast_in_dim3A_6 : vector<272x24xi1>, vector<272x24xf32>
    %get3A_7 = arith.constant 0 : index
    %get3A_8 = arith.constant 0 : index
    %get3A_9 = arith.constant 0 : index
    %get3A_10 = vector.load %arg3[%get3A_7, %get3A_8, %get3A_9] : memref<1x24x1027xf32, #tpu.memory_space<vmem>>, vector<1x24x1027xf32>
    %get3A_11 = vector.shape_cast %get3A_10 : vector<1x24x1027xf32> to vector<24x1027xf32>
    %dot_general3A = arith.constant dense<0.000000e+00> : vector<272x1027xf32>
    %dot_general3A_12 = tpu.matmul %select_n3A, %get3A_11, %dot_general3A {dimension_numbers = #tpu.dot_dimension_numbers<[1], [0], [0], [1], [0, 0, 1, 1], [], []>, precision = #tpu.contract_precision<fp32>, transpose_lhs_hint = false} : vector<272x24xf32>, vector<24x1027xf32>, vector<272x1027xf32> -> vector<272x1027xf32>
    %swap3A = arith.constant 0 : index
    %swap3A_13 = arith.constant 0 : index
    %swap3A_14 = arith.constant 0 : index
    %swap3A_15 = vector.load %arg4[%swap3A, %swap3A_13, %swap3A_14] : memref<1x272x1027xf32, #tpu.memory_space<vmem>>, vector<1x272x1027xf32>
    %swap3A_16 = vector.shape_cast %swap3A_15 : vector<1x272x1027xf32> to vector<272x1027xf32>
    %swap3A_17 = vector.shape_cast %dot_general3A_12 : vector<272x1027xf32> to vector<1x272x1027xf32>
    tpu.vector_store %arg4[%swap3A, %swap3A_13, %swap3A_14], %swap3A_17 {strides = array<i32>} : memref<1x272x1027xf32, #tpu.memory_space<vmem>>, vector<1x272x1027xf32>,
    return
  }
  func.func @transform_0(%arg0: i32, %arg1: i32) -> (i32, i32, i32) {
    %c0_i32 = arith.constant 0 : i32
    %c0_i32_0 = arith.constant 0 : i32
    return %arg0, %arg1, %c0_i32 : i32, i32, i32
  }
  func.func @transform_1(%arg0: i32, %arg1: i32) -> (i32, i32, i32) {
    %c0_i32 = arith.constant 0 : i32
    %c0_i32_0 = arith.constant 0 : i32
    %c0_i32_1 = arith.constant 0 : i32
    return %arg0, %c0_i32, %c0_i32_0 : i32, i32, i32
  }
  func.func @transform_2(%arg0: i32, %arg1: i32) -> (i32, i32, i32) {
    %c0_i32 = arith.constant 0 : i32
    %c0_i32_0 = arith.constant 0 : i32
    return %arg0, %arg1, %c0_i32 : i32, i32, i32
  }
}

module attributes {stable_mosaic.version = 14 : i64} {
  func.func @_head_kernel(%arg0: memref<2x512xf32, #tpu.memory_space<vmem>>, %arg1: memref<512x512xf32, #tpu.memory_space<vmem>>, %arg2: memref<1x512xf32, #tpu.memory_space<vmem>>, %arg3: memref<1x512xf32, #tpu.memory_space<vmem>>, %arg4: memref<1x512xf32, #tpu.memory_space<vmem>>, %arg5: memref<512x40xf32, #tpu.memory_space<vmem>>, %arg6: memref<1x40xf32, #tpu.memory_space<vmem>>, %arg7: memref<2x40xf32, #tpu.memory_space<vmem>>) attributes {dimension_semantics = [], scalar_prefetch = 0 : i64, scratch_operands = 0 : i64, tpu.core_type = #tpu.core_type<tc>} {
    %get3A = arith.constant 0 : index
    %get3A_0 = arith.constant 0 : index
    %get3A_1 = vector.load %arg0[%get3A, %get3A_0] : memref<2x512xf32, #tpu.memory_space<vmem>>, vector<2x512xf32>
    %get3A_2 = arith.constant 0 : index
    %get3A_3 = arith.constant 0 : index
    %get3A_4 = vector.load %arg1[%get3A_2, %get3A_3] : memref<512x512xf32, #tpu.memory_space<vmem>>, vector<512x512xf32>
    %dot_general3A = arith.constant dense<0.000000e+00> : vector<2x512xf32>
    %dot_general3A_5 = tpu.matmul %get3A_1, %get3A_4, %dot_general3A {dimension_numbers = #tpu.dot_dimension_numbers<[1], [0], [0], [1], [0, 0, 1, 1], [], []>, transpose_lhs_hint = false} : vector<2x512xf32>, vector<512x512xf32>, vector<2x512xf32> -> vector<2x512xf32>
    %get3A_6 = arith.constant 0 : index
    %get3A_7 = arith.constant 0 : index
    %get3A_8 = vector.load %arg2[%get3A_6, %get3A_7] : memref<1x512xf32, #tpu.memory_space<vmem>>, vector<1x512xf32>
    %add3A = vector.broadcast %get3A_8 : vector<1x512xf32> to vector<2x512xf32>
    %add3A_9 = arith.addf %dot_general3A_5, %add3A : vector<2x512xf32>
    %reduce_sum3A = arith.constant dense<0.000000e+00> : vector<512xf32>
    %reduce_sum3A_10 = vector.multi_reduction <add>, %add3A_9, %reduce_sum3A [0] : vector<2x512xf32> to vector<512xf32>
    %broadcast_in_dim3A = vector.shape_cast %reduce_sum3A_10 : vector<512xf32> to vector<1x512xf32>
    %div3A = arith.constant 2.000000e+00 : f32
    %div3A_11 = vector.broadcast %div3A : f32 to vector<1x512xf32>
    %div3A_12 = arith.divf %broadcast_in_dim3A, %div3A_11 : vector<1x512xf32>
    %sub3A = vector.broadcast %div3A_12 : vector<1x512xf32> to vector<2x512xf32>
    %sub3A_13 = arith.subf %add3A_9, %sub3A : vector<2x512xf32>
    %sub3A_14 = vector.broadcast %div3A_12 : vector<1x512xf32> to vector<2x512xf32>
    %sub3A_15 = arith.subf %add3A_9, %sub3A_14 : vector<2x512xf32>
    %mul3A = arith.mulf %sub3A_13, %sub3A_15 : vector<2x512xf32>
    %reduce_sum3A_16 = arith.constant dense<0.000000e+00> : vector<512xf32>
    %reduce_sum3A_17 = vector.multi_reduction <add>, %mul3A, %reduce_sum3A_16 [0] : vector<2x512xf32> to vector<512xf32>
    %broadcast_in_dim3A_18 = vector.shape_cast %reduce_sum3A_17 : vector<512xf32> to vector<1x512xf32>
    %div3A_19 = arith.constant 2.000000e+00 : f32
    %div3A_20 = vector.broadcast %div3A_19 : f32 to vector<1x512xf32>
    %div3A_21 = arith.divf %broadcast_in_dim3A_18, %div3A_20 : vector<1x512xf32>
    %get3A_22 = arith.constant 0 : index
    %get3A_23 = arith.constant 0 : index
    %get3A_24 = vector.load %arg3[%get3A_22, %get3A_23] : memref<1x512xf32, #tpu.memory_space<vmem>>, vector<1x512xf32>
    %sub3A_25 = vector.broadcast %div3A_12 : vector<1x512xf32> to vector<2x512xf32>
    %sub3A_26 = arith.subf %add3A_9, %sub3A_25 : vector<2x512xf32>
    %mul3A_27 = vector.broadcast %get3A_24 : vector<1x512xf32> to vector<2x512xf32>
    %mul3A_28 = arith.mulf %mul3A_27, %sub3A_26 : vector<2x512xf32>
    %add3A_29 = arith.constant 9.99999974E-6 : f32
    %add3A_30 = vector.broadcast %add3A_29 : f32 to vector<1x512xf32>
    %add3A_31 = arith.addf %div3A_21, %add3A_30 : vector<1x512xf32>
    %sqrt3A = math.sqrt %add3A_31 : vector<1x512xf32>
    %div3A_32 = vector.broadcast %sqrt3A : vector<1x512xf32> to vector<2x512xf32>
    %div3A_33 = arith.divf %mul3A_28, %div3A_32 : vector<2x512xf32>
    %get3A_34 = arith.constant 0 : index
    %get3A_35 = arith.constant 0 : index
    %get3A_36 = vector.load %arg4[%get3A_34, %get3A_35] : memref<1x512xf32, #tpu.memory_space<vmem>>, vector<1x512xf32>
    %add3A_37 = vector.broadcast %get3A_36 : vector<1x512xf32> to vector<2x512xf32>
    %add3A_38 = arith.addf %div3A_33, %add3A_37 : vector<2x512xf32>
    %max3A = arith.constant 0.000000e+00 : f32
    %max3A_39 = vector.broadcast %max3A : f32 to vector<2x512xf32>
    %max3A_40 = arith.maximumf %add3A_38, %max3A_39 : vector<2x512xf32>
    %get3A_41 = arith.constant 0 : index
    %get3A_42 = arith.constant 0 : index
    %get3A_43 = vector.load %arg5[%get3A_41, %get3A_42] : memref<512x40xf32, #tpu.memory_space<vmem>>, vector<512x40xf32>
    %dot_general3A_44 = arith.constant dense<0.000000e+00> : vector<2x40xf32>
    %dot_general3A_45 = tpu.matmul %max3A_40, %get3A_43, %dot_general3A_44 {dimension_numbers = #tpu.dot_dimension_numbers<[1], [0], [0], [1], [0, 0, 1, 1], [], []>, transpose_lhs_hint = false} : vector<2x512xf32>, vector<512x40xf32>, vector<2x40xf32> -> vector<2x40xf32>
    %get3A_46 = arith.constant 0 : index
    %get3A_47 = arith.constant 0 : index
    %get3A_48 = vector.load %arg6[%get3A_46, %get3A_47] : memref<1x40xf32, #tpu.memory_space<vmem>>, vector<1x40xf32>
    %add3A_49 = vector.broadcast %get3A_48 : vector<1x40xf32> to vector<2x40xf32>
    %add3A_50 = arith.addf %dot_general3A_45, %add3A_49 : vector<2x40xf32>
    %swap3A = arith.constant 0 : index
    %swap3A_51 = arith.constant 0 : index
    %swap3A_52 = vector.load %arg7[%swap3A, %swap3A_51] : memref<2x40xf32, #tpu.memory_space<vmem>>, vector<2x40xf32>
    tpu.vector_store %arg7[%swap3A, %swap3A_51], %add3A_50 {strides = array<i32>} : memref<2x40xf32, #tpu.memory_space<vmem>>, vector<2x40xf32>,
    return
  }
}

</mosaic_0001>

<sc_bundles>
// kernel: gather_offload_async_start.1
scs
__scs_entry_jumppad:
0x0: {  	(pc) =	sbr.rel $0x88, $3  }
0x1: {  	(tag) =	ssettag $0x0;
	lr =	simm.s32 $0x1  }
0x2: {  	[smem:$0x3EFF] =	sst lr;
	_ =	strace $0xD0000000  }
0x3: {  	_ = 	snop  }
0x4: {  	_ = 	snop  }
0x5: {  	_ = 	snop  }
0x6: {  	_ = 	snop  }
0x7: {  	_ = 	snop  }
__scs_overlays_trampoline_lowered:
0x8: {  	[smem:$0x3F0E] =	sst s0  }
0x9: {  	[smem:$0x3F0F] =	sst s1  }
0xa: {  	[smem:$0x3F10] =	sst s2  }
0xb: {  	[smem:$0x3F11] =	sst s3  }
0xc: {  	[smem:$0x3F12] =	sst s4  }
0xd: {  	[smem:$0x3F13] =	sst s5  }
0xe: {  	[smem:$0x3F14] =	sst s6  }
0xf: {  	[smem:$0x3F15] =	sst s7  }
0x10: {  	[smem:$0x3F16] =	sst s8  }
0x11: {  	[smem:$0x3F17] =	sst s9;
	s0 =	simm.s32 @!p0 $0x0  }
0x12: {  	s1 =	sld [smem:$0x3EFD];
	s0 =	simm.s32 @p0 $0x1  }
0x13: {  	[smem:$0x3F18] =	sst s0;
	s0 =	simm.s32 @!p1 $0x0  }
0x14: {  	s2 =	sld [smem:$0x3EFC];
	s0 =	simm.s32 @p1 $0x1  }
0x15: {  	[smem:$0x3F19] =	sst s0;
	s0 =	simm.s32 @!p2 $0x0  }
0x16: {  	s3 =	sld [smem:$0x3FDB];
	s0 =	simm.s32 @p2 $0x1  }
0x17: {  	s4 =	simm.s32 $0x1BF5;
	[smem:$0x3F1B] =	sst s0  }
0x18: {  	s0 =	sld [smem:$0x3EFE];
	_ =	swait.ge [sflag:s4], $0x0  }
0x19: {  	s7 =	sld [smem:$0x3EFF]  }
0x1a: {  	s8 =	sadd.s32 $0xFFFFE003, lr  }
0x1b: {  	s9 =	sadd.s32 $0xFFFFFEF7, lr;
	s5 =	simm.s32 $0xFFFFFFFF;
	p2 =	slt.u32 s8, $0xFFFFF086  }
0x1c: {  	p1 =	slt.u32 s9, $0xF7A;
	s5 =	simm.s32 @!p2 $0x0  }
0x1d: {  	s5 =	simm.s32 @p1 $0x1;
	p0 =	seq.s32 s7, s2  }
0x1e: {  	s7 =	smul.u32 @!p0 $0xF7A, s2;
	p2 =	seq.s32 @!p0 s5, $0x0  }
0x1f: {  	s9 =	smul.u32 $0xF7A, s1;
	s8 =	simm.s32 @!p0 $0x1BF5;
	p2 =	por !p2, p0  }
0x20: {  	[sflag:s8] =	ssyncset.s32 @!p0 $0xFFFFF086;
	s6 =	sadd.s32 @!p0 s3, s7;
	s7 =	simm.s32 @!p0 $0x108  }
0x21: {  	s3 =	sadd.s32 s3, s9;
	s6 =	sadd.s32 @!p0 $0x88, s6;
	s7 =	simm.s32 @p2 $0x1082  }
0x22: {  	[simem:s7], [sflag:s8] =	dma.local @!p0 [hbm:s6], $0xF7A  }
0x23: {  	s9 =	sor.u32 $0xD0000000, s2;
	s6 =	simm.s32 $0x108;
	_ =	swait.ge @!p0 [sflag:s8], $0x0  }
0x24: {  	s3 =	sadd.s32 $0x88, s3;
	s6 =	simm.s32 @!p1 $0x1082;
	[sflag:s4] =	ssyncset.s32 $0xFFFFF086  }
0x25: {  	[simem:s6], [sflag:s4] =	dma.local [hbm:s3], $0xF7A  }
0x26: {  	[smem:$0x3EFF] =	sst s1;
	(tag) =	ssettag s2;
	_ =	strace s9  }
0x27: {  	s1 =	sld [smem:$0x3F0F]  }
0x28: {  	s2 =	sld [smem:$0x3F10]  }
0x29: {  	s4 =	sld [smem:$0x3F12]  }
0x2a: {  	p0 =	seq.s32 s5, $0x0;
	s5 =	sld [smem:$0x3F13]  }
0x2b: {  	s6 =	sld [smem:$0x3F14]  }
0x2c: {  	s7 =	sld [smem:$0x3F15]  }
0x2d: {  	s3 =	simm.s32 $0x108;
	s8 =	sld [smem:$0x3F16]  }
0x2e: {  	s3 =	simm.s32 @!p0 $0x1082;
	s9 =	sld [smem:$0x3F17]  }
0x2f: {  	lr =	sadd.s32 s0, s3;
	s0 =	sld [smem:$0x3F0E]  }
0x30: {  	s3 =	sld [smem:$0x3F11]  }
0x31: {  	[smem:$0x3F1A] =	sst s10  }
0x32: {  	s10 =	sld [smem:$0x3F18];
	_ =	sdelay $0x3  }
0x33: {  	p0 =	seq.s32 s10, $0x1;
	s10 =	sld [smem:$0x3F1A];
	_ =	sdelay $0x3  }
0x34: {  	[smem:$0x3F1A] =	sst s10  }
0x35: {  	s10 =	sld [smem:$0x3F19];
	_ =	sdelay $0x3  }
0x36: {  	p1 =	seq.s32 s10, $0x1;
	s10 =	sld [smem:$0x3F1A];
	_ =	sdelay $0x3  }
0x37: {  	[smem:$0x3F1A] =	sst s10  }
0x38: {  	s10 =	sld [smem:$0x3F1B]  }
0x39: {  	_ = 	snop;
	(pc) =	sbr.ind lr, $3  }
0x3a: {  	_ = 	snop  }
0x3b: {  	_ = 	snop  }
0x3c: {  	p2 =	seq.s32 s10, $0x1;
	s10 =	sld [smem:$0x3F1A]  }
0x3d: {  	_ =	shalt  }
0x3e: {  	_ =	shalt  }
0x3f: {  	_ =	shalt  }
0x40: {  	_ =	shalt  }
0x41: {  	_ =	shalt  }
0x42: {  	_ =	shalt  }
0x43: {  	_ =	shalt  }
0x44: {  	_ =	shalt  }
0x45: {  	_ =	shalt  }
0x46: {  	_ =	shalt  }
0x47: {  	_ =	shalt  }
0x48: {  	_ =	shalt  }
0x49: {  	_ =	shalt  }
0x4a: {  	_ =	shalt  }
0x4b: {  	_ =	shalt  }
0x4c: {  	_ =	shalt  }
0x4d: {  	_ =	shalt  }
0x4e: {  	_ =	shalt  }
0x4f: {  	_ =	shalt  }
0x50: {  	_ =	shalt  }
0x51: {  	_ =	shalt  }
0x52: {  	_ =	shalt  }
0x53: {  	_ =	shalt  }
0x54: {  	_ =	shalt  }
0x55: {  	_ =	shalt  }
0x56: {  	_ =	shalt  }
0x57: {  	_ =	shalt  }
0x58: {  	_ =	shalt  }
0x59: {  	_ =	shalt  }
0x5a: {  	_ =	shalt  }
0x5b: {  	_ =	shalt  }
0x5c: {  	_ =	shalt  }
0x5d: {  	_ =	shalt  }
0x5e: {  	_ =	shalt  }
0x5f: {  	_ =	shalt  }
0x60: {  	_ =	shalt  }
0x61: {  	_ =	shalt  }
0x62: {  	_ =	shalt  }
0x63: {  	_ =	shalt  }
0x64: {  	_ =	shalt  }
0x65: {  	_ =	shalt  }
0x66: {  	_ =	shalt  }
0x67: {  	_ =	shalt  }
0x68: {  	_ =	shalt  }
0x69: {  	_ =	shalt  }
0x6a: {  	_ =	shalt  }
0x6b: {  	_ =	shalt  }
0x6c: {  	_ =	shalt  }
0x6d: {  	_ =	shalt  }
0x6e: {  	_ =	shalt  }
0x6f: {  	_ =	shalt  }
0x70: {  	_ =	shalt  }
0x71: {  	_ =	shalt  }
0x72: {  	_ =	shalt  }
0x73: {  	_ =	shalt  }
0x74: {  	_ =	shalt  }
0x75: {  	_ =	shalt  }
0x76: {  	_ =	shalt  }
0x77: {  	_ =	shalt  }
0x78: {  	_ =	shalt  }
0x79: {  	_ =	shalt  }
0x7a: {  	_ =	shalt  }
0x7b: {  	_ =	shalt  }
0x7c: {  	_ =	shalt  }
0x7d: {  	_ =	shalt  }
0x7e: {  	_ =	shalt  }
0x7f: {  	_ =	shalt  }
0x80: {  	_ =	shalt  }
0x81: {  	_ =	shalt  }
0x82: {  	_ =	shalt  }
0x83: {  	_ =	shalt  }
0x84: {  	_ =	shalt  }
0x85: {  	_ =	shalt  }
0x86: {  	_ =	shalt  }
0x87: {  	_ =	shalt  }
.Lfunc_end0:
.L_simem_size_0:
called_computation.1_lowered:
.L_overlay_start_0:
0x88: {  	s2 =	sld [smem:$0x3FD9]  }
0x89: {  	s3 =	sld [smem:$0x3FFE];
	_ =	sdelay $0x1  }
0x8a: {  	s1 =	srdreg.scid  }
0x8b: {  	s0 =	sand.u32 $0x1, s1  }
0x8c: {  	s16 =	sshll.u32 s0, $0xA;
	s2 =	sadd.s32 s3, s2  }
0x8d: {  	s2 =	sadd.s32 s2, s16  }
0x8e: {  	[smem:$0x3F26] =	sst s2  }
0x8f: {  	_ = 	snop  }
0x90: {  	(tm) =	ssettm $0x1  }
0x91: {  	s17 =	sld [smem:$0x3FFB];
	_ =	sdelay $0x3  }
0x92: {  	_ =	strace s17  }
0x93: {  	s2 =	sld [smem:$0x3FFC];
	_ =	sdelay $0x3  }
0x94: {  	_ =	strace s2  }
0x95: {  	s2 =	sld [smem:$0x3FFD];
	_ =	sdelay $0x3  }
0x96: {  	_ =	strace s2  }
0x97: {  	_ =	strace $0x8FFFFFFF  }
0x98: {  	s18 =	sld [smem:$0x3FDB];
	_ =	sdelay $0x1  }
0x99: {  	s19 =	simm.s32 $_scs_section_size  }
0x9a: {  	s4 =	simm.s32 $_size__tile_overlayer_lowered;
	s5 =	simm.s32 $_tile_overlayer_lowered  }
0x9b: {  	s22 =	simm.s32 $0x1BFF;
	s21 =	sshll.u32 s5, $0x1;
	s2 =	sadd.s32 s19, s18  }
0x9c: {  	s6 =	simm.s32 $0x0;
	s20 =	sshll.u32 s4, $0x1;
	s4 =	sadd.s32 s21, s2  }
0x9d: {  	[timem:s6], [sflag:s22] =	dma.local [hbm:s4], s20  }
0x9e: {  	_ =	swait.ge [sflag:s22], s20  }
0x9f: {  	s3 =	ssub.s32 $0x0, s20;
	[sflag:s22] =	ssyncset.done $0x0  }
0xa0: {  	[sflag:s22] =	ssyncadd.s32 s3;
	_ =	sdelay $0x1  }
0xa1: {  	s23 =	simm.s32 $0x1B8B  }
0xa2: {  	_ =	swait.ge [sflag:s23], $0x1  }
0xa3: {  	[sflag:s23] =	ssyncset.done $0x0  }
0xa4: {  	s25 =	simm.s32 $0x1B8E;
	s24 =	sld [smem:$0x3FFE];
	[sflag:s23] =	ssyncadd.s32 $0xFFFFFFFF  }
0xa5: {  	s26 =	simm.s32 $execute0_lowered;
	[smem:$0x3FD2] =	sst s25  }
0xa6: {  	s4 =	sshll.u32 s26, $0x1;
	_ =	strace $0x80000049;
	[dreg:$0x1] =	wrdreg $0xFFFFFFFF  }
0xa7: {  	s28 =	simm.s32 $_size_execute0_lowered;
	s2 =	sadd.s32 s2, s4;
	[dreg:$0x0] =	wrdreg $0x0  }
0xa8: {  	s4 =	sshll.u32 s28, $0x1;
	[dreg:$0x2] =	wrdreg s2  }
0xa9: {  	[dreg:$0x3] =	wrdreg s4  }
0xaa: {  	[dreg:$0x4] =	wrdreg $0xC0  }
0xab: {  	_ =	task [dreg:s6], $0x5FFFF  }
0xac: {  	[dreg:$0x1] =	wrdreg $0xFFFFFFFF  }
0xad: {  	[dreg:$0x0] =	wrdreg $0x60  }
0xae: {  	[dreg:$0x2] =	wrdreg s24  }
0xaf: {  	[dreg:$0x3] =	wrdreg $0x9  }
0xb0: {  	_ =	task.clear_ibuf [dreg:s6], $0x4FFFF;
	_ =	strace $0x90000049  }
0xb1: {  	s29 =	simm.s32 $0x9;
	_ =	strace $0x8000004B  }
0xb2: {  	_ =	swait.ge [sflag:s29], $0x1  }
0xb3: {  	[sflag:s29] =	ssyncadd.s32 $0xFFFFFFFF  }
0xb4: {  	_ =	strace $0x9000004B  }
0xb5: {  	_ =	sfence  }
0xb6: {  	s30 =	sld [smem:$0x0];
	_ =	sdelay $0x2  }
0xb7: {  	s31 =	sshll.u32 s1, $0xD;
	s1 =	sshrl.u32 s1, $0x2  }
0xb8: {  	s3 =	sand.u32 $0x4000, s31;
	s1 =	sadd.s32 s1, s30  }
0xb9: {  	s0 =	sor.u32 s3, s0;
	s1 =	sshll.u32 s1, $0x11  }
0xba: {  	s0 =	sor.u32 s1, s0  }
0xbb: {  	s0 =	sadd.s32 $0x8F2B, s0  }
0xbc: {  	[sflag:s0] =	ssyncadd.remote.s32 $0x1  }
0xbd: {  	_ =	sfence.sel $0xFFFF  }
0xbe: {  	[dreg:$0x0] =	wrdreg $0xFFFFFFFF;
	(pc) =	sbr.abs _section_cstart, $3  }
0xbf: {  	[dreg:$0x1] =	wrdreg $0xFFFFFFFF  }
0xc0: {  	_ =	task.clear_ibuf [dreg:s6], $0x2FFFF;
	_ =	strace $0x9FFFFFFF  }
0xc1: {  	(tm) =	ssettm $0x7FFFFFFF  }
tec
execute0_lowered:
.L_overlay_start_1:
0x0: {  	(tag) =	ssettag $0x1  }
0x1: {  	s0 =	srdreg.scid  }
0x2: {  	s1 =	sshll.u32 s0, $0x4  }
0x3: {  	s0 =	stileid.u32;
	s1 =	sand.u32 $0x10, s1  }
0x4: {  	s1 =	sor.u32 s0, s1  }
0x5: {  	s3 =	rddreg [dreg:$0x0];
	s2 =	smin.u32 s1, $0x2  }
0x6: {  	p0 =	slt.u32 s1, $0x2;
	s2 =	sadd.s32 s1, s2;
	s1 =	simm.s32 $0x80  }
0x7: {  	s6 =	simm.s32 $0x1;
	s2 =	sshll.u32 s2, $0x6;
	s1 =	simm.s32 @!p0 $0x40  }
0x8: {  	s7 =	simm.s32 $0x2;
	s10 =	simm.s32 $0x3;
	s4 =	sadd.s32 s1, s2  }
0x9: {  	s13 =	simm.s32 $0x0;
	s12 =	simm.s32 $0x0;
	s4 =	smin.u32 s4, $0x880  }
.Ltmp0:
0xa: {  	s5 =	sadd.s32 $0x67800, s3;
	s8 =	ssub.s32 s4, s2;
	(pc) =	sbr.rel .LBB2_1-.Ltmp0, $4  }
0xb: {  	s1 =	rddreg [dreg:$0x1];
	_ =	strace $0x8000004A;
	p0 =	sgt.s32 s8, $0x0  }
0xc: {  	s9 =	sadd.s32 $0x22000, s3;
	[sflag:s6] =	ssyncpa.u1 $0x0;
	s8 =	simm.s32 @!p0 $0x0  }
0xd: {  	s11 =	smov.u32 s2;
	[sflag:s7] =	ssyncpa.u1 $0x0;
	s8 =	sshrl.u32 s8, $0x6  }
0xe: {  	v0 =	vimm.s32 $0x0;
	vm0 =	vmmov $0xff;
	vm1 =	vcmask $0x3F20;
	[sflag:s10] =	ssyncpa.u1 $0x0;
	p0 =	por $0x0, $0x0;
	s10 =	sadd.s32 $0x1, s8  }
.LBB2_6:
0xf: {  	[hbm:s17] =	stream.linear.scatter [tilespmem:s14], [sflag:$0x3], $0x400, $0x38;
	[tilespmem:$0x4080] =	vst v63  }
.LBB2_7:
0x10: {  	s13 =	sadd.s32 $0x40, s11  }
0x11: {  	s15 =	smov.u32 s2;
	p2 =	slt.s32 s13, s4  }
0x12: {  	s15 =	smov.u32 @p2 s13;
	p2 =	sne.s32 s12, s10  }
.Ltmp1:
0x13: {  	p1 =	slt.u32 s12, $0x2;
	(pc) =	sbr.rel @!p2 .LBB2_8-.Ltmp1, $4  }
0x14: {  	s14 =	simm.s32 @!p1 $0x3  }
0x15: {  	s16 =	sadd.s32 $0x1, s12;
	_ =	swait.ge @!p1 [sflag:s14], $0x2000  }
0x16: {  	p0 =	por !p0, !p0;
	s13 =	smov.u32 s11;
	[sflag:s14] =	ssyncset.done @!p1 $0x0  }
0x17: {  	s12 =	smov.u32 s16;
	s11 =	smov.u32 s15;
	[sflag:s14] =	ssyncadd.s32 @!p1 $0xFFFFE000  }
.LBB2_1:
0x18: {  	p1 =	sge.u32 s12, s8  }
0x19: {  	s14 =	sxor.u32 @!p1 $0xFFFFFFFF, s12  }
0x1a: {  	s31 =	sadd.s32 $0xFFFFFFFF, s12;
	s15 =	sshrl.u32 @!p1 s11, $0x3;
	s14 =	sshll.u32 @!p1 s14, $0x6  }
0x1b: {  	s16 =	sand.u32 @!p1 $0x7, s11;
	s15 =	sadd.s32 @!p1 s9, s15;
	s14 =	sand.u32 @!p1 $0x40, s14  }
0x1c: {  	[tilespmem:s14], [sflag:$0x2] =	stream.linear.gather @!p1 [hbm4b:s15+s16], $0x40, $0x38;
	[tilespmem:$0x4080] =	vst v63  }
0x1d: {  	p1 =	sge.u32 s31, s8  }
.Ltmp2:
0x1e: {  	_ = 	snop;
	(pc) =	sbr.rel @p1 .LBB2_7-.Ltmp2, $1  }
0x1f: {  	_ =	sdelay $0x3  }
0x20: {  	s14 =	simm.s32 $0x1  }
0x21: {  	_ =	swait.ge [sflag:s7], $0x40;
	s14 =	simm.s32 @!p0 $0x0  }
0x22: {  	[sflag:s7] =	ssyncset.done $0x0;
	s16 =	sshll.u32 s14, $0x6  }
0x23: {  	[sflag:s7] =	ssyncadd.s32 $0xFFFFFFC0;
	s15 =	sadd.s32 $0x0, s16  }
0x24: {  	v1 =	vld.msk [tilespmem:s15+$0x0 ss:$0x1], $0xffff;
	_ =	sdelay $0x4  }
0x25: {  	v2 =	vand.u32 $0x1, v1;
	v3 =	vshll.u32 v1, $0x6  }
0x26: {  	vm2 =	veq.s32 v1, $0x80000000;
	vm3 =	veq.s32 v2, $0x1;
	v1 =	vand.u32 $0xFFF80, v3  }
0x27: {  	v2 =	vsel vm3, $0x88000, v0;
	v1 =	vsel vm2, $0xFFFFFF80, v1  }
0x28: {  	v2 =	vsel vm2, $0xFFF78000, v2;
	v3 =	vand.u32 $0xFFFFFC00, v1  }
0x29: {  	v1 =	vand.u32 $0x380, v1;
	v2 =	vadd.s32 v2, v3  }
0x2a: {  	v1 =	vor.u32 v1, v2  }
0x2b: {  	v1 =	vshrl.u32 v1, $0x3;
	_ =	sdelay $0x2  }
0x2c: {  	s14 =	sshll.u32 s14, $0xD  }
0x2d: {  	s14 =	sor.u32 $0x80, s14  }
0x2e: {  	[tilespmem:s14], [sflag:$0x1] =	stream.indirect_vreg.gather [hbm:s5], $0x80, v1, vm0, $0x38;
	[tilespmem:$0x4080] =	vst v63  }
0x2f: {  	s17 =	sadd.s32 $0x10, s16;
	s15 =	sadd.s32 $0x400, s14  }
0x30: {  	[tilespmem:s15], [sflag:$0x1] =	stream.indirect_vreg.gather [hbm:s5], $0x80, v1, vm1, $0x38;
	[tilespmem:$0x4080] =	vst v63  }
0x31: {  	s18 =	simm.s32 $0x80;
	v1 =	vld.msk [tilespmem:s17+$0x0 ss:$0x1], $0xffff;
	s17 =	smov.u32 s14  }
.LBB2_3:
0x32: {  	p1 =	sne.s32 s18, $0xC0;
	_ =	sdelay $0x4  }
0x33: {  	v2 =	vand.u32 $0x1, v1;
	v3 =	vshll.u32 v1, $0x6  }
0x34: {  	vm2 =	veq.s32 v1, $0x80000000;
	vm3 =	veq.s32 v2, $0x1;
	v1 =	vand.u32 $0xFFF80, v3  }
0x35: {  	v2 =	vsel vm3, $0x88000, v0;
	v1 =	vsel vm2, $0xFFFFFF80, v1  }
0x36: {  	v2 =	vsel vm2, $0xFFF78000, v2;
	v3 =	vand.u32 $0xFFFFFC00, v1  }
0x37: {  	v1 =	vand.u32 $0x380, v1;
	v2 =	vadd.s32 v2, v3  }
0x38: {  	v1 =	vor.u32 v1, v2  }
0x39: {  	v1 =	vshrl.u32 v1, $0x3;
	_ =	sdelay $0x3  }
.Ltmp3:
0x3a: {  	s19 =	sshra.s32 s18, $0x2;
	s17 =	sadd.s32 $0x800, s17;
	(pc) =	sbr.rel @p1 .LBB2_3-.Ltmp3, $4  }
0x3b: {  	[tilespmem:s17], [sflag:$0x1] =	stream.indirect_vreg.gather [hbm:s5], $0x80, v1, vm0, $0x38;
	[tilespmem:$0x4080] =	vst v63  }
0x3c: {  	s19 =	sadd.s32 s19, s16;
	s20 =	sadd.s32 $0x400, s17  }
0x3d: {  	[tilespmem:s20], [sflag:$0x1] =	stream.indirect_vreg.gather [hbm:s5], $0x80, v1, vm1, $0x38;
	[tilespmem:$0x4080] =	vst v63  }
0x3e: {  	s18 =	sadd.s32 $0x40, s18;
	v1 =	vld.msk [tilespmem:s19+$0x0 ss:$0x1], $0xffff  }
0x3f: {  	_ =	sdelay $0x3  }
0x40: {  	v2 =	vand.u32 $0x1, v1;
	v3 =	vshll.u32 v1, $0x6  }
0x41: {  	vm2 =	veq.s32 v1, $0x80000000;
	vm3 =	veq.s32 v2, $0x1;
	v1 =	vand.u32 $0xFFF80, v3  }
0x42: {  	v2 =	vsel vm3, $0x88000, v0;
	v1 =	vsel vm2, $0xFFFFFF80, v1  }
0x43: {  	v2 =	vsel vm2, $0xFFF78000, v2;
	v3 =	vand.u32 $0xFFFFFC00, v1  }
0x44: {  	v1 =	vand.u32 $0x380, v1;
	v2 =	vadd.s32 v2, v3  }
0x45: {  	v1 =	vor.u32 v1, v2  }
0x46: {  	v1 =	vshrl.u32 v1, $0x3;
	_ =	sdelay $0x3  }
0x47: {  	s16 =	sadd.s32 $0x800, s17  }
0x48: {  	[tilespmem:s16], [sflag:$0x1] =	stream.indirect_vreg.gather [hbm:s5], $0x80, v1, vm0, $0x38;
	[tilespmem:$0x4080] =	vst v63  }
0x49: {  	s16 =	sadd.s32 $0x400, s16  }
0x4a: {  	[tilespmem:s16], [sflag:$0x1] =	stream.indirect_vreg.gather [hbm:s5], $0x80, v1, vm1, $0x38;
	[tilespmem:$0x4080] =	vst v63  }
0x4b: {  	s13 =	sshll.u32 s13, $0x4;
	_ =	swait.ge [sflag:s6], $0x2000  }
0x4c: {  	s13 =	sadd.s32 s13, s3;
	[sflag:s6] =	ssyncset.done $0x0  }
0x4d: {  	s17 =	sadd.s32 $0x0, s13;
	s16 =	simm.s32 $0x80;
	[sflag:s6] =	ssyncadd.s32 $0xFFFFE000  }
.LBB2_5:
0x4e: {  	[hbm:s17] =	stream.linear.scatter [tilespmem:s14], [sflag:$0x3], $0x400, $0x38;
	[tilespmem:$0x4080] =	vst v63  }
0x4f: {  	s17 =	smov.u32 s16;
	s14 =	smov.u32 s15;
	p1 =	sne.s32 s16, $0x380  }
.Ltmp4:
0x50: {  	s16 =	sadd.s32 $0x80, s16;
	(pc) =	sbr.rel @p1 .LBB2_5-.Ltmp4, $2  }
0x51: {  	_ =	sdelay $0x2  }
0x52: {  	s15 =	sadd.s32 $0x400, s15;
	s17 =	sadd.s32 s17, s13  }
.Ltmp5:
0x53: {  	_ = 	snop;
	(pc) =	sbr.rel .LBB2_6-.Ltmp5, $1  }
0x54: {  	_ =	sdelay $0x3  }
.LBB2_8:
0x55: {  	_ =	sfence.sel $0x180000  }
0x56: {  	s2 =	simm.s32 $0x2;
	[bflag:$0x0] =	sbarrier.arrive $0xFFFF  }
0x57: {  	s30 =	simm.s32 $0x3;
	[sflag:s2] =	ssyncpa.u1 $0x1  }
0x58: {  	s31 =	simm.s32 $0x1;
	[sflag:s30] =	ssyncpa.u1 $0x1  }
0x59: {  	[sflag:s31] =	ssyncpa.u1 $0x1  }
0x5a: {  	p0 =	sne.s32 s0, $0x0;
	_ =	strace $0x9000004A  }
0x5b: {  	s0 =	sadd.s32 @!p0 $0x100000, s1;
	[bflag:$0x2] =	sbarrier.arrive $0xFFFF  }
0x5c: {  	[sflag:s0] =	ssyncadd.tile.s32 @!p0 $0x1;
	_ =	shalt  }
.Lfunc_end2:
_tile_overlayer_lowered:
.L_overlay_start_2:
0x5d: {  	(tag) =	ssettag $0x2  }
0x5e: {  	s0 =	rddreg [dreg:$0x0];
	s2 =	stileid.u32  }
0x5f: {  	s1 =	rddreg [dreg:$0x1];
	p0 =	sne.s32 s2, $0x0  }
0x60: {  	s3 =	rddreg [dreg:$0x2];
	[bflag:$0x3] =	sbarrier.arrive $0xFFFF;
	s2 =	simm.s32 @!p0 $0x1C01  }
0x61: {  	[timem:s3], [sflag:s2] =	dma.local @!p0 [hbm:s0], s1  }
0x62: {  	s0 =	simm.s32 @!p0 $0x1  }
0x63: {  	_ =	swait.ge @!p0 [sflag:s0], s1  }
0x64: {  	s1 =	ssub.s32 @!p0 $0x0, s1;
	[sflag:s0] =	ssyncset.done @!p0 $0x0  }
0x65: {  	[sflag:s0] =	ssyncadd.s32 @!p0 s1  }
0x66: {  	[bflag:$0x3] =	sbarrier.arrive $0xFFFF  }
0x67: {  	_ =	shalt  }

// kernel: gather_offload_async_start
scs
__scs_entry_jumppad:
0x0: {  	(pc) =	sbr.rel $0x88, $3  }
0x1: {  	(tag) =	ssettag $0x0;
	lr =	simm.s32 $0x1  }
0x2: {  	[smem:$0x3EFF] =	sst lr;
	_ =	strace $0xD0000000  }
0x3: {  	_ = 	snop  }
0x4: {  	_ = 	snop  }
0x5: {  	_ = 	snop  }
0x6: {  	_ = 	snop  }
0x7: {  	_ = 	snop  }
__scs_overlays_trampoline_lowered:
0x8: {  	[smem:$0x3F0E] =	sst s0  }
0x9: {  	[smem:$0x3F0F] =	sst s1  }
0xa: {  	[smem:$0x3F10] =	sst s2  }
0xb: {  	[smem:$0x3F11] =	sst s3  }
0xc: {  	[smem:$0x3F12] =	sst s4  }
0xd: {  	[smem:$0x3F13] =	sst s5  }
0xe: {  	[smem:$0x3F14] =	sst s6  }
0xf: {  	[smem:$0x3F15] =	sst s7  }
0x10: {  	[smem:$0x3F16] =	sst s8  }
0x11: {  	[smem:$0x3F17] =	sst s9;
	s0 =	simm.s32 @!p0 $0x0  }
0x12: {  	s1 =	sld [smem:$0x3EFD];
	s0 =	simm.s32 @p0 $0x1  }
0x13: {  	[smem:$0x3F18] =	sst s0;
	s0 =	simm.s32 @!p1 $0x0  }
0x14: {  	s2 =	sld [smem:$0x3EFC];
	s0 =	simm.s32 @p1 $0x1  }
0x15: {  	[smem:$0x3F19] =	sst s0;
	s0 =	simm.s32 @!p2 $0x0  }
0x16: {  	s3 =	sld [smem:$0x3FDB];
	s0 =	simm.s32 @p2 $0x1  }
0x17: {  	s4 =	simm.s32 $0x1BF5;
	[smem:$0x3F1B] =	sst s0  }
0x18: {  	s0 =	sld [smem:$0x3EFE];
	_ =	swait.ge [sflag:s4], $0x0  }
0x19: {  	s7 =	sld [smem:$0x3EFF]  }
0x1a: {  	s8 =	sadd.s32 $0xFFFFE003, lr  }
0x1b: {  	s9 =	sadd.s32 $0xFFFFFEF7, lr;
	s5 =	simm.s32 $0xFFFFFFFF;
	p2 =	slt.u32 s8, $0xFFFFF086  }
0x1c: {  	p1 =	slt.u32 s9, $0xF7A;
	s5 =	simm.s32 @!p2 $0x0  }
0x1d: {  	s5 =	simm.s32 @p1 $0x1;
	p0 =	seq.s32 s7, s2  }
0x1e: {  	s7 =	smul.u32 @!p0 $0xF7A, s2;
	p2 =	seq.s32 @!p0 s5, $0x0  }
0x1f: {  	s9 =	smul.u32 $0xF7A, s1;
	s8 =	simm.s32 @!p0 $0x1BF5;
	p2 =	por !p2, p0  }
0x20: {  	[sflag:s8] =	ssyncset.s32 @!p0 $0xFFFFF086;
	s6 =	sadd.s32 @!p0 s3, s7;
	s7 =	simm.s32 @!p0 $0x108  }
0x21: {  	s3 =	sadd.s32 s3, s9;
	s6 =	sadd.s32 @!p0 $0x88, s6;
	s7 =	simm.s32 @p2 $0x1082  }
0x22: {  	[simem:s7], [sflag:s8] =	dma.local @!p0 [hbm:s6], $0xF7A  }
0x23: {  	s9 =	sor.u32 $0xD0000000, s2;
	s6 =	simm.s32 $0x108;
	_ =	swait.ge @!p0 [sflag:s8], $0x0  }
0x24: {  	s3 =	sadd.s32 $0x88, s3;
	s6 =	simm.s32 @!p1 $0x1082;
	[sflag:s4] =	ssyncset.s32 $0xFFFFF086  }
0x25: {  	[simem:s6], [sflag:s4] =	dma.local [hbm:s3], $0xF7A  }
0x26: {  	[smem:$0x3EFF] =	sst s1;
	(tag) =	ssettag s2;
	_ =	strace s9  }
0x27: {  	s1 =	sld [smem:$0x3F0F]  }
0x28: {  	s2 =	sld [smem:$0x3F10]  }
0x29: {  	s4 =	sld [smem:$0x3F12]  }
0x2a: {  	p0 =	seq.s32 s5, $0x0;
	s5 =	sld [smem:$0x3F13]  }
0x2b: {  	s6 =	sld [smem:$0x3F14]  }
0x2c: {  	s7 =	sld [smem:$0x3F15]  }
0x2d: {  	s3 =	simm.s32 $0x108;
	s8 =	sld [smem:$0x3F16]  }
0x2e: {  	s3 =	simm.s32 @!p0 $0x1082;
	s9 =	sld [smem:$0x3F17]  }
0x2f: {  	lr =	sadd.s32 s0, s3;
	s0 =	sld [smem:$0x3F0E]  }
0x30: {  	s3 =	sld [smem:$0x3F11]  }
0x31: {  	[smem:$0x3F1A] =	sst s10  }
0x32: {  	s10 =	sld [smem:$0x3F18];
	_ =	sdelay $0x3  }
0x33: {  	p0 =	seq.s32 s10, $0x1;
	s10 =	sld [smem:$0x3F1A];
	_ =	sdelay $0x3  }
0x34: {  	[smem:$0x3F1A] =	sst s10  }
0x35: {  	s10 =	sld [smem:$0x3F19];
	_ =	sdelay $0x3  }
0x36: {  	p1 =	seq.s32 s10, $0x1;
	s10 =	sld [smem:$0x3F1A];
	_ =	sdelay $0x3  }
0x37: {  	[smem:$0x3F1A] =	sst s10  }
0x38: {  	s10 =	sld [smem:$0x3F1B]  }
0x39: {  	_ = 	snop;
	(pc) =	sbr.ind lr, $3  }
0x3a: {  	_ = 	snop  }
0x3b: {  	_ = 	snop  }
0x3c: {  	p2 =	seq.s32 s10, $0x1;
	s10 =	sld [smem:$0x3F1A]  }
0x3d: {  	_ =	shalt  }
0x3e: {  	_ =	shalt  }
0x3f: {  	_ =	shalt  }
0x40: {  	_ =	shalt  }
0x41: {  	_ =	shalt  }
0x42: {  	_ =	shalt  }
0x43: {  	_ =	shalt  }
0x44: {  	_ =	shalt  }
0x45: {  	_ =	shalt  }
0x46: {  	_ =	shalt  }
0x47: {  	_ =	shalt  }
0x48: {  	_ =	shalt  }
0x49: {  	_ =	shalt  }
0x4a: {  	_ =	shalt  }
0x4b: {  	_ =	shalt  }
0x4c: {  	_ =	shalt  }
0x4d: {  	_ =	shalt  }
0x4e: {  	_ =	shalt  }
0x4f: {  	_ =	shalt  }
0x50: {  	_ =	shalt  }
0x51: {  	_ =	shalt  }
0x52: {  	_ =	shalt  }
0x53: {  	_ =	shalt  }
0x54: {  	_ =	shalt  }
0x55: {  	_ =	shalt  }
0x56: {  	_ =	shalt  }
0x57: {  	_ =	shalt  }
0x58: {  	_ =	shalt  }
0x59: {  	_ =	shalt  }
0x5a: {  	_ =	shalt  }
0x5b: {  	_ =	shalt  }
0x5c: {  	_ =	shalt  }
0x5d: {  	_ =	shalt  }
0x5e: {  	_ =	shalt  }
0x5f: {  	_ =	shalt  }
0x60: {  	_ =	shalt  }
0x61: {  	_ =	shalt  }
0x62: {  	_ =	shalt  }
0x63: {  	_ =	shalt  }
0x64: {  	_ =	shalt  }
0x65: {  	_ =	shalt  }
0x66: {  	_ =	shalt  }
0x67: {  	_ =	shalt  }
0x68: {  	_ =	shalt  }
0x69: {  	_ =	shalt  }
0x6a: {  	_ =	shalt  }
0x6b: {  	_ =	shalt  }
0x6c: {  	_ =	shalt  }
0x6d: {  	_ =	shalt  }
0x6e: {  	_ =	shalt  }
0x6f: {  	_ =	shalt  }
0x70: {  	_ =	shalt  }
0x71: {  	_ =	shalt  }
0x72: {  	_ =	shalt  }
0x73: {  	_ =	shalt  }
0x74: {  	_ =	shalt  }
0x75: {  	_ =	shalt  }
0x76: {  	_ =	shalt  }
0x77: {  	_ =	shalt  }
0x78: {  	_ =	shalt  }
0x79: {  	_ =	shalt  }
0x7a: {  	_ =	shalt  }
0x7b: {  	_ =	shalt  }
0x7c: {  	_ =	shalt  }
0x7d: {  	_ =	shalt  }
0x7e: {  	_ =	shalt  }
0x7f: {  	_ =	shalt  }
0x80: {  	_ =	shalt  }
0x81: {  	_ =	shalt  }
0x82: {  	_ =	shalt  }
0x83: {  	_ =	shalt  }
0x84: {  	_ =	shalt  }
0x85: {  	_ =	shalt  }
0x86: {  	_ =	shalt  }
0x87: {  	_ =	shalt  }
.Lfunc_end0:
.L_simem_size_0:
called_computation_lowered:
.L_overlay_start_0:
0x88: {  	s2 =	sld [smem:$0x3FD9]  }
0x89: {  	s3 =	sld [smem:$0x3FFE];
	_ =	sdelay $0x1  }
0x8a: {  	s1 =	srdreg.scid  }
0x8b: {  	s0 =	sand.u32 $0x1, s1  }
0x8c: {  	s16 =	sshll.u32 s0, $0xA;
	s2 =	sadd.s32 s3, s2  }
0x8d: {  	s2 =	sadd.s32 s2, s16  }
0x8e: {  	[smem:$0x3F26] =	sst s2  }
0x8f: {  	_ = 	snop  }
0x90: {  	(tm) =	ssettm $0x1  }
0x91: {  	s17 =	sld [smem:$0x3FFB];
	_ =	sdelay $0x3  }
0x92: {  	_ =	strace s17  }
0x93: {  	s2 =	sld [smem:$0x3FFC];
	_ =	sdelay $0x3  }
0x94: {  	_ =	strace s2  }
0x95: {  	s2 =	sld [smem:$0x3FFD];
	_ =	sdelay $0x3  }
0x96: {  	_ =	strace s2  }
0x97: {  	_ =	strace $0x8FFFFFFF  }
0x98: {  	s18 =	sld [smem:$0x3FDB];
	_ =	sdelay $0x1  }
0x99: {  	s19 =	simm.s32 $_scs_section_size  }
0x9a: {  	s4 =	simm.s32 $_size__tile_overlayer_lowered;
	s5 =	simm.s32 $_tile_overlayer_lowered  }
0x9b: {  	s22 =	simm.s32 $0x1BFF;
	s21 =	sshll.u32 s5, $0x1;
	s2 =	sadd.s32 s19, s18  }
0x9c: {  	s6 =	simm.s32 $0x0;
	s20 =	sshll.u32 s4, $0x1;
	s4 =	sadd.s32 s21, s2  }
0x9d: {  	[timem:s6], [sflag:s22] =	dma.local [hbm:s4], s20  }
0x9e: {  	_ =	swait.ge [sflag:s22], s20  }
0x9f: {  	s3 =	ssub.s32 $0x0, s20;
	[sflag:s22] =	ssyncset.done $0x0  }
0xa0: {  	[sflag:s22] =	ssyncadd.s32 s3;
	_ =	sdelay $0x1  }
0xa1: {  	s23 =	simm.s32 $0x1B8B  }
0xa2: {  	_ =	swait.ge [sflag:s23], $0x1  }
0xa3: {  	[sflag:s23] =	ssyncset.done $0x0  }
0xa4: {  	s25 =	simm.s32 $0x1B8E;
	s24 =	sld [smem:$0x3FFE];
	[sflag:s23] =	ssyncadd.s32 $0xFFFFFFFF  }
0xa5: {  	s26 =	simm.s32 $execute0_lowered;
	[smem:$0x3FD2] =	sst s25  }
0xa6: {  	s4 =	sshll.u32 s26, $0x1;
	_ =	strace $0x80000046;
	[dreg:$0x1] =	wrdreg $0xFFFFFFFF  }
0xa7: {  	s28 =	simm.s32 $_size_execute0_lowered;
	s2 =	sadd.s32 s2, s4;
	[dreg:$0x0] =	wrdreg $0x0  }
0xa8: {  	s4 =	sshll.u32 s28, $0x1;
	[dreg:$0x2] =	wrdreg s2  }
0xa9: {  	[dreg:$0x3] =	wrdreg s4  }
0xaa: {  	[dreg:$0x4] =	wrdreg $0xC0  }
0xab: {  	_ =	task [dreg:s6], $0x5FFFF  }
0xac: {  	[dreg:$0x1] =	wrdreg $0xFFFFFFFF  }
0xad: {  	[dreg:$0x0] =	wrdreg $0x60  }
0xae: {  	[dreg:$0x2] =	wrdreg s24  }
0xaf: {  	[dreg:$0x3] =	wrdreg $0x9  }
0xb0: {  	_ =	task.clear_ibuf [dreg:s6], $0x4FFFF;
	_ =	strace $0x90000046  }
0xb1: {  	s29 =	simm.s32 $0x9;
	_ =	strace $0x80000048  }
0xb2: {  	_ =	swait.ge [sflag:s29], $0x1  }
0xb3: {  	[sflag:s29] =	ssyncadd.s32 $0xFFFFFFFF  }
0xb4: {  	_ =	strace $0x90000048  }
0xb5: {  	_ =	sfence  }
0xb6: {  	s30 =	sld [smem:$0x0];
	_ =	sdelay $0x2  }
0xb7: {  	s31 =	sshll.u32 s1, $0xD;
	s1 =	sshrl.u32 s1, $0x2  }
0xb8: {  	s3 =	sand.u32 $0x4000, s31;
	s1 =	sadd.s32 s1, s30  }
0xb9: {  	s0 =	sor.u32 s3, s0;
	s1 =	sshll.u32 s1, $0x11  }
0xba: {  	s0 =	sor.u32 s1, s0  }
0xbb: {  	s0 =	sadd.s32 $0x8F2B, s0  }
0xbc: {  	[sflag:s0] =	ssyncadd.remote.s32 $0x1  }
0xbd: {  	_ =	sfence.sel $0xFFFF  }
0xbe: {  	[dreg:$0x0] =	wrdreg $0xFFFFFFFF;
	(pc) =	sbr.abs _section_cstart, $3  }
0xbf: {  	[dreg:$0x1] =	wrdreg $0xFFFFFFFF  }
0xc0: {  	_ =	task.clear_ibuf [dreg:s6], $0x2FFFF;
	_ =	strace $0x9FFFFFFF  }
0xc1: {  	(tm) =	ssettm $0x7FFFFFFF  }
tec
execute0_lowered:
.L_overlay_start_1:
0x0: {  	(tag) =	ssettag $0x1  }
0x1: {  	s0 =	srdreg.scid  }
0x2: {  	s1 =	sshll.u32 s0, $0x4  }
0x3: {  	s0 =	stileid.u32;
	s1 =	sand.u32 $0x10, s1  }
0x4: {  	s1 =	sor.u32 s0, s1  }
0x5: {  	s3 =	rddreg [dreg:$0x0];
	s2 =	smin.u32 s1, $0x2  }
0x6: {  	p0 =	slt.u32 s1, $0x2;
	s2 =	sadd.s32 s1, s2;
	s1 =	simm.s32 $0x80  }
0x7: {  	s6 =	simm.s32 $0x1;
	s2 =	sshll.u32 s2, $0x6;
	s1 =	simm.s32 @!p0 $0x40  }
0x8: {  	s7 =	simm.s32 $0x2;
	s10 =	simm.s32 $0x3;
	s4 =	sadd.s32 s1, s2  }
0x9: {  	s13 =	simm.s32 $0x0;
	s12 =	simm.s32 $0x0;
	s4 =	smin.u32 s4, $0x880  }
.Ltmp0:
0xa: {  	s5 =	sadd.s32 $0x22000, s3;
	s8 =	ssub.s32 s4, s2;
	(pc) =	sbr.rel .LBB2_1-.Ltmp0, $4  }
0xb: {  	s1 =	rddreg [dreg:$0x1];
	_ =	strace $0x80000047;
	p0 =	sgt.s32 s8, $0x0  }
0xc: {  	s9 =	sadd.s32 $0x22200, s3;
	[sflag:s6] =	ssyncpa.u1 $0x0;
	s8 =	simm.s32 @!p0 $0x0  }
0xd: {  	s11 =	smov.u32 s2;
	[sflag:s7] =	ssyncpa.u1 $0x0;
	s8 =	sshrl.u32 s8, $0x6  }
0xe: {  	v0 =	vimm.s32 $0x0;
	vm0 =	vmmov $0xff;
	vm1 =	vcmask $0x3F20;
	[sflag:s10] =	ssyncpa.u1 $0x0;
	p0 =	por $0x0, $0x0;
	s10 =	sadd.s32 $0x1, s8  }
.LBB2_6:
0xf: {  	[hbm:s17] =	stream.linear.scatter [tilespmem:s14], [sflag:$0x3], $0x400, $0x38;
	[tilespmem:$0x4080] =	vst v63  }
.LBB2_7:
0x10: {  	s13 =	sadd.s32 $0x40, s11  }
0x11: {  	s15 =	smov.u32 s2;
	p2 =	slt.s32 s13, s4  }
0x12: {  	s15 =	smov.u32 @p2 s13;
	p2 =	sne.s32 s12, s10  }
.Ltmp1:
0x13: {  	p1 =	slt.u32 s12, $0x2;
	(pc) =	sbr.rel @!p2 .LBB2_8-.Ltmp1, $4  }
0x14: {  	s14 =	simm.s32 @!p1 $0x3  }
0x15: {  	s16 =	sadd.s32 $0x1, s12;
	_ =	swait.ge @!p1 [sflag:s14], $0x2000  }
0x16: {  	p0 =	por !p0, !p0;
	s13 =	smov.u32 s11;
	[sflag:s14] =	ssyncset.done @!p1 $0x0  }
0x17: {  	s12 =	smov.u32 s16;
	s11 =	smov.u32 s15;
	[sflag:s14] =	ssyncadd.s32 @!p1 $0xFFFFE000  }
.LBB2_1:
0x18: {  	p1 =	sge.u32 s12, s8  }
0x19: {  	s14 =	sxor.u32 @!p1 $0xFFFFFFFF, s12  }
0x1a: {  	s31 =	sadd.s32 $0xFFFFFFFF, s12;
	s15 =	sshrl.u32 @!p1 s11, $0x3;
	s14 =	sshll.u32 @!p1 s14, $0x6  }
0x1b: {  	s16 =	sand.u32 @!p1 $0x7, s11;
	s15 =	sadd.s32 @!p1 s5, s15;
	s14 =	sand.u32 @!p1 $0x40, s14  }
0x1c: {  	[tilespmem:s14], [sflag:$0x2] =	stream.linear.gather @!p1 [hbm4b:s15+s16], $0x40, $0x38;
	[tilespmem:$0x4080] =	vst v63  }
0x1d: {  	p1 =	sge.u32 s31, s8  }
.Ltmp2:
0x1e: {  	_ = 	snop;
	(pc) =	sbr.rel @p1 .LBB2_7-.Ltmp2, $1  }
0x1f: {  	_ =	sdelay $0x3  }
0x20: {  	s14 =	simm.s32 $0x1  }
0x21: {  	_ =	swait.ge [sflag:s7], $0x40;
	s14 =	simm.s32 @!p0 $0x0  }
0x22: {  	[sflag:s7] =	ssyncset.done $0x0;
	s16 =	sshll.u32 s14, $0x6  }
0x23: {  	[sflag:s7] =	ssyncadd.s32 $0xFFFFFFC0;
	s15 =	sadd.s32 $0x0, s16  }
0x24: {  	v1 =	vld.msk [tilespmem:s15+$0x0 ss:$0x1], $0xffff;
	_ =	sdelay $0x4  }
0x25: {  	v2 =	vand.u32 $0x1, v1;
	v3 =	vshll.u32 v1, $0x6  }
0x26: {  	vm2 =	veq.s32 v1, $0x80000000;
	vm3 =	veq.s32 v2, $0x1;
	v1 =	vand.u32 $0xFFF80, v3  }
0x27: {  	v2 =	vsel vm3, $0x88000, v0;
	v1 =	vsel vm2, $0xFFFFFF80, v1  }
0x28: {  	v2 =	vsel vm2, $0xFFF78000, v2;
	v3 =	vand.u32 $0xFFFFFC00, v1  }
0x29: {  	v1 =	vand.u32 $0x380, v1;
	v2 =	vadd.s32 v2, v3  }
0x2a: {  	v1 =	vor.u32 v1, v2  }
0x2b: {  	v1 =	vshrl.u32 v1, $0x3;
	_ =	sdelay $0x2  }
0x2c: {  	s14 =	sshll.u32 s14, $0xD  }
0x2d: {  	s14 =	sor.u32 $0x80, s14  }
0x2e: {  	[tilespmem:s14], [sflag:$0x1] =	stream.indirect_vreg.gather [hbm:s3], $0x80, v1, vm0, $0x38;
	[tilespmem:$0x4080] =	vst v63  }
0x2f: {  	s17 =	sadd.s32 $0x10, s16;
	s15 =	sadd.s32 $0x400, s14  }
0x30: {  	[tilespmem:s15], [sflag:$0x1] =	stream.indirect_vreg.gather [hbm:s3], $0x80, v1, vm1, $0x38;
	[tilespmem:$0x4080] =	vst v63  }
0x31: {  	s18 =	simm.s32 $0x80;
	v1 =	vld.msk [tilespmem:s17+$0x0 ss:$0x1], $0xffff;
	s17 =	smov.u32 s14  }
.LBB2_3:
0x32: {  	p1 =	sne.s32 s18, $0xC0;
	_ =	sdelay $0x4  }
0x33: {  	v2 =	vand.u32 $0x1, v1;
	v3 =	vshll.u32 v1, $0x6  }
0x34: {  	vm2 =	veq.s32 v1, $0x80000000;
	vm3 =	veq.s32 v2, $0x1;
	v1 =	vand.u32 $0xFFF80, v3  }
0x35: {  	v2 =	vsel vm3, $0x88000, v0;
	v1 =	vsel vm2, $0xFFFFFF80, v1  }
0x36: {  	v2 =	vsel vm2, $0xFFF78000, v2;
	v3 =	vand.u32 $0xFFFFFC00, v1  }
0x37: {  	v1 =	vand.u32 $0x380, v1;
	v2 =	vadd.s32 v2, v3  }
0x38: {  	v1 =	vor.u32 v1, v2  }
0x39: {  	v1 =	vshrl.u32 v1, $0x3;
	_ =	sdelay $0x3  }
.Ltmp3:
0x3a: {  	s19 =	sshra.s32 s18, $0x2;
	s17 =	sadd.s32 $0x800, s17;
	(pc) =	sbr.rel @p1 .LBB2_3-.Ltmp3, $4  }
0x3b: {  	[tilespmem:s17], [sflag:$0x1] =	stream.indirect_vreg.gather [hbm:s3], $0x80, v1, vm0, $0x38;
	[tilespmem:$0x4080] =	vst v63  }
0x3c: {  	s19 =	sadd.s32 s19, s16;
	s20 =	sadd.s32 $0x400, s17  }
0x3d: {  	[tilespmem:s20], [sflag:$0x1] =	stream.indirect_vreg.gather [hbm:s3], $0x80, v1, vm1, $0x38;
	[tilespmem:$0x4080] =	vst v63  }
0x3e: {  	s18 =	sadd.s32 $0x40, s18;
	v1 =	vld.msk [tilespmem:s19+$0x0 ss:$0x1], $0xffff  }
0x3f: {  	_ =	sdelay $0x3  }
0x40: {  	v2 =	vand.u32 $0x1, v1;
	v3 =	vshll.u32 v1, $0x6  }
0x41: {  	vm2 =	veq.s32 v1, $0x80000000;
	vm3 =	veq.s32 v2, $0x1;
	v1 =	vand.u32 $0xFFF80, v3  }
0x42: {  	v2 =	vsel vm3, $0x88000, v0;
	v1 =	vsel vm2, $0xFFFFFF80, v1  }
0x43: {  	v2 =	vsel vm2, $0xFFF78000, v2;
	v3 =	vand.u32 $0xFFFFFC00, v1  }
0x44: {  	v1 =	vand.u32 $0x380, v1;
	v2 =	vadd.s32 v2, v3  }
0x45: {  	v1 =	vor.u32 v1, v2  }
0x46: {  	v1 =	vshrl.u32 v1, $0x3;
	_ =	sdelay $0x3  }
0x47: {  	s16 =	sadd.s32 $0x800, s17  }
0x48: {  	[tilespmem:s16], [sflag:$0x1] =	stream.indirect_vreg.gather [hbm:s3], $0x80, v1, vm0, $0x38;
	[tilespmem:$0x4080] =	vst v63  }
0x49: {  	s16 =	sadd.s32 $0x400, s16  }
0x4a: {  	[tilespmem:s16], [sflag:$0x1] =	stream.indirect_vreg.gather [hbm:s3], $0x80, v1, vm1, $0x38;
	[tilespmem:$0x4080] =	vst v63  }
0x4b: {  	s13 =	sshll.u32 s13, $0x4;
	_ =	swait.ge [sflag:s6], $0x2000  }
0x4c: {  	s13 =	sadd.s32 s13, s9;
	[sflag:s6] =	ssyncset.done $0x0  }
0x4d: {  	s17 =	sadd.s32 $0x0, s13;
	s16 =	simm.s32 $0x80;
	[sflag:s6] =	ssyncadd.s32 $0xFFFFE000  }
.LBB2_5:
0x4e: {  	[hbm:s17] =	stream.linear.scatter [tilespmem:s14], [sflag:$0x3], $0x400, $0x38;
	[tilespmem:$0x4080] =	vst v63  }
0x4f: {  	s17 =	smov.u32 s16;
	s14 =	smov.u32 s15;
	p1 =	sne.s32 s16, $0x380  }
.Ltmp4:
0x50: {  	s16 =	sadd.s32 $0x80, s16;
	(pc) =	sbr.rel @p1 .LBB2_5-.Ltmp4, $2  }
0x51: {  	_ =	sdelay $0x2  }
0x52: {  	s15 =	sadd.s32 $0x400, s15;
	s17 =	sadd.s32 s17, s13  }
.Ltmp5:
0x53: {  	_ = 	snop;
	(pc) =	sbr.rel .LBB2_6-.Ltmp5, $1  }
0x54: {  	_ =	sdelay $0x3  }
.LBB2_8:
0x55: {  	_ =	sfence.sel $0x180000  }
0x56: {  	s2 =	simm.s32 $0x2;
	[bflag:$0x0] =	sbarrier.arrive $0xFFFF  }
0x57: {  	s30 =	simm.s32 $0x3;
	[sflag:s2] =	ssyncpa.u1 $0x1  }
0x58: {  	s31 =	simm.s32 $0x1;
	[sflag:s30] =	ssyncpa.u1 $0x1  }
0x59: {  	[sflag:s31] =	ssyncpa.u1 $0x1  }
0x5a: {  	p0 =	sne.s32 s0, $0x0;
	_ =	strace $0x90000047  }
0x5b: {  	s0 =	sadd.s32 @!p0 $0x100000, s1;
	[bflag:$0x2] =	sbarrier.arrive $0xFFFF  }
0x5c: {  	[sflag:s0] =	ssyncadd.tile.s32 @!p0 $0x1;
	_ =	shalt  }
.Lfunc_end2:
_tile_overlayer_lowered:
.L_overlay_start_2:
0x5d: {  	(tag) =	ssettag $0x2  }
0x5e: {  	s0 =	rddreg [dreg:$0x0];
	s2 =	stileid.u32  }
0x5f: {  	s1 =	rddreg [dreg:$0x1];
	p0 =	sne.s32 s2, $0x0  }
0x60: {  	s3 =	rddreg [dreg:$0x2];
	[bflag:$0x3] =	sbarrier.arrive $0xFFFF;
	s2 =	simm.s32 @!p0 $0x1C01  }
0x61: {  	[timem:s3], [sflag:s2] =	dma.local @!p0 [hbm:s0], s1  }
0x62: {  	s0 =	simm.s32 @!p0 $0x1  }
0x63: {  	_ =	swait.ge @!p0 [sflag:s0], s1  }
0x64: {  	s1 =	ssub.s32 @!p0 $0x0, s1;
	[sflag:s0] =	ssyncset.done @!p0 $0x0  }
0x65: {  	[sflag:s0] =	ssyncadd.s32 @!p0 s1  }
0x66: {  	[bflag:$0x3] =	sbarrier.arrive $0xFFFF  }
0x67: {  	_ =	shalt  }

</sc_bundles>
